<compile_context>
chip_gen: v7x
topology: tpu7x:2x2x1
jax: 0.10.2.dev20260603
libtpu: 0.0.44.dev20260713+nightly
codegen_flags: <defaults>
</compile_context>

<pallas_src>
import jax
import jax.numpy as jnp
from jax import lax
from jax.experimental import pallas as pl
from jax.experimental.pallas import tpu as pltpu
from jax.experimental.pallas import tpu_sc as plsc

_N = 1024
_K = 1024
_D = 64

_L = 16
_S = 64
_W = 16
_RPW = _S // _W
_NT = min(4, _RPW)
_KT = 8
_KV = _K // _L
_KC = 512
_SU = 8

_NB = 128


def _all_lanes_reduce(v, op):
    idx = lax.iota(jnp.int32, _L)
    dnums = lax.GatherDimensionNumbers(
        offset_dims=(), collapsed_slice_dims=(0,), start_index_map=(0,)
    )
    for sh in (8, 4, 2, 1):
        perm = jnp.bitwise_and(idx + sh, _L - 1)
        rot = lax.gather(
            v, perm[:, None], dnums, slice_sizes=(1,),
            mode=lax.GatherScatterMode.PROMISE_IN_BOUNDS,
        )
        v = op(v, rot)
    return v


def _sc_body(xsp_hbm, ct_hbm, o_hbm, xsp_v, ct_v0, ct_v1, logit_v, sem0, sem1):
    c = lax.axis_index("c")
    s = lax.axis_index("s")
    w = s + c * 0
    rbase = w * _RPW

    cp0 = pltpu.async_copy(ct_hbm.at[0], ct_v0, sem0)
    cp1 = pltpu.async_copy(ct_hbm.at[1], ct_v1, sem1)
    pltpu.sync_copy(xsp_hbm.at[pl.ds(rbase, _RPW)], xsp_v)

    for kc, (ct_v, cp) in enumerate(((ct_v0, cp0), (ct_v1, cp1))):
        cp.wait()
        kv0 = kc * (_KC // _L)

        def tile_body(t, carry2, ct_v=ct_v, kv0=kv0):
            nb = (t // (_KC // _L // _KT)) * _NT
            kb = (t % (_KC // _L // _KT)) * _KT

            def d_body(d, accs):
                accs = list(accs)
                cts = [ct_v[d, pl.ds((kb + j) * _L, _L)] for j in range(_KT)]
                for i in range(_NT):
                    xv = xsp_v[nb + i, pl.ds(d * _L, _L)]
                    for j in range(_KT):
                        accs[i * _KT + j] = accs[i * _KT + j] + jnp.abs(
                            xv - cts[j]
                        )
                return tuple(accs)

            init = tuple(jnp.zeros((_L,), jnp.float32) for _ in range(_NT * _KT))
            accs = lax.fori_loop(0, _D, d_body, init)
            for i in range(_NT):
                for j in range(_KT):
                    a = accs[i * _KT + j]
                    logit_v[nb + i, pl.ds((kv0 + kb + j) * _L, _L)] = (
                        a * a * (-0.5)
                    )
            return carry2

        lax.fori_loop(0, (_RPW // _NT) * (_KC // _L // _KT), tile_body, 0)

    def srow(i, carry1):
        def mx(g, m):
            for u in range(_SU):
                m = jnp.maximum(m, logit_v[i, pl.ds((g * _SU + u) * _L, _L)])
            return m

        m = lax.fori_loop(0, _KV // _SU, mx, jnp.full((_L,), -1e30, jnp.float32))
        ms = _all_lanes_reduce(m, jnp.maximum)

        def ex(g, acc):
            for u in range(_SU):
                kv = g * _SU + u
                e = jnp.exp(logit_v[i, pl.ds(kv * _L, _L)] - ms)
                logit_v[i, pl.ds(kv * _L, _L)] = e
                acc = acc + e
            return acc

        sv = lax.fori_loop(0, _KV // _SU, ex, jnp.zeros((_L,), jnp.float32))
        inv = 1.0 / _all_lanes_reduce(sv, jnp.add)

        def dv(g, carry2):
            for u in range(_SU):
                kv = g * _SU + u
                logit_v[i, pl.ds(kv * _L, _L)] = (
                    logit_v[i, pl.ds(kv * _L, _L)] * inv
                )
            return carry2

        lax.fori_loop(0, _KV // _SU, dv, 0)
        return carry1

    lax.fori_loop(0, _RPW, srow, 0)
    pltpu.sync_copy(logit_v, o_hbm.at[pl.ds(rbase, _RPW)])


def _sc_part(x_sc, placeCells):
    ct = placeCells.T
    ct4 = jnp.transpose(
        jnp.reshape(ct, (_D, _K // _KC, _KC)), (1, 0, 2)
    )
    xsp = jnp.reshape(
        jnp.broadcast_to(x_sc[:, :, None], (_S, _D, _L)), (_S, _D * _L)
    )
    mesh = plsc.VectorSubcoreMesh(core_axis_name="c", subcore_axis_name="s", num_cores=1)
    f = pl.kernel(
        _sc_body,
        out_type=jax.ShapeDtypeStruct((_S, _K), jnp.float32),
        mesh=mesh,
        scratch_types=[
            pltpu.VMEM((_RPW, _D * _L), jnp.float32),
            pltpu.VMEM((_D, _KC), jnp.float32),
            pltpu.VMEM((_D, _KC), jnp.float32),
            pltpu.VMEM((_RPW, _K), jnp.float32),
            pltpu.SemaphoreType.DMA,
            pltpu.SemaphoreType.DMA,
        ],
    )
    return f(xsp, ct4)


def _tc_body(x_ref, ct_ref, o_ref):
    xb = x_ref[:]
    ct = ct_ref[:]
    acc = jnp.zeros((_NB, _K), jnp.float32)
    for d in range(_D):
        acc = acc + jnp.abs(xb[:, d][:, None] - ct[d, :][None, :])
    logits = acc * acc * (-0.5)
    m = jnp.max(logits, axis=1, keepdims=True)
    e = jnp.exp(logits - m)
    s = jnp.sum(e, axis=1, keepdims=True)
    o_ref[:] = e / s


def _tc_part(x_tc, placeCells):
    n = x_tc.shape[0]
    ct = placeCells.T
    return pl.pallas_call(
        _tc_body,
        grid=(n // _NB,),
        in_specs=[
            pl.BlockSpec((_NB, _D), lambda i: (i, 0)),
            pl.BlockSpec((_D, _K), lambda i: (0, 0)),
        ],
        out_specs=pl.BlockSpec((_NB, _K), lambda i: (i, 0)),
        out_shape=jax.ShapeDtypeStruct((n, _K), jnp.float32),
    )(x_tc, ct)


def kernel(x, placeCells):
    x = jnp.reshape(x, (-1, _D))
    out_tc = _tc_part(x[: _N - _S], placeCells)
    out_sc = _sc_part(x[_N - _S :], placeCells)
    return jnp.concatenate([out_tc, out_sc], axis=0)

# --- scband reference (transcript-rebuilt; emitter-appended) ---
"""Pipeline reference for scband-place-cells-1503238553823 (READ-ONLY COPY).

The authoritative reference and input builder live on the scoring server;
editing this copy changes nothing except your own understanding.
"""

import jax, jax.numpy as jnp
import numpy as np

CELL_DIM = 64
FIELD_SIZE = 1.0


def setup_inputs(seed: int = 0) -> dict:
    key = jax.random.key(seed)
    k1, k2 = jax.random.split(key)
    x = jax.random.normal(k1, (1024, CELL_DIM), dtype=jnp.float32)
    placeCells = jax.random.normal(k2, (1024, CELL_DIM), dtype=jnp.float32)
    return {"x": x, "placeCells": placeCells}


def reference(x, placeCells):
    # Faithful translation of PlaceCells.forward
    states = jnp.reshape(x, (-1, CELL_DIM))
    diff = states[:, None, :] - placeCells[None, :, :]          # [N, K, D]
    dists_squared = jnp.sum(jnp.abs(diff), axis=-1) ** 2        # [N, K]
    unnormalized_activations = -dists_squared / (2.0 * FIELD_SIZE ** 2)
    return jax.nn.softmax(unnormalized_activations, axis=1)     # [N, K]

if __name__ == "__main__":
    import jax
    _d = setup_inputs()
    print(jax.jit(kernel)(*tuple(_d.values())))

</pallas_src>

<mosaic_0001>
#map = affine_map<(d0, d1) -> (0, 0)>
#map1 = affine_map<(d0, d1) -> (0, 0, 0)>
module attributes {stable_mosaic.version = 14 : i64} {
  func.func @_sc_body(%arg0: i32, %arg1: i32, %arg2: memref<64x1024xf32, #tpu.memory_space<hbm>>, %arg3: memref<2x64x512xf32, #tpu.memory_space<hbm>>, %arg4: memref<64x1024xf32, #tpu.memory_space<hbm>>, %arg5: memref<4x1024xf32, #tpu.memory_space<vmem>>, %arg6: memref<64x512xf32, #tpu.memory_space<vmem>>, %arg7: memref<64x512xf32, #tpu.memory_space<vmem>>, %arg8: memref<4x1024xf32, #tpu.memory_space<vmem>>, %arg9: memref<!tpu.dma_semaphore, #tpu.memory_space<semaphore_mem>>, %arg10: memref<!tpu.dma_semaphore, #tpu.memory_space<semaphore_mem>>) attributes {dimension_semantics = [#tpu.dimension_semantics<core_parallel>, #tpu.dimension_semantics<subcore_parallel>], iteration_bounds = array<i64: 1, 16>, scalar_prefetch = 0 : i64, scratch_operands = 6 : i64, tpu.core_type = #tpu.core_type<sc_vector_subcore>, window_params = [{transform_indices = #map}, {transform_indices = #map1}, {transform_indices = #map}]} {
    %mul3A = arith.constant 0 : i32
    %mul3A_0 = arith.muli %arg0, %mul3A : i32
    %add3A = arith.addi %arg1, %mul3A_0 : i32
    %mul3A_1 = arith.constant 4 : i32
    %mul3A_2 = arith.muli %add3A, %mul3A_1 : i32
    %dma_start3A = arith.constant 0 : i32
    %dma_start3A_3 = arith.constant 0 : i32
    %dma_start3A_4 = arith.constant 0 : i32
    %dma_start3A_5 = tpu.memref_slice %arg3[%dma_start3A, %dma_start3A_3, %dma_start3A_4] : memref<2x64x512xf32, #tpu.memory_space<hbm>> -> memref<1x64x512xf32, #tpu.memory_space<hbm>>
    %dma_start3A_6 = tpu.memref_squeeze %dma_start3A_5 : memref<1x64x512xf32, #tpu.memory_space<hbm>> -> memref<64x512xf32, #tpu.memory_space<hbm>>
    %dma_start3A_7 = arith.constant 0 : i32
    %dma_start3A_8 = arith.constant 0 : i32
    %dma_start3A_9 = tpu.memref_slice %arg3[%dma_start3A, %dma_start3A_7, %dma_start3A_8] : memref<2x64x512xf32, #tpu.memory_space<hbm>> -> memref<1x64x512xf32, #tpu.memory_space<hbm>>
    %dma_start3A_10 = tpu.memref_squeeze %dma_start3A_9 : memref<1x64x512xf32, #tpu.memory_space<hbm>> -> memref<64x512xf32, #tpu.memory_space<hbm>>
    tpu.enqueue_dma source(%dma_start3A_10 : memref<64x512xf32, #tpu.memory_space<hbm>>) target(%arg6 : memref<64x512xf32, #tpu.memory_space<vmem>>) target_semaphore(%arg9 : memref<!tpu.dma_semaphore, #tpu.memory_space<semaphore_mem>>)
    %dma_start3A_11 = arith.constant 1 : i32
    %dma_start3A_12 = arith.constant 0 : i32
    %dma_start3A_13 = arith.constant 0 : i32
    %dma_start3A_14 = tpu.memref_slice %arg3[%dma_start3A_11, %dma_start3A_12, %dma_start3A_13] : memref<2x64x512xf32, #tpu.memory_space<hbm>> -> memref<1x64x512xf32, #tpu.memory_space<hbm>>
    %dma_start3A_15 = tpu.memref_squeeze %dma_start3A_14 : memref<1x64x512xf32, #tpu.memory_space<hbm>> -> memref<64x512xf32, #tpu.memory_space<hbm>>
    %dma_start3A_16 = arith.constant 0 : i32
    %dma_start3A_17 = arith.constant 0 : i32
    %dma_start3A_18 = tpu.memref_slice %arg3[%dma_start3A_11, %dma_start3A_16, %dma_start3A_17] : memref<2x64x512xf32, #tpu.memory_space<hbm>> -> memref<1x64x512xf32, #tpu.memory_space<hbm>>
    %dma_start3A_19 = tpu.memref_squeeze %dma_start3A_18 : memref<1x64x512xf32, #tpu.memory_space<hbm>> -> memref<64x512xf32, #tpu.memory_space<hbm>>
    tpu.enqueue_dma source(%dma_start3A_19 : memref<64x512xf32, #tpu.memory_space<hbm>>) target(%arg7 : memref<64x512xf32, #tpu.memory_space<vmem>>) target_semaphore(%arg10 : memref<!tpu.dma_semaphore, #tpu.memory_space<semaphore_mem>>)
    "tpu.region"() ({
      %run_scoped3A = tpu.sem_alloc : memref<!tpu.dma_semaphore, #tpu.memory_space<semaphore_mem>>
      %dma_start3A_54 = arith.constant 0 : i32
      %dma_start3A_55 = tpu.memref_slice %arg2[%mul3A_2, %dma_start3A_54] : memref<64x1024xf32, #tpu.memory_space<hbm>> -> memref<4x1024xf32, #tpu.memory_space<hbm>>
      %dma_start3A_56 = arith.constant 0 : i32
      %dma_start3A_57 = tpu.memref_slice %arg2[%mul3A_2, %dma_start3A_56] : memref<64x1024xf32, #tpu.memory_space<hbm>> -> memref<4x1024xf32, #tpu.memory_space<hbm>>
      tpu.enqueue_dma source(%dma_start3A_57 : memref<4x1024xf32, #tpu.memory_space<hbm>>) target(%arg5 : memref<4x1024xf32, #tpu.memory_space<vmem>>) target_semaphore(%run_scoped3A : memref<!tpu.dma_semaphore, #tpu.memory_space<semaphore_mem>>)
      %dma_wait3A_58 = arith.constant 0 : i32
      %dma_wait3A_59 = tpu.memref_slice %arg2[%mul3A_2, %dma_wait3A_58] : memref<64x1024xf32, #tpu.memory_space<hbm>> -> memref<4x1024xf32, #tpu.memory_space<hbm>>
      %dma_wait3A_60 = arith.constant 0 : i32
      %dma_wait3A_61 = tpu.memref_slice %arg2[%mul3A_2, %dma_wait3A_60] : memref<64x1024xf32, #tpu.memory_space<hbm>> -> memref<4x1024xf32, #tpu.memory_space<hbm>>
      tpu.wait_dma2 semaphore(%run_scoped3A : memref<!tpu.dma_semaphore, #tpu.memory_space<semaphore_mem>>) src(%dma_wait3A_61 : memref<4x1024xf32, #tpu.memory_space<hbm>>) dst(%arg5 : memref<4x1024xf32, #tpu.memory_space<vmem>>)
      tpu.yield
    }) : () -> ()
    %dma_wait3A = arith.constant 0 : i32
    %dma_wait3A_20 = arith.constant 0 : i32
    %dma_wait3A_21 = arith.constant 0 : i32
    %dma_wait3A_22 = tpu.memref_slice %arg3[%dma_wait3A, %dma_wait3A_20, %dma_wait3A_21] : memref<2x64x512xf32, #tpu.memory_space<hbm>> -> memref<1x64x512xf32, #tpu.memory_space<hbm>>
    %dma_wait3A_23 = tpu.memref_squeeze %dma_wait3A_22 : memref<1x64x512xf32, #tpu.memory_space<hbm>> -> memref<64x512xf32, #tpu.memory_space<hbm>>
    %dma_wait3A_24 = arith.constant 0 : i32
    %dma_wait3A_25 = arith.constant 0 : i32
    %dma_wait3A_26 = tpu.memref_slice %arg3[%dma_wait3A, %dma_wait3A_24, %dma_wait3A_25] : memref<2x64x512xf32, #tpu.memory_space<hbm>> -> memref<1x64x512xf32, #tpu.memory_space<hbm>>
    %dma_wait3A_27 = tpu.memref_squeeze %dma_wait3A_26 : memref<1x64x512xf32, #tpu.memory_space<hbm>> -> memref<64x512xf32, #tpu.memory_space<hbm>>
    tpu.wait_dma2 semaphore(%arg9 : memref<!tpu.dma_semaphore, #tpu.memory_space<semaphore_mem>>) src(%dma_wait3A_27 : memref<64x512xf32, #tpu.memory_space<hbm>>) dst(%arg6 : memref<64x512xf32, #tpu.memory_space<vmem>>)
    %scan3A = arith.constant 0 : i32
    %scan3A_28 = arith.constant 0 : i32
    %scan3A_29 = arith.constant 4 : i32
    %scan3A_30 = arith.addi %scan3A_28, %scan3A_29 : i32
    %scan3A_31 = arith.constant 1 : i32
    scf.for %scan3A_54 = %scan3A_28 to %scan3A_30 step %scan3A_31  : i32 {
      %jit3A = arith.constant 4 : i32
      %div3A = arith.divsi %scan3A_54, %jit3A : i32
      %sign3A = arith.constant 0 : i32
      %sign3A_55 = arith.cmpi sgt, %scan3A_54, %sign3A : i32
      %sign3A_56 = arith.extui %sign3A_55 : i1 to i32
      %sign3A_57 = arith.constant 0 : i32
      %sign3A_58 = arith.cmpi slt, %scan3A_54, %sign3A_57 : i32
      %sign3A_59 = arith.extui %sign3A_58 : i1 to i32
      %sign3A_60 = arith.subi %sign3A_56, %sign3A_59 : i32
      %sign3A_61 = arith.constant 0 : i32
      %sign3A_62 = arith.cmpi sgt, %jit3A, %sign3A_61 : i32
      %sign3A_63 = arith.extui %sign3A_62 : i1 to i32
      %sign3A_64 = arith.constant 0 : i32
      %sign3A_65 = arith.cmpi slt, %jit3A, %sign3A_64 : i32
      %sign3A_66 = arith.extui %sign3A_65 : i1 to i32
      %sign3A_67 = arith.subi %sign3A_63, %sign3A_66 : i32
      %ne3A = arith.cmpi ne, %sign3A_60, %sign3A_67 : i32
      %rem3A = arith.remsi %scan3A_54, %jit3A : i32
      %ne3A_68 = arith.constant 0 : i32
      %ne3A_69 = arith.cmpi ne, %rem3A, %ne3A_68 : i32
      %and3A = arith.andi %ne3A, %ne3A_69 : i1
      %sub3A = arith.constant 1 : i32
      %sub3A_70 = arith.subi %div3A, %sub3A : i32
      %select_n3A = arith.select %and3A, %sub3A_70, %div3A : i32
      %mul3A_71 = arith.constant 4 : i32
      %mul3A_72 = arith.muli %select_n3A, %mul3A_71 : i32
      %jit3A_73 = arith.constant 4 : i32
      %eq3A = arith.constant 0 : i32
      %eq3A_74 = arith.cmpi eq, %jit3A_73, %eq3A : i32
      %jit3A_75 = arith.constant 1 : i32
      %select_n3A_76 = arith.select %eq3A_74, %jit3A_75, %jit3A_73 : i32
      %rem3A_77 = arith.remsi %scan3A_54, %select_n3A_76 : i32
      %ne3A_78 = arith.constant 0 : i32
      %ne3A_79 = arith.cmpi ne, %rem3A_77, %ne3A_78 : i32
      %lt3A = arith.constant 0 : i32
      %lt3A_80 = arith.cmpi slt, %rem3A_77, %lt3A : i32
      %lt3A_81 = arith.constant 0 : i32
      %lt3A_82 = arith.cmpi slt, %select_n3A_76, %lt3A_81 : i32
      %ne3A_83 = arith.xori %lt3A_80, %lt3A_82 : i1
      %and3A_84 = arith.andi %ne3A_83, %ne3A_79 : i1
      %add3A_85 = arith.addi %rem3A_77, %select_n3A_76 : i32
      %select_n3A_86 = arith.select %and3A_84, %add3A_85, %rem3A_77 : i32
      %mul3A_87 = arith.constant 8 : i32
      %mul3A_88 = arith.muli %select_n3A_86, %mul3A_87 : i32
      %broadcast_in_dim3A = arith.constant 0.000000e+00 : f32
      %broadcast_in_dim3A_89 = vector.broadcast %broadcast_in_dim3A : f32 to vector<16xf32>
      %broadcast_in_dim3A_90 = arith.constant 0.000000e+00 : f32
      %broadcast_in_dim3A_91 = vector.broadcast %broadcast_in_dim3A_90 : f32 to vector<16xf32>
      %broadcast_in_dim3A_92 = arith.constant 0.000000e+00 : f32
      %broadcast_in_dim3A_93 = vector.broadcast %broadcast_in_dim3A_92 : f32 to vector<16xf32>
      %broadcast_in_dim3A_94 = arith.constant 0.000000e+00 : f32
      %broadcast_in_dim3A_95 = vector.broadcast %broadcast_in_dim3A_94 : f32 to vector<16xf32>
      %broadcast_in_dim3A_96 = arith.constant 0.000000e+00 : f32
      %broadcast_in_dim3A_97 = vector.broadcast %broadcast_in_dim3A_96 : f32 to vector<16xf32>
      %broadcast_in_dim3A_98 = arith.constant 0.000000e+00 : f32
      %broadcast_in_dim3A_99 = vector.broadcast %broadcast_in_dim3A_98 : f32 to vector<16xf32>
      %broadcast_in_dim3A_100 = arith.constant 0.000000e+00 : f32
      %broadcast_in_dim3A_101 = vector.broadcast %broadcast_in_dim3A_100 : f32 to vector<16xf32>
      %broadcast_in_dim3A_102 = arith.constant 0.000000e+00 : f32
      %broadcast_in_dim3A_103 = vector.broadcast %broadcast_in_dim3A_102 : f32 to vector<16xf32>
      %broadcast_in_dim3A_104 = arith.constant 0.000000e+00 : f32
      %broadcast_in_dim3A_105 = vector.broadcast %broadcast_in_dim3A_104 : f32 to vector<16xf32>
      %broadcast_in_dim3A_106 = arith.constant 0.000000e+00 : f32
      %broadcast_in_dim3A_107 = vector.broadcast %broadcast_in_dim3A_106 : f32 to vector<16xf32>
      %broadcast_in_dim3A_108 = arith.constant 0.000000e+00 : f32
      %broadcast_in_dim3A_109 = vector.broadcast %broadcast_in_dim3A_108 : f32 to vector<16xf32>
      %broadcast_in_dim3A_110 = arith.constant 0.000000e+00 : f32
      %broadcast_in_dim3A_111 = vector.broadcast %broadcast_in_dim3A_110 : f32 to vector<16xf32>
      %broadcast_in_dim3A_112 = arith.constant 0.000000e+00 : f32
      %broadcast_in_dim3A_113 = vector.broadcast %broadcast_in_dim3A_112 : f32 to vector<16xf32>
      %broadcast_in_dim3A_114 = arith.constant 0.000000e+00 : f32
      %broadcast_in_dim3A_115 = vector.broadcast %broadcast_in_dim3A_114 : f32 to vector<16xf32>
      %broadcast_in_dim3A_116 = arith.constant 0.000000e+00 : f32
      %broadcast_in_dim3A_117 = vector.broadcast %broadcast_in_dim3A_116 : f32 to vector<16xf32>
      %broadcast_in_dim3A_118 = arith.constant 0.000000e+00 : f32
      %broadcast_in_dim3A_119 = vector.broadcast %broadcast_in_dim3A_118 : f32 to vector<16xf32>
      %broadcast_in_dim3A_120 = arith.constant 0.000000e+00 : f32
      %broadcast_in_dim3A_121 = vector.broadcast %broadcast_in_dim3A_120 : f32 to vector<16xf32>
      %broadcast_in_dim3A_122 = arith.constant 0.000000e+00 : f32
      %broadcast_in_dim3A_123 = vector.broadcast %broadcast_in_dim3A_122 : f32 to vector<16xf32>
      %broadcast_in_dim3A_124 = arith.constant 0.000000e+00 : f32
      %broadcast_in_dim3A_125 = vector.broadcast %broadcast_in_dim3A_124 : f32 to vector<16xf32>
      %broadcast_in_dim3A_126 = arith.constant 0.000000e+00 : f32
      %broadcast_in_dim3A_127 = vector.broadcast %broadcast_in_dim3A_126 : f32 to vector<16xf32>
      %broadcast_in_dim3A_128 = arith.constant 0.000000e+00 : f32
      %broadcast_in_dim3A_129 = vector.broadcast %broadcast_in_dim3A_128 : f32 to vector<16xf32>
      %broadcast_in_dim3A_130 = arith.constant 0.000000e+00 : f32
      %broadcast_in_dim3A_131 = vector.broadcast %broadcast_in_dim3A_130 : f32 to vector<16xf32>
      %broadcast_in_dim3A_132 = arith.constant 0.000000e+00 : f32
      %broadcast_in_dim3A_133 = vector.broadcast %broadcast_in_dim3A_132 : f32 to vector<16xf32>
      %broadcast_in_dim3A_134 = arith.constant 0.000000e+00 : f32
      %broadcast_in_dim3A_135 = vector.broadcast %broadcast_in_dim3A_134 : f32 to vector<16xf32>
      %broadcast_in_dim3A_136 = arith.constant 0.000000e+00 : f32
      %broadcast_in_dim3A_137 = vector.broadcast %broadcast_in_dim3A_136 : f32 to vector<16xf32>
      %broadcast_in_dim3A_138 = arith.constant 0.000000e+00 : f32
      %broadcast_in_dim3A_139 = vector.broadcast %broadcast_in_dim3A_138 : f32 to vector<16xf32>
      %broadcast_in_dim3A_140 = arith.constant 0.000000e+00 : f32
      %broadcast_in_dim3A_141 = vector.broadcast %broadcast_in_dim3A_140 : f32 to vector<16xf32>
      %broadcast_in_dim3A_142 = arith.constant 0.000000e+00 : f32
      %broadcast_in_dim3A_143 = vector.broadcast %broadcast_in_dim3A_142 : f32 to vector<16xf32>
      %broadcast_in_dim3A_144 = arith.constant 0.000000e+00 : f32
      %broadcast_in_dim3A_145 = vector.broadcast %broadcast_in_dim3A_144 : f32 to vector<16xf32>
      %broadcast_in_dim3A_146 = arith.constant 0.000000e+00 : f32
      %broadcast_in_dim3A_147 = vector.broadcast %broadcast_in_dim3A_146 : f32 to vector<16xf32>
      %broadcast_in_dim3A_148 = arith.constant 0.000000e+00 : f32
      %broadcast_in_dim3A_149 = vector.broadcast %broadcast_in_dim3A_148 : f32 to vector<16xf32>
      %broadcast_in_dim3A_150 = arith.constant 0.000000e+00 : f32
      %broadcast_in_dim3A_151 = vector.broadcast %broadcast_in_dim3A_150 : f32 to vector<16xf32>
      %scan3A_152 = arith.constant 0 : i32
      %scan3A_153 = arith.constant 64 : i32
      %scan3A_154 = arith.addi %scan3A_152, %scan3A_153 : i32
      %scan3A_155 = arith.constant 1 : i32
      %scan3A_156:32 = scf.for %scan3A_701 = %scan3A_152 to %scan3A_154 step %scan3A_155 iter_args(%scan3A_702 = %broadcast_in_dim3A_89, %scan3A_703 = %broadcast_in_dim3A_91, %scan3A_704 = %broadcast_in_dim3A_93, %scan3A_705 = %broadcast_in_dim3A_95, %scan3A_706 = %broadcast_in_dim3A_97, %scan3A_707 = %broadcast_in_dim3A_99, %scan3A_708 = %broadcast_in_dim3A_101, %scan3A_709 = %broadcast_in_dim3A_103, %scan3A_710 = %broadcast_in_dim3A_105, %scan3A_711 = %broadcast_in_dim3A_107, %scan3A_712 = %broadcast_in_dim3A_109, %scan3A_713 = %broadcast_in_dim3A_111, %scan3A_714 = %broadcast_in_dim3A_113, %scan3A_715 = %broadcast_in_dim3A_115, %scan3A_716 = %broadcast_in_dim3A_117, %scan3A_717 = %broadcast_in_dim3A_119, %scan3A_718 = %broadcast_in_dim3A_121, %scan3A_719 = %broadcast_in_dim3A_123, %scan3A_720 = %broadcast_in_dim3A_125, %scan3A_721 = %broadcast_in_dim3A_127, %scan3A_722 = %broadcast_in_dim3A_129, %scan3A_723 = %broadcast_in_dim3A_131, %scan3A_724 = %broadcast_in_dim3A_133, %scan3A_725 = %broadcast_in_dim3A_135, %scan3A_726 = %broadcast_in_dim3A_137, %scan3A_727 = %broadcast_in_dim3A_139, %scan3A_728 = %broadcast_in_dim3A_141, %scan3A_729 = %broadcast_in_dim3A_143, %scan3A_730 = %broadcast_in_dim3A_145, %scan3A_731 = %broadcast_in_dim3A_147, %scan3A_732 = %broadcast_in_dim3A_149, %scan3A_733 = %broadcast_in_dim3A_151) -> (vector<16xf32>, vector<16xf32>, vector<16xf32>, vector<16xf32>, vector<16xf32>, vector<16xf32>, vector<16xf32>, vector<16xf32>, vector<16xf32>, vector<16xf32>, vector<16xf32>, vector<16xf32>, vector<16xf32>, vector<16xf32>, vector<16xf32>, vector<16xf32>, vector<16xf32>, vector<16xf32>, vector<16xf32>, vector<16xf32>, vector<16xf32>, vector<16xf32>, vector<16xf32>, vector<16xf32>, vector<16xf32>, vector<16xf32>, vector<16xf32>, vector<16xf32>, vector<16xf32>, vector<16xf32>, vector<16xf32>, vector<16xf32>)  : i32 {
        %add3A_734 = arith.constant 0 : i32
        %add3A_735 = arith.addi %mul3A_88, %add3A_734 : i32
        %mul3A_736 = arith.constant 16 : i32
        %mul3A_737 = arith.muli %add3A_735, %mul3A_736 : i32
        %get3A = arith.index_cast %scan3A_701 : i32 to index
        %get3A_738 = arith.index_cast %mul3A_737 : i32 to index
        %get3A_739 = tpu.vector_load %arg6[%get3A, %get3A_738] {strides = array<i32>} : memref<64x512xf32, #tpu.memory_space<vmem>>, vector<1x16xf32>,
        %get3A_740 = vector.shape_cast %get3A_739 : vector<1x16xf32> to vector<16xf32>
        %add3A_741 = arith.constant 1 : i32
        %add3A_742 = arith.addi %mul3A_88, %add3A_741 : i32
        %mul3A_743 = arith.constant 16 : i32
        %mul3A_744 = arith.muli %add3A_742, %mul3A_743 : i32
        %get3A_745 = arith.index_cast %scan3A_701 : i32 to index
        %get3A_746 = arith.index_cast %mul3A_744 : i32 to index
        %get3A_747 = tpu.vector_load %arg6[%get3A_745, %get3A_746] {strides = array<i32>} : memref<64x512xf32, #tpu.memory_space<vmem>>, vector<1x16xf32>,
        %get3A_748 = vector.shape_cast %get3A_747 : vector<1x16xf32> to vector<16xf32>
        %add3A_749 = arith.constant 2 : i32
        %add3A_750 = arith.addi %mul3A_88, %add3A_749 : i32
        %mul3A_751 = arith.constant 16 : i32
        %mul3A_752 = arith.muli %add3A_750, %mul3A_751 : i32
        %get3A_753 = arith.index_cast %scan3A_701 : i32 to index
        %get3A_754 = arith.index_cast %mul3A_752 : i32 to index
        %get3A_755 = tpu.vector_load %arg6[%get3A_753, %get3A_754] {strides = array<i32>} : memref<64x512xf32, #tpu.memory_space<vmem>>, vector<1x16xf32>,
        %get3A_756 = vector.shape_cast %get3A_755 : vector<1x16xf32> to vector<16xf32>
        %add3A_757 = arith.constant 3 : i32
        %add3A_758 = arith.addi %mul3A_88, %add3A_757 : i32
        %mul3A_759 = arith.constant 16 : i32
        %mul3A_760 = arith.muli %add3A_758, %mul3A_759 : i32
        %get3A_761 = arith.index_cast %scan3A_701 : i32 to index
        %get3A_762 = arith.index_cast %mul3A_760 : i32 to index
        %get3A_763 = tpu.vector_load %arg6[%get3A_761, %get3A_762] {strides = array<i32>} : memref<64x512xf32, #tpu.memory_space<vmem>>, vector<1x16xf32>,
        %get3A_764 = vector.shape_cast %get3A_763 : vector<1x16xf32> to vector<16xf32>
        %add3A_765 = arith.constant 4 : i32
        %add3A_766 = arith.addi %mul3A_88, %add3A_765 : i32
        %mul3A_767 = arith.constant 16 : i32
        %mul3A_768 = arith.muli %add3A_766, %mul3A_767 : i32
        %get3A_769 = arith.index_cast %scan3A_701 : i32 to index
        %get3A_770 = arith.index_cast %mul3A_768 : i32 to index
        %get3A_771 = tpu.vector_load %arg6[%get3A_769, %get3A_770] {strides = array<i32>} : memref<64x512xf32, #tpu.memory_space<vmem>>, vector<1x16xf32>,
        %get3A_772 = vector.shape_cast %get3A_771 : vector<1x16xf32> to vector<16xf32>
        %add3A_773 = arith.constant 5 : i32
        %add3A_774 = arith.addi %mul3A_88, %add3A_773 : i32
        %mul3A_775 = arith.constant 16 : i32
        %mul3A_776 = arith.muli %add3A_774, %mul3A_775 : i32
        %get3A_777 = arith.index_cast %scan3A_701 : i32 to index
        %get3A_778 = arith.index_cast %mul3A_776 : i32 to index
        %get3A_779 = tpu.vector_load %arg6[%get3A_777, %get3A_778] {strides = array<i32>} : memref<64x512xf32, #tpu.memory_space<vmem>>, vector<1x16xf32>,
        %get3A_780 = vector.shape_cast %get3A_779 : vector<1x16xf32> to vector<16xf32>
        %add3A_781 = arith.constant 6 : i32
        %add3A_782 = arith.addi %mul3A_88, %add3A_781 : i32
        %mul3A_783 = arith.constant 16 : i32
        %mul3A_784 = arith.muli %add3A_782, %mul3A_783 : i32
        %get3A_785 = arith.index_cast %scan3A_701 : i32 to index
        %get3A_786 = arith.index_cast %mul3A_784 : i32 to index
        %get3A_787 = tpu.vector_load %arg6[%get3A_785, %get3A_786] {strides = array<i32>} : memref<64x512xf32, #tpu.memory_space<vmem>>, vector<1x16xf32>,
        %get3A_788 = vector.shape_cast %get3A_787 : vector<1x16xf32> to vector<16xf32>
        %add3A_789 = arith.constant 7 : i32
        %add3A_790 = arith.addi %mul3A_88, %add3A_789 : i32
        %mul3A_791 = arith.constant 16 : i32
        %mul3A_792 = arith.muli %add3A_790, %mul3A_791 : i32
        %get3A_793 = arith.index_cast %scan3A_701 : i32 to index
        %get3A_794 = arith.index_cast %mul3A_792 : i32 to index
        %get3A_795 = tpu.vector_load %arg6[%get3A_793, %get3A_794] {strides = array<i32>} : memref<64x512xf32, #tpu.memory_space<vmem>>, vector<1x16xf32>,
        %get3A_796 = vector.shape_cast %get3A_795 : vector<1x16xf32> to vector<16xf32>
        %add3A_797 = arith.constant 0 : i32
        %add3A_798 = arith.addi %mul3A_72, %add3A_797 : i32
        %mul3A_799 = arith.constant 16 : i32
        %mul3A_800 = arith.muli %scan3A_701, %mul3A_799 : i32
        %get3A_801 = arith.index_cast %add3A_798 : i32 to index
        %get3A_802 = arith.index_cast %mul3A_800 : i32 to index
        %get3A_803 = tpu.vector_load %arg5[%get3A_801, %get3A_802] {strides = array<i32>} : memref<4x1024xf32, #tpu.memory_space<vmem>>, vector<1x16xf32>,
        %get3A_804 = vector.shape_cast %get3A_803 : vector<1x16xf32> to vector<16xf32>
        %sub3A_805 = arith.subf %get3A_804, %get3A_740 : vector<16xf32>
        %abs3A = math.absf %sub3A_805 : vector<16xf32>
        %add3A_806 = arith.addf %scan3A_702, %abs3A : vector<16xf32>
        %sub3A_807 = arith.subf %get3A_804, %get3A_748 : vector<16xf32>
        %abs3A_808 = math.absf %sub3A_807 : vector<16xf32>
        %add3A_809 = arith.addf %scan3A_703, %abs3A_808 : vector<16xf32>
        %sub3A_810 = arith.subf %get3A_804, %get3A_756 : vector<16xf32>
        %abs3A_811 = math.absf %sub3A_810 : vector<16xf32>
        %add3A_812 = arith.addf %scan3A_704, %abs3A_811 : vector<16xf32>
        %sub3A_813 = arith.subf %get3A_804, %get3A_764 : vector<16xf32>
        %abs3A_814 = math.absf %sub3A_813 : vector<16xf32>
        %add3A_815 = arith.addf %scan3A_705, %abs3A_814 : vector<16xf32>
        %sub3A_816 = arith.subf %get3A_804, %get3A_772 : vector<16xf32>
        %abs3A_817 = math.absf %sub3A_816 : vector<16xf32>
        %add3A_818 = arith.addf %scan3A_706, %abs3A_817 : vector<16xf32>
        %sub3A_819 = arith.subf %get3A_804, %get3A_780 : vector<16xf32>
        %abs3A_820 = math.absf %sub3A_819 : vector<16xf32>
        %add3A_821 = arith.addf %scan3A_707, %abs3A_820 : vector<16xf32>
        %sub3A_822 = arith.subf %get3A_804, %get3A_788 : vector<16xf32>
        %abs3A_823 = math.absf %sub3A_822 : vector<16xf32>
        %add3A_824 = arith.addf %scan3A_708, %abs3A_823 : vector<16xf32>
        %sub3A_825 = arith.subf %get3A_804, %get3A_796 : vector<16xf32>
        %abs3A_826 = math.absf %sub3A_825 : vector<16xf32>
        %add3A_827 = arith.addf %scan3A_709, %abs3A_826 : vector<16xf32>
        %add3A_828 = arith.constant 1 : i32
        %add3A_829 = arith.addi %mul3A_72, %add3A_828 : i32
        %mul3A_830 = arith.constant 16 : i32
        %mul3A_831 = arith.muli %scan3A_701, %mul3A_830 : i32
        %get3A_832 = arith.index_cast %add3A_829 : i32 to index
        %get3A_833 = arith.index_cast %mul3A_831 : i32 to index
        %get3A_834 = tpu.vector_load %arg5[%get3A_832, %get3A_833] {strides = array<i32>} : memref<4x1024xf32, #tpu.memory_space<vmem>>, vector<1x16xf32>,
        %get3A_835 = vector.shape_cast %get3A_834 : vector<1x16xf32> to vector<16xf32>
        %sub3A_836 = arith.subf %get3A_835, %get3A_740 : vector<16xf32>
        %abs3A_837 = math.absf %sub3A_836 : vector<16xf32>
        %add3A_838 = arith.addf %scan3A_710, %abs3A_837 : vector<16xf32>
        %sub3A_839 = arith.subf %get3A_835, %get3A_748 : vector<16xf32>
        %abs3A_840 = math.absf %sub3A_839 : vector<16xf32>
        %add3A_841 = arith.addf %scan3A_711, %abs3A_840 : vector<16xf32>
        %sub3A_842 = arith.subf %get3A_835, %get3A_756 : vector<16xf32>
        %abs3A_843 = math.absf %sub3A_842 : vector<16xf32>
        %add3A_844 = arith.addf %scan3A_712, %abs3A_843 : vector<16xf32>
        %sub3A_845 = arith.subf %get3A_835, %get3A_764 : vector<16xf32>
        %abs3A_846 = math.absf %sub3A_845 : vector<16xf32>
        %add3A_847 = arith.addf %scan3A_713, %abs3A_846 : vector<16xf32>
        %sub3A_848 = arith.subf %get3A_835, %get3A_772 : vector<16xf32>
        %abs3A_849 = math.absf %sub3A_848 : vector<16xf32>
        %add3A_850 = arith.addf %scan3A_714, %abs3A_849 : vector<16xf32>
        %sub3A_851 = arith.subf %get3A_835, %get3A_780 : vector<16xf32>
        %abs3A_852 = math.absf %sub3A_851 : vector<16xf32>
        %add3A_853 = arith.addf %scan3A_715, %abs3A_852 : vector<16xf32>
        %sub3A_854 = arith.subf %get3A_835, %get3A_788 : vector<16xf32>
        %abs3A_855 = math.absf %sub3A_854 : vector<16xf32>
        %add3A_856 = arith.addf %scan3A_716, %abs3A_855 : vector<16xf32>
        %sub3A_857 = arith.subf %get3A_835, %get3A_796 : vector<16xf32>
        %abs3A_858 = math.absf %sub3A_857 : vector<16xf32>
        %add3A_859 = arith.addf %scan3A_717, %abs3A_858 : vector<16xf32>
        %add3A_860 = arith.constant 2 : i32
        %add3A_861 = arith.addi %mul3A_72, %add3A_860 : i32
        %mul3A_862 = arith.constant 16 : i32
        %mul3A_863 = arith.muli %scan3A_701, %mul3A_862 : i32
        %get3A_864 = arith.index_cast %add3A_861 : i32 to index
        %get3A_865 = arith.index_cast %mul3A_863 : i32 to index
        %get3A_866 = tpu.vector_load %arg5[%get3A_864, %get3A_865] {strides = array<i32>} : memref<4x1024xf32, #tpu.memory_space<vmem>>, vector<1x16xf32>,
        %get3A_867 = vector.shape_cast %get3A_866 : vector<1x16xf32> to vector<16xf32>
        %sub3A_868 = arith.subf %get3A_867, %get3A_740 : vector<16xf32>
        %abs3A_869 = math.absf %sub3A_868 : vector<16xf32>
        %add3A_870 = arith.addf %scan3A_718, %abs3A_869 : vector<16xf32>
        %sub3A_871 = arith.subf %get3A_867, %get3A_748 : vector<16xf32>
        %abs3A_872 = math.absf %sub3A_871 : vector<16xf32>
        %add3A_873 = arith.addf %scan3A_719, %abs3A_872 : vector<16xf32>
        %sub3A_874 = arith.subf %get3A_867, %get3A_756 : vector<16xf32>
        %abs3A_875 = math.absf %sub3A_874 : vector<16xf32>
        %add3A_876 = arith.addf %scan3A_720, %abs3A_875 : vector<16xf32>
        %sub3A_877 = arith.subf %get3A_867, %get3A_764 : vector<16xf32>
        %abs3A_878 = math.absf %sub3A_877 : vector<16xf32>
        %add3A_879 = arith.addf %scan3A_721, %abs3A_878 : vector<16xf32>
        %sub3A_880 = arith.subf %get3A_867, %get3A_772 : vector<16xf32>
        %abs3A_881 = math.absf %sub3A_880 : vector<16xf32>
        %add3A_882 = arith.addf %scan3A_722, %abs3A_881 : vector<16xf32>
        %sub3A_883 = arith.subf %get3A_867, %get3A_780 : vector<16xf32>
        %abs3A_884 = math.absf %sub3A_883 : vector<16xf32>
        %add3A_885 = arith.addf %scan3A_723, %abs3A_884 : vector<16xf32>
        %sub3A_886 = arith.subf %get3A_867, %get3A_788 : vector<16xf32>
        %abs3A_887 = math.absf %sub3A_886 : vector<16xf32>
        %add3A_888 = arith.addf %scan3A_724, %abs3A_887 : vector<16xf32>
        %sub3A_889 = arith.subf %get3A_867, %get3A_796 : vector<16xf32>
        %abs3A_890 = math.absf %sub3A_889 : vector<16xf32>
        %add3A_891 = arith.addf %scan3A_725, %abs3A_890 : vector<16xf32>
        %add3A_892 = arith.constant 3 : i32
        %add3A_893 = arith.addi %mul3A_72, %add3A_892 : i32
        %mul3A_894 = arith.constant 16 : i32
        %mul3A_895 = arith.muli %scan3A_701, %mul3A_894 : i32
        %get3A_896 = arith.index_cast %add3A_893 : i32 to index
        %get3A_897 = arith.index_cast %mul3A_895 : i32 to index
        %get3A_898 = tpu.vector_load %arg5[%get3A_896, %get3A_897] {strides = array<i32>} : memref<4x1024xf32, #tpu.memory_space<vmem>>, vector<1x16xf32>,
        %get3A_899 = vector.shape_cast %get3A_898 : vector<1x16xf32> to vector<16xf32>
        %sub3A_900 = arith.subf %get3A_899, %get3A_740 : vector<16xf32>
        %abs3A_901 = math.absf %sub3A_900 : vector<16xf32>
        %add3A_902 = arith.addf %scan3A_726, %abs3A_901 : vector<16xf32>
        %sub3A_903 = arith.subf %get3A_899, %get3A_748 : vector<16xf32>
        %abs3A_904 = math.absf %sub3A_903 : vector<16xf32>
        %add3A_905 = arith.addf %scan3A_727, %abs3A_904 : vector<16xf32>
        %sub3A_906 = arith.subf %get3A_899, %get3A_756 : vector<16xf32>
        %abs3A_907 = math.absf %sub3A_906 : vector<16xf32>
        %add3A_908 = arith.addf %scan3A_728, %abs3A_907 : vector<16xf32>
        %sub3A_909 = arith.subf %get3A_899, %get3A_764 : vector<16xf32>
        %abs3A_910 = math.absf %sub3A_909 : vector<16xf32>
        %add3A_911 = arith.addf %scan3A_729, %abs3A_910 : vector<16xf32>
        %sub3A_912 = arith.subf %get3A_899, %get3A_772 : vector<16xf32>
        %abs3A_913 = math.absf %sub3A_912 : vector<16xf32>
        %add3A_914 = arith.addf %scan3A_730, %abs3A_913 : vector<16xf32>
        %sub3A_915 = arith.subf %get3A_899, %get3A_780 : vector<16xf32>
        %abs3A_916 = math.absf %sub3A_915 : vector<16xf32>
        %add3A_917 = arith.addf %scan3A_731, %abs3A_916 : vector<16xf32>
        %sub3A_918 = arith.subf %get3A_899, %get3A_788 : vector<16xf32>
        %abs3A_919 = math.absf %sub3A_918 : vector<16xf32>
        %add3A_920 = arith.addf %scan3A_732, %abs3A_919 : vector<16xf32>
        %sub3A_921 = arith.subf %get3A_899, %get3A_796 : vector<16xf32>
        %abs3A_922 = math.absf %sub3A_921 : vector<16xf32>
        %add3A_923 = arith.addf %scan3A_733, %abs3A_922 : vector<16xf32>
        scf.yield %add3A_806, %add3A_809, %add3A_812, %add3A_815, %add3A_818, %add3A_821, %add3A_824, %add3A_827, %add3A_838, %add3A_841, %add3A_844, %add3A_847, %add3A_850, %add3A_853, %add3A_856, %add3A_859, %add3A_870, %add3A_873, %add3A_876, %add3A_879, %add3A_882, %add3A_885, %add3A_888, %add3A_891, %add3A_902, %add3A_905, %add3A_908, %add3A_911, %add3A_914, %add3A_917, %add3A_920, %add3A_923 : vector<16xf32>, vector<16xf32>, vector<16xf32>, vector<16xf32>, vector<16xf32>, vector<16xf32>, vector<16xf32>, vector<16xf32>, vector<16xf32>, vector<16xf32>, vector<16xf32>, vector<16xf32>, vector<16xf32>, vector<16xf32>, vector<16xf32>, vector<16xf32>, vector<16xf32>, vector<16xf32>, vector<16xf32>, vector<16xf32>, vector<16xf32>, vector<16xf32>, vector<16xf32>, vector<16xf32>, vector<16xf32>, vector<16xf32>, vector<16xf32>, vector<16xf32>, vector<16xf32>, vector<16xf32>, vector<16xf32>, vector<16xf32>
      }
      %scan3A_157 = arith.constant 64 : i32
      %mul3A_158 = arith.mulf %scan3A_156#0, %scan3A_156#0 : vector<16xf32>
      %mul3A_159 = arith.constant -5.000000e-01 : f32
      %mul3A_160 = vector.broadcast %mul3A_159 : f32 to vector<16xf32>
      %mul3A_161 = arith.mulf %mul3A_158, %mul3A_160 : vector<16xf32>
      %add3A_162 = arith.constant 0 : i32
      %add3A_163 = arith.addi %mul3A_72, %add3A_162 : i32
      %add3A_164 = arith.constant 0 : i32
      %add3A_165 = arith.addi %add3A_164, %mul3A_88 : i32
      %add3A_166 = arith.constant 0 : i32
      %add3A_167 = arith.addi %add3A_165, %add3A_166 : i32
      %mul3A_168 = arith.constant 16 : i32
      %mul3A_169 = arith.muli %add3A_167, %mul3A_168 : i32
      %swap3A = arith.index_cast %add3A_163 : i32 to index
      %swap3A_170 = arith.index_cast %mul3A_169 : i32 to index
      %swap3A_171 = tpu.vector_load %arg8[%swap3A, %swap3A_170] {strides = array<i32>} : memref<4x1024xf32, #tpu.memory_space<vmem>>, vector<1x16xf32>,
      %swap3A_172 = vector.shape_cast %swap3A_171 : vector<1x16xf32> to vector<16xf32>
      %swap3A_173 = vector.shape_cast %mul3A_161 : vector<16xf32> to vector<1x16xf32>
      tpu.vector_store %arg8[%swap3A, %swap3A_170], %swap3A_173 {strides = array<i32>} : memref<4x1024xf32, #tpu.memory_space<vmem>>, vector<1x16xf32>,
      %mul3A_174 = arith.mulf %scan3A_156#1, %scan3A_156#1 : vector<16xf32>
      %mul3A_175 = arith.constant -5.000000e-01 : f32
      %mul3A_176 = vector.broadcast %mul3A_175 : f32 to vector<16xf32>
      %mul3A_177 = arith.mulf %mul3A_174, %mul3A_176 : vector<16xf32>
      %add3A_178 = arith.constant 0 : i32
      %add3A_179 = arith.addi %mul3A_72, %add3A_178 : i32
      %add3A_180 = arith.constant 0 : i32
      %add3A_181 = arith.addi %add3A_180, %mul3A_88 : i32
      %add3A_182 = arith.constant 1 : i32
      %add3A_183 = arith.addi %add3A_181, %add3A_182 : i32
      %mul3A_184 = arith.constant 16 : i32
      %mul3A_185 = arith.muli %add3A_183, %mul3A_184 : i32
      %swap3A_186 = arith.index_cast %add3A_179 : i32 to index
      %swap3A_187 = arith.index_cast %mul3A_185 : i32 to index
      %swap3A_188 = tpu.vector_load %arg8[%swap3A_186, %swap3A_187] {strides = array<i32>} : memref<4x1024xf32, #tpu.memory_space<vmem>>, vector<1x16xf32>,
      %swap3A_189 = vector.shape_cast %swap3A_188 : vector<1x16xf32> to vector<16xf32>
      %swap3A_190 = vector.shape_cast %mul3A_177 : vector<16xf32> to vector<1x16xf32>
      tpu.vector_store %arg8[%swap3A_186, %swap3A_187], %swap3A_190 {strides = array<i32>} : memref<4x1024xf32, #tpu.memory_space<vmem>>, vector<1x16xf32>,
      %mul3A_191 = arith.mulf %scan3A_156#2, %scan3A_156#2 : vector<16xf32>
      %mul3A_192 = arith.constant -5.000000e-01 : f32
      %mul3A_193 = vector.broadcast %mul3A_192 : f32 to vector<16xf32>
      %mul3A_194 = arith.mulf %mul3A_191, %mul3A_193 : vector<16xf32>
      %add3A_195 = arith.constant 0 : i32
      %add3A_196 = arith.addi %mul3A_72, %add3A_195 : i32
      %add3A_197 = arith.constant 0 : i32
      %add3A_198 = arith.addi %add3A_197, %mul3A_88 : i32
      %add3A_199 = arith.constant 2 : i32
      %add3A_200 = arith.addi %add3A_198, %add3A_199 : i32
      %mul3A_201 = arith.constant 16 : i32
      %mul3A_202 = arith.muli %add3A_200, %mul3A_201 : i32
      %swap3A_203 = arith.index_cast %add3A_196 : i32 to index
      %swap3A_204 = arith.index_cast %mul3A_202 : i32 to index
      %swap3A_205 = tpu.vector_load %arg8[%swap3A_203, %swap3A_204] {strides = array<i32>} : memref<4x1024xf32, #tpu.memory_space<vmem>>, vector<1x16xf32>,
      %swap3A_206 = vector.shape_cast %swap3A_205 : vector<1x16xf32> to vector<16xf32>
      %swap3A_207 = vector.shape_cast %mul3A_194 : vector<16xf32> to vector<1x16xf32>
      tpu.vector_store %arg8[%swap3A_203, %swap3A_204], %swap3A_207 {strides = array<i32>} : memref<4x1024xf32, #tpu.memory_space<vmem>>, vector<1x16xf32>,
      %mul3A_208 = arith.mulf %scan3A_156#3, %scan3A_156#3 : vector<16xf32>
      %mul3A_209 = arith.constant -5.000000e-01 : f32
      %mul3A_210 = vector.broadcast %mul3A_209 : f32 to vector<16xf32>
      %mul3A_211 = arith.mulf %mul3A_208, %mul3A_210 : vector<16xf32>
      %add3A_212 = arith.constant 0 : i32
      %add3A_213 = arith.addi %mul3A_72, %add3A_212 : i32
      %add3A_214 = arith.constant 0 : i32
      %add3A_215 = arith.addi %add3A_214, %mul3A_88 : i32
      %add3A_216 = arith.constant 3 : i32
      %add3A_217 = arith.addi %add3A_215, %add3A_216 : i32
      %mul3A_218 = arith.constant 16 : i32
      %mul3A_219 = arith.muli %add3A_217, %mul3A_218 : i32
      %swap3A_220 = arith.index_cast %add3A_213 : i32 to index
      %swap3A_221 = arith.index_cast %mul3A_219 : i32 to index
      %swap3A_222 = tpu.vector_load %arg8[%swap3A_220, %swap3A_221] {strides = array<i32>} : memref<4x1024xf32, #tpu.memory_space<vmem>>, vector<1x16xf32>,
      %swap3A_223 = vector.shape_cast %swap3A_222 : vector<1x16xf32> to vector<16xf32>
      %swap3A_224 = vector.shape_cast %mul3A_211 : vector<16xf32> to vector<1x16xf32>
      tpu.vector_store %arg8[%swap3A_220, %swap3A_221], %swap3A_224 {strides = array<i32>} : memref<4x1024xf32, #tpu.memory_space<vmem>>, vector<1x16xf32>,
      %mul3A_225 = arith.mulf %scan3A_156#4, %scan3A_156#4 : vector<16xf32>
      %mul3A_226 = arith.constant -5.000000e-01 : f32
      %mul3A_227 = vector.broadcast %mul3A_226 : f32 to vector<16xf32>
      %mul3A_228 = arith.mulf %mul3A_225, %mul3A_227 : vector<16xf32>
      %add3A_229 = arith.constant 0 : i32
      %add3A_230 = arith.addi %mul3A_72, %add3A_229 : i32
      %add3A_231 = arith.constant 0 : i32
      %add3A_232 = arith.addi %add3A_231, %mul3A_88 : i32
      %add3A_233 = arith.constant 4 : i32
      %add3A_234 = arith.addi %add3A_232, %add3A_233 : i32
      %mul3A_235 = arith.constant 16 : i32
      %mul3A_236 = arith.muli %add3A_234, %mul3A_235 : i32
      %swap3A_237 = arith.index_cast %add3A_230 : i32 to index
      %swap3A_238 = arith.index_cast %mul3A_236 : i32 to index
      %swap3A_239 = tpu.vector_load %arg8[%swap3A_237, %swap3A_238] {strides = array<i32>} : memref<4x1024xf32, #tpu.memory_space<vmem>>, vector<1x16xf32>,
      %swap3A_240 = vector.shape_cast %swap3A_239 : vector<1x16xf32> to vector<16xf32>
      %swap3A_241 = vector.shape_cast %mul3A_228 : vector<16xf32> to vector<1x16xf32>
      tpu.vector_store %arg8[%swap3A_237, %swap3A_238], %swap3A_241 {strides = array<i32>} : memref<4x1024xf32, #tpu.memory_space<vmem>>, vector<1x16xf32>,
      %mul3A_242 = arith.mulf %scan3A_156#5, %scan3A_156#5 : vector<16xf32>
      %mul3A_243 = arith.constant -5.000000e-01 : f32
      %mul3A_244 = vector.broadcast %mul3A_243 : f32 to vector<16xf32>
      %mul3A_245 = arith.mulf %mul3A_242, %mul3A_244 : vector<16xf32>
      %add3A_246 = arith.constant 0 : i32
      %add3A_247 = arith.addi %mul3A_72, %add3A_246 : i32
      %add3A_248 = arith.constant 0 : i32
      %add3A_249 = arith.addi %add3A_248, %mul3A_88 : i32
      %add3A_250 = arith.constant 5 : i32
      %add3A_251 = arith.addi %add3A_249, %add3A_250 : i32
      %mul3A_252 = arith.constant 16 : i32
      %mul3A_253 = arith.muli %add3A_251, %mul3A_252 : i32
      %swap3A_254 = arith.index_cast %add3A_247 : i32 to index
      %swap3A_255 = arith.index_cast %mul3A_253 : i32 to index
      %swap3A_256 = tpu.vector_load %arg8[%swap3A_254, %swap3A_255] {strides = array<i32>} : memref<4x1024xf32, #tpu.memory_space<vmem>>, vector<1x16xf32>,
      %swap3A_257 = vector.shape_cast %swap3A_256 : vector<1x16xf32> to vector<16xf32>
      %swap3A_258 = vector.shape_cast %mul3A_245 : vector<16xf32> to vector<1x16xf32>
      tpu.vector_store %arg8[%swap3A_254, %swap3A_255], %swap3A_258 {strides = array<i32>} : memref<4x1024xf32, #tpu.memory_space<vmem>>, vector<1x16xf32>,
      %mul3A_259 = arith.mulf %scan3A_156#6, %scan3A_156#6 : vector<16xf32>
      %mul3A_260 = arith.constant -5.000000e-01 : f32
      %mul3A_261 = vector.broadcast %mul3A_260 : f32 to vector<16xf32>
      %mul3A_262 = arith.mulf %mul3A_259, %mul3A_261 : vector<16xf32>
      %add3A_263 = arith.constant 0 : i32
      %add3A_264 = arith.addi %mul3A_72, %add3A_263 : i32
      %add3A_265 = arith.constant 0 : i32
      %add3A_266 = arith.addi %add3A_265, %mul3A_88 : i32
      %add3A_267 = arith.constant 6 : i32
      %add3A_268 = arith.addi %add3A_266, %add3A_267 : i32
      %mul3A_269 = arith.constant 16 : i32
      %mul3A_270 = arith.muli %add3A_268, %mul3A_269 : i32
      %swap3A_271 = arith.index_cast %add3A_264 : i32 to index
      %swap3A_272 = arith.index_cast %mul3A_270 : i32 to index
      %swap3A_273 = tpu.vector_load %arg8[%swap3A_271, %swap3A_272] {strides = array<i32>} : memref<4x1024xf32, #tpu.memory_space<vmem>>, vector<1x16xf32>,
      %swap3A_274 = vector.shape_cast %swap3A_273 : vector<1x16xf32> to vector<16xf32>
      %swap3A_275 = vector.shape_cast %mul3A_262 : vector<16xf32> to vector<1x16xf32>
      tpu.vector_store %arg8[%swap3A_271, %swap3A_272], %swap3A_275 {strides = array<i32>} : memref<4x1024xf32, #tpu.memory_space<vmem>>, vector<1x16xf32>,
      %mul3A_276 = arith.mulf %scan3A_156#7, %scan3A_156#7 : vector<16xf32>
      %mul3A_277 = arith.constant -5.000000e-01 : f32
      %mul3A_278 = vector.broadcast %mul3A_277 : f32 to vector<16xf32>
      %mul3A_279 = arith.mulf %mul3A_276, %mul3A_278 : vector<16xf32>
      %add3A_280 = arith.constant 0 : i32
      %add3A_281 = arith.addi %mul3A_72, %add3A_280 : i32
      %add3A_282 = arith.constant 0 : i32
      %add3A_283 = arith.addi %add3A_282, %mul3A_88 : i32
      %add3A_284 = arith.constant 7 : i32
      %add3A_285 = arith.addi %add3A_283, %add3A_284 : i32
      %mul3A_286 = arith.constant 16 : i32
      %mul3A_287 = arith.muli %add3A_285, %mul3A_286 : i32
      %swap3A_288 = arith.index_cast %add3A_281 : i32 to index
      %swap3A_289 = arith.index_cast %mul3A_287 : i32 to index
      %swap3A_290 = tpu.vector_load %arg8[%swap3A_288, %swap3A_289] {strides = array<i32>} : memref<4x1024xf32, #tpu.memory_space<vmem>>, vector<1x16xf32>,
      %swap3A_291 = vector.shape_cast %swap3A_290 : vector<1x16xf32> to vector<16xf32>
      %swap3A_292 = vector.shape_cast %mul3A_279 : vector<16xf32> to vector<1x16xf32>
      tpu.vector_store %arg8[%swap3A_288, %swap3A_289], %swap3A_292 {strides = array<i32>} : memref<4x1024xf32, #tpu.memory_space<vmem>>, vector<1x16xf32>,
      %mul3A_293 = arith.mulf %scan3A_156#8, %scan3A_156#8 : vector<16xf32>
      %mul3A_294 = arith.constant -5.000000e-01 : f32
      %mul3A_295 = vector.broadcast %mul3A_294 : f32 to vector<16xf32>
      %mul3A_296 = arith.mulf %mul3A_293, %mul3A_295 : vector<16xf32>
      %add3A_297 = arith.constant 1 : i32
      %add3A_298 = arith.addi %mul3A_72, %add3A_297 : i32
      %add3A_299 = arith.constant 0 : i32
      %add3A_300 = arith.addi %add3A_299, %mul3A_88 : i32
      %add3A_301 = arith.constant 0 : i32
      %add3A_302 = arith.addi %add3A_300, %add3A_301 : i32
      %mul3A_303 = arith.constant 16 : i32
      %mul3A_304 = arith.muli %add3A_302, %mul3A_303 : i32
      %swap3A_305 = arith.index_cast %add3A_298 : i32 to index
      %swap3A_306 = arith.index_cast %mul3A_304 : i32 to index
      %swap3A_307 = tpu.vector_load %arg8[%swap3A_305, %swap3A_306] {strides = array<i32>} : memref<4x1024xf32, #tpu.memory_space<vmem>>, vector<1x16xf32>,
      %swap3A_308 = vector.shape_cast %swap3A_307 : vector<1x16xf32> to vector<16xf32>
      %swap3A_309 = vector.shape_cast %mul3A_296 : vector<16xf32> to vector<1x16xf32>
      tpu.vector_store %arg8[%swap3A_305, %swap3A_306], %swap3A_309 {strides = array<i32>} : memref<4x1024xf32, #tpu.memory_space<vmem>>, vector<1x16xf32>,
      %mul3A_310 = arith.mulf %scan3A_156#9, %scan3A_156#9 : vector<16xf32>
      %mul3A_311 = arith.constant -5.000000e-01 : f32
      %mul3A_312 = vector.broadcast %mul3A_311 : f32 to vector<16xf32>
      %mul3A_313 = arith.mulf %mul3A_310, %mul3A_312 : vector<16xf32>
      %add3A_314 = arith.constant 1 : i32
      %add3A_315 = arith.addi %mul3A_72, %add3A_314 : i32
      %add3A_316 = arith.constant 0 : i32
      %add3A_317 = arith.addi %add3A_316, %mul3A_88 : i32
      %add3A_318 = arith.constant 1 : i32
      %add3A_319 = arith.addi %add3A_317, %add3A_318 : i32
      %mul3A_320 = arith.constant 16 : i32
      %mul3A_321 = arith.muli %add3A_319, %mul3A_320 : i32
      %swap3A_322 = arith.index_cast %add3A_315 : i32 to index
      %swap3A_323 = arith.index_cast %mul3A_321 : i32 to index
      %swap3A_324 = tpu.vector_load %arg8[%swap3A_322, %swap3A_323] {strides = array<i32>} : memref<4x1024xf32, #tpu.memory_space<vmem>>, vector<1x16xf32>,
      %swap3A_325 = vector.shape_cast %swap3A_324 : vector<1x16xf32> to vector<16xf32>
      %swap3A_326 = vector.shape_cast %mul3A_313 : vector<16xf32> to vector<1x16xf32>
      tpu.vector_store %arg8[%swap3A_322, %swap3A_323], %swap3A_326 {strides = array<i32>} : memref<4x1024xf32, #tpu.memory_space<vmem>>, vector<1x16xf32>,
      %mul3A_327 = arith.mulf %scan3A_156#10, %scan3A_156#10 : vector<16xf32>
      %mul3A_328 = arith.constant -5.000000e-01 : f32
      %mul3A_329 = vector.broadcast %mul3A_328 : f32 to vector<16xf32>
      %mul3A_330 = arith.mulf %mul3A_327, %mul3A_329 : vector<16xf32>
      %add3A_331 = arith.constant 1 : i32
      %add3A_332 = arith.addi %mul3A_72, %add3A_331 : i32
      %add3A_333 = arith.constant 0 : i32
      %add3A_334 = arith.addi %add3A_333, %mul3A_88 : i32
      %add3A_335 = arith.constant 2 : i32
      %add3A_336 = arith.addi %add3A_334, %add3A_335 : i32
      %mul3A_337 = arith.constant 16 : i32
      %mul3A_338 = arith.muli %add3A_336, %mul3A_337 : i32
      %swap3A_339 = arith.index_cast %add3A_332 : i32 to index
      %swap3A_340 = arith.index_cast %mul3A_338 : i32 to index
      %swap3A_341 = tpu.vector_load %arg8[%swap3A_339, %swap3A_340] {strides = array<i32>} : memref<4x1024xf32, #tpu.memory_space<vmem>>, vector<1x16xf32>,
      %swap3A_342 = vector.shape_cast %swap3A_341 : vector<1x16xf32> to vector<16xf32>
      %swap3A_343 = vector.shape_cast %mul3A_330 : vector<16xf32> to vector<1x16xf32>
      tpu.vector_store %arg8[%swap3A_339, %swap3A_340], %swap3A_343 {strides = array<i32>} : memref<4x1024xf32, #tpu.memory_space<vmem>>, vector<1x16xf32>,
      %mul3A_344 = arith.mulf %scan3A_156#11, %scan3A_156#11 : vector<16xf32>
      %mul3A_345 = arith.constant -5.000000e-01 : f32
      %mul3A_346 = vector.broadcast %mul3A_345 : f32 to vector<16xf32>
      %mul3A_347 = arith.mulf %mul3A_344, %mul3A_346 : vector<16xf32>
      %add3A_348 = arith.constant 1 : i32
      %add3A_349 = arith.addi %mul3A_72, %add3A_348 : i32
      %add3A_350 = arith.constant 0 : i32
      %add3A_351 = arith.addi %add3A_350, %mul3A_88 : i32
      %add3A_352 = arith.constant 3 : i32
      %add3A_353 = arith.addi %add3A_351, %add3A_352 : i32
      %mul3A_354 = arith.constant 16 : i32
      %mul3A_355 = arith.muli %add3A_353, %mul3A_354 : i32
      %swap3A_356 = arith.index_cast %add3A_349 : i32 to index
      %swap3A_357 = arith.index_cast %mul3A_355 : i32 to index
      %swap3A_358 = tpu.vector_load %arg8[%swap3A_356, %swap3A_357] {strides = array<i32>} : memref<4x1024xf32, #tpu.memory_space<vmem>>, vector<1x16xf32>,
      %swap3A_359 = vector.shape_cast %swap3A_358 : vector<1x16xf32> to vector<16xf32>
      %swap3A_360 = vector.shape_cast %mul3A_347 : vector<16xf32> to vector<1x16xf32>
      tpu.vector_store %arg8[%swap3A_356, %swap3A_357], %swap3A_360 {strides = array<i32>} : memref<4x1024xf32, #tpu.memory_space<vmem>>, vector<1x16xf32>,
      %mul3A_361 = arith.mulf %scan3A_156#12, %scan3A_156#12 : vector<16xf32>
      %mul3A_362 = arith.constant -5.000000e-01 : f32
      %mul3A_363 = vector.broadcast %mul3A_362 : f32 to vector<16xf32>
      %mul3A_364 = arith.mulf %mul3A_361, %mul3A_363 : vector<16xf32>
      %add3A_365 = arith.constant 1 : i32
      %add3A_366 = arith.addi %mul3A_72, %add3A_365 : i32
      %add3A_367 = arith.constant 0 : i32
      %add3A_368 = arith.addi %add3A_367, %mul3A_88 : i32
      %add3A_369 = arith.constant 4 : i32
      %add3A_370 = arith.addi %add3A_368, %add3A_369 : i32
      %mul3A_371 = arith.constant 16 : i32
      %mul3A_372 = arith.muli %add3A_370, %mul3A_371 : i32
      %swap3A_373 = arith.index_cast %add3A_366 : i32 to index
      %swap3A_374 = arith.index_cast %mul3A_372 : i32 to index
      %swap3A_375 = tpu.vector_load %arg8[%swap3A_373, %swap3A_374] {strides = array<i32>} : memref<4x1024xf32, #tpu.memory_space<vmem>>, vector<1x16xf32>,
      %swap3A_376 = vector.shape_cast %swap3A_375 : vector<1x16xf32> to vector<16xf32>
      %swap3A_377 = vector.shape_cast %mul3A_364 : vector<16xf32> to vector<1x16xf32>
      tpu.vector_store %arg8[%swap3A_373, %swap3A_374], %swap3A_377 {strides = array<i32>} : memref<4x1024xf32, #tpu.memory_space<vmem>>, vector<1x16xf32>,
      %mul3A_378 = arith.mulf %scan3A_156#13, %scan3A_156#13 : vector<16xf32>
      %mul3A_379 = arith.constant -5.000000e-01 : f32
      %mul3A_380 = vector.broadcast %mul3A_379 : f32 to vector<16xf32>
      %mul3A_381 = arith.mulf %mul3A_378, %mul3A_380 : vector<16xf32>
      %add3A_382 = arith.constant 1 : i32
      %add3A_383 = arith.addi %mul3A_72, %add3A_382 : i32
      %add3A_384 = arith.constant 0 : i32
      %add3A_385 = arith.addi %add3A_384, %mul3A_88 : i32
      %add3A_386 = arith.constant 5 : i32
      %add3A_387 = arith.addi %add3A_385, %add3A_386 : i32
      %mul3A_388 = arith.constant 16 : i32
      %mul3A_389 = arith.muli %add3A_387, %mul3A_388 : i32
      %swap3A_390 = arith.index_cast %add3A_383 : i32 to index
      %swap3A_391 = arith.index_cast %mul3A_389 : i32 to index
      %swap3A_392 = tpu.vector_load %arg8[%swap3A_390, %swap3A_391] {strides = array<i32>} : memref<4x1024xf32, #tpu.memory_space<vmem>>, vector<1x16xf32>,
      %swap3A_393 = vector.shape_cast %swap3A_392 : vector<1x16xf32> to vector<16xf32>
      %swap3A_394 = vector.shape_cast %mul3A_381 : vector<16xf32> to vector<1x16xf32>
      tpu.vector_store %arg8[%swap3A_390, %swap3A_391], %swap3A_394 {strides = array<i32>} : memref<4x1024xf32, #tpu.memory_space<vmem>>, vector<1x16xf32>,
      %mul3A_395 = arith.mulf %scan3A_156#14, %scan3A_156#14 : vector<16xf32>
      %mul3A_396 = arith.constant -5.000000e-01 : f32
      %mul3A_397 = vector.broadcast %mul3A_396 : f32 to vector<16xf32>
      %mul3A_398 = arith.mulf %mul3A_395, %mul3A_397 : vector<16xf32>
      %add3A_399 = arith.constant 1 : i32
      %add3A_400 = arith.addi %mul3A_72, %add3A_399 : i32
      %add3A_401 = arith.constant 0 : i32
      %add3A_402 = arith.addi %add3A_401, %mul3A_88 : i32
      %add3A_403 = arith.constant 6 : i32
      %add3A_404 = arith.addi %add3A_402, %add3A_403 : i32
      %mul3A_405 = arith.constant 16 : i32
      %mul3A_406 = arith.muli %add3A_404, %mul3A_405 : i32
      %swap3A_407 = arith.index_cast %add3A_400 : i32 to index
      %swap3A_408 = arith.index_cast %mul3A_406 : i32 to index
      %swap3A_409 = tpu.vector_load %arg8[%swap3A_407, %swap3A_408] {strides = array<i32>} : memref<4x1024xf32, #tpu.memory_space<vmem>>, vector<1x16xf32>,
      %swap3A_410 = vector.shape_cast %swap3A_409 : vector<1x16xf32> to vector<16xf32>
      %swap3A_411 = vector.shape_cast %mul3A_398 : vector<16xf32> to vector<1x16xf32>
      tpu.vector_store %arg8[%swap3A_407, %swap3A_408], %swap3A_411 {strides = array<i32>} : memref<4x1024xf32, #tpu.memory_space<vmem>>, vector<1x16xf32>,
      %mul3A_412 = arith.mulf %scan3A_156#15, %scan3A_156#15 : vector<16xf32>
      %mul3A_413 = arith.constant -5.000000e-01 : f32
      %mul3A_414 = vector.broadcast %mul3A_413 : f32 to vector<16xf32>
      %mul3A_415 = arith.mulf %mul3A_412, %mul3A_414 : vector<16xf32>
      %add3A_416 = arith.constant 1 : i32
      %add3A_417 = arith.addi %mul3A_72, %add3A_416 : i32
      %add3A_418 = arith.constant 0 : i32
      %add3A_419 = arith.addi %add3A_418, %mul3A_88 : i32
      %add3A_420 = arith.constant 7 : i32
      %add3A_421 = arith.addi %add3A_419, %add3A_420 : i32
      %mul3A_422 = arith.constant 16 : i32
      %mul3A_423 = arith.muli %add3A_421, %mul3A_422 : i32
      %swap3A_424 = arith.index_cast %add3A_417 : i32 to index
      %swap3A_425 = arith.index_cast %mul3A_423 : i32 to index
      %swap3A_426 = tpu.vector_load %arg8[%swap3A_424, %swap3A_425] {strides = array<i32>} : memref<4x1024xf32, #tpu.memory_space<vmem>>, vector<1x16xf32>,
      %swap3A_427 = vector.shape_cast %swap3A_426 : vector<1x16xf32> to vector<16xf32>
      %swap3A_428 = vector.shape_cast %mul3A_415 : vector<16xf32> to vector<1x16xf32>
      tpu.vector_store %arg8[%swap3A_424, %swap3A_425], %swap3A_428 {strides = array<i32>} : memref<4x1024xf32, #tpu.memory_space<vmem>>, vector<1x16xf32>,
      %mul3A_429 = arith.mulf %scan3A_156#16, %scan3A_156#16 : vector<16xf32>
      %mul3A_430 = arith.constant -5.000000e-01 : f32
      %mul3A_431 = vector.broadcast %mul3A_430 : f32 to vector<16xf32>
      %mul3A_432 = arith.mulf %mul3A_429, %mul3A_431 : vector<16xf32>
      %add3A_433 = arith.constant 2 : i32
      %add3A_434 = arith.addi %mul3A_72, %add3A_433 : i32
      %add3A_435 = arith.constant 0 : i32
      %add3A_436 = arith.addi %add3A_435, %mul3A_88 : i32
      %add3A_437 = arith.constant 0 : i32
      %add3A_438 = arith.addi %add3A_436, %add3A_437 : i32
      %mul3A_439 = arith.constant 16 : i32
      %mul3A_440 = arith.muli %add3A_438, %mul3A_439 : i32
      %swap3A_441 = arith.index_cast %add3A_434 : i32 to index
      %swap3A_442 = arith.index_cast %mul3A_440 : i32 to index
      %swap3A_443 = tpu.vector_load %arg8[%swap3A_441, %swap3A_442] {strides = array<i32>} : memref<4x1024xf32, #tpu.memory_space<vmem>>, vector<1x16xf32>,
      %swap3A_444 = vector.shape_cast %swap3A_443 : vector<1x16xf32> to vector<16xf32>
      %swap3A_445 = vector.shape_cast %mul3A_432 : vector<16xf32> to vector<1x16xf32>
      tpu.vector_store %arg8[%swap3A_441, %swap3A_442], %swap3A_445 {strides = array<i32>} : memref<4x1024xf32, #tpu.memory_space<vmem>>, vector<1x16xf32>,
      %mul3A_446 = arith.mulf %scan3A_156#17, %scan3A_156#17 : vector<16xf32>
      %mul3A_447 = arith.constant -5.000000e-01 : f32
      %mul3A_448 = vector.broadcast %mul3A_447 : f32 to vector<16xf32>
      %mul3A_449 = arith.mulf %mul3A_446, %mul3A_448 : vector<16xf32>
      %add3A_450 = arith.constant 2 : i32
      %add3A_451 = arith.addi %mul3A_72, %add3A_450 : i32
      %add3A_452 = arith.constant 0 : i32
      %add3A_453 = arith.addi %add3A_452, %mul3A_88 : i32
      %add3A_454 = arith.constant 1 : i32
      %add3A_455 = arith.addi %add3A_453, %add3A_454 : i32
      %mul3A_456 = arith.constant 16 : i32
      %mul3A_457 = arith.muli %add3A_455, %mul3A_456 : i32
      %swap3A_458 = arith.index_cast %add3A_451 : i32 to index
      %swap3A_459 = arith.index_cast %mul3A_457 : i32 to index
      %swap3A_460 = tpu.vector_load %arg8[%swap3A_458, %swap3A_459] {strides = array<i32>} : memref<4x1024xf32, #tpu.memory_space<vmem>>, vector<1x16xf32>,
      %swap3A_461 = vector.shape_cast %swap3A_460 : vector<1x16xf32> to vector<16xf32>
      %swap3A_462 = vector.shape_cast %mul3A_449 : vector<16xf32> to vector<1x16xf32>
      tpu.vector_store %arg8[%swap3A_458, %swap3A_459], %swap3A_462 {strides = array<i32>} : memref<4x1024xf32, #tpu.memory_space<vmem>>, vector<1x16xf32>,
      %mul3A_463 = arith.mulf %scan3A_156#18, %scan3A_156#18 : vector<16xf32>
      %mul3A_464 = arith.constant -5.000000e-01 : f32
      %mul3A_465 = vector.broadcast %mul3A_464 : f32 to vector<16xf32>
      %mul3A_466 = arith.mulf %mul3A_463, %mul3A_465 : vector<16xf32>
      %add3A_467 = arith.constant 2 : i32
      %add3A_468 = arith.addi %mul3A_72, %add3A_467 : i32
      %add3A_469 = arith.constant 0 : i32
      %add3A_470 = arith.addi %add3A_469, %mul3A_88 : i32
      %add3A_471 = arith.constant 2 : i32
      %add3A_472 = arith.addi %add3A_470, %add3A_471 : i32
      %mul3A_473 = arith.constant 16 : i32
      %mul3A_474 = arith.muli %add3A_472, %mul3A_473 : i32
      %swap3A_475 = arith.index_cast %add3A_468 : i32 to index
      %swap3A_476 = arith.index_cast %mul3A_474 : i32 to index
      %swap3A_477 = tpu.vector_load %arg8[%swap3A_475, %swap3A_476] {strides = array<i32>} : memref<4x1024xf32, #tpu.memory_space<vmem>>, vector<1x16xf32>,
      %swap3A_478 = vector.shape_cast %swap3A_477 : vector<1x16xf32> to vector<16xf32>
      %swap3A_479 = vector.shape_cast %mul3A_466 : vector<16xf32> to vector<1x16xf32>
      tpu.vector_store %arg8[%swap3A_475, %swap3A_476], %swap3A_479 {strides = array<i32>} : memref<4x1024xf32, #tpu.memory_space<vmem>>, vector<1x16xf32>,
      %mul3A_480 = arith.mulf %scan3A_156#19, %scan3A_156#19 : vector<16xf32>
      %mul3A_481 = arith.constant -5.000000e-01 : f32
      %mul3A_482 = vector.broadcast %mul3A_481 : f32 to vector<16xf32>
      %mul3A_483 = arith.mulf %mul3A_480, %mul3A_482 : vector<16xf32>
      %add3A_484 = arith.constant 2 : i32
      %add3A_485 = arith.addi %mul3A_72, %add3A_484 : i32
      %add3A_486 = arith.constant 0 : i32
      %add3A_487 = arith.addi %add3A_486, %mul3A_88 : i32
      %add3A_488 = arith.constant 3 : i32
      %add3A_489 = arith.addi %add3A_487, %add3A_488 : i32
      %mul3A_490 = arith.constant 16 : i32
      %mul3A_491 = arith.muli %add3A_489, %mul3A_490 : i32
      %swap3A_492 = arith.index_cast %add3A_485 : i32 to index
      %swap3A_493 = arith.index_cast %mul3A_491 : i32 to index
      %swap3A_494 = tpu.vector_load %arg8[%swap3A_492, %swap3A_493] {strides = array<i32>} : memref<4x1024xf32, #tpu.memory_space<vmem>>, vector<1x16xf32>,
      %swap3A_495 = vector.shape_cast %swap3A_494 : vector<1x16xf32> to vector<16xf32>
      %swap3A_496 = vector.shape_cast %mul3A_483 : vector<16xf32> to vector<1x16xf32>
      tpu.vector_store %arg8[%swap3A_492, %swap3A_493], %swap3A_496 {strides = array<i32>} : memref<4x1024xf32, #tpu.memory_space<vmem>>, vector<1x16xf32>,
      %mul3A_497 = arith.mulf %scan3A_156#20, %scan3A_156#20 : vector<16xf32>
      %mul3A_498 = arith.constant -5.000000e-01 : f32
      %mul3A_499 = vector.broadcast %mul3A_498 : f32 to vector<16xf32>
      %mul3A_500 = arith.mulf %mul3A_497, %mul3A_499 : vector<16xf32>
      %add3A_501 = arith.constant 2 : i32
      %add3A_502 = arith.addi %mul3A_72, %add3A_501 : i32
      %add3A_503 = arith.constant 0 : i32
      %add3A_504 = arith.addi %add3A_503, %mul3A_88 : i32
      %add3A_505 = arith.constant 4 : i32
      %add3A_506 = arith.addi %add3A_504, %add3A_505 : i32
      %mul3A_507 = arith.constant 16 : i32
      %mul3A_508 = arith.muli %add3A_506, %mul3A_507 : i32
      %swap3A_509 = arith.index_cast %add3A_502 : i32 to index
      %swap3A_510 = arith.index_cast %mul3A_508 : i32 to index
      %swap3A_511 = tpu.vector_load %arg8[%swap3A_509, %swap3A_510] {strides = array<i32>} : memref<4x1024xf32, #tpu.memory_space<vmem>>, vector<1x16xf32>,
      %swap3A_512 = vector.shape_cast %swap3A_511 : vector<1x16xf32> to vector<16xf32>
      %swap3A_513 = vector.shape_cast %mul3A_500 : vector<16xf32> to vector<1x16xf32>
      tpu.vector_store %arg8[%swap3A_509, %swap3A_510], %swap3A_513 {strides = array<i32>} : memref<4x1024xf32, #tpu.memory_space<vmem>>, vector<1x16xf32>,
      %mul3A_514 = arith.mulf %scan3A_156#21, %scan3A_156#21 : vector<16xf32>
      %mul3A_515 = arith.constant -5.000000e-01 : f32
      %mul3A_516 = vector.broadcast %mul3A_515 : f32 to vector<16xf32>
      %mul3A_517 = arith.mulf %mul3A_514, %mul3A_516 : vector<16xf32>
      %add3A_518 = arith.constant 2 : i32
      %add3A_519 = arith.addi %mul3A_72, %add3A_518 : i32
      %add3A_520 = arith.constant 0 : i32
      %add3A_521 = arith.addi %add3A_520, %mul3A_88 : i32
      %add3A_522 = arith.constant 5 : i32
      %add3A_523 = arith.addi %add3A_521, %add3A_522 : i32
      %mul3A_524 = arith.constant 16 : i32
      %mul3A_525 = arith.muli %add3A_523, %mul3A_524 : i32
      %swap3A_526 = arith.index_cast %add3A_519 : i32 to index
      %swap3A_527 = arith.index_cast %mul3A_525 : i32 to index
      %swap3A_528 = tpu.vector_load %arg8[%swap3A_526, %swap3A_527] {strides = array<i32>} : memref<4x1024xf32, #tpu.memory_space<vmem>>, vector<1x16xf32>,
      %swap3A_529 = vector.shape_cast %swap3A_528 : vector<1x16xf32> to vector<16xf32>
      %swap3A_530 = vector.shape_cast %mul3A_517 : vector<16xf32> to vector<1x16xf32>
      tpu.vector_store %arg8[%swap3A_526, %swap3A_527], %swap3A_530 {strides = array<i32>} : memref<4x1024xf32, #tpu.memory_space<vmem>>, vector<1x16xf32>,
      %mul3A_531 = arith.mulf %scan3A_156#22, %scan3A_156#22 : vector<16xf32>
      %mul3A_532 = arith.constant -5.000000e-01 : f32
      %mul3A_533 = vector.broadcast %mul3A_532 : f32 to vector<16xf32>
      %mul3A_534 = arith.mulf %mul3A_531, %mul3A_533 : vector<16xf32>
      %add3A_535 = arith.constant 2 : i32
      %add3A_536 = arith.addi %mul3A_72, %add3A_535 : i32
      %add3A_537 = arith.constant 0 : i32
      %add3A_538 = arith.addi %add3A_537, %mul3A_88 : i32
      %add3A_539 = arith.constant 6 : i32
      %add3A_540 = arith.addi %add3A_538, %add3A_539 : i32
      %mul3A_541 = arith.constant 16 : i32
      %mul3A_542 = arith.muli %add3A_540, %mul3A_541 : i32
      %swap3A_543 = arith.index_cast %add3A_536 : i32 to index
      %swap3A_544 = arith.index_cast %mul3A_542 : i32 to index
      %swap3A_545 = tpu.vector_load %arg8[%swap3A_543, %swap3A_544] {strides = array<i32>} : memref<4x1024xf32, #tpu.memory_space<vmem>>, vector<1x16xf32>,
      %swap3A_546 = vector.shape_cast %swap3A_545 : vector<1x16xf32> to vector<16xf32>
      %swap3A_547 = vector.shape_cast %mul3A_534 : vector<16xf32> to vector<1x16xf32>
      tpu.vector_store %arg8[%swap3A_543, %swap3A_544], %swap3A_547 {strides = array<i32>} : memref<4x1024xf32, #tpu.memory_space<vmem>>, vector<1x16xf32>,
      %mul3A_548 = arith.mulf %scan3A_156#23, %scan3A_156#23 : vector<16xf32>
      %mul3A_549 = arith.constant -5.000000e-01 : f32
      %mul3A_550 = vector.broadcast %mul3A_549 : f32 to vector<16xf32>
      %mul3A_551 = arith.mulf %mul3A_548, %mul3A_550 : vector<16xf32>
      %add3A_552 = arith.constant 2 : i32
      %add3A_553 = arith.addi %mul3A_72, %add3A_552 : i32
      %add3A_554 = arith.constant 0 : i32
      %add3A_555 = arith.addi %add3A_554, %mul3A_88 : i32
      %add3A_556 = arith.constant 7 : i32
      %add3A_557 = arith.addi %add3A_555, %add3A_556 : i32
      %mul3A_558 = arith.constant 16 : i32
      %mul3A_559 = arith.muli %add3A_557, %mul3A_558 : i32
      %swap3A_560 = arith.index_cast %add3A_553 : i32 to index
      %swap3A_561 = arith.index_cast %mul3A_559 : i32 to index
      %swap3A_562 = tpu.vector_load %arg8[%swap3A_560, %swap3A_561] {strides = array<i32>} : memref<4x1024xf32, #tpu.memory_space<vmem>>, vector<1x16xf32>,
      %swap3A_563 = vector.shape_cast %swap3A_562 : vector<1x16xf32> to vector<16xf32>
      %swap3A_564 = vector.shape_cast %mul3A_551 : vector<16xf32> to vector<1x16xf32>
      tpu.vector_store %arg8[%swap3A_560, %swap3A_561], %swap3A_564 {strides = array<i32>} : memref<4x1024xf32, #tpu.memory_space<vmem>>, vector<1x16xf32>,
      %mul3A_565 = arith.mulf %scan3A_156#24, %scan3A_156#24 : vector<16xf32>
      %mul3A_566 = arith.constant -5.000000e-01 : f32
      %mul3A_567 = vector.broadcast %mul3A_566 : f32 to vector<16xf32>
      %mul3A_568 = arith.mulf %mul3A_565, %mul3A_567 : vector<16xf32>
      %add3A_569 = arith.constant 3 : i32
      %add3A_570 = arith.addi %mul3A_72, %add3A_569 : i32
      %add3A_571 = arith.constant 0 : i32
      %add3A_572 = arith.addi %add3A_571, %mul3A_88 : i32
      %add3A_573 = arith.constant 0 : i32
      %add3A_574 = arith.addi %add3A_572, %add3A_573 : i32
      %mul3A_575 = arith.constant 16 : i32
      %mul3A_576 = arith.muli %add3A_574, %mul3A_575 : i32
      %swap3A_577 = arith.index_cast %add3A_570 : i32 to index
      %swap3A_578 = arith.index_cast %mul3A_576 : i32 to index
      %swap3A_579 = tpu.vector_load %arg8[%swap3A_577, %swap3A_578] {strides = array<i32>} : memref<4x1024xf32, #tpu.memory_space<vmem>>, vector<1x16xf32>,
      %swap3A_580 = vector.shape_cast %swap3A_579 : vector<1x16xf32> to vector<16xf32>
      %swap3A_581 = vector.shape_cast %mul3A_568 : vector<16xf32> to vector<1x16xf32>
      tpu.vector_store %arg8[%swap3A_577, %swap3A_578], %swap3A_581 {strides = array<i32>} : memref<4x1024xf32, #tpu.memory_space<vmem>>, vector<1x16xf32>,
      %mul3A_582 = arith.mulf %scan3A_156#25, %scan3A_156#25 : vector<16xf32>
      %mul3A_583 = arith.constant -5.000000e-01 : f32
      %mul3A_584 = vector.broadcast %mul3A_583 : f32 to vector<16xf32>
      %mul3A_585 = arith.mulf %mul3A_582, %mul3A_584 : vector<16xf32>
      %add3A_586 = arith.constant 3 : i32
      %add3A_587 = arith.addi %mul3A_72, %add3A_586 : i32
      %add3A_588 = arith.constant 0 : i32
      %add3A_589 = arith.addi %add3A_588, %mul3A_88 : i32
      %add3A_590 = arith.constant 1 : i32
      %add3A_591 = arith.addi %add3A_589, %add3A_590 : i32
      %mul3A_592 = arith.constant 16 : i32
      %mul3A_593 = arith.muli %add3A_591, %mul3A_592 : i32
      %swap3A_594 = arith.index_cast %add3A_587 : i32 to index
      %swap3A_595 = arith.index_cast %mul3A_593 : i32 to index
      %swap3A_596 = tpu.vector_load %arg8[%swap3A_594, %swap3A_595] {strides = array<i32>} : memref<4x1024xf32, #tpu.memory_space<vmem>>, vector<1x16xf32>,
      %swap3A_597 = vector.shape_cast %swap3A_596 : vector<1x16xf32> to vector<16xf32>
      %swap3A_598 = vector.shape_cast %mul3A_585 : vector<16xf32> to vector<1x16xf32>
      tpu.vector_store %arg8[%swap3A_594, %swap3A_595], %swap3A_598 {strides = array<i32>} : memref<4x1024xf32, #tpu.memory_space<vmem>>, vector<1x16xf32>,
      %mul3A_599 = arith.mulf %scan3A_156#26, %scan3A_156#26 : vector<16xf32>
      %mul3A_600 = arith.constant -5.000000e-01 : f32
      %mul3A_601 = vector.broadcast %mul3A_600 : f32 to vector<16xf32>
      %mul3A_602 = arith.mulf %mul3A_599, %mul3A_601 : vector<16xf32>
      %add3A_603 = arith.constant 3 : i32
      %add3A_604 = arith.addi %mul3A_72, %add3A_603 : i32
      %add3A_605 = arith.constant 0 : i32
      %add3A_606 = arith.addi %add3A_605, %mul3A_88 : i32
      %add3A_607 = arith.constant 2 : i32
      %add3A_608 = arith.addi %add3A_606, %add3A_607 : i32
      %mul3A_609 = arith.constant 16 : i32
      %mul3A_610 = arith.muli %add3A_608, %mul3A_609 : i32
      %swap3A_611 = arith.index_cast %add3A_604 : i32 to index
      %swap3A_612 = arith.index_cast %mul3A_610 : i32 to index
      %swap3A_613 = tpu.vector_load %arg8[%swap3A_611, %swap3A_612] {strides = array<i32>} : memref<4x1024xf32, #tpu.memory_space<vmem>>, vector<1x16xf32>,
      %swap3A_614 = vector.shape_cast %swap3A_613 : vector<1x16xf32> to vector<16xf32>
      %swap3A_615 = vector.shape_cast %mul3A_602 : vector<16xf32> to vector<1x16xf32>
      tpu.vector_store %arg8[%swap3A_611, %swap3A_612], %swap3A_615 {strides = array<i32>} : memref<4x1024xf32, #tpu.memory_space<vmem>>, vector<1x16xf32>,
      %mul3A_616 = arith.mulf %scan3A_156#27, %scan3A_156#27 : vector<16xf32>
      %mul3A_617 = arith.constant -5.000000e-01 : f32
      %mul3A_618 = vector.broadcast %mul3A_617 : f32 to vector<16xf32>
      %mul3A_619 = arith.mulf %mul3A_616, %mul3A_618 : vector<16xf32>
      %add3A_620 = arith.constant 3 : i32
      %add3A_621 = arith.addi %mul3A_72, %add3A_620 : i32
      %add3A_622 = arith.constant 0 : i32
      %add3A_623 = arith.addi %add3A_622, %mul3A_88 : i32
      %add3A_624 = arith.constant 3 : i32
      %add3A_625 = arith.addi %add3A_623, %add3A_624 : i32
      %mul3A_626 = arith.constant 16 : i32
      %mul3A_627 = arith.muli %add3A_625, %mul3A_626 : i32
      %swap3A_628 = arith.index_cast %add3A_621 : i32 to index
      %swap3A_629 = arith.index_cast %mul3A_627 : i32 to index
      %swap3A_630 = tpu.vector_load %arg8[%swap3A_628, %swap3A_629] {strides = array<i32>} : memref<4x1024xf32, #tpu.memory_space<vmem>>, vector<1x16xf32>,
      %swap3A_631 = vector.shape_cast %swap3A_630 : vector<1x16xf32> to vector<16xf32>
      %swap3A_632 = vector.shape_cast %mul3A_619 : vector<16xf32> to vector<1x16xf32>
      tpu.vector_store %arg8[%swap3A_628, %swap3A_629], %swap3A_632 {strides = array<i32>} : memref<4x1024xf32, #tpu.memory_space<vmem>>, vector<1x16xf32>,
      %mul3A_633 = arith.mulf %scan3A_156#28, %scan3A_156#28 : vector<16xf32>
      %mul3A_634 = arith.constant -5.000000e-01 : f32
      %mul3A_635 = vector.broadcast %mul3A_634 : f32 to vector<16xf32>
      %mul3A_636 = arith.mulf %mul3A_633, %mul3A_635 : vector<16xf32>
      %add3A_637 = arith.constant 3 : i32
      %add3A_638 = arith.addi %mul3A_72, %add3A_637 : i32
      %add3A_639 = arith.constant 0 : i32
      %add3A_640 = arith.addi %add3A_639, %mul3A_88 : i32
      %add3A_641 = arith.constant 4 : i32
      %add3A_642 = arith.addi %add3A_640, %add3A_641 : i32
      %mul3A_643 = arith.constant 16 : i32
      %mul3A_644 = arith.muli %add3A_642, %mul3A_643 : i32
      %swap3A_645 = arith.index_cast %add3A_638 : i32 to index
      %swap3A_646 = arith.index_cast %mul3A_644 : i32 to index
      %swap3A_647 = tpu.vector_load %arg8[%swap3A_645, %swap3A_646] {strides = array<i32>} : memref<4x1024xf32, #tpu.memory_space<vmem>>, vector<1x16xf32>,
      %swap3A_648 = vector.shape_cast %swap3A_647 : vector<1x16xf32> to vector<16xf32>
      %swap3A_649 = vector.shape_cast %mul3A_636 : vector<16xf32> to vector<1x16xf32>
      tpu.vector_store %arg8[%swap3A_645, %swap3A_646], %swap3A_649 {strides = array<i32>} : memref<4x1024xf32, #tpu.memory_space<vmem>>, vector<1x16xf32>,
      %mul3A_650 = arith.mulf %scan3A_156#29, %scan3A_156#29 : vector<16xf32>
      %mul3A_651 = arith.constant -5.000000e-01 : f32
      %mul3A_652 = vector.broadcast %mul3A_651 : f32 to vector<16xf32>
      %mul3A_653 = arith.mulf %mul3A_650, %mul3A_652 : vector<16xf32>
      %add3A_654 = arith.constant 3 : i32
      %add3A_655 = arith.addi %mul3A_72, %add3A_654 : i32
      %add3A_656 = arith.constant 0 : i32
      %add3A_657 = arith.addi %add3A_656, %mul3A_88 : i32
      %add3A_658 = arith.constant 5 : i32
      %add3A_659 = arith.addi %add3A_657, %add3A_658 : i32
      %mul3A_660 = arith.constant 16 : i32
      %mul3A_661 = arith.muli %add3A_659, %mul3A_660 : i32
      %swap3A_662 = arith.index_cast %add3A_655 : i32 to index
      %swap3A_663 = arith.index_cast %mul3A_661 : i32 to index
      %swap3A_664 = tpu.vector_load %arg8[%swap3A_662, %swap3A_663] {strides = array<i32>} : memref<4x1024xf32, #tpu.memory_space<vmem>>, vector<1x16xf32>,
      %swap3A_665 = vector.shape_cast %swap3A_664 : vector<1x16xf32> to vector<16xf32>
      %swap3A_666 = vector.shape_cast %mul3A_653 : vector<16xf32> to vector<1x16xf32>
      tpu.vector_store %arg8[%swap3A_662, %swap3A_663], %swap3A_666 {strides = array<i32>} : memref<4x1024xf32, #tpu.memory_space<vmem>>, vector<1x16xf32>,
      %mul3A_667 = arith.mulf %scan3A_156#30, %scan3A_156#30 : vector<16xf32>
      %mul3A_668 = arith.constant -5.000000e-01 : f32
      %mul3A_669 = vector.broadcast %mul3A_668 : f32 to vector<16xf32>
      %mul3A_670 = arith.mulf %mul3A_667, %mul3A_669 : vector<16xf32>
      %add3A_671 = arith.constant 3 : i32
      %add3A_672 = arith.addi %mul3A_72, %add3A_671 : i32
      %add3A_673 = arith.constant 0 : i32
      %add3A_674 = arith.addi %add3A_673, %mul3A_88 : i32
      %add3A_675 = arith.constant 6 : i32
      %add3A_676 = arith.addi %add3A_674, %add3A_675 : i32
      %mul3A_677 = arith.constant 16 : i32
      %mul3A_678 = arith.muli %add3A_676, %mul3A_677 : i32
      %swap3A_679 = arith.index_cast %add3A_672 : i32 to index
      %swap3A_680 = arith.index_cast %mul3A_678 : i32 to index
      %swap3A_681 = tpu.vector_load %arg8[%swap3A_679, %swap3A_680] {strides = array<i32>} : memref<4x1024xf32, #tpu.memory_space<vmem>>, vector<1x16xf32>,
      %swap3A_682 = vector.shape_cast %swap3A_681 : vector<1x16xf32> to vector<16xf32>
      %swap3A_683 = vector.shape_cast %mul3A_670 : vector<16xf32> to vector<1x16xf32>
      tpu.vector_store %arg8[%swap3A_679, %swap3A_680], %swap3A_683 {strides = array<i32>} : memref<4x1024xf32, #tpu.memory_space<vmem>>, vector<1x16xf32>,
      %mul3A_684 = arith.mulf %scan3A_156#31, %scan3A_156#31 : vector<16xf32>
      %mul3A_685 = arith.constant -5.000000e-01 : f32
      %mul3A_686 = vector.broadcast %mul3A_685 : f32 to vector<16xf32>
      %mul3A_687 = arith.mulf %mul3A_684, %mul3A_686 : vector<16xf32>
      %add3A_688 = arith.constant 3 : i32
      %add3A_689 = arith.addi %mul3A_72, %add3A_688 : i32
      %add3A_690 = arith.constant 0 : i32
      %add3A_691 = arith.addi %add3A_690, %mul3A_88 : i32
      %add3A_692 = arith.constant 7 : i32
      %add3A_693 = arith.addi %add3A_691, %add3A_692 : i32
      %mul3A_694 = arith.constant 16 : i32
      %mul3A_695 = arith.muli %add3A_693, %mul3A_694 : i32
      %swap3A_696 = arith.index_cast %add3A_689 : i32 to index
      %swap3A_697 = arith.index_cast %mul3A_695 : i32 to index
      %swap3A_698 = tpu.vector_load %arg8[%swap3A_696, %swap3A_697] {strides = array<i32>} : memref<4x1024xf32, #tpu.memory_space<vmem>>, vector<1x16xf32>,
      %swap3A_699 = vector.shape_cast %swap3A_698 : vector<1x16xf32> to vector<16xf32>
      %swap3A_700 = vector.shape_cast %mul3A_687 : vector<16xf32> to vector<1x16xf32>
      tpu.vector_store %arg8[%swap3A_696, %swap3A_697], %swap3A_700 {strides = array<i32>} : memref<4x1024xf32, #tpu.memory_space<vmem>>, vector<1x16xf32>,
    }
    %scan3A_32 = arith.constant 4 : i32
    %dma_wait3A_33 = arith.constant 1 : i32
    %dma_wait3A_34 = arith.constant 0 : i32
    %dma_wait3A_35 = arith.constant 0 : i32
    %dma_wait3A_36 = tpu.memref_slice %arg3[%dma_wait3A_33, %dma_wait3A_34, %dma_wait3A_35] : memref<2x64x512xf32, #tpu.memory_space<hbm>> -> memref<1x64x512xf32, #tpu.memory_space<hbm>>
    %dma_wait3A_37 = tpu.memref_squeeze %dma_wait3A_36 : memref<1x64x512xf32, #tpu.memory_space<hbm>> -> memref<64x512xf32, #tpu.memory_space<hbm>>
    %dma_wait3A_38 = arith.constant 0 : i32
    %dma_wait3A_39 = arith.constant 0 : i32
    %dma_wait3A_40 = tpu.memref_slice %arg3[%dma_wait3A_33, %dma_wait3A_38, %dma_wait3A_39] : memref<2x64x512xf32, #tpu.memory_space<hbm>> -> memref<1x64x512xf32, #tpu.memory_space<hbm>>
    %dma_wait3A_41 = tpu.memref_squeeze %dma_wait3A_40 : memref<1x64x512xf32, #tpu.memory_space<hbm>> -> memref<64x512xf32, #tpu.memory_space<hbm>>
    tpu.wait_dma2 semaphore(%arg10 : memref<!tpu.dma_semaphore, #tpu.memory_space<semaphore_mem>>) src(%dma_wait3A_41 : memref<64x512xf32, #tpu.memory_space<hbm>>) dst(%arg7 : memref<64x512xf32, #tpu.memory_space<vmem>>)
    %scan3A_42 = arith.constant 0 : i32
    %scan3A_43 = arith.constant 0 : i32
    %scan3A_44 = arith.constant 4 : i32
    %scan3A_45 = arith.addi %scan3A_43, %scan3A_44 : i32
    %scan3A_46 = arith.constant 1 : i32
    scf.for %scan3A_54 = %scan3A_43 to %scan3A_45 step %scan3A_46  : i32 {
      %jit3A = arith.constant 4 : i32
      %div3A = arith.divsi %scan3A_54, %jit3A : i32
      %sign3A = arith.constant 0 : i32
      %sign3A_55 = arith.cmpi sgt, %scan3A_54, %sign3A : i32
      %sign3A_56 = arith.extui %sign3A_55 : i1 to i32
      %sign3A_57 = arith.constant 0 : i32
      %sign3A_58 = arith.cmpi slt, %scan3A_54, %sign3A_57 : i32
      %sign3A_59 = arith.extui %sign3A_58 : i1 to i32
      %sign3A_60 = arith.subi %sign3A_56, %sign3A_59 : i32
      %sign3A_61 = arith.constant 0 : i32
      %sign3A_62 = arith.cmpi sgt, %jit3A, %sign3A_61 : i32
      %sign3A_63 = arith.extui %sign3A_62 : i1 to i32
      %sign3A_64 = arith.constant 0 : i32
      %sign3A_65 = arith.cmpi slt, %jit3A, %sign3A_64 : i32
      %sign3A_66 = arith.extui %sign3A_65 : i1 to i32
      %sign3A_67 = arith.subi %sign3A_63, %sign3A_66 : i32
      %ne3A = arith.cmpi ne, %sign3A_60, %sign3A_67 : i32
      %rem3A = arith.remsi %scan3A_54, %jit3A : i32
      %ne3A_68 = arith.constant 0 : i32
      %ne3A_69 = arith.cmpi ne, %rem3A, %ne3A_68 : i32
      %and3A = arith.andi %ne3A, %ne3A_69 : i1
      %sub3A = arith.constant 1 : i32
      %sub3A_70 = arith.subi %div3A, %sub3A : i32
      %select_n3A = arith.select %and3A, %sub3A_70, %div3A : i32
      %mul3A_71 = arith.constant 4 : i32
      %mul3A_72 = arith.muli %select_n3A, %mul3A_71 : i32
      %jit3A_73 = arith.constant 4 : i32
      %eq3A = arith.constant 0 : i32
      %eq3A_74 = arith.cmpi eq, %jit3A_73, %eq3A : i32
      %jit3A_75 = arith.constant 1 : i32
      %select_n3A_76 = arith.select %eq3A_74, %jit3A_75, %jit3A_73 : i32
      %rem3A_77 = arith.remsi %scan3A_54, %select_n3A_76 : i32
      %ne3A_78 = arith.constant 0 : i32
      %ne3A_79 = arith.cmpi ne, %rem3A_77, %ne3A_78 : i32
      %lt3A = arith.constant 0 : i32
      %lt3A_80 = arith.cmpi slt, %rem3A_77, %lt3A : i32
      %lt3A_81 = arith.constant 0 : i32
      %lt3A_82 = arith.cmpi slt, %select_n3A_76, %lt3A_81 : i32
      %ne3A_83 = arith.xori %lt3A_80, %lt3A_82 : i1
      %and3A_84 = arith.andi %ne3A_83, %ne3A_79 : i1
      %add3A_85 = arith.addi %rem3A_77, %select_n3A_76 : i32
      %select_n3A_86 = arith.select %and3A_84, %add3A_85, %rem3A_77 : i32
      %mul3A_87 = arith.constant 8 : i32
      %mul3A_88 = arith.muli %select_n3A_86, %mul3A_87 : i32
      %broadcast_in_dim3A = arith.constant 0.000000e+00 : f32
      %broadcast_in_dim3A_89 = vector.broadcast %broadcast_in_dim3A : f32 to vector<16xf32>
      %broadcast_in_dim3A_90 = arith.constant 0.000000e+00 : f32
      %broadcast_in_dim3A_91 = vector.broadcast %broadcast_in_dim3A_90 : f32 to vector<16xf32>
      %broadcast_in_dim3A_92 = arith.constant 0.000000e+00 : f32
      %broadcast_in_dim3A_93 = vector.broadcast %broadcast_in_dim3A_92 : f32 to vector<16xf32>
      %broadcast_in_dim3A_94 = arith.constant 0.000000e+00 : f32
      %broadcast_in_dim3A_95 = vector.broadcast %broadcast_in_dim3A_94 : f32 to vector<16xf32>
      %broadcast_in_dim3A_96 = arith.constant 0.000000e+00 : f32
      %broadcast_in_dim3A_97 = vector.broadcast %broadcast_in_dim3A_96 : f32 to vector<16xf32>
      %broadcast_in_dim3A_98 = arith.constant 0.000000e+00 : f32
      %broadcast_in_dim3A_99 = vector.broadcast %broadcast_in_dim3A_98 : f32 to vector<16xf32>
      %broadcast_in_dim3A_100 = arith.constant 0.000000e+00 : f32
      %broadcast_in_dim3A_101 = vector.broadcast %broadcast_in_dim3A_100 : f32 to vector<16xf32>
      %broadcast_in_dim3A_102 = arith.constant 0.000000e+00 : f32
      %broadcast_in_dim3A_103 = vector.broadcast %broadcast_in_dim3A_102 : f32 to vector<16xf32>
      %broadcast_in_dim3A_104 = arith.constant 0.000000e+00 : f32
      %broadcast_in_dim3A_105 = vector.broadcast %broadcast_in_dim3A_104 : f32 to vector<16xf32>
      %broadcast_in_dim3A_106 = arith.constant 0.000000e+00 : f32
      %broadcast_in_dim3A_107 = vector.broadcast %broadcast_in_dim3A_106 : f32 to vector<16xf32>
      %broadcast_in_dim3A_108 = arith.constant 0.000000e+00 : f32
      %broadcast_in_dim3A_109 = vector.broadcast %broadcast_in_dim3A_108 : f32 to vector<16xf32>
      %broadcast_in_dim3A_110 = arith.constant 0.000000e+00 : f32
      %broadcast_in_dim3A_111 = vector.broadcast %broadcast_in_dim3A_110 : f32 to vector<16xf32>
      %broadcast_in_dim3A_112 = arith.constant 0.000000e+00 : f32
      %broadcast_in_dim3A_113 = vector.broadcast %broadcast_in_dim3A_112 : f32 to vector<16xf32>
      %broadcast_in_dim3A_114 = arith.constant 0.000000e+00 : f32
      %broadcast_in_dim3A_115 = vector.broadcast %broadcast_in_dim3A_114 : f32 to vector<16xf32>
      %broadcast_in_dim3A_116 = arith.constant 0.000000e+00 : f32
      %broadcast_in_dim3A_117 = vector.broadcast %broadcast_in_dim3A_116 : f32 to vector<16xf32>
      %broadcast_in_dim3A_118 = arith.constant 0.000000e+00 : f32
      %broadcast_in_dim3A_119 = vector.broadcast %broadcast_in_dim3A_118 : f32 to vector<16xf32>
      %broadcast_in_dim3A_120 = arith.constant 0.000000e+00 : f32
      %broadcast_in_dim3A_121 = vector.broadcast %broadcast_in_dim3A_120 : f32 to vector<16xf32>
      %broadcast_in_dim3A_122 = arith.constant 0.000000e+00 : f32
      %broadcast_in_dim3A_123 = vector.broadcast %broadcast_in_dim3A_122 : f32 to vector<16xf32>
      %broadcast_in_dim3A_124 = arith.constant 0.000000e+00 : f32
      %broadcast_in_dim3A_125 = vector.broadcast %broadcast_in_dim3A_124 : f32 to vector<16xf32>
      %broadcast_in_dim3A_126 = arith.constant 0.000000e+00 : f32
      %broadcast_in_dim3A_127 = vector.broadcast %broadcast_in_dim3A_126 : f32 to vector<16xf32>
      %broadcast_in_dim3A_128 = arith.constant 0.000000e+00 : f32
      %broadcast_in_dim3A_129 = vector.broadcast %broadcast_in_dim3A_128 : f32 to vector<16xf32>
      %broadcast_in_dim3A_130 = arith.constant 0.000000e+00 : f32
      %broadcast_in_dim3A_131 = vector.broadcast %broadcast_in_dim3A_130 : f32 to vector<16xf32>
      %broadcast_in_dim3A_132 = arith.constant 0.000000e+00 : f32
      %broadcast_in_dim3A_133 = vector.broadcast %broadcast_in_dim3A_132 : f32 to vector<16xf32>
      %broadcast_in_dim3A_134 = arith.constant 0.000000e+00 : f32
      %broadcast_in_dim3A_135 = vector.broadcast %broadcast_in_dim3A_134 : f32 to vector<16xf32>
      %broadcast_in_dim3A_136 = arith.constant 0.000000e+00 : f32
      %broadcast_in_dim3A_137 = vector.broadcast %broadcast_in_dim3A_136 : f32 to vector<16xf32>
      %broadcast_in_dim3A_138 = arith.constant 0.000000e+00 : f32
      %broadcast_in_dim3A_139 = vector.broadcast %broadcast_in_dim3A_138 : f32 to vector<16xf32>
      %broadcast_in_dim3A_140 = arith.constant 0.000000e+00 : f32
      %broadcast_in_dim3A_141 = vector.broadcast %broadcast_in_dim3A_140 : f32 to vector<16xf32>
      %broadcast_in_dim3A_142 = arith.constant 0.000000e+00 : f32
      %broadcast_in_dim3A_143 = vector.broadcast %broadcast_in_dim3A_142 : f32 to vector<16xf32>
      %broadcast_in_dim3A_144 = arith.constant 0.000000e+00 : f32
      %broadcast_in_dim3A_145 = vector.broadcast %broadcast_in_dim3A_144 : f32 to vector<16xf32>
      %broadcast_in_dim3A_146 = arith.constant 0.000000e+00 : f32
      %broadcast_in_dim3A_147 = vector.broadcast %broadcast_in_dim3A_146 : f32 to vector<16xf32>
      %broadcast_in_dim3A_148 = arith.constant 0.000000e+00 : f32
      %broadcast_in_dim3A_149 = vector.broadcast %broadcast_in_dim3A_148 : f32 to vector<16xf32>
      %broadcast_in_dim3A_150 = arith.constant 0.000000e+00 : f32
      %broadcast_in_dim3A_151 = vector.broadcast %broadcast_in_dim3A_150 : f32 to vector<16xf32>
      %scan3A_152 = arith.constant 0 : i32
      %scan3A_153 = arith.constant 64 : i32
      %scan3A_154 = arith.addi %scan3A_152, %scan3A_153 : i32
      %scan3A_155 = arith.constant 1 : i32
      %scan3A_156:32 = scf.for %scan3A_701 = %scan3A_152 to %scan3A_154 step %scan3A_155 iter_args(%scan3A_702 = %broadcast_in_dim3A_89, %scan3A_703 = %broadcast_in_dim3A_91, %scan3A_704 = %broadcast_in_dim3A_93, %scan3A_705 = %broadcast_in_dim3A_95, %scan3A_706 = %broadcast_in_dim3A_97, %scan3A_707 = %broadcast_in_dim3A_99, %scan3A_708 = %broadcast_in_dim3A_101, %scan3A_709 = %broadcast_in_dim3A_103, %scan3A_710 = %broadcast_in_dim3A_105, %scan3A_711 = %broadcast_in_dim3A_107, %scan3A_712 = %broadcast_in_dim3A_109, %scan3A_713 = %broadcast_in_dim3A_111, %scan3A_714 = %broadcast_in_dim3A_113, %scan3A_715 = %broadcast_in_dim3A_115, %scan3A_716 = %broadcast_in_dim3A_117, %scan3A_717 = %broadcast_in_dim3A_119, %scan3A_718 = %broadcast_in_dim3A_121, %scan3A_719 = %broadcast_in_dim3A_123, %scan3A_720 = %broadcast_in_dim3A_125, %scan3A_721 = %broadcast_in_dim3A_127, %scan3A_722 = %broadcast_in_dim3A_129, %scan3A_723 = %broadcast_in_dim3A_131, %scan3A_724 = %broadcast_in_dim3A_133, %scan3A_725 = %broadcast_in_dim3A_135, %scan3A_726 = %broadcast_in_dim3A_137, %scan3A_727 = %broadcast_in_dim3A_139, %scan3A_728 = %broadcast_in_dim3A_141, %scan3A_729 = %broadcast_in_dim3A_143, %scan3A_730 = %broadcast_in_dim3A_145, %scan3A_731 = %broadcast_in_dim3A_147, %scan3A_732 = %broadcast_in_dim3A_149, %scan3A_733 = %broadcast_in_dim3A_151) -> (vector<16xf32>, vector<16xf32>, vector<16xf32>, vector<16xf32>, vector<16xf32>, vector<16xf32>, vector<16xf32>, vector<16xf32>, vector<16xf32>, vector<16xf32>, vector<16xf32>, vector<16xf32>, vector<16xf32>, vector<16xf32>, vector<16xf32>, vector<16xf32>, vector<16xf32>, vector<16xf32>, vector<16xf32>, vector<16xf32>, vector<16xf32>, vector<16xf32>, vector<16xf32>, vector<16xf32>, vector<16xf32>, vector<16xf32>, vector<16xf32>, vector<16xf32>, vector<16xf32>, vector<16xf32>, vector<16xf32>, vector<16xf32>)  : i32 {
        %add3A_734 = arith.constant 0 : i32
        %add3A_735 = arith.addi %mul3A_88, %add3A_734 : i32
        %mul3A_736 = arith.constant 16 : i32
        %mul3A_737 = arith.muli %add3A_735, %mul3A_736 : i32
        %get3A = arith.index_cast %scan3A_701 : i32 to index
        %get3A_738 = arith.index_cast %mul3A_737 : i32 to index
        %get3A_739 = tpu.vector_load %arg7[%get3A, %get3A_738] {strides = array<i32>} : memref<64x512xf32, #tpu.memory_space<vmem>>, vector<1x16xf32>,
        %get3A_740 = vector.shape_cast %get3A_739 : vector<1x16xf32> to vector<16xf32>
        %add3A_741 = arith.constant 1 : i32
        %add3A_742 = arith.addi %mul3A_88, %add3A_741 : i32
        %mul3A_743 = arith.constant 16 : i32
        %mul3A_744 = arith.muli %add3A_742, %mul3A_743 : i32
        %get3A_745 = arith.index_cast %scan3A_701 : i32 to index
        %get3A_746 = arith.index_cast %mul3A_744 : i32 to index
        %get3A_747 = tpu.vector_load %arg7[%get3A_745, %get3A_746] {strides = array<i32>} : memref<64x512xf32, #tpu.memory_space<vmem>>, vector<1x16xf32>,
        %get3A_748 = vector.shape_cast %get3A_747 : vector<1x16xf32> to vector<16xf32>
        %add3A_749 = arith.constant 2 : i32
        %add3A_750 = arith.addi %mul3A_88, %add3A_749 : i32
        %mul3A_751 = arith.constant 16 : i32
        %mul3A_752 = arith.muli %add3A_750, %mul3A_751 : i32
        %get3A_753 = arith.index_cast %scan3A_701 : i32 to index
        %get3A_754 = arith.index_cast %mul3A_752 : i32 to index
        %get3A_755 = tpu.vector_load %arg7[%get3A_753, %get3A_754] {strides = array<i32>} : memref<64x512xf32, #tpu.memory_space<vmem>>, vector<1x16xf32>,
        %get3A_756 = vector.shape_cast %get3A_755 : vector<1x16xf32> to vector<16xf32>
        %add3A_757 = arith.constant 3 : i32
        %add3A_758 = arith.addi %mul3A_88, %add3A_757 : i32
        %mul3A_759 = arith.constant 16 : i32
        %mul3A_760 = arith.muli %add3A_758, %mul3A_759 : i32
        %get3A_761 = arith.index_cast %scan3A_701 : i32 to index
        %get3A_762 = arith.index_cast %mul3A_760 : i32 to index
        %get3A_763 = tpu.vector_load %arg7[%get3A_761, %get3A_762] {strides = array<i32>} : memref<64x512xf32, #tpu.memory_space<vmem>>, vector<1x16xf32>,
        %get3A_764 = vector.shape_cast %get3A_763 : vector<1x16xf32> to vector<16xf32>
        %add3A_765 = arith.constant 4 : i32
        %add3A_766 = arith.addi %mul3A_88, %add3A_765 : i32
        %mul3A_767 = arith.constant 16 : i32
        %mul3A_768 = arith.muli %add3A_766, %mul3A_767 : i32
        %get3A_769 = arith.index_cast %scan3A_701 : i32 to index
        %get3A_770 = arith.index_cast %mul3A_768 : i32 to index
        %get3A_771 = tpu.vector_load %arg7[%get3A_769, %get3A_770] {strides = array<i32>} : memref<64x512xf32, #tpu.memory_space<vmem>>, vector<1x16xf32>,
        %get3A_772 = vector.shape_cast %get3A_771 : vector<1x16xf32> to vector<16xf32>
        %add3A_773 = arith.constant 5 : i32
        %add3A_774 = arith.addi %mul3A_88, %add3A_773 : i32
        %mul3A_775 = arith.constant 16 : i32
        %mul3A_776 = arith.muli %add3A_774, %mul3A_775 : i32
        %get3A_777 = arith.index_cast %scan3A_701 : i32 to index
        %get3A_778 = arith.index_cast %mul3A_776 : i32 to index
        %get3A_779 = tpu.vector_load %arg7[%get3A_777, %get3A_778] {strides = array<i32>} : memref<64x512xf32, #tpu.memory_space<vmem>>, vector<1x16xf32>,
        %get3A_780 = vector.shape_cast %get3A_779 : vector<1x16xf32> to vector<16xf32>
        %add3A_781 = arith.constant 6 : i32
        %add3A_782 = arith.addi %mul3A_88, %add3A_781 : i32
        %mul3A_783 = arith.constant 16 : i32
        %mul3A_784 = arith.muli %add3A_782, %mul3A_783 : i32
        %get3A_785 = arith.index_cast %scan3A_701 : i32 to index
        %get3A_786 = arith.index_cast %mul3A_784 : i32 to index
        %get3A_787 = tpu.vector_load %arg7[%get3A_785, %get3A_786] {strides = array<i32>} : memref<64x512xf32, #tpu.memory_space<vmem>>, vector<1x16xf32>,
        %get3A_788 = vector.shape_cast %get3A_787 : vector<1x16xf32> to vector<16xf32>
        %add3A_789 = arith.constant 7 : i32
        %add3A_790 = arith.addi %mul3A_88, %add3A_789 : i32
        %mul3A_791 = arith.constant 16 : i32
        %mul3A_792 = arith.muli %add3A_790, %mul3A_791 : i32
        %get3A_793 = arith.index_cast %scan3A_701 : i32 to index
        %get3A_794 = arith.index_cast %mul3A_792 : i32 to index
        %get3A_795 = tpu.vector_load %arg7[%get3A_793, %get3A_794] {strides = array<i32>} : memref<64x512xf32, #tpu.memory_space<vmem>>, vector<1x16xf32>,
        %get3A_796 = vector.shape_cast %get3A_795 : vector<1x16xf32> to vector<16xf32>
        %add3A_797 = arith.constant 0 : i32
        %add3A_798 = arith.addi %mul3A_72, %add3A_797 : i32
        %mul3A_799 = arith.constant 16 : i32
        %mul3A_800 = arith.muli %scan3A_701, %mul3A_799 : i32
        %get3A_801 = arith.index_cast %add3A_798 : i32 to index
        %get3A_802 = arith.index_cast %mul3A_800 : i32 to index
        %get3A_803 = tpu.vector_load %arg5[%get3A_801, %get3A_802] {strides = array<i32>} : memref<4x1024xf32, #tpu.memory_space<vmem>>, vector<1x16xf32>,
        %get3A_804 = vector.shape_cast %get3A_803 : vector<1x16xf32> to vector<16xf32>
        %sub3A_805 = arith.subf %get3A_804, %get3A_740 : vector<16xf32>
        %abs3A = math.absf %sub3A_805 : vector<16xf32>
        %add3A_806 = arith.addf %scan3A_702, %abs3A : vector<16xf32>
        %sub3A_807 = arith.subf %get3A_804, %get3A_748 : vector<16xf32>
        %abs3A_808 = math.absf %sub3A_807 : vector<16xf32>
        %add3A_809 = arith.addf %scan3A_703, %abs3A_808 : vector<16xf32>
        %sub3A_810 = arith.subf %get3A_804, %get3A_756 : vector<16xf32>
        %abs3A_811 = math.absf %sub3A_810 : vector<16xf32>
        %add3A_812 = arith.addf %scan3A_704, %abs3A_811 : vector<16xf32>
        %sub3A_813 = arith.subf %get3A_804, %get3A_764 : vector<16xf32>
        %abs3A_814 = math.absf %sub3A_813 : vector<16xf32>
        %add3A_815 = arith.addf %scan3A_705, %abs3A_814 : vector<16xf32>
        %sub3A_816 = arith.subf %get3A_804, %get3A_772 : vector<16xf32>
        %abs3A_817 = math.absf %sub3A_816 : vector<16xf32>
        %add3A_818 = arith.addf %scan3A_706, %abs3A_817 : vector<16xf32>
        %sub3A_819 = arith.subf %get3A_804, %get3A_780 : vector<16xf32>
        %abs3A_820 = math.absf %sub3A_819 : vector<16xf32>
        %add3A_821 = arith.addf %scan3A_707, %abs3A_820 : vector<16xf32>
        %sub3A_822 = arith.subf %get3A_804, %get3A_788 : vector<16xf32>
        %abs3A_823 = math.absf %sub3A_822 : vector<16xf32>
        %add3A_824 = arith.addf %scan3A_708, %abs3A_823 : vector<16xf32>
        %sub3A_825 = arith.subf %get3A_804, %get3A_796 : vector<16xf32>
        %abs3A_826 = math.absf %sub3A_825 : vector<16xf32>
        %add3A_827 = arith.addf %scan3A_709, %abs3A_826 : vector<16xf32>
        %add3A_828 = arith.constant 1 : i32
        %add3A_829 = arith.addi %mul3A_72, %add3A_828 : i32
        %mul3A_830 = arith.constant 16 : i32
        %mul3A_831 = arith.muli %scan3A_701, %mul3A_830 : i32
        %get3A_832 = arith.index_cast %add3A_829 : i32 to index
        %get3A_833 = arith.index_cast %mul3A_831 : i32 to index
        %get3A_834 = tpu.vector_load %arg5[%get3A_832, %get3A_833] {strides = array<i32>} : memref<4x1024xf32, #tpu.memory_space<vmem>>, vector<1x16xf32>,
        %get3A_835 = vector.shape_cast %get3A_834 : vector<1x16xf32> to vector<16xf32>
        %sub3A_836 = arith.subf %get3A_835, %get3A_740 : vector<16xf32>
        %abs3A_837 = math.absf %sub3A_836 : vector<16xf32>
        %add3A_838 = arith.addf %scan3A_710, %abs3A_837 : vector<16xf32>
        %sub3A_839 = arith.subf %get3A_835, %get3A_748 : vector<16xf32>
        %abs3A_840 = math.absf %sub3A_839 : vector<16xf32>
        %add3A_841 = arith.addf %scan3A_711, %abs3A_840 : vector<16xf32>
        %sub3A_842 = arith.subf %get3A_835, %get3A_756 : vector<16xf32>
        %abs3A_843 = math.absf %sub3A_842 : vector<16xf32>
        %add3A_844 = arith.addf %scan3A_712, %abs3A_843 : vector<16xf32>
        %sub3A_845 = arith.subf %get3A_835, %get3A_764 : vector<16xf32>
        %abs3A_846 = math.absf %sub3A_845 : vector<16xf32>
        %add3A_847 = arith.addf %scan3A_713, %abs3A_846 : vector<16xf32>
        %sub3A_848 = arith.subf %get3A_835, %get3A_772 : vector<16xf32>
        %abs3A_849 = math.absf %sub3A_848 : vector<16xf32>
        %add3A_850 = arith.addf %scan3A_714, %abs3A_849 : vector<16xf32>
        %sub3A_851 = arith.subf %get3A_835, %get3A_780 : vector<16xf32>
        %abs3A_852 = math.absf %sub3A_851 : vector<16xf32>
        %add3A_853 = arith.addf %scan3A_715, %abs3A_852 : vector<16xf32>
        %sub3A_854 = arith.subf %get3A_835, %get3A_788 : vector<16xf32>
        %abs3A_855 = math.absf %sub3A_854 : vector<16xf32>
        %add3A_856 = arith.addf %scan3A_716, %abs3A_855 : vector<16xf32>
        %sub3A_857 = arith.subf %get3A_835, %get3A_796 : vector<16xf32>
        %abs3A_858 = math.absf %sub3A_857 : vector<16xf32>
        %add3A_859 = arith.addf %scan3A_717, %abs3A_858 : vector<16xf32>
        %add3A_860 = arith.constant 2 : i32
        %add3A_861 = arith.addi %mul3A_72, %add3A_860 : i32
        %mul3A_862 = arith.constant 16 : i32
        %mul3A_863 = arith.muli %scan3A_701, %mul3A_862 : i32
        %get3A_864 = arith.index_cast %add3A_861 : i32 to index
        %get3A_865 = arith.index_cast %mul3A_863 : i32 to index
        %get3A_866 = tpu.vector_load %arg5[%get3A_864, %get3A_865] {strides = array<i32>} : memref<4x1024xf32, #tpu.memory_space<vmem>>, vector<1x16xf32>,
        %get3A_867 = vector.shape_cast %get3A_866 : vector<1x16xf32> to vector<16xf32>
        %sub3A_868 = arith.subf %get3A_867, %get3A_740 : vector<16xf32>
        %abs3A_869 = math.absf %sub3A_868 : vector<16xf32>
        %add3A_870 = arith.addf %scan3A_718, %abs3A_869 : vector<16xf32>
        %sub3A_871 = arith.subf %get3A_867, %get3A_748 : vector<16xf32>
        %abs3A_872 = math.absf %sub3A_871 : vector<16xf32>
        %add3A_873 = arith.addf %scan3A_719, %abs3A_872 : vector<16xf32>
        %sub3A_874 = arith.subf %get3A_867, %get3A_756 : vector<16xf32>
        %abs3A_875 = math.absf %sub3A_874 : vector<16xf32>
        %add3A_876 = arith.addf %scan3A_720, %abs3A_875 : vector<16xf32>
        %sub3A_877 = arith.subf %get3A_867, %get3A_764 : vector<16xf32>
        %abs3A_878 = math.absf %sub3A_877 : vector<16xf32>
        %add3A_879 = arith.addf %scan3A_721, %abs3A_878 : vector<16xf32>
        %sub3A_880 = arith.subf %get3A_867, %get3A_772 : vector<16xf32>
        %abs3A_881 = math.absf %sub3A_880 : vector<16xf32>
        %add3A_882 = arith.addf %scan3A_722, %abs3A_881 : vector<16xf32>
        %sub3A_883 = arith.subf %get3A_867, %get3A_780 : vector<16xf32>
        %abs3A_884 = math.absf %sub3A_883 : vector<16xf32>
        %add3A_885 = arith.addf %scan3A_723, %abs3A_884 : vector<16xf32>
        %sub3A_886 = arith.subf %get3A_867, %get3A_788 : vector<16xf32>
        %abs3A_887 = math.absf %sub3A_886 : vector<16xf32>
        %add3A_888 = arith.addf %scan3A_724, %abs3A_887 : vector<16xf32>
        %sub3A_889 = arith.subf %get3A_867, %get3A_796 : vector<16xf32>
        %abs3A_890 = math.absf %sub3A_889 : vector<16xf32>
        %add3A_891 = arith.addf %scan3A_725, %abs3A_890 : vector<16xf32>
        %add3A_892 = arith.constant 3 : i32
        %add3A_893 = arith.addi %mul3A_72, %add3A_892 : i32
        %mul3A_894 = arith.constant 16 : i32
        %mul3A_895 = arith.muli %scan3A_701, %mul3A_894 : i32
        %get3A_896 = arith.index_cast %add3A_893 : i32 to index
        %get3A_897 = arith.index_cast %mul3A_895 : i32 to index
        %get3A_898 = tpu.vector_load %arg5[%get3A_896, %get3A_897] {strides = array<i32>} : memref<4x1024xf32, #tpu.memory_space<vmem>>, vector<1x16xf32>,
        %get3A_899 = vector.shape_cast %get3A_898 : vector<1x16xf32> to vector<16xf32>
        %sub3A_900 = arith.subf %get3A_899, %get3A_740 : vector<16xf32>
        %abs3A_901 = math.absf %sub3A_900 : vector<16xf32>
        %add3A_902 = arith.addf %scan3A_726, %abs3A_901 : vector<16xf32>
        %sub3A_903 = arith.subf %get3A_899, %get3A_748 : vector<16xf32>
        %abs3A_904 = math.absf %sub3A_903 : vector<16xf32>
        %add3A_905 = arith.addf %scan3A_727, %abs3A_904 : vector<16xf32>
        %sub3A_906 = arith.subf %get3A_899, %get3A_756 : vector<16xf32>
        %abs3A_907 = math.absf %sub3A_906 : vector<16xf32>
        %add3A_908 = arith.addf %scan3A_728, %abs3A_907 : vector<16xf32>
        %sub3A_909 = arith.subf %get3A_899, %get3A_764 : vector<16xf32>
        %abs3A_910 = math.absf %sub3A_909 : vector<16xf32>
        %add3A_911 = arith.addf %scan3A_729, %abs3A_910 : vector<16xf32>
        %sub3A_912 = arith.subf %get3A_899, %get3A_772 : vector<16xf32>
        %abs3A_913 = math.absf %sub3A_912 : vector<16xf32>
        %add3A_914 = arith.addf %scan3A_730, %abs3A_913 : vector<16xf32>
        %sub3A_915 = arith.subf %get3A_899, %get3A_780 : vector<16xf32>
        %abs3A_916 = math.absf %sub3A_915 : vector<16xf32>
        %add3A_917 = arith.addf %scan3A_731, %abs3A_916 : vector<16xf32>
        %sub3A_918 = arith.subf %get3A_899, %get3A_788 : vector<16xf32>
        %abs3A_919 = math.absf %sub3A_918 : vector<16xf32>
        %add3A_920 = arith.addf %scan3A_732, %abs3A_919 : vector<16xf32>
        %sub3A_921 = arith.subf %get3A_899, %get3A_796 : vector<16xf32>
        %abs3A_922 = math.absf %sub3A_921 : vector<16xf32>
        %add3A_923 = arith.addf %scan3A_733, %abs3A_922 : vector<16xf32>
        scf.yield %add3A_806, %add3A_809, %add3A_812, %add3A_815, %add3A_818, %add3A_821, %add3A_824, %add3A_827, %add3A_838, %add3A_841, %add3A_844, %add3A_847, %add3A_850, %add3A_853, %add3A_856, %add3A_859, %add3A_870, %add3A_873, %add3A_876, %add3A_879, %add3A_882, %add3A_885, %add3A_888, %add3A_891, %add3A_902, %add3A_905, %add3A_908, %add3A_911, %add3A_914, %add3A_917, %add3A_920, %add3A_923 : vector<16xf32>, vector<16xf32>, vector<16xf32>, vector<16xf32>, vector<16xf32>, vector<16xf32>, vector<16xf32>, vector<16xf32>, vector<16xf32>, vector<16xf32>, vector<16xf32>, vector<16xf32>, vector<16xf32>, vector<16xf32>, vector<16xf32>, vector<16xf32>, vector<16xf32>, vector<16xf32>, vector<16xf32>, vector<16xf32>, vector<16xf32>, vector<16xf32>, vector<16xf32>, vector<16xf32>, vector<16xf32>, vector<16xf32>, vector<16xf32>, vector<16xf32>, vector<16xf32>, vector<16xf32>, vector<16xf32>, vector<16xf32>
      }
      %scan3A_157 = arith.constant 64 : i32
      %mul3A_158 = arith.mulf %scan3A_156#0, %scan3A_156#0 : vector<16xf32>
      %mul3A_159 = arith.constant -5.000000e-01 : f32
      %mul3A_160 = vector.broadcast %mul3A_159 : f32 to vector<16xf32>
      %mul3A_161 = arith.mulf %mul3A_158, %mul3A_160 : vector<16xf32>
      %add3A_162 = arith.constant 0 : i32
      %add3A_163 = arith.addi %mul3A_72, %add3A_162 : i32
      %add3A_164 = arith.constant 32 : i32
      %add3A_165 = arith.addi %add3A_164, %mul3A_88 : i32
      %add3A_166 = arith.constant 0 : i32
      %add3A_167 = arith.addi %add3A_165, %add3A_166 : i32
      %mul3A_168 = arith.constant 16 : i32
      %mul3A_169 = arith.muli %add3A_167, %mul3A_168 : i32
      %swap3A = arith.index_cast %add3A_163 : i32 to index
      %swap3A_170 = arith.index_cast %mul3A_169 : i32 to index
      %swap3A_171 = tpu.vector_load %arg8[%swap3A, %swap3A_170] {strides = array<i32>} : memref<4x1024xf32, #tpu.memory_space<vmem>>, vector<1x16xf32>,
      %swap3A_172 = vector.shape_cast %swap3A_171 : vector<1x16xf32> to vector<16xf32>
      %swap3A_173 = vector.shape_cast %mul3A_161 : vector<16xf32> to vector<1x16xf32>
      tpu.vector_store %arg8[%swap3A, %swap3A_170], %swap3A_173 {strides = array<i32>} : memref<4x1024xf32, #tpu.memory_space<vmem>>, vector<1x16xf32>,
      %mul3A_174 = arith.mulf %scan3A_156#1, %scan3A_156#1 : vector<16xf32>
      %mul3A_175 = arith.constant -5.000000e-01 : f32
      %mul3A_176 = vector.broadcast %mul3A_175 : f32 to vector<16xf32>
      %mul3A_177 = arith.mulf %mul3A_174, %mul3A_176 : vector<16xf32>
      %add3A_178 = arith.constant 0 : i32
      %add3A_179 = arith.addi %mul3A_72, %add3A_178 : i32
      %add3A_180 = arith.constant 32 : i32
      %add3A_181 = arith.addi %add3A_180, %mul3A_88 : i32
      %add3A_182 = arith.constant 1 : i32
      %add3A_183 = arith.addi %add3A_181, %add3A_182 : i32
      %mul3A_184 = arith.constant 16 : i32
      %mul3A_185 = arith.muli %add3A_183, %mul3A_184 : i32
      %swap3A_186 = arith.index_cast %add3A_179 : i32 to index
      %swap3A_187 = arith.index_cast %mul3A_185 : i32 to index
      %swap3A_188 = tpu.vector_load %arg8[%swap3A_186, %swap3A_187] {strides = array<i32>} : memref<4x1024xf32, #tpu.memory_space<vmem>>, vector<1x16xf32>,
      %swap3A_189 = vector.shape_cast %swap3A_188 : vector<1x16xf32> to vector<16xf32>
      %swap3A_190 = vector.shape_cast %mul3A_177 : vector<16xf32> to vector<1x16xf32>
      tpu.vector_store %arg8[%swap3A_186, %swap3A_187], %swap3A_190 {strides = array<i32>} : memref<4x1024xf32, #tpu.memory_space<vmem>>, vector<1x16xf32>,
      %mul3A_191 = arith.mulf %scan3A_156#2, %scan3A_156#2 : vector<16xf32>
      %mul3A_192 = arith.constant -5.000000e-01 : f32
      %mul3A_193 = vector.broadcast %mul3A_192 : f32 to vector<16xf32>
      %mul3A_194 = arith.mulf %mul3A_191, %mul3A_193 : vector<16xf32>
      %add3A_195 = arith.constant 0 : i32
      %add3A_196 = arith.addi %mul3A_72, %add3A_195 : i32
      %add3A_197 = arith.constant 32 : i32
      %add3A_198 = arith.addi %add3A_197, %mul3A_88 : i32
      %add3A_199 = arith.constant 2 : i32
      %add3A_200 = arith.addi %add3A_198, %add3A_199 : i32
      %mul3A_201 = arith.constant 16 : i32
      %mul3A_202 = arith.muli %add3A_200, %mul3A_201 : i32
      %swap3A_203 = arith.index_cast %add3A_196 : i32 to index
      %swap3A_204 = arith.index_cast %mul3A_202 : i32 to index
      %swap3A_205 = tpu.vector_load %arg8[%swap3A_203, %swap3A_204] {strides = array<i32>} : memref<4x1024xf32, #tpu.memory_space<vmem>>, vector<1x16xf32>,
      %swap3A_206 = vector.shape_cast %swap3A_205 : vector<1x16xf32> to vector<16xf32>
      %swap3A_207 = vector.shape_cast %mul3A_194 : vector<16xf32> to vector<1x16xf32>
      tpu.vector_store %arg8[%swap3A_203, %swap3A_204], %swap3A_207 {strides = array<i32>} : memref<4x1024xf32, #tpu.memory_space<vmem>>, vector<1x16xf32>,
      %mul3A_208 = arith.mulf %scan3A_156#3, %scan3A_156#3 : vector<16xf32>
      %mul3A_209 = arith.constant -5.000000e-01 : f32
      %mul3A_210 = vector.broadcast %mul3A_209 : f32 to vector<16xf32>
      %mul3A_211 = arith.mulf %mul3A_208, %mul3A_210 : vector<16xf32>
      %add3A_212 = arith.constant 0 : i32
      %add3A_213 = arith.addi %mul3A_72, %add3A_212 : i32
      %add3A_214 = arith.constant 32 : i32
      %add3A_215 = arith.addi %add3A_214, %mul3A_88 : i32
      %add3A_216 = arith.constant 3 : i32
      %add3A_217 = arith.addi %add3A_215, %add3A_216 : i32
      %mul3A_218 = arith.constant 16 : i32
      %mul3A_219 = arith.muli %add3A_217, %mul3A_218 : i32
      %swap3A_220 = arith.index_cast %add3A_213 : i32 to index
      %swap3A_221 = arith.index_cast %mul3A_219 : i32 to index
      %swap3A_222 = tpu.vector_load %arg8[%swap3A_220, %swap3A_221] {strides = array<i32>} : memref<4x1024xf32, #tpu.memory_space<vmem>>, vector<1x16xf32>,
      %swap3A_223 = vector.shape_cast %swap3A_222 : vector<1x16xf32> to vector<16xf32>
      %swap3A_224 = vector.shape_cast %mul3A_211 : vector<16xf32> to vector<1x16xf32>
      tpu.vector_store %arg8[%swap3A_220, %swap3A_221], %swap3A_224 {strides = array<i32>} : memref<4x1024xf32, #tpu.memory_space<vmem>>, vector<1x16xf32>,
      %mul3A_225 = arith.mulf %scan3A_156#4, %scan3A_156#4 : vector<16xf32>
      %mul3A_226 = arith.constant -5.000000e-01 : f32
      %mul3A_227 = vector.broadcast %mul3A_226 : f32 to vector<16xf32>
      %mul3A_228 = arith.mulf %mul3A_225, %mul3A_227 : vector<16xf32>
      %add3A_229 = arith.constant 0 : i32
      %add3A_230 = arith.addi %mul3A_72, %add3A_229 : i32
      %add3A_231 = arith.constant 32 : i32
      %add3A_232 = arith.addi %add3A_231, %mul3A_88 : i32
      %add3A_233 = arith.constant 4 : i32
      %add3A_234 = arith.addi %add3A_232, %add3A_233 : i32
      %mul3A_235 = arith.constant 16 : i32
      %mul3A_236 = arith.muli %add3A_234, %mul3A_235 : i32
      %swap3A_237 = arith.index_cast %add3A_230 : i32 to index
      %swap3A_238 = arith.index_cast %mul3A_236 : i32 to index
      %swap3A_239 = tpu.vector_load %arg8[%swap3A_237, %swap3A_238] {strides = array<i32>} : memref<4x1024xf32, #tpu.memory_space<vmem>>, vector<1x16xf32>,
      %swap3A_240 = vector.shape_cast %swap3A_239 : vector<1x16xf32> to vector<16xf32>
      %swap3A_241 = vector.shape_cast %mul3A_228 : vector<16xf32> to vector<1x16xf32>
      tpu.vector_store %arg8[%swap3A_237, %swap3A_238], %swap3A_241 {strides = array<i32>} : memref<4x1024xf32, #tpu.memory_space<vmem>>, vector<1x16xf32>,
      %mul3A_242 = arith.mulf %scan3A_156#5, %scan3A_156#5 : vector<16xf32>
      %mul3A_243 = arith.constant -5.000000e-01 : f32
      %mul3A_244 = vector.broadcast %mul3A_243 : f32 to vector<16xf32>
      %mul3A_245 = arith.mulf %mul3A_242, %mul3A_244 : vector<16xf32>
      %add3A_246 = arith.constant 0 : i32
      %add3A_247 = arith.addi %mul3A_72, %add3A_246 : i32
      %add3A_248 = arith.constant 32 : i32
      %add3A_249 = arith.addi %add3A_248, %mul3A_88 : i32
      %add3A_250 = arith.constant 5 : i32
      %add3A_251 = arith.addi %add3A_249, %add3A_250 : i32
      %mul3A_252 = arith.constant 16 : i32
      %mul3A_253 = arith.muli %add3A_251, %mul3A_252 : i32
      %swap3A_254 = arith.index_cast %add3A_247 : i32 to index
      %swap3A_255 = arith.index_cast %mul3A_253 : i32 to index
      %swap3A_256 = tpu.vector_load %arg8[%swap3A_254, %swap3A_255] {strides = array<i32>} : memref<4x1024xf32, #tpu.memory_space<vmem>>, vector<1x16xf32>,
      %swap3A_257 = vector.shape_cast %swap3A_256 : vector<1x16xf32> to vector<16xf32>
      %swap3A_258 = vector.shape_cast %mul3A_245 : vector<16xf32> to vector<1x16xf32>
      tpu.vector_store %arg8[%swap3A_254, %swap3A_255], %swap3A_258 {strides = array<i32>} : memref<4x1024xf32, #tpu.memory_space<vmem>>, vector<1x16xf32>,
      %mul3A_259 = arith.mulf %scan3A_156#6, %scan3A_156#6 : vector<16xf32>
      %mul3A_260 = arith.constant -5.000000e-01 : f32
      %mul3A_261 = vector.broadcast %mul3A_260 : f32 to vector<16xf32>
      %mul3A_262 = arith.mulf %mul3A_259, %mul3A_261 : vector<16xf32>
      %add3A_263 = arith.constant 0 : i32
      %add3A_264 = arith.addi %mul3A_72, %add3A_263 : i32
      %add3A_265 = arith.constant 32 : i32
      %add3A_266 = arith.addi %add3A_265, %mul3A_88 : i32
      %add3A_267 = arith.constant 6 : i32
      %add3A_268 = arith.addi %add3A_266, %add3A_267 : i32
      %mul3A_269 = arith.constant 16 : i32
      %mul3A_270 = arith.muli %add3A_268, %mul3A_269 : i32
      %swap3A_271 = arith.index_cast %add3A_264 : i32 to index
      %swap3A_272 = arith.index_cast %mul3A_270 : i32 to index
      %swap3A_273 = tpu.vector_load %arg8[%swap3A_271, %swap3A_272] {strides = array<i32>} : memref<4x1024xf32, #tpu.memory_space<vmem>>, vector<1x16xf32>,
      %swap3A_274 = vector.shape_cast %swap3A_273 : vector<1x16xf32> to vector<16xf32>
      %swap3A_275 = vector.shape_cast %mul3A_262 : vector<16xf32> to vector<1x16xf32>
      tpu.vector_store %arg8[%swap3A_271, %swap3A_272], %swap3A_275 {strides = array<i32>} : memref<4x1024xf32, #tpu.memory_space<vmem>>, vector<1x16xf32>,
      %mul3A_276 = arith.mulf %scan3A_156#7, %scan3A_156#7 : vector<16xf32>
      %mul3A_277 = arith.constant -5.000000e-01 : f32
      %mul3A_278 = vector.broadcast %mul3A_277 : f32 to vector<16xf32>
      %mul3A_279 = arith.mulf %mul3A_276, %mul3A_278 : vector<16xf32>
      %add3A_280 = arith.constant 0 : i32
      %add3A_281 = arith.addi %mul3A_72, %add3A_280 : i32
      %add3A_282 = arith.constant 32 : i32
      %add3A_283 = arith.addi %add3A_282, %mul3A_88 : i32
      %add3A_284 = arith.constant 7 : i32
      %add3A_285 = arith.addi %add3A_283, %add3A_284 : i32
      %mul3A_286 = arith.constant 16 : i32
      %mul3A_287 = arith.muli %add3A_285, %mul3A_286 : i32
      %swap3A_288 = arith.index_cast %add3A_281 : i32 to index
      %swap3A_289 = arith.index_cast %mul3A_287 : i32 to index
      %swap3A_290 = tpu.vector_load %arg8[%swap3A_288, %swap3A_289] {strides = array<i32>} : memref<4x1024xf32, #tpu.memory_space<vmem>>, vector<1x16xf32>,
      %swap3A_291 = vector.shape_cast %swap3A_290 : vector<1x16xf32> to vector<16xf32>
      %swap3A_292 = vector.shape_cast %mul3A_279 : vector<16xf32> to vector<1x16xf32>
      tpu.vector_store %arg8[%swap3A_288, %swap3A_289], %swap3A_292 {strides = array<i32>} : memref<4x1024xf32, #tpu.memory_space<vmem>>, vector<1x16xf32>,
      %mul3A_293 = arith.mulf %scan3A_156#8, %scan3A_156#8 : vector<16xf32>
      %mul3A_294 = arith.constant -5.000000e-01 : f32
      %mul3A_295 = vector.broadcast %mul3A_294 : f32 to vector<16xf32>
      %mul3A_296 = arith.mulf %mul3A_293, %mul3A_295 : vector<16xf32>
      %add3A_297 = arith.constant 1 : i32
      %add3A_298 = arith.addi %mul3A_72, %add3A_297 : i32
      %add3A_299 = arith.constant 32 : i32
      %add3A_300 = arith.addi %add3A_299, %mul3A_88 : i32
      %add3A_301 = arith.constant 0 : i32
      %add3A_302 = arith.addi %add3A_300, %add3A_301 : i32
      %mul3A_303 = arith.constant 16 : i32
      %mul3A_304 = arith.muli %add3A_302, %mul3A_303 : i32
      %swap3A_305 = arith.index_cast %add3A_298 : i32 to index
      %swap3A_306 = arith.index_cast %mul3A_304 : i32 to index
      %swap3A_307 = tpu.vector_load %arg8[%swap3A_305, %swap3A_306] {strides = array<i32>} : memref<4x1024xf32, #tpu.memory_space<vmem>>, vector<1x16xf32>,
      %swap3A_308 = vector.shape_cast %swap3A_307 : vector<1x16xf32> to vector<16xf32>
      %swap3A_309 = vector.shape_cast %mul3A_296 : vector<16xf32> to vector<1x16xf32>
      tpu.vector_store %arg8[%swap3A_305, %swap3A_306], %swap3A_309 {strides = array<i32>} : memref<4x1024xf32, #tpu.memory_space<vmem>>, vector<1x16xf32>,
      %mul3A_310 = arith.mulf %scan3A_156#9, %scan3A_156#9 : vector<16xf32>
      %mul3A_311 = arith.constant -5.000000e-01 : f32
      %mul3A_312 = vector.broadcast %mul3A_311 : f32 to vector<16xf32>
      %mul3A_313 = arith.mulf %mul3A_310, %mul3A_312 : vector<16xf32>
      %add3A_314 = arith.constant 1 : i32
      %add3A_315 = arith.addi %mul3A_72, %add3A_314 : i32
      %add3A_316 = arith.constant 32 : i32
      %add3A_317 = arith.addi %add3A_316, %mul3A_88 : i32
      %add3A_318 = arith.constant 1 : i32
      %add3A_319 = arith.addi %add3A_317, %add3A_318 : i32
      %mul3A_320 = arith.constant 16 : i32
      %mul3A_321 = arith.muli %add3A_319, %mul3A_320 : i32
      %swap3A_322 = arith.index_cast %add3A_315 : i32 to index
      %swap3A_323 = arith.index_cast %mul3A_321 : i32 to index
      %swap3A_324 = tpu.vector_load %arg8[%swap3A_322, %swap3A_323] {strides = array<i32>} : memref<4x1024xf32, #tpu.memory_space<vmem>>, vector<1x16xf32>,
      %swap3A_325 = vector.shape_cast %swap3A_324 : vector<1x16xf32> to vector<16xf32>
      %swap3A_326 = vector.shape_cast %mul3A_313 : vector<16xf32> to vector<1x16xf32>
      tpu.vector_store %arg8[%swap3A_322, %swap3A_323], %swap3A_326 {strides = array<i32>} : memref<4x1024xf32, #tpu.memory_space<vmem>>, vector<1x16xf32>,
      %mul3A_327 = arith.mulf %scan3A_156#10, %scan3A_156#10 : vector<16xf32>
      %mul3A_328 = arith.constant -5.000000e-01 : f32
      %mul3A_329 = vector.broadcast %mul3A_328 : f32 to vector<16xf32>
      %mul3A_330 = arith.mulf %mul3A_327, %mul3A_329 : vector<16xf32>
      %add3A_331 = arith.constant 1 : i32
      %add3A_332 = arith.addi %mul3A_72, %add3A_331 : i32
      %add3A_333 = arith.constant 32 : i32
      %add3A_334 = arith.addi %add3A_333, %mul3A_88 : i32
      %add3A_335 = arith.constant 2 : i32
      %add3A_336 = arith.addi %add3A_334, %add3A_335 : i32
      %mul3A_337 = arith.constant 16 : i32
      %mul3A_338 = arith.muli %add3A_336, %mul3A_337 : i32
      %swap3A_339 = arith.index_cast %add3A_332 : i32 to index
      %swap3A_340 = arith.index_cast %mul3A_338 : i32 to index
      %swap3A_341 = tpu.vector_load %arg8[%swap3A_339, %swap3A_340] {strides = array<i32>} : memref<4x1024xf32, #tpu.memory_space<vmem>>, vector<1x16xf32>,
      %swap3A_342 = vector.shape_cast %swap3A_341 : vector<1x16xf32> to vector<16xf32>
      %swap3A_343 = vector.shape_cast %mul3A_330 : vector<16xf32> to vector<1x16xf32>
      tpu.vector_store %arg8[%swap3A_339, %swap3A_340], %swap3A_343 {strides = array<i32>} : memref<4x1024xf32, #tpu.memory_space<vmem>>, vector<1x16xf32>,
      %mul3A_344 = arith.mulf %scan3A_156#11, %scan3A_156#11 : vector<16xf32>
      %mul3A_345 = arith.constant -5.000000e-01 : f32
      %mul3A_346 = vector.broadcast %mul3A_345 : f32 to vector<16xf32>
      %mul3A_347 = arith.mulf %mul3A_344, %mul3A_346 : vector<16xf32>
      %add3A_348 = arith.constant 1 : i32
      %add3A_349 = arith.addi %mul3A_72, %add3A_348 : i32
      %add3A_350 = arith.constant 32 : i32
      %add3A_351 = arith.addi %add3A_350, %mul3A_88 : i32
      %add3A_352 = arith.constant 3 : i32
      %add3A_353 = arith.addi %add3A_351, %add3A_352 : i32
      %mul3A_354 = arith.constant 16 : i32
      %mul3A_355 = arith.muli %add3A_353, %mul3A_354 : i32
      %swap3A_356 = arith.index_cast %add3A_349 : i32 to index
      %swap3A_357 = arith.index_cast %mul3A_355 : i32 to index
      %swap3A_358 = tpu.vector_load %arg8[%swap3A_356, %swap3A_357] {strides = array<i32>} : memref<4x1024xf32, #tpu.memory_space<vmem>>, vector<1x16xf32>,
      %swap3A_359 = vector.shape_cast %swap3A_358 : vector<1x16xf32> to vector<16xf32>
      %swap3A_360 = vector.shape_cast %mul3A_347 : vector<16xf32> to vector<1x16xf32>
      tpu.vector_store %arg8[%swap3A_356, %swap3A_357], %swap3A_360 {strides = array<i32>} : memref<4x1024xf32, #tpu.memory_space<vmem>>, vector<1x16xf32>,
      %mul3A_361 = arith.mulf %scan3A_156#12, %scan3A_156#12 : vector<16xf32>
      %mul3A_362 = arith.constant -5.000000e-01 : f32
      %mul3A_363 = vector.broadcast %mul3A_362 : f32 to vector<16xf32>
      %mul3A_364 = arith.mulf %mul3A_361, %mul3A_363 : vector<16xf32>
      %add3A_365 = arith.constant 1 : i32
      %add3A_366 = arith.addi %mul3A_72, %add3A_365 : i32
      %add3A_367 = arith.constant 32 : i32
      %add3A_368 = arith.addi %add3A_367, %mul3A_88 : i32
      %add3A_369 = arith.constant 4 : i32
      %add3A_370 = arith.addi %add3A_368, %add3A_369 : i32
      %mul3A_371 = arith.constant 16 : i32
      %mul3A_372 = arith.muli %add3A_370, %mul3A_371 : i32
      %swap3A_373 = arith.index_cast %add3A_366 : i32 to index
      %swap3A_374 = arith.index_cast %mul3A_372 : i32 to index
      %swap3A_375 = tpu.vector_load %arg8[%swap3A_373, %swap3A_374] {strides = array<i32>} : memref<4x1024xf32, #tpu.memory_space<vmem>>, vector<1x16xf32>,
      %swap3A_376 = vector.shape_cast %swap3A_375 : vector<1x16xf32> to vector<16xf32>
      %swap3A_377 = vector.shape_cast %mul3A_364 : vector<16xf32> to vector<1x16xf32>
      tpu.vector_store %arg8[%swap3A_373, %swap3A_374], %swap3A_377 {strides = array<i32>} : memref<4x1024xf32, #tpu.memory_space<vmem>>, vector<1x16xf32>,
      %mul3A_378 = arith.mulf %scan3A_156#13, %scan3A_156#13 : vector<16xf32>
      %mul3A_379 = arith.constant -5.000000e-01 : f32
      %mul3A_380 = vector.broadcast %mul3A_379 : f32 to vector<16xf32>
      %mul3A_381 = arith.mulf %mul3A_378, %mul3A_380 : vector<16xf32>
      %add3A_382 = arith.constant 1 : i32
      %add3A_383 = arith.addi %mul3A_72, %add3A_382 : i32
      %add3A_384 = arith.constant 32 : i32
      %add3A_385 = arith.addi %add3A_384, %mul3A_88 : i32
      %add3A_386 = arith.constant 5 : i32
      %add3A_387 = arith.addi %add3A_385, %add3A_386 : i32
      %mul3A_388 = arith.constant 16 : i32
      %mul3A_389 = arith.muli %add3A_387, %mul3A_388 : i32
      %swap3A_390 = arith.index_cast %add3A_383 : i32 to index
      %swap3A_391 = arith.index_cast %mul3A_389 : i32 to index
      %swap3A_392 = tpu.vector_load %arg8[%swap3A_390, %swap3A_391] {strides = array<i32>} : memref<4x1024xf32, #tpu.memory_space<vmem>>, vector<1x16xf32>,
      %swap3A_393 = vector.shape_cast %swap3A_392 : vector<1x16xf32> to vector<16xf32>
      %swap3A_394 = vector.shape_cast %mul3A_381 : vector<16xf32> to vector<1x16xf32>
      tpu.vector_store %arg8[%swap3A_390, %swap3A_391], %swap3A_394 {strides = array<i32>} : memref<4x1024xf32, #tpu.memory_space<vmem>>, vector<1x16xf32>,
      %mul3A_395 = arith.mulf %scan3A_156#14, %scan3A_156#14 : vector<16xf32>
      %mul3A_396 = arith.constant -5.000000e-01 : f32
      %mul3A_397 = vector.broadcast %mul3A_396 : f32 to vector<16xf32>
      %mul3A_398 = arith.mulf %mul3A_395, %mul3A_397 : vector<16xf32>
      %add3A_399 = arith.constant 1 : i32
      %add3A_400 = arith.addi %mul3A_72, %add3A_399 : i32
      %add3A_401 = arith.constant 32 : i32
      %add3A_402 = arith.addi %add3A_401, %mul3A_88 : i32
      %add3A_403 = arith.constant 6 : i32
      %add3A_404 = arith.addi %add3A_402, %add3A_403 : i32
      %mul3A_405 = arith.constant 16 : i32
      %mul3A_406 = arith.muli %add3A_404, %mul3A_405 : i32
      %swap3A_407 = arith.index_cast %add3A_400 : i32 to index
      %swap3A_408 = arith.index_cast %mul3A_406 : i32 to index
      %swap3A_409 = tpu.vector_load %arg8[%swap3A_407, %swap3A_408] {strides = array<i32>} : memref<4x1024xf32, #tpu.memory_space<vmem>>, vector<1x16xf32>,
      %swap3A_410 = vector.shape_cast %swap3A_409 : vector<1x16xf32> to vector<16xf32>
      %swap3A_411 = vector.shape_cast %mul3A_398 : vector<16xf32> to vector<1x16xf32>
      tpu.vector_store %arg8[%swap3A_407, %swap3A_408], %swap3A_411 {strides = array<i32>} : memref<4x1024xf32, #tpu.memory_space<vmem>>, vector<1x16xf32>,
      %mul3A_412 = arith.mulf %scan3A_156#15, %scan3A_156#15 : vector<16xf32>
      %mul3A_413 = arith.constant -5.000000e-01 : f32
      %mul3A_414 = vector.broadcast %mul3A_413 : f32 to vector<16xf32>
      %mul3A_415 = arith.mulf %mul3A_412, %mul3A_414 : vector<16xf32>
      %add3A_416 = arith.constant 1 : i32
      %add3A_417 = arith.addi %mul3A_72, %add3A_416 : i32
      %add3A_418 = arith.constant 32 : i32
      %add3A_419 = arith.addi %add3A_418, %mul3A_88 : i32
      %add3A_420 = arith.constant 7 : i32
      %add3A_421 = arith.addi %add3A_419, %add3A_420 : i32
      %mul3A_422 = arith.constant 16 : i32
      %mul3A_423 = arith.muli %add3A_421, %mul3A_422 : i32
      %swap3A_424 = arith.index_cast %add3A_417 : i32 to index
      %swap3A_425 = arith.index_cast %mul3A_423 : i32 to index
      %swap3A_426 = tpu.vector_load %arg8[%swap3A_424, %swap3A_425] {strides = array<i32>} : memref<4x1024xf32, #tpu.memory_space<vmem>>, vector<1x16xf32>,
      %swap3A_427 = vector.shape_cast %swap3A_426 : vector<1x16xf32> to vector<16xf32>
      %swap3A_428 = vector.shape_cast %mul3A_415 : vector<16xf32> to vector<1x16xf32>
      tpu.vector_store %arg8[%swap3A_424, %swap3A_425], %swap3A_428 {strides = array<i32>} : memref<4x1024xf32, #tpu.memory_space<vmem>>, vector<1x16xf32>,
      %mul3A_429 = arith.mulf %scan3A_156#16, %scan3A_156#16 : vector<16xf32>
      %mul3A_430 = arith.constant -5.000000e-01 : f32
      %mul3A_431 = vector.broadcast %mul3A_430 : f32 to vector<16xf32>
      %mul3A_432 = arith.mulf %mul3A_429, %mul3A_431 : vector<16xf32>
      %add3A_433 = arith.constant 2 : i32
      %add3A_434 = arith.addi %mul3A_72, %add3A_433 : i32
      %add3A_435 = arith.constant 32 : i32
      %add3A_436 = arith.addi %add3A_435, %mul3A_88 : i32
      %add3A_437 = arith.constant 0 : i32
      %add3A_438 = arith.addi %add3A_436, %add3A_437 : i32
      %mul3A_439 = arith.constant 16 : i32
      %mul3A_440 = arith.muli %add3A_438, %mul3A_439 : i32
      %swap3A_441 = arith.index_cast %add3A_434 : i32 to index
      %swap3A_442 = arith.index_cast %mul3A_440 : i32 to index
      %swap3A_443 = tpu.vector_load %arg8[%swap3A_441, %swap3A_442] {strides = array<i32>} : memref<4x1024xf32, #tpu.memory_space<vmem>>, vector<1x16xf32>,
      %swap3A_444 = vector.shape_cast %swap3A_443 : vector<1x16xf32> to vector<16xf32>
      %swap3A_445 = vector.shape_cast %mul3A_432 : vector<16xf32> to vector<1x16xf32>
      tpu.vector_store %arg8[%swap3A_441, %swap3A_442], %swap3A_445 {strides = array<i32>} : memref<4x1024xf32, #tpu.memory_space<vmem>>, vector<1x16xf32>,
      %mul3A_446 = arith.mulf %scan3A_156#17, %scan3A_156#17 : vector<16xf32>
      %mul3A_447 = arith.constant -5.000000e-01 : f32
      %mul3A_448 = vector.broadcast %mul3A_447 : f32 to vector<16xf32>
      %mul3A_449 = arith.mulf %mul3A_446, %mul3A_448 : vector<16xf32>
      %add3A_450 = arith.constant 2 : i32
      %add3A_451 = arith.addi %mul3A_72, %add3A_450 : i32
      %add3A_452 = arith.constant 32 : i32
      %add3A_453 = arith.addi %add3A_452, %mul3A_88 : i32
      %add3A_454 = arith.constant 1 : i32
      %add3A_455 = arith.addi %add3A_453, %add3A_454 : i32
      %mul3A_456 = arith.constant 16 : i32
      %mul3A_457 = arith.muli %add3A_455, %mul3A_456 : i32
      %swap3A_458 = arith.index_cast %add3A_451 : i32 to index
      %swap3A_459 = arith.index_cast %mul3A_457 : i32 to index
      %swap3A_460 = tpu.vector_load %arg8[%swap3A_458, %swap3A_459] {strides = array<i32>} : memref<4x1024xf32, #tpu.memory_space<vmem>>, vector<1x16xf32>,
      %swap3A_461 = vector.shape_cast %swap3A_460 : vector<1x16xf32> to vector<16xf32>
      %swap3A_462 = vector.shape_cast %mul3A_449 : vector<16xf32> to vector<1x16xf32>
      tpu.vector_store %arg8[%swap3A_458, %swap3A_459], %swap3A_462 {strides = array<i32>} : memref<4x1024xf32, #tpu.memory_space<vmem>>, vector<1x16xf32>,
      %mul3A_463 = arith.mulf %scan3A_156#18, %scan3A_156#18 : vector<16xf32>
      %mul3A_464 = arith.constant -5.000000e-01 : f32
      %mul3A_465 = vector.broadcast %mul3A_464 : f32 to vector<16xf32>
      %mul3A_466 = arith.mulf %mul3A_463, %mul3A_465 : vector<16xf32>
      %add3A_467 = arith.constant 2 : i32
      %add3A_468 = arith.addi %mul3A_72, %add3A_467 : i32
      %add3A_469 = arith.constant 32 : i32
      %add3A_470 = arith.addi %add3A_469, %mul3A_88 : i32
      %add3A_471 = arith.constant 2 : i32
      %add3A_472 = arith.addi %add3A_470, %add3A_471 : i32
      %mul3A_473 = arith.constant 16 : i32
      %mul3A_474 = arith.muli %add3A_472, %mul3A_473 : i32
      %swap3A_475 = arith.index_cast %add3A_468 : i32 to index
      %swap3A_476 = arith.index_cast %mul3A_474 : i32 to index
      %swap3A_477 = tpu.vector_load %arg8[%swap3A_475, %swap3A_476] {strides = array<i32>} : memref<4x1024xf32, #tpu.memory_space<vmem>>, vector<1x16xf32>,
      %swap3A_478 = vector.shape_cast %swap3A_477 : vector<1x16xf32> to vector<16xf32>
      %swap3A_479 = vector.shape_cast %mul3A_466 : vector<16xf32> to vector<1x16xf32>
      tpu.vector_store %arg8[%swap3A_475, %swap3A_476], %swap3A_479 {strides = array<i32>} : memref<4x1024xf32, #tpu.memory_space<vmem>>, vector<1x16xf32>,
      %mul3A_480 = arith.mulf %scan3A_156#19, %scan3A_156#19 : vector<16xf32>
      %mul3A_481 = arith.constant -5.000000e-01 : f32
      %mul3A_482 = vector.broadcast %mul3A_481 : f32 to vector<16xf32>
      %mul3A_483 = arith.mulf %mul3A_480, %mul3A_482 : vector<16xf32>
      %add3A_484 = arith.constant 2 : i32
      %add3A_485 = arith.addi %mul3A_72, %add3A_484 : i32
      %add3A_486 = arith.constant 32 : i32
      %add3A_487 = arith.addi %add3A_486, %mul3A_88 : i32
      %add3A_488 = arith.constant 3 : i32
      %add3A_489 = arith.addi %add3A_487, %add3A_488 : i32
      %mul3A_490 = arith.constant 16 : i32
      %mul3A_491 = arith.muli %add3A_489, %mul3A_490 : i32
      %swap3A_492 = arith.index_cast %add3A_485 : i32 to index
      %swap3A_493 = arith.index_cast %mul3A_491 : i32 to index
      %swap3A_494 = tpu.vector_load %arg8[%swap3A_492, %swap3A_493] {strides = array<i32>} : memref<4x1024xf32, #tpu.memory_space<vmem>>, vector<1x16xf32>,
      %swap3A_495 = vector.shape_cast %swap3A_494 : vector<1x16xf32> to vector<16xf32>
      %swap3A_496 = vector.shape_cast %mul3A_483 : vector<16xf32> to vector<1x16xf32>
      tpu.vector_store %arg8[%swap3A_492, %swap3A_493], %swap3A_496 {strides = array<i32>} : memref<4x1024xf32, #tpu.memory_space<vmem>>, vector<1x16xf32>,
      %mul3A_497 = arith.mulf %scan3A_156#20, %scan3A_156#20 : vector<16xf32>
      %mul3A_498 = arith.constant -5.000000e-01 : f32
      %mul3A_499 = vector.broadcast %mul3A_498 : f32 to vector<16xf32>
      %mul3A_500 = arith.mulf %mul3A_497, %mul3A_499 : vector<16xf32>
      %add3A_501 = arith.constant 2 : i32
      %add3A_502 = arith.addi %mul3A_72, %add3A_501 : i32
      %add3A_503 = arith.constant 32 : i32
      %add3A_504 = arith.addi %add3A_503, %mul3A_88 : i32
      %add3A_505 = arith.constant 4 : i32
      %add3A_506 = arith.addi %add3A_504, %add3A_505 : i32
      %mul3A_507 = arith.constant 16 : i32
      %mul3A_508 = arith.muli %add3A_506, %mul3A_507 : i32
      %swap3A_509 = arith.index_cast %add3A_502 : i32 to index
      %swap3A_510 = arith.index_cast %mul3A_508 : i32 to index
      %swap3A_511 = tpu.vector_load %arg8[%swap3A_509, %swap3A_510] {strides = array<i32>} : memref<4x1024xf32, #tpu.memory_space<vmem>>, vector<1x16xf32>,
      %swap3A_512 = vector.shape_cast %swap3A_511 : vector<1x16xf32> to vector<16xf32>
      %swap3A_513 = vector.shape_cast %mul3A_500 : vector<16xf32> to vector<1x16xf32>
      tpu.vector_store %arg8[%swap3A_509, %swap3A_510], %swap3A_513 {strides = array<i32>} : memref<4x1024xf32, #tpu.memory_space<vmem>>, vector<1x16xf32>,
      %mul3A_514 = arith.mulf %scan3A_156#21, %scan3A_156#21 : vector<16xf32>
      %mul3A_515 = arith.constant -5.000000e-01 : f32
      %mul3A_516 = vector.broadcast %mul3A_515 : f32 to vector<16xf32>
      %mul3A_517 = arith.mulf %mul3A_514, %mul3A_516 : vector<16xf32>
      %add3A_518 = arith.constant 2 : i32
      %add3A_519 = arith.addi %mul3A_72, %add3A_518 : i32
      %add3A_520 = arith.constant 32 : i32
      %add3A_521 = arith.addi %add3A_520, %mul3A_88 : i32
      %add3A_522 = arith.constant 5 : i32
      %add3A_523 = arith.addi %add3A_521, %add3A_522 : i32
      %mul3A_524 = arith.constant 16 : i32
      %mul3A_525 = arith.muli %add3A_523, %mul3A_524 : i32
      %swap3A_526 = arith.index_cast %add3A_519 : i32 to index
      %swap3A_527 = arith.index_cast %mul3A_525 : i32 to index
      %swap3A_528 = tpu.vector_load %arg8[%swap3A_526, %swap3A_527] {strides = array<i32>} : memref<4x1024xf32, #tpu.memory_space<vmem>>, vector<1x16xf32>,
      %swap3A_529 = vector.shape_cast %swap3A_528 : vector<1x16xf32> to vector<16xf32>
      %swap3A_530 = vector.shape_cast %mul3A_517 : vector<16xf32> to vector<1x16xf32>
      tpu.vector_store %arg8[%swap3A_526, %swap3A_527], %swap3A_530 {strides = array<i32>} : memref<4x1024xf32, #tpu.memory_space<vmem>>, vector<1x16xf32>,
      %mul3A_531 = arith.mulf %scan3A_156#22, %scan3A_156#22 : vector<16xf32>
      %mul3A_532 = arith.constant -5.000000e-01 : f32
      %mul3A_533 = vector.broadcast %mul3A_532 : f32 to vector<16xf32>
      %mul3A_534 = arith.mulf %mul3A_531, %mul3A_533 : vector<16xf32>
      %add3A_535 = arith.constant 2 : i32
      %add3A_536 = arith.addi %mul3A_72, %add3A_535 : i32
      %add3A_537 = arith.constant 32 : i32
      %add3A_538 = arith.addi %add3A_537, %mul3A_88 : i32
      %add3A_539 = arith.constant 6 : i32
      %add3A_540 = arith.addi %add3A_538, %add3A_539 : i32
      %mul3A_541 = arith.constant 16 : i32
      %mul3A_542 = arith.muli %add3A_540, %mul3A_541 : i32
      %swap3A_543 = arith.index_cast %add3A_536 : i32 to index
      %swap3A_544 = arith.index_cast %mul3A_542 : i32 to index
      %swap3A_545 = tpu.vector_load %arg8[%swap3A_543, %swap3A_544] {strides = array<i32>} : memref<4x1024xf32, #tpu.memory_space<vmem>>, vector<1x16xf32>,
      %swap3A_546 = vector.shape_cast %swap3A_545 : vector<1x16xf32> to vector<16xf32>
      %swap3A_547 = vector.shape_cast %mul3A_534 : vector<16xf32> to vector<1x16xf32>
      tpu.vector_store %arg8[%swap3A_543, %swap3A_544], %swap3A_547 {strides = array<i32>} : memref<4x1024xf32, #tpu.memory_space<vmem>>, vector<1x16xf32>,
      %mul3A_548 = arith.mulf %scan3A_156#23, %scan3A_156#23 : vector<16xf32>
      %mul3A_549 = arith.constant -5.000000e-01 : f32
      %mul3A_550 = vector.broadcast %mul3A_549 : f32 to vector<16xf32>
      %mul3A_551 = arith.mulf %mul3A_548, %mul3A_550 : vector<16xf32>
      %add3A_552 = arith.constant 2 : i32
      %add3A_553 = arith.addi %mul3A_72, %add3A_552 : i32
      %add3A_554 = arith.constant 32 : i32
      %add3A_555 = arith.addi %add3A_554, %mul3A_88 : i32
      %add3A_556 = arith.constant 7 : i32
      %add3A_557 = arith.addi %add3A_555, %add3A_556 : i32
      %mul3A_558 = arith.constant 16 : i32
      %mul3A_559 = arith.muli %add3A_557, %mul3A_558 : i32
      %swap3A_560 = arith.index_cast %add3A_553 : i32 to index
      %swap3A_561 = arith.index_cast %mul3A_559 : i32 to index
      %swap3A_562 = tpu.vector_load %arg8[%swap3A_560, %swap3A_561] {strides = array<i32>} : memref<4x1024xf32, #tpu.memory_space<vmem>>, vector<1x16xf32>,
      %swap3A_563 = vector.shape_cast %swap3A_562 : vector<1x16xf32> to vector<16xf32>
      %swap3A_564 = vector.shape_cast %mul3A_551 : vector<16xf32> to vector<1x16xf32>
      tpu.vector_store %arg8[%swap3A_560, %swap3A_561], %swap3A_564 {strides = array<i32>} : memref<4x1024xf32, #tpu.memory_space<vmem>>, vector<1x16xf32>,
      %mul3A_565 = arith.mulf %scan3A_156#24, %scan3A_156#24 : vector<16xf32>
      %mul3A_566 = arith.constant -5.000000e-01 : f32
      %mul3A_567 = vector.broadcast %mul3A_566 : f32 to vector<16xf32>
      %mul3A_568 = arith.mulf %mul3A_565, %mul3A_567 : vector<16xf32>
      %add3A_569 = arith.constant 3 : i32
      %add3A_570 = arith.addi %mul3A_72, %add3A_569 : i32
      %add3A_571 = arith.constant 32 : i32
      %add3A_572 = arith.addi %add3A_571, %mul3A_88 : i32
      %add3A_573 = arith.constant 0 : i32
      %add3A_574 = arith.addi %add3A_572, %add3A_573 : i32
      %mul3A_575 = arith.constant 16 : i32
      %mul3A_576 = arith.muli %add3A_574, %mul3A_575 : i32
      %swap3A_577 = arith.index_cast %add3A_570 : i32 to index
      %swap3A_578 = arith.index_cast %mul3A_576 : i32 to index
      %swap3A_579 = tpu.vector_load %arg8[%swap3A_577, %swap3A_578] {strides = array<i32>} : memref<4x1024xf32, #tpu.memory_space<vmem>>, vector<1x16xf32>,
      %swap3A_580 = vector.shape_cast %swap3A_579 : vector<1x16xf32> to vector<16xf32>
      %swap3A_581 = vector.shape_cast %mul3A_568 : vector<16xf32> to vector<1x16xf32>
      tpu.vector_store %arg8[%swap3A_577, %swap3A_578], %swap3A_581 {strides = array<i32>} : memref<4x1024xf32, #tpu.memory_space<vmem>>, vector<1x16xf32>,
      %mul3A_582 = arith.mulf %scan3A_156#25, %scan3A_156#25 : vector<16xf32>
      %mul3A_583 = arith.constant -5.000000e-01 : f32
      %mul3A_584 = vector.broadcast %mul3A_583 : f32 to vector<16xf32>
      %mul3A_585 = arith.mulf %mul3A_582, %mul3A_584 : vector<16xf32>
      %add3A_586 = arith.constant 3 : i32
      %add3A_587 = arith.addi %mul3A_72, %add3A_586 : i32
      %add3A_588 = arith.constant 32 : i32
      %add3A_589 = arith.addi %add3A_588, %mul3A_88 : i32
      %add3A_590 = arith.constant 1 : i32
      %add3A_591 = arith.addi %add3A_589, %add3A_590 : i32
      %mul3A_592 = arith.constant 16 : i32
      %mul3A_593 = arith.muli %add3A_591, %mul3A_592 : i32
      %swap3A_594 = arith.index_cast %add3A_587 : i32 to index
      %swap3A_595 = arith.index_cast %mul3A_593 : i32 to index
      %swap3A_596 = tpu.vector_load %arg8[%swap3A_594, %swap3A_595] {strides = array<i32>} : memref<4x1024xf32, #tpu.memory_space<vmem>>, vector<1x16xf32>,
      %swap3A_597 = vector.shape_cast %swap3A_596 : vector<1x16xf32> to vector<16xf32>
      %swap3A_598 = vector.shape_cast %mul3A_585 : vector<16xf32> to vector<1x16xf32>
      tpu.vector_store %arg8[%swap3A_594, %swap3A_595], %swap3A_598 {strides = array<i32>} : memref<4x1024xf32, #tpu.memory_space<vmem>>, vector<1x16xf32>,
      %mul3A_599 = arith.mulf %scan3A_156#26, %scan3A_156#26 : vector<16xf32>
      %mul3A_600 = arith.constant -5.000000e-01 : f32
      %mul3A_601 = vector.broadcast %mul3A_600 : f32 to vector<16xf32>
      %mul3A_602 = arith.mulf %mul3A_599, %mul3A_601 : vector<16xf32>
      %add3A_603 = arith.constant 3 : i32
      %add3A_604 = arith.addi %mul3A_72, %add3A_603 : i32
      %add3A_605 = arith.constant 32 : i32
      %add3A_606 = arith.addi %add3A_605, %mul3A_88 : i32
      %add3A_607 = arith.constant 2 : i32
      %add3A_608 = arith.addi %add3A_606, %add3A_607 : i32
      %mul3A_609 = arith.constant 16 : i32
      %mul3A_610 = arith.muli %add3A_608, %mul3A_609 : i32
      %swap3A_611 = arith.index_cast %add3A_604 : i32 to index
      %swap3A_612 = arith.index_cast %mul3A_610 : i32 to index
      %swap3A_613 = tpu.vector_load %arg8[%swap3A_611, %swap3A_612] {strides = array<i32>} : memref<4x1024xf32, #tpu.memory_space<vmem>>, vector<1x16xf32>,
      %swap3A_614 = vector.shape_cast %swap3A_613 : vector<1x16xf32> to vector<16xf32>
      %swap3A_615 = vector.shape_cast %mul3A_602 : vector<16xf32> to vector<1x16xf32>
      tpu.vector_store %arg8[%swap3A_611, %swap3A_612], %swap3A_615 {strides = array<i32>} : memref<4x1024xf32, #tpu.memory_space<vmem>>, vector<1x16xf32>,
      %mul3A_616 = arith.mulf %scan3A_156#27, %scan3A_156#27 : vector<16xf32>
      %mul3A_617 = arith.constant -5.000000e-01 : f32
      %mul3A_618 = vector.broadcast %mul3A_617 : f32 to vector<16xf32>
      %mul3A_619 = arith.mulf %mul3A_616, %mul3A_618 : vector<16xf32>
      %add3A_620 = arith.constant 3 : i32
      %add3A_621 = arith.addi %mul3A_72, %add3A_620 : i32
      %add3A_622 = arith.constant 32 : i32
      %add3A_623 = arith.addi %add3A_622, %mul3A_88 : i32
      %add3A_624 = arith.constant 3 : i32
      %add3A_625 = arith.addi %add3A_623, %add3A_624 : i32
      %mul3A_626 = arith.constant 16 : i32
      %mul3A_627 = arith.muli %add3A_625, %mul3A_626 : i32
      %swap3A_628 = arith.index_cast %add3A_621 : i32 to index
      %swap3A_629 = arith.index_cast %mul3A_627 : i32 to index
      %swap3A_630 = tpu.vector_load %arg8[%swap3A_628, %swap3A_629] {strides = array<i32>} : memref<4x1024xf32, #tpu.memory_space<vmem>>, vector<1x16xf32>,
      %swap3A_631 = vector.shape_cast %swap3A_630 : vector<1x16xf32> to vector<16xf32>
      %swap3A_632 = vector.shape_cast %mul3A_619 : vector<16xf32> to vector<1x16xf32>
      tpu.vector_store %arg8[%swap3A_628, %swap3A_629], %swap3A_632 {strides = array<i32>} : memref<4x1024xf32, #tpu.memory_space<vmem>>, vector<1x16xf32>,
      %mul3A_633 = arith.mulf %scan3A_156#28, %scan3A_156#28 : vector<16xf32>
      %mul3A_634 = arith.constant -5.000000e-01 : f32
      %mul3A_635 = vector.broadcast %mul3A_634 : f32 to vector<16xf32>
      %mul3A_636 = arith.mulf %mul3A_633, %mul3A_635 : vector<16xf32>
      %add3A_637 = arith.constant 3 : i32
      %add3A_638 = arith.addi %mul3A_72, %add3A_637 : i32
      %add3A_639 = arith.constant 32 : i32
      %add3A_640 = arith.addi %add3A_639, %mul3A_88 : i32
      %add3A_641 = arith.constant 4 : i32
      %add3A_642 = arith.addi %add3A_640, %add3A_641 : i32
      %mul3A_643 = arith.constant 16 : i32
      %mul3A_644 = arith.muli %add3A_642, %mul3A_643 : i32
      %swap3A_645 = arith.index_cast %add3A_638 : i32 to index
      %swap3A_646 = arith.index_cast %mul3A_644 : i32 to index
      %swap3A_647 = tpu.vector_load %arg8[%swap3A_645, %swap3A_646] {strides = array<i32>} : memref<4x1024xf32, #tpu.memory_space<vmem>>, vector<1x16xf32>,
      %swap3A_648 = vector.shape_cast %swap3A_647 : vector<1x16xf32> to vector<16xf32>
      %swap3A_649 = vector.shape_cast %mul3A_636 : vector<16xf32> to vector<1x16xf32>
      tpu.vector_store %arg8[%swap3A_645, %swap3A_646], %swap3A_649 {strides = array<i32>} : memref<4x1024xf32, #tpu.memory_space<vmem>>, vector<1x16xf32>,
      %mul3A_650 = arith.mulf %scan3A_156#29, %scan3A_156#29 : vector<16xf32>
      %mul3A_651 = arith.constant -5.000000e-01 : f32
      %mul3A_652 = vector.broadcast %mul3A_651 : f32 to vector<16xf32>
      %mul3A_653 = arith.mulf %mul3A_650, %mul3A_652 : vector<16xf32>
      %add3A_654 = arith.constant 3 : i32
      %add3A_655 = arith.addi %mul3A_72, %add3A_654 : i32
      %add3A_656 = arith.constant 32 : i32
      %add3A_657 = arith.addi %add3A_656, %mul3A_88 : i32
      %add3A_658 = arith.constant 5 : i32
      %add3A_659 = arith.addi %add3A_657, %add3A_658 : i32
      %mul3A_660 = arith.constant 16 : i32
      %mul3A_661 = arith.muli %add3A_659, %mul3A_660 : i32
      %swap3A_662 = arith.index_cast %add3A_655 : i32 to index
      %swap3A_663 = arith.index_cast %mul3A_661 : i32 to index
      %swap3A_664 = tpu.vector_load %arg8[%swap3A_662, %swap3A_663] {strides = array<i32>} : memref<4x1024xf32, #tpu.memory_space<vmem>>, vector<1x16xf32>,
      %swap3A_665 = vector.shape_cast %swap3A_664 : vector<1x16xf32> to vector<16xf32>
      %swap3A_666 = vector.shape_cast %mul3A_653 : vector<16xf32> to vector<1x16xf32>
      tpu.vector_store %arg8[%swap3A_662, %swap3A_663], %swap3A_666 {strides = array<i32>} : memref<4x1024xf32, #tpu.memory_space<vmem>>, vector<1x16xf32>,
      %mul3A_667 = arith.mulf %scan3A_156#30, %scan3A_156#30 : vector<16xf32>
      %mul3A_668 = arith.constant -5.000000e-01 : f32
      %mul3A_669 = vector.broadcast %mul3A_668 : f32 to vector<16xf32>
      %mul3A_670 = arith.mulf %mul3A_667, %mul3A_669 : vector<16xf32>
      %add3A_671 = arith.constant 3 : i32
      %add3A_672 = arith.addi %mul3A_72, %add3A_671 : i32
      %add3A_673 = arith.constant 32 : i32
      %add3A_674 = arith.addi %add3A_673, %mul3A_88 : i32
      %add3A_675 = arith.constant 6 : i32
      %add3A_676 = arith.addi %add3A_674, %add3A_675 : i32
      %mul3A_677 = arith.constant 16 : i32
      %mul3A_678 = arith.muli %add3A_676, %mul3A_677 : i32
      %swap3A_679 = arith.index_cast %add3A_672 : i32 to index
      %swap3A_680 = arith.index_cast %mul3A_678 : i32 to index
      %swap3A_681 = tpu.vector_load %arg8[%swap3A_679, %swap3A_680] {strides = array<i32>} : memref<4x1024xf32, #tpu.memory_space<vmem>>, vector<1x16xf32>,
      %swap3A_682 = vector.shape_cast %swap3A_681 : vector<1x16xf32> to vector<16xf32>
      %swap3A_683 = vector.shape_cast %mul3A_670 : vector<16xf32> to vector<1x16xf32>
      tpu.vector_store %arg8[%swap3A_679, %swap3A_680], %swap3A_683 {strides = array<i32>} : memref<4x1024xf32, #tpu.memory_space<vmem>>, vector<1x16xf32>,
      %mul3A_684 = arith.mulf %scan3A_156#31, %scan3A_156#31 : vector<16xf32>
      %mul3A_685 = arith.constant -5.000000e-01 : f32
      %mul3A_686 = vector.broadcast %mul3A_685 : f32 to vector<16xf32>
      %mul3A_687 = arith.mulf %mul3A_684, %mul3A_686 : vector<16xf32>
      %add3A_688 = arith.constant 3 : i32
      %add3A_689 = arith.addi %mul3A_72, %add3A_688 : i32
      %add3A_690 = arith.constant 32 : i32
      %add3A_691 = arith.addi %add3A_690, %mul3A_88 : i32
      %add3A_692 = arith.constant 7 : i32
      %add3A_693 = arith.addi %add3A_691, %add3A_692 : i32
      %mul3A_694 = arith.constant 16 : i32
      %mul3A_695 = arith.muli %add3A_693, %mul3A_694 : i32
      %swap3A_696 = arith.index_cast %add3A_689 : i32 to index
      %swap3A_697 = arith.index_cast %mul3A_695 : i32 to index
      %swap3A_698 = tpu.vector_load %arg8[%swap3A_696, %swap3A_697] {strides = array<i32>} : memref<4x1024xf32, #tpu.memory_space<vmem>>, vector<1x16xf32>,
      %swap3A_699 = vector.shape_cast %swap3A_698 : vector<1x16xf32> to vector<16xf32>
      %swap3A_700 = vector.shape_cast %mul3A_687 : vector<16xf32> to vector<1x16xf32>
      tpu.vector_store %arg8[%swap3A_696, %swap3A_697], %swap3A_700 {strides = array<i32>} : memref<4x1024xf32, #tpu.memory_space<vmem>>, vector<1x16xf32>,
    }
    %scan3A_47 = arith.constant 4 : i32
    %scan3A_48 = arith.constant 0 : i32
    %scan3A_49 = arith.constant 0 : i32
    %scan3A_50 = arith.constant 4 : i32
    %scan3A_51 = arith.addi %scan3A_49, %scan3A_50 : i32
    %scan3A_52 = arith.constant 1 : i32
    scf.for %scan3A_54 = %scan3A_49 to %scan3A_51 step %scan3A_52  : i32 {
      %broadcast_in_dim3A = arith.constant -1.000000e+30 : f32
      %broadcast_in_dim3A_55 = vector.broadcast %broadcast_in_dim3A : f32 to vector<16xf32>
      %scan3A_56 = arith.constant 0 : i32
      %scan3A_57 = arith.constant 8 : i32
      %scan3A_58 = arith.addi %scan3A_56, %scan3A_57 : i32
      %scan3A_59 = arith.constant 1 : i32
      %scan3A_60 = scf.for %scan3A_156 = %scan3A_56 to %scan3A_58 step %scan3A_59 iter_args(%scan3A_157 = %broadcast_in_dim3A_55) -> (vector<16xf32>)  : i32 {
        %mul3A_158 = arith.constant 8 : i32
        %mul3A_159 = arith.muli %scan3A_156, %mul3A_158 : i32
        %add3A_160 = arith.constant 0 : i32
        %add3A_161 = arith.addi %mul3A_159, %add3A_160 : i32
        %mul3A_162 = arith.constant 16 : i32
        %mul3A_163 = arith.muli %add3A_161, %mul3A_162 : i32
        %get3A = arith.index_cast %scan3A_54 : i32 to index
        %get3A_164 = arith.index_cast %mul3A_163 : i32 to index
        %get3A_165 = tpu.vector_load %arg8[%get3A, %get3A_164] {strides = array<i32>} : memref<4x1024xf32, #tpu.memory_space<vmem>>, vector<1x16xf32>,
        %get3A_166 = vector.shape_cast %get3A_165 : vector<1x16xf32> to vector<16xf32>
        %max3A_167 = arith.maximumf %scan3A_157, %get3A_166 : vector<16xf32>
        %mul3A_168 = arith.constant 8 : i32
        %mul3A_169 = arith.muli %scan3A_156, %mul3A_168 : i32
        %add3A_170 = arith.constant 1 : i32
        %add3A_171 = arith.addi %mul3A_169, %add3A_170 : i32
        %mul3A_172 = arith.constant 16 : i32
        %mul3A_173 = arith.muli %add3A_171, %mul3A_172 : i32
        %get3A_174 = arith.index_cast %scan3A_54 : i32 to index
        %get3A_175 = arith.index_cast %mul3A_173 : i32 to index
        %get3A_176 = tpu.vector_load %arg8[%get3A_174, %get3A_175] {strides = array<i32>} : memref<4x1024xf32, #tpu.memory_space<vmem>>, vector<1x16xf32>,
        %get3A_177 = vector.shape_cast %get3A_176 : vector<1x16xf32> to vector<16xf32>
        %max3A_178 = arith.maximumf %max3A_167, %get3A_177 : vector<16xf32>
        %mul3A_179 = arith.constant 8 : i32
        %mul3A_180 = arith.muli %scan3A_156, %mul3A_179 : i32
        %add3A_181 = arith.constant 2 : i32
        %add3A_182 = arith.addi %mul3A_180, %add3A_181 : i32
        %mul3A_183 = arith.constant 16 : i32
        %mul3A_184 = arith.muli %add3A_182, %mul3A_183 : i32
        %get3A_185 = arith.index_cast %scan3A_54 : i32 to index
        %get3A_186 = arith.index_cast %mul3A_184 : i32 to index
        %get3A_187 = tpu.vector_load %arg8[%get3A_185, %get3A_186] {strides = array<i32>} : memref<4x1024xf32, #tpu.memory_space<vmem>>, vector<1x16xf32>,
        %get3A_188 = vector.shape_cast %get3A_187 : vector<1x16xf32> to vector<16xf32>
        %max3A_189 = arith.maximumf %max3A_178, %get3A_188 : vector<16xf32>
        %mul3A_190 = arith.constant 8 : i32
        %mul3A_191 = arith.muli %scan3A_156, %mul3A_190 : i32
        %add3A_192 = arith.constant 3 : i32
        %add3A_193 = arith.addi %mul3A_191, %add3A_192 : i32
        %mul3A_194 = arith.constant 16 : i32
        %mul3A_195 = arith.muli %add3A_193, %mul3A_194 : i32
        %get3A_196 = arith.index_cast %scan3A_54 : i32 to index
        %get3A_197 = arith.index_cast %mul3A_195 : i32 to index
        %get3A_198 = tpu.vector_load %arg8[%get3A_196, %get3A_197] {strides = array<i32>} : memref<4x1024xf32, #tpu.memory_space<vmem>>, vector<1x16xf32>,
        %get3A_199 = vector.shape_cast %get3A_198 : vector<1x16xf32> to vector<16xf32>
        %max3A_200 = arith.maximumf %max3A_189, %get3A_199 : vector<16xf32>
        %mul3A_201 = arith.constant 8 : i32
        %mul3A_202 = arith.muli %scan3A_156, %mul3A_201 : i32
        %add3A_203 = arith.constant 4 : i32
        %add3A_204 = arith.addi %mul3A_202, %add3A_203 : i32
        %mul3A_205 = arith.constant 16 : i32
        %mul3A_206 = arith.muli %add3A_204, %mul3A_205 : i32
        %get3A_207 = arith.index_cast %scan3A_54 : i32 to index
        %get3A_208 = arith.index_cast %mul3A_206 : i32 to index
        %get3A_209 = tpu.vector_load %arg8[%get3A_207, %get3A_208] {strides = array<i32>} : memref<4x1024xf32, #tpu.memory_space<vmem>>, vector<1x16xf32>,
        %get3A_210 = vector.shape_cast %get3A_209 : vector<1x16xf32> to vector<16xf32>
        %max3A_211 = arith.maximumf %max3A_200, %get3A_210 : vector<16xf32>
        %mul3A_212 = arith.constant 8 : i32
        %mul3A_213 = arith.muli %scan3A_156, %mul3A_212 : i32
        %add3A_214 = arith.constant 5 : i32
        %add3A_215 = arith.addi %mul3A_213, %add3A_214 : i32
        %mul3A_216 = arith.constant 16 : i32
        %mul3A_217 = arith.muli %add3A_215, %mul3A_216 : i32
        %get3A_218 = arith.index_cast %scan3A_54 : i32 to index
        %get3A_219 = arith.index_cast %mul3A_217 : i32 to index
        %get3A_220 = tpu.vector_load %arg8[%get3A_218, %get3A_219] {strides = array<i32>} : memref<4x1024xf32, #tpu.memory_space<vmem>>, vector<1x16xf32>,
        %get3A_221 = vector.shape_cast %get3A_220 : vector<1x16xf32> to vector<16xf32>
        %max3A_222 = arith.maximumf %max3A_211, %get3A_221 : vector<16xf32>
        %mul3A_223 = arith.constant 8 : i32
        %mul3A_224 = arith.muli %scan3A_156, %mul3A_223 : i32
        %add3A_225 = arith.constant 6 : i32
        %add3A_226 = arith.addi %mul3A_224, %add3A_225 : i32
        %mul3A_227 = arith.constant 16 : i32
        %mul3A_228 = arith.muli %add3A_226, %mul3A_227 : i32
        %get3A_229 = arith.index_cast %scan3A_54 : i32 to index
        %get3A_230 = arith.index_cast %mul3A_228 : i32 to index
        %get3A_231 = tpu.vector_load %arg8[%get3A_229, %get3A_230] {strides = array<i32>} : memref<4x1024xf32, #tpu.memory_space<vmem>>, vector<1x16xf32>,
        %get3A_232 = vector.shape_cast %get3A_231 : vector<1x16xf32> to vector<16xf32>
        %max3A_233 = arith.maximumf %max3A_222, %get3A_232 : vector<16xf32>
        %mul3A_234 = arith.constant 8 : i32
        %mul3A_235 = arith.muli %scan3A_156, %mul3A_234 : i32
        %add3A_236 = arith.constant 7 : i32
        %add3A_237 = arith.addi %mul3A_235, %add3A_236 : i32
        %mul3A_238 = arith.constant 16 : i32
        %mul3A_239 = arith.muli %add3A_237, %mul3A_238 : i32
        %get3A_240 = arith.index_cast %scan3A_54 : i32 to index
        %get3A_241 = arith.index_cast %mul3A_239 : i32 to index
        %get3A_242 = tpu.vector_load %arg8[%get3A_240, %get3A_241] {strides = array<i32>} : memref<4x1024xf32, #tpu.memory_space<vmem>>, vector<1x16xf32>,
        %get3A_243 = vector.shape_cast %get3A_242 : vector<1x16xf32> to vector<16xf32>
        %max3A_244 = arith.maximumf %max3A_233, %get3A_243 : vector<16xf32>
        scf.yield %max3A_244 : vector<16xf32>
      }
      %scan3A_61 = arith.constant 8 : i32
      %iota3A = tpu.iota {dimensions = array<i32: 0>} : vector<16xi32>
      %add3A_62 = arith.constant 8 : i32
      %add3A_63 = vector.broadcast %add3A_62 : i32 to vector<16xi32>
      %add3A_64 = arith.addi %iota3A, %add3A_63 : vector<16xi32>
      %and3A = arith.constant 15 : i32
      %and3A_65 = vector.broadcast %and3A : i32 to vector<16xi32>
      %and3A_66 = arith.andi %add3A_64, %and3A_65 : vector<16xi32>
      %broadcast_in_dim3A_67 = vector.shape_cast %and3A_66 : vector<16xi32> to vector<16x1xi32>
      %gather3A = vector.shape_cast %broadcast_in_dim3A_67 : vector<16x1xi32> to vector<16xi32>
      %gather3A_68 = tpu.dynamic_gather %scan3A_60[%gather3A] in [0] : vector<16xf32>, vector<16xi32> -> vector<16xf32>
      %max3A = arith.maximumf %scan3A_60, %gather3A_68 : vector<16xf32>
      %add3A_69 = arith.constant 4 : i32
      %add3A_70 = vector.broadcast %add3A_69 : i32 to vector<16xi32>
      %add3A_71 = arith.addi %iota3A, %add3A_70 : vector<16xi32>
      %and3A_72 = arith.constant 15 : i32
      %and3A_73 = vector.broadcast %and3A_72 : i32 to vector<16xi32>
      %and3A_74 = arith.andi %add3A_71, %and3A_73 : vector<16xi32>
      %broadcast_in_dim3A_75 = vector.shape_cast %and3A_74 : vector<16xi32> to vector<16x1xi32>
      %gather3A_76 = vector.shape_cast %broadcast_in_dim3A_75 : vector<16x1xi32> to vector<16xi32>
      %gather3A_77 = tpu.dynamic_gather %max3A[%gather3A_76] in [0] : vector<16xf32>, vector<16xi32> -> vector<16xf32>
      %max3A_78 = arith.maximumf %max3A, %gather3A_77 : vector<16xf32>
      %add3A_79 = arith.constant 2 : i32
      %add3A_80 = vector.broadcast %add3A_79 : i32 to vector<16xi32>
      %add3A_81 = arith.addi %iota3A, %add3A_80 : vector<16xi32>
      %and3A_82 = arith.constant 15 : i32
      %and3A_83 = vector.broadcast %and3A_82 : i32 to vector<16xi32>
      %and3A_84 = arith.andi %add3A_81, %and3A_83 : vector<16xi32>
      %broadcast_in_dim3A_85 = vector.shape_cast %and3A_84 : vector<16xi32> to vector<16x1xi32>
      %gather3A_86 = vector.shape_cast %broadcast_in_dim3A_85 : vector<16x1xi32> to vector<16xi32>
      %gather3A_87 = tpu.dynamic_gather %max3A_78[%gather3A_86] in [0] : vector<16xf32>, vector<16xi32> -> vector<16xf32>
      %max3A_88 = arith.maximumf %max3A_78, %gather3A_87 : vector<16xf32>
      %add3A_89 = arith.constant 1 : i32
      %add3A_90 = vector.broadcast %add3A_89 : i32 to vector<16xi32>
      %add3A_91 = arith.addi %iota3A, %add3A_90 : vector<16xi32>
      %and3A_92 = arith.constant 15 : i32
      %and3A_93 = vector.broadcast %and3A_92 : i32 to vector<16xi32>
      %and3A_94 = arith.andi %add3A_91, %and3A_93 : vector<16xi32>
      %broadcast_in_dim3A_95 = vector.shape_cast %and3A_94 : vector<16xi32> to vector<16x1xi32>
      %gather3A_96 = vector.shape_cast %broadcast_in_dim3A_95 : vector<16x1xi32> to vector<16xi32>
      %gather3A_97 = tpu.dynamic_gather %max3A_88[%gather3A_96] in [0] : vector<16xf32>, vector<16xi32> -> vector<16xf32>
      %max3A_98 = arith.maximumf %max3A_88, %gather3A_97 : vector<16xf32>
      %broadcast_in_dim3A_99 = arith.constant 0.000000e+00 : f32
      %broadcast_in_dim3A_100 = vector.broadcast %broadcast_in_dim3A_99 : f32 to vector<16xf32>
      %scan3A_101 = arith.constant 0 : i32
      %scan3A_102 = arith.constant 8 : i32
      %scan3A_103 = arith.addi %scan3A_101, %scan3A_102 : i32
      %scan3A_104 = arith.constant 1 : i32
      %scan3A_105 = scf.for %scan3A_156 = %scan3A_101 to %scan3A_103 step %scan3A_104 iter_args(%scan3A_157 = %broadcast_in_dim3A_100) -> (vector<16xf32>)  : i32 {
        %mul3A_158 = arith.constant 8 : i32
        %mul3A_159 = arith.muli %scan3A_156, %mul3A_158 : i32
        %add3A_160 = arith.constant 0 : i32
        %add3A_161 = arith.addi %mul3A_159, %add3A_160 : i32
        %mul3A_162 = arith.constant 16 : i32
        %mul3A_163 = arith.muli %add3A_161, %mul3A_162 : i32
        %get3A = arith.index_cast %scan3A_54 : i32 to index
        %get3A_164 = arith.index_cast %mul3A_163 : i32 to index
        %get3A_165 = tpu.vector_load %arg8[%get3A, %get3A_164] {strides = array<i32>} : memref<4x1024xf32, #tpu.memory_space<vmem>>, vector<1x16xf32>,
        %get3A_166 = vector.shape_cast %get3A_165 : vector<1x16xf32> to vector<16xf32>
        %sub3A = arith.subf %get3A_166, %max3A_98 : vector<16xf32>
        %exp3A = math.exp %sub3A : vector<16xf32>
        %mul3A_167 = arith.constant 16 : i32
        %mul3A_168 = arith.muli %add3A_161, %mul3A_167 : i32
        %swap3A = arith.index_cast %scan3A_54 : i32 to index
        %swap3A_169 = arith.index_cast %mul3A_168 : i32 to index
        %swap3A_170 = tpu.vector_load %arg8[%swap3A, %swap3A_169] {strides = array<i32>} : memref<4x1024xf32, #tpu.memory_space<vmem>>, vector<1x16xf32>,
        %swap3A_171 = vector.shape_cast %swap3A_170 : vector<1x16xf32> to vector<16xf32>
        %swap3A_172 = vector.shape_cast %exp3A : vector<16xf32> to vector<1x16xf32>
        tpu.vector_store %arg8[%swap3A, %swap3A_169], %swap3A_172 {strides = array<i32>} : memref<4x1024xf32, #tpu.memory_space<vmem>>, vector<1x16xf32>,
        %add3A_173 = arith.addf %scan3A_157, %exp3A : vector<16xf32>
        %mul3A_174 = arith.constant 8 : i32
        %mul3A_175 = arith.muli %scan3A_156, %mul3A_174 : i32
        %add3A_176 = arith.constant 1 : i32
        %add3A_177 = arith.addi %mul3A_175, %add3A_176 : i32
        %mul3A_178 = arith.constant 16 : i32
        %mul3A_179 = arith.muli %add3A_177, %mul3A_178 : i32
        %get3A_180 = arith.index_cast %scan3A_54 : i32 to index
        %get3A_181 = arith.index_cast %mul3A_179 : i32 to index
        %get3A_182 = tpu.vector_load %arg8[%get3A_180, %get3A_181] {strides = array<i32>} : memref<4x1024xf32, #tpu.memory_space<vmem>>, vector<1x16xf32>,
        %get3A_183 = vector.shape_cast %get3A_182 : vector<1x16xf32> to vector<16xf32>
        %sub3A_184 = arith.subf %get3A_183, %max3A_98 : vector<16xf32>
        %exp3A_185 = math.exp %sub3A_184 : vector<16xf32>
        %mul3A_186 = arith.constant 16 : i32
        %mul3A_187 = arith.muli %add3A_177, %mul3A_186 : i32
        %swap3A_188 = arith.index_cast %scan3A_54 : i32 to index
        %swap3A_189 = arith.index_cast %mul3A_187 : i32 to index
        %swap3A_190 = tpu.vector_load %arg8[%swap3A_188, %swap3A_189] {strides = array<i32>} : memref<4x1024xf32, #tpu.memory_space<vmem>>, vector<1x16xf32>,
        %swap3A_191 = vector.shape_cast %swap3A_190 : vector<1x16xf32> to vector<16xf32>
        %swap3A_192 = vector.shape_cast %exp3A_185 : vector<16xf32> to vector<1x16xf32>
        tpu.vector_store %arg8[%swap3A_188, %swap3A_189], %swap3A_192 {strides = array<i32>} : memref<4x1024xf32, #tpu.memory_space<vmem>>, vector<1x16xf32>,
        %add3A_193 = arith.addf %add3A_173, %exp3A_185 : vector<16xf32>
        %mul3A_194 = arith.constant 8 : i32
        %mul3A_195 = arith.muli %scan3A_156, %mul3A_194 : i32
        %add3A_196 = arith.constant 2 : i32
        %add3A_197 = arith.addi %mul3A_195, %add3A_196 : i32
        %mul3A_198 = arith.constant 16 : i32
        %mul3A_199 = arith.muli %add3A_197, %mul3A_198 : i32
        %get3A_200 = arith.index_cast %scan3A_54 : i32 to index
        %get3A_201 = arith.index_cast %mul3A_199 : i32 to index
        %get3A_202 = tpu.vector_load %arg8[%get3A_200, %get3A_201] {strides = array<i32>} : memref<4x1024xf32, #tpu.memory_space<vmem>>, vector<1x16xf32>,
        %get3A_203 = vector.shape_cast %get3A_202 : vector<1x16xf32> to vector<16xf32>
        %sub3A_204 = arith.subf %get3A_203, %max3A_98 : vector<16xf32>
        %exp3A_205 = math.exp %sub3A_204 : vector<16xf32>
        %mul3A_206 = arith.constant 16 : i32
        %mul3A_207 = arith.muli %add3A_197, %mul3A_206 : i32
        %swap3A_208 = arith.index_cast %scan3A_54 : i32 to index
        %swap3A_209 = arith.index_cast %mul3A_207 : i32 to index
        %swap3A_210 = tpu.vector_load %arg8[%swap3A_208, %swap3A_209] {strides = array<i32>} : memref<4x1024xf32, #tpu.memory_space<vmem>>, vector<1x16xf32>,
        %swap3A_211 = vector.shape_cast %swap3A_210 : vector<1x16xf32> to vector<16xf32>
        %swap3A_212 = vector.shape_cast %exp3A_205 : vector<16xf32> to vector<1x16xf32>
        tpu.vector_store %arg8[%swap3A_208, %swap3A_209], %swap3A_212 {strides = array<i32>} : memref<4x1024xf32, #tpu.memory_space<vmem>>, vector<1x16xf32>,
        %add3A_213 = arith.addf %add3A_193, %exp3A_205 : vector<16xf32>
        %mul3A_214 = arith.constant 8 : i32
        %mul3A_215 = arith.muli %scan3A_156, %mul3A_214 : i32
        %add3A_216 = arith.constant 3 : i32
        %add3A_217 = arith.addi %mul3A_215, %add3A_216 : i32
        %mul3A_218 = arith.constant 16 : i32
        %mul3A_219 = arith.muli %add3A_217, %mul3A_218 : i32
        %get3A_220 = arith.index_cast %scan3A_54 : i32 to index
        %get3A_221 = arith.index_cast %mul3A_219 : i32 to index
        %get3A_222 = tpu.vector_load %arg8[%get3A_220, %get3A_221] {strides = array<i32>} : memref<4x1024xf32, #tpu.memory_space<vmem>>, vector<1x16xf32>,
        %get3A_223 = vector.shape_cast %get3A_222 : vector<1x16xf32> to vector<16xf32>
        %sub3A_224 = arith.subf %get3A_223, %max3A_98 : vector<16xf32>
        %exp3A_225 = math.exp %sub3A_224 : vector<16xf32>
        %mul3A_226 = arith.constant 16 : i32
        %mul3A_227 = arith.muli %add3A_217, %mul3A_226 : i32
        %swap3A_228 = arith.index_cast %scan3A_54 : i32 to index
        %swap3A_229 = arith.index_cast %mul3A_227 : i32 to index
        %swap3A_230 = tpu.vector_load %arg8[%swap3A_228, %swap3A_229] {strides = array<i32>} : memref<4x1024xf32, #tpu.memory_space<vmem>>, vector<1x16xf32>,
        %swap3A_231 = vector.shape_cast %swap3A_230 : vector<1x16xf32> to vector<16xf32>
        %swap3A_232 = vector.shape_cast %exp3A_225 : vector<16xf32> to vector<1x16xf32>
        tpu.vector_store %arg8[%swap3A_228, %swap3A_229], %swap3A_232 {strides = array<i32>} : memref<4x1024xf32, #tpu.memory_space<vmem>>, vector<1x16xf32>,
        %add3A_233 = arith.addf %add3A_213, %exp3A_225 : vector<16xf32>
        %mul3A_234 = arith.constant 8 : i32
        %mul3A_235 = arith.muli %scan3A_156, %mul3A_234 : i32
        %add3A_236 = arith.constant 4 : i32
        %add3A_237 = arith.addi %mul3A_235, %add3A_236 : i32
        %mul3A_238 = arith.constant 16 : i32
        %mul3A_239 = arith.muli %add3A_237, %mul3A_238 : i32
        %get3A_240 = arith.index_cast %scan3A_54 : i32 to index
        %get3A_241 = arith.index_cast %mul3A_239 : i32 to index
        %get3A_242 = tpu.vector_load %arg8[%get3A_240, %get3A_241] {strides = array<i32>} : memref<4x1024xf32, #tpu.memory_space<vmem>>, vector<1x16xf32>,
        %get3A_243 = vector.shape_cast %get3A_242 : vector<1x16xf32> to vector<16xf32>
        %sub3A_244 = arith.subf %get3A_243, %max3A_98 : vector<16xf32>
        %exp3A_245 = math.exp %sub3A_244 : vector<16xf32>
        %mul3A_246 = arith.constant 16 : i32
        %mul3A_247 = arith.muli %add3A_237, %mul3A_246 : i32
        %swap3A_248 = arith.index_cast %scan3A_54 : i32 to index
        %swap3A_249 = arith.index_cast %mul3A_247 : i32 to index
        %swap3A_250 = tpu.vector_load %arg8[%swap3A_248, %swap3A_249] {strides = array<i32>} : memref<4x1024xf32, #tpu.memory_space<vmem>>, vector<1x16xf32>,
        %swap3A_251 = vector.shape_cast %swap3A_250 : vector<1x16xf32> to vector<16xf32>
        %swap3A_252 = vector.shape_cast %exp3A_245 : vector<16xf32> to vector<1x16xf32>
        tpu.vector_store %arg8[%swap3A_248, %swap3A_249], %swap3A_252 {strides = array<i32>} : memref<4x1024xf32, #tpu.memory_space<vmem>>, vector<1x16xf32>,
        %add3A_253 = arith.addf %add3A_233, %exp3A_245 : vector<16xf32>
        %mul3A_254 = arith.constant 8 : i32
        %mul3A_255 = arith.muli %scan3A_156, %mul3A_254 : i32
        %add3A_256 = arith.constant 5 : i32
        %add3A_257 = arith.addi %mul3A_255, %add3A_256 : i32
        %mul3A_258 = arith.constant 16 : i32
        %mul3A_259 = arith.muli %add3A_257, %mul3A_258 : i32
        %get3A_260 = arith.index_cast %scan3A_54 : i32 to index
        %get3A_261 = arith.index_cast %mul3A_259 : i32 to index
        %get3A_262 = tpu.vector_load %arg8[%get3A_260, %get3A_261] {strides = array<i32>} : memref<4x1024xf32, #tpu.memory_space<vmem>>, vector<1x16xf32>,
        %get3A_263 = vector.shape_cast %get3A_262 : vector<1x16xf32> to vector<16xf32>
        %sub3A_264 = arith.subf %get3A_263, %max3A_98 : vector<16xf32>
        %exp3A_265 = math.exp %sub3A_264 : vector<16xf32>
        %mul3A_266 = arith.constant 16 : i32
        %mul3A_267 = arith.muli %add3A_257, %mul3A_266 : i32
        %swap3A_268 = arith.index_cast %scan3A_54 : i32 to index
        %swap3A_269 = arith.index_cast %mul3A_267 : i32 to index
        %swap3A_270 = tpu.vector_load %arg8[%swap3A_268, %swap3A_269] {strides = array<i32>} : memref<4x1024xf32, #tpu.memory_space<vmem>>, vector<1x16xf32>,
        %swap3A_271 = vector.shape_cast %swap3A_270 : vector<1x16xf32> to vector<16xf32>
        %swap3A_272 = vector.shape_cast %exp3A_265 : vector<16xf32> to vector<1x16xf32>
        tpu.vector_store %arg8[%swap3A_268, %swap3A_269], %swap3A_272 {strides = array<i32>} : memref<4x1024xf32, #tpu.memory_space<vmem>>, vector<1x16xf32>,
        %add3A_273 = arith.addf %add3A_253, %exp3A_265 : vector<16xf32>
        %mul3A_274 = arith.constant 8 : i32
        %mul3A_275 = arith.muli %scan3A_156, %mul3A_274 : i32
        %add3A_276 = arith.constant 6 : i32
        %add3A_277 = arith.addi %mul3A_275, %add3A_276 : i32
        %mul3A_278 = arith.constant 16 : i32
        %mul3A_279 = arith.muli %add3A_277, %mul3A_278 : i32
        %get3A_280 = arith.index_cast %scan3A_54 : i32 to index
        %get3A_281 = arith.index_cast %mul3A_279 : i32 to index
        %get3A_282 = tpu.vector_load %arg8[%get3A_280, %get3A_281] {strides = array<i32>} : memref<4x1024xf32, #tpu.memory_space<vmem>>, vector<1x16xf32>,
        %get3A_283 = vector.shape_cast %get3A_282 : vector<1x16xf32> to vector<16xf32>
        %sub3A_284 = arith.subf %get3A_283, %max3A_98 : vector<16xf32>
        %exp3A_285 = math.exp %sub3A_284 : vector<16xf32>
        %mul3A_286 = arith.constant 16 : i32
        %mul3A_287 = arith.muli %add3A_277, %mul3A_286 : i32
        %swap3A_288 = arith.index_cast %scan3A_54 : i32 to index
        %swap3A_289 = arith.index_cast %mul3A_287 : i32 to index
        %swap3A_290 = tpu.vector_load %arg8[%swap3A_288, %swap3A_289] {strides = array<i32>} : memref<4x1024xf32, #tpu.memory_space<vmem>>, vector<1x16xf32>,
        %swap3A_291 = vector.shape_cast %swap3A_290 : vector<1x16xf32> to vector<16xf32>
        %swap3A_292 = vector.shape_cast %exp3A_285 : vector<16xf32> to vector<1x16xf32>
        tpu.vector_store %arg8[%swap3A_288, %swap3A_289], %swap3A_292 {strides = array<i32>} : memref<4x1024xf32, #tpu.memory_space<vmem>>, vector<1x16xf32>,
        %add3A_293 = arith.addf %add3A_273, %exp3A_285 : vector<16xf32>
        %mul3A_294 = arith.constant 8 : i32
        %mul3A_295 = arith.muli %scan3A_156, %mul3A_294 : i32
        %add3A_296 = arith.constant 7 : i32
        %add3A_297 = arith.addi %mul3A_295, %add3A_296 : i32
        %mul3A_298 = arith.constant 16 : i32
        %mul3A_299 = arith.muli %add3A_297, %mul3A_298 : i32
        %get3A_300 = arith.index_cast %scan3A_54 : i32 to index
        %get3A_301 = arith.index_cast %mul3A_299 : i32 to index
        %get3A_302 = tpu.vector_load %arg8[%get3A_300, %get3A_301] {strides = array<i32>} : memref<4x1024xf32, #tpu.memory_space<vmem>>, vector<1x16xf32>,
        %get3A_303 = vector.shape_cast %get3A_302 : vector<1x16xf32> to vector<16xf32>
        %sub3A_304 = arith.subf %get3A_303, %max3A_98 : vector<16xf32>
        %exp3A_305 = math.exp %sub3A_304 : vector<16xf32>
        %mul3A_306 = arith.constant 16 : i32
        %mul3A_307 = arith.muli %add3A_297, %mul3A_306 : i32
        %swap3A_308 = arith.index_cast %scan3A_54 : i32 to index
        %swap3A_309 = arith.index_cast %mul3A_307 : i32 to index
        %swap3A_310 = tpu.vector_load %arg8[%swap3A_308, %swap3A_309] {strides = array<i32>} : memref<4x1024xf32, #tpu.memory_space<vmem>>, vector<1x16xf32>,
        %swap3A_311 = vector.shape_cast %swap3A_310 : vector<1x16xf32> to vector<16xf32>
        %swap3A_312 = vector.shape_cast %exp3A_305 : vector<16xf32> to vector<1x16xf32>
        tpu.vector_store %arg8[%swap3A_308, %swap3A_309], %swap3A_312 {strides = array<i32>} : memref<4x1024xf32, #tpu.memory_space<vmem>>, vector<1x16xf32>,
        %add3A_313 = arith.addf %add3A_293, %exp3A_305 : vector<16xf32>
        scf.yield %add3A_313 : vector<16xf32>
      }
      %scan3A_106 = arith.constant 8 : i32
      %iota3A_107 = tpu.iota {dimensions = array<i32: 0>} : vector<16xi32>
      %add3A_108 = arith.constant 8 : i32
      %add3A_109 = vector.broadcast %add3A_108 : i32 to vector<16xi32>
      %add3A_110 = arith.addi %iota3A_107, %add3A_109 : vector<16xi32>
      %and3A_111 = arith.constant 15 : i32
      %and3A_112 = vector.broadcast %and3A_111 : i32 to vector<16xi32>
      %and3A_113 = arith.andi %add3A_110, %and3A_112 : vector<16xi32>
      %broadcast_in_dim3A_114 = vector.shape_cast %and3A_113 : vector<16xi32> to vector<16x1xi32>
      %gather3A_115 = vector.shape_cast %broadcast_in_dim3A_114 : vector<16x1xi32> to vector<16xi32>
      %gather3A_116 = tpu.dynamic_gather %scan3A_105[%gather3A_115] in [0] : vector<16xf32>, vector<16xi32> -> vector<16xf32>
      %add3A_117 = arith.addf %scan3A_105, %gather3A_116 : vector<16xf32>
      %add3A_118 = arith.constant 4 : i32
      %add3A_119 = vector.broadcast %add3A_118 : i32 to vector<16xi32>
      %add3A_120 = arith.addi %iota3A_107, %add3A_119 : vector<16xi32>
      %and3A_121 = arith.constant 15 : i32
      %and3A_122 = vector.broadcast %and3A_121 : i32 to vector<16xi32>
      %and3A_123 = arith.andi %add3A_120, %and3A_122 : vector<16xi32>
      %broadcast_in_dim3A_124 = vector.shape_cast %and3A_123 : vector<16xi32> to vector<16x1xi32>
      %gather3A_125 = vector.shape_cast %broadcast_in_dim3A_124 : vector<16x1xi32> to vector<16xi32>
      %gather3A_126 = tpu.dynamic_gather %add3A_117[%gather3A_125] in [0] : vector<16xf32>, vector<16xi32> -> vector<16xf32>
      %add3A_127 = arith.addf %add3A_117, %gather3A_126 : vector<16xf32>
      %add3A_128 = arith.constant 2 : i32
      %add3A_129 = vector.broadcast %add3A_128 : i32 to vector<16xi32>
      %add3A_130 = arith.addi %iota3A_107, %add3A_129 : vector<16xi32>
      %and3A_131 = arith.constant 15 : i32
      %and3A_132 = vector.broadcast %and3A_131 : i32 to vector<16xi32>
      %and3A_133 = arith.andi %add3A_130, %and3A_132 : vector<16xi32>
      %broadcast_in_dim3A_134 = vector.shape_cast %and3A_133 : vector<16xi32> to vector<16x1xi32>
      %gather3A_135 = vector.shape_cast %broadcast_in_dim3A_134 : vector<16x1xi32> to vector<16xi32>
      %gather3A_136 = tpu.dynamic_gather %add3A_127[%gather3A_135] in [0] : vector<16xf32>, vector<16xi32> -> vector<16xf32>
      %add3A_137 = arith.addf %add3A_127, %gather3A_136 : vector<16xf32>
      %add3A_138 = arith.constant 1 : i32
      %add3A_139 = vector.broadcast %add3A_138 : i32 to vector<16xi32>
      %add3A_140 = arith.addi %iota3A_107, %add3A_139 : vector<16xi32>
      %and3A_141 = arith.constant 15 : i32
      %and3A_142 = vector.broadcast %and3A_141 : i32 to vector<16xi32>
      %and3A_143 = arith.andi %add3A_140, %and3A_142 : vector<16xi32>
      %broadcast_in_dim3A_144 = vector.shape_cast %and3A_143 : vector<16xi32> to vector<16x1xi32>
      %gather3A_145 = vector.shape_cast %broadcast_in_dim3A_144 : vector<16x1xi32> to vector<16xi32>
      %gather3A_146 = tpu.dynamic_gather %add3A_137[%gather3A_145] in [0] : vector<16xf32>, vector<16xi32> -> vector<16xf32>
      %add3A_147 = arith.addf %add3A_137, %gather3A_146 : vector<16xf32>
      %div3A = arith.constant 1.000000e+00 : f32
      %div3A_148 = vector.broadcast %div3A : f32 to vector<16xf32>
      %div3A_149 = arith.divf %div3A_148, %add3A_147 : vector<16xf32>
      %scan3A_150 = arith.constant 0 : i32
      %scan3A_151 = arith.constant 0 : i32
      %scan3A_152 = arith.constant 8 : i32
      %scan3A_153 = arith.addi %scan3A_151, %scan3A_152 : i32
      %scan3A_154 = arith.constant 1 : i32
      scf.for %scan3A_156 = %scan3A_151 to %scan3A_153 step %scan3A_154  : i32 {
        %mul3A_157 = arith.constant 8 : i32
        %mul3A_158 = arith.muli %scan3A_156, %mul3A_157 : i32
        %add3A_159 = arith.constant 0 : i32
        %add3A_160 = arith.addi %mul3A_158, %add3A_159 : i32
        %mul3A_161 = arith.constant 16 : i32
        %mul3A_162 = arith.muli %add3A_160, %mul3A_161 : i32
        %get3A = arith.index_cast %scan3A_54 : i32 to index
        %get3A_163 = arith.index_cast %mul3A_162 : i32 to index
        %get3A_164 = tpu.vector_load %arg8[%get3A, %get3A_163] {strides = array<i32>} : memref<4x1024xf32, #tpu.memory_space<vmem>>, vector<1x16xf32>,
        %get3A_165 = vector.shape_cast %get3A_164 : vector<1x16xf32> to vector<16xf32>
        %mul3A_166 = arith.mulf %get3A_165, %div3A_149 : vector<16xf32>
        %mul3A_167 = arith.constant 16 : i32
        %mul3A_168 = arith.muli %add3A_160, %mul3A_167 : i32
        %swap3A = arith.index_cast %scan3A_54 : i32 to index
        %swap3A_169 = arith.index_cast %mul3A_168 : i32 to index
        %swap3A_170 = tpu.vector_load %arg8[%swap3A, %swap3A_169] {strides = array<i32>} : memref<4x1024xf32, #tpu.memory_space<vmem>>, vector<1x16xf32>,
        %swap3A_171 = vector.shape_cast %swap3A_170 : vector<1x16xf32> to vector<16xf32>
        %swap3A_172 = vector.shape_cast %mul3A_166 : vector<16xf32> to vector<1x16xf32>
        tpu.vector_store %arg8[%swap3A, %swap3A_169], %swap3A_172 {strides = array<i32>} : memref<4x1024xf32, #tpu.memory_space<vmem>>, vector<1x16xf32>,
        %mul3A_173 = arith.constant 8 : i32
        %mul3A_174 = arith.muli %scan3A_156, %mul3A_173 : i32
        %add3A_175 = arith.constant 1 : i32
        %add3A_176 = arith.addi %mul3A_174, %add3A_175 : i32
        %mul3A_177 = arith.constant 16 : i32
        %mul3A_178 = arith.muli %add3A_176, %mul3A_177 : i32
        %get3A_179 = arith.index_cast %scan3A_54 : i32 to index
        %get3A_180 = arith.index_cast %mul3A_178 : i32 to index
        %get3A_181 = tpu.vector_load %arg8[%get3A_179, %get3A_180] {strides = array<i32>} : memref<4x1024xf32, #tpu.memory_space<vmem>>, vector<1x16xf32>,
        %get3A_182 = vector.shape_cast %get3A_181 : vector<1x16xf32> to vector<16xf32>
        %mul3A_183 = arith.mulf %get3A_182, %div3A_149 : vector<16xf32>
        %mul3A_184 = arith.constant 16 : i32
        %mul3A_185 = arith.muli %add3A_176, %mul3A_184 : i32
        %swap3A_186 = arith.index_cast %scan3A_54 : i32 to index
        %swap3A_187 = arith.index_cast %mul3A_185 : i32 to index
        %swap3A_188 = tpu.vector_load %arg8[%swap3A_186, %swap3A_187] {strides = array<i32>} : memref<4x1024xf32, #tpu.memory_space<vmem>>, vector<1x16xf32>,
        %swap3A_189 = vector.shape_cast %swap3A_188 : vector<1x16xf32> to vector<16xf32>
        %swap3A_190 = vector.shape_cast %mul3A_183 : vector<16xf32> to vector<1x16xf32>
        tpu.vector_store %arg8[%swap3A_186, %swap3A_187], %swap3A_190 {strides = array<i32>} : memref<4x1024xf32, #tpu.memory_space<vmem>>, vector<1x16xf32>,
        %mul3A_191 = arith.constant 8 : i32
        %mul3A_192 = arith.muli %scan3A_156, %mul3A_191 : i32
        %add3A_193 = arith.constant 2 : i32
        %add3A_194 = arith.addi %mul3A_192, %add3A_193 : i32
        %mul3A_195 = arith.constant 16 : i32
        %mul3A_196 = arith.muli %add3A_194, %mul3A_195 : i32
        %get3A_197 = arith.index_cast %scan3A_54 : i32 to index
        %get3A_198 = arith.index_cast %mul3A_196 : i32 to index
        %get3A_199 = tpu.vector_load %arg8[%get3A_197, %get3A_198] {strides = array<i32>} : memref<4x1024xf32, #tpu.memory_space<vmem>>, vector<1x16xf32>,
        %get3A_200 = vector.shape_cast %get3A_199 : vector<1x16xf32> to vector<16xf32>
        %mul3A_201 = arith.mulf %get3A_200, %div3A_149 : vector<16xf32>
        %mul3A_202 = arith.constant 16 : i32
        %mul3A_203 = arith.muli %add3A_194, %mul3A_202 : i32
        %swap3A_204 = arith.index_cast %scan3A_54 : i32 to index
        %swap3A_205 = arith.index_cast %mul3A_203 : i32 to index
        %swap3A_206 = tpu.vector_load %arg8[%swap3A_204, %swap3A_205] {strides = array<i32>} : memref<4x1024xf32, #tpu.memory_space<vmem>>, vector<1x16xf32>,
        %swap3A_207 = vector.shape_cast %swap3A_206 : vector<1x16xf32> to vector<16xf32>
        %swap3A_208 = vector.shape_cast %mul3A_201 : vector<16xf32> to vector<1x16xf32>
        tpu.vector_store %arg8[%swap3A_204, %swap3A_205], %swap3A_208 {strides = array<i32>} : memref<4x1024xf32, #tpu.memory_space<vmem>>, vector<1x16xf32>,
        %mul3A_209 = arith.constant 8 : i32
        %mul3A_210 = arith.muli %scan3A_156, %mul3A_209 : i32
        %add3A_211 = arith.constant 3 : i32
        %add3A_212 = arith.addi %mul3A_210, %add3A_211 : i32
        %mul3A_213 = arith.constant 16 : i32
        %mul3A_214 = arith.muli %add3A_212, %mul3A_213 : i32
        %get3A_215 = arith.index_cast %scan3A_54 : i32 to index
        %get3A_216 = arith.index_cast %mul3A_214 : i32 to index
        %get3A_217 = tpu.vector_load %arg8[%get3A_215, %get3A_216] {strides = array<i32>} : memref<4x1024xf32, #tpu.memory_space<vmem>>, vector<1x16xf32>,
        %get3A_218 = vector.shape_cast %get3A_217 : vector<1x16xf32> to vector<16xf32>
        %mul3A_219 = arith.mulf %get3A_218, %div3A_149 : vector<16xf32>
        %mul3A_220 = arith.constant 16 : i32
        %mul3A_221 = arith.muli %add3A_212, %mul3A_220 : i32
        %swap3A_222 = arith.index_cast %scan3A_54 : i32 to index
        %swap3A_223 = arith.index_cast %mul3A_221 : i32 to index
        %swap3A_224 = tpu.vector_load %arg8[%swap3A_222, %swap3A_223] {strides = array<i32>} : memref<4x1024xf32, #tpu.memory_space<vmem>>, vector<1x16xf32>,
        %swap3A_225 = vector.shape_cast %swap3A_224 : vector<1x16xf32> to vector<16xf32>
        %swap3A_226 = vector.shape_cast %mul3A_219 : vector<16xf32> to vector<1x16xf32>
        tpu.vector_store %arg8[%swap3A_222, %swap3A_223], %swap3A_226 {strides = array<i32>} : memref<4x1024xf32, #tpu.memory_space<vmem>>, vector<1x16xf32>,
        %mul3A_227 = arith.constant 8 : i32
        %mul3A_228 = arith.muli %scan3A_156, %mul3A_227 : i32
        %add3A_229 = arith.constant 4 : i32
        %add3A_230 = arith.addi %mul3A_228, %add3A_229 : i32
        %mul3A_231 = arith.constant 16 : i32
        %mul3A_232 = arith.muli %add3A_230, %mul3A_231 : i32
        %get3A_233 = arith.index_cast %scan3A_54 : i32 to index
        %get3A_234 = arith.index_cast %mul3A_232 : i32 to index
        %get3A_235 = tpu.vector_load %arg8[%get3A_233, %get3A_234] {strides = array<i32>} : memref<4x1024xf32, #tpu.memory_space<vmem>>, vector<1x16xf32>,
        %get3A_236 = vector.shape_cast %get3A_235 : vector<1x16xf32> to vector<16xf32>
        %mul3A_237 = arith.mulf %get3A_236, %div3A_149 : vector<16xf32>
        %mul3A_238 = arith.constant 16 : i32
        %mul3A_239 = arith.muli %add3A_230, %mul3A_238 : i32
        %swap3A_240 = arith.index_cast %scan3A_54 : i32 to index
        %swap3A_241 = arith.index_cast %mul3A_239 : i32 to index
        %swap3A_242 = tpu.vector_load %arg8[%swap3A_240, %swap3A_241] {strides = array<i32>} : memref<4x1024xf32, #tpu.memory_space<vmem>>, vector<1x16xf32>,
        %swap3A_243 = vector.shape_cast %swap3A_242 : vector<1x16xf32> to vector<16xf32>
        %swap3A_244 = vector.shape_cast %mul3A_237 : vector<16xf32> to vector<1x16xf32>
        tpu.vector_store %arg8[%swap3A_240, %swap3A_241], %swap3A_244 {strides = array<i32>} : memref<4x1024xf32, #tpu.memory_space<vmem>>, vector<1x16xf32>,
        %mul3A_245 = arith.constant 8 : i32
        %mul3A_246 = arith.muli %scan3A_156, %mul3A_245 : i32
        %add3A_247 = arith.constant 5 : i32
        %add3A_248 = arith.addi %mul3A_246, %add3A_247 : i32
        %mul3A_249 = arith.constant 16 : i32
        %mul3A_250 = arith.muli %add3A_248, %mul3A_249 : i32
        %get3A_251 = arith.index_cast %scan3A_54 : i32 to index
        %get3A_252 = arith.index_cast %mul3A_250 : i32 to index
        %get3A_253 = tpu.vector_load %arg8[%get3A_251, %get3A_252] {strides = array<i32>} : memref<4x1024xf32, #tpu.memory_space<vmem>>, vector<1x16xf32>,
        %get3A_254 = vector.shape_cast %get3A_253 : vector<1x16xf32> to vector<16xf32>
        %mul3A_255 = arith.mulf %get3A_254, %div3A_149 : vector<16xf32>
        %mul3A_256 = arith.constant 16 : i32
        %mul3A_257 = arith.muli %add3A_248, %mul3A_256 : i32
        %swap3A_258 = arith.index_cast %scan3A_54 : i32 to index
        %swap3A_259 = arith.index_cast %mul3A_257 : i32 to index
        %swap3A_260 = tpu.vector_load %arg8[%swap3A_258, %swap3A_259] {strides = array<i32>} : memref<4x1024xf32, #tpu.memory_space<vmem>>, vector<1x16xf32>,
        %swap3A_261 = vector.shape_cast %swap3A_260 : vector<1x16xf32> to vector<16xf32>
        %swap3A_262 = vector.shape_cast %mul3A_255 : vector<16xf32> to vector<1x16xf32>
        tpu.vector_store %arg8[%swap3A_258, %swap3A_259], %swap3A_262 {strides = array<i32>} : memref<4x1024xf32, #tpu.memory_space<vmem>>, vector<1x16xf32>,
        %mul3A_263 = arith.constant 8 : i32
        %mul3A_264 = arith.muli %scan3A_156, %mul3A_263 : i32
        %add3A_265 = arith.constant 6 : i32
        %add3A_266 = arith.addi %mul3A_264, %add3A_265 : i32
        %mul3A_267 = arith.constant 16 : i32
        %mul3A_268 = arith.muli %add3A_266, %mul3A_267 : i32
        %get3A_269 = arith.index_cast %scan3A_54 : i32 to index
        %get3A_270 = arith.index_cast %mul3A_268 : i32 to index
        %get3A_271 = tpu.vector_load %arg8[%get3A_269, %get3A_270] {strides = array<i32>} : memref<4x1024xf32, #tpu.memory_space<vmem>>, vector<1x16xf32>,
        %get3A_272 = vector.shape_cast %get3A_271 : vector<1x16xf32> to vector<16xf32>
        %mul3A_273 = arith.mulf %get3A_272, %div3A_149 : vector<16xf32>
        %mul3A_274 = arith.constant 16 : i32
        %mul3A_275 = arith.muli %add3A_266, %mul3A_274 : i32
        %swap3A_276 = arith.index_cast %scan3A_54 : i32 to index
        %swap3A_277 = arith.index_cast %mul3A_275 : i32 to index
        %swap3A_278 = tpu.vector_load %arg8[%swap3A_276, %swap3A_277] {strides = array<i32>} : memref<4x1024xf32, #tpu.memory_space<vmem>>, vector<1x16xf32>,
        %swap3A_279 = vector.shape_cast %swap3A_278 : vector<1x16xf32> to vector<16xf32>
        %swap3A_280 = vector.shape_cast %mul3A_273 : vector<16xf32> to vector<1x16xf32>
        tpu.vector_store %arg8[%swap3A_276, %swap3A_277], %swap3A_280 {strides = array<i32>} : memref<4x1024xf32, #tpu.memory_space<vmem>>, vector<1x16xf32>,
        %mul3A_281 = arith.constant 8 : i32
        %mul3A_282 = arith.muli %scan3A_156, %mul3A_281 : i32
        %add3A_283 = arith.constant 7 : i32
        %add3A_284 = arith.addi %mul3A_282, %add3A_283 : i32
        %mul3A_285 = arith.constant 16 : i32
        %mul3A_286 = arith.muli %add3A_284, %mul3A_285 : i32
        %get3A_287 = arith.index_cast %scan3A_54 : i32 to index
        %get3A_288 = arith.index_cast %mul3A_286 : i32 to index
        %get3A_289 = tpu.vector_load %arg8[%get3A_287, %get3A_288] {strides = array<i32>} : memref<4x1024xf32, #tpu.memory_space<vmem>>, vector<1x16xf32>,
        %get3A_290 = vector.shape_cast %get3A_289 : vector<1x16xf32> to vector<16xf32>
        %mul3A_291 = arith.mulf %get3A_290, %div3A_149 : vector<16xf32>
        %mul3A_292 = arith.constant 16 : i32
        %mul3A_293 = arith.muli %add3A_284, %mul3A_292 : i32
        %swap3A_294 = arith.index_cast %scan3A_54 : i32 to index
        %swap3A_295 = arith.index_cast %mul3A_293 : i32 to index
        %swap3A_296 = tpu.vector_load %arg8[%swap3A_294, %swap3A_295] {strides = array<i32>} : memref<4x1024xf32, #tpu.memory_space<vmem>>, vector<1x16xf32>,
        %swap3A_297 = vector.shape_cast %swap3A_296 : vector<1x16xf32> to vector<16xf32>
        %swap3A_298 = vector.shape_cast %mul3A_291 : vector<16xf32> to vector<1x16xf32>
        tpu.vector_store %arg8[%swap3A_294, %swap3A_295], %swap3A_298 {strides = array<i32>} : memref<4x1024xf32, #tpu.memory_space<vmem>>, vector<1x16xf32>,
      }
      %scan3A_155 = arith.constant 8 : i32
    }
    %scan3A_53 = arith.constant 4 : i32
    "tpu.region"() ({
      %run_scoped3A = tpu.sem_alloc : memref<!tpu.dma_semaphore, #tpu.memory_space<semaphore_mem>>
      %dma_start3A_54 = arith.constant 0 : i32
      %dma_start3A_55 = tpu.memref_slice %arg4[%mul3A_2, %dma_start3A_54] : memref<64x1024xf32, #tpu.memory_space<hbm>> -> memref<4x1024xf32, #tpu.memory_space<hbm>>
      %dma_start3A_56 = arith.constant 0 : i32
      %dma_start3A_57 = tpu.memref_slice %arg4[%mul3A_2, %dma_start3A_56] : memref<64x1024xf32, #tpu.memory_space<hbm>> -> memref<4x1024xf32, #tpu.memory_space<hbm>>
      tpu.enqueue_dma source(%arg8 : memref<4x1024xf32, #tpu.memory_space<vmem>>) target(%dma_start3A_57 : memref<4x1024xf32, #tpu.memory_space<hbm>>) target_semaphore(%run_scoped3A : memref<!tpu.dma_semaphore, #tpu.memory_space<semaphore_mem>>)
      %dma_wait3A_58 = arith.constant 0 : i32
      %dma_wait3A_59 = tpu.memref_slice %arg4[%mul3A_2, %dma_wait3A_58] : memref<64x1024xf32, #tpu.memory_space<hbm>> -> memref<4x1024xf32, #tpu.memory_space<hbm>>
      %dma_wait3A_60 = arith.constant 0 : i32
      %dma_wait3A_61 = tpu.memref_slice %arg4[%mul3A_2, %dma_wait3A_60] : memref<64x1024xf32, #tpu.memory_space<hbm>> -> memref<4x1024xf32, #tpu.memory_space<hbm>>
      tpu.wait_dma2 semaphore(%run_scoped3A : memref<!tpu.dma_semaphore, #tpu.memory_space<semaphore_mem>>) src(%arg8 : memref<4x1024xf32, #tpu.memory_space<vmem>>) dst(%dma_wait3A_61 : memref<4x1024xf32, #tpu.memory_space<hbm>>)
      tpu.yield
    }) : () -> ()
    return
  }
}

module attributes {stable_mosaic.version = 14 : i64} {
  func.func @_tc_body(%arg0: i32, %arg1: memref<128x64xf32, #tpu.memory_space<vmem>>, %arg2: memref<64x1024xf32, #tpu.memory_space<vmem>>, %arg3: memref<128x1024xf32, #tpu.memory_space<vmem>>) attributes {dimension_semantics = [#tpu.dimension_semantics<arbitrary>], iteration_bounds = array<i64: 7>, scalar_prefetch = 0 : i64, scratch_operands = 0 : i64, tpu.core_type = #tpu.core_type<tc>, window_params = [{transform_indices = @transform_0, window_bounds = array<i64: 128, 64>}, {pipeline_mode = #tpu.pipeline_mode<synchronous>, transform_indices = @transform_1, window_bounds = array<i64: 64, 1024>}, {transform_indices = @transform_2, window_bounds = array<i64: 128, 1024>}]} {
    %get3A = arith.constant 0 : index
    %get3A_0 = arith.constant 0 : index
    %get3A_1 = vector.load %arg1[%get3A, %get3A_0] : memref<128x64xf32, #tpu.memory_space<vmem>>, vector<128x64xf32>
    %get3A_2 = arith.constant 0 : index
    %get3A_3 = arith.constant 0 : index
    %get3A_4 = vector.load %arg2[%get3A_2, %get3A_3] : memref<64x1024xf32, #tpu.memory_space<vmem>>, vector<64x1024xf32>
    %broadcast_in_dim3A = arith.constant 0.000000e+00 : f32
    %broadcast_in_dim3A_5 = vector.broadcast %broadcast_in_dim3A : f32 to vector<128x1024xf32>
    %slice3A = vector.extract_strided_slice %get3A_1 {offsets = [0, 0], sizes = [128, 1], strides = [1, 1]} : vector<128x64xf32> to vector<128x1xf32>
    %squeeze3A = vector.shape_cast %slice3A : vector<128x1xf32> to vector<128xf32>
    %broadcast_in_dim3A_6 = vector.shape_cast %squeeze3A : vector<128xf32> to vector<128x1xf32>
    %slice3A_7 = vector.extract_strided_slice %get3A_4 {offsets = [0, 0], sizes = [1, 1024], strides = [1, 1]} : vector<64x1024xf32> to vector<1x1024xf32>
    %squeeze3A_8 = vector.shape_cast %slice3A_7 : vector<1x1024xf32> to vector<1024xf32>
    %broadcast_in_dim3A_9 = vector.shape_cast %squeeze3A_8 : vector<1024xf32> to vector<1x1024xf32>
    %sub3A = vector.broadcast %broadcast_in_dim3A_6 : vector<128x1xf32> to vector<128x1024xf32>
    %sub3A_10 = vector.broadcast %broadcast_in_dim3A_9 : vector<1x1024xf32> to vector<128x1024xf32>
    %sub3A_11 = arith.subf %sub3A, %sub3A_10 : vector<128x1024xf32>
    %abs3A = math.absf %sub3A_11 : vector<128x1024xf32>
    %add3A = arith.addf %broadcast_in_dim3A_5, %abs3A : vector<128x1024xf32>
    %slice3A_12 = vector.extract_strided_slice %get3A_1 {offsets = [0, 1], sizes = [128, 1], strides = [1, 1]} : vector<128x64xf32> to vector<128x1xf32>
    %squeeze3A_13 = vector.shape_cast %slice3A_12 : vector<128x1xf32> to vector<128xf32>
    %broadcast_in_dim3A_14 = vector.shape_cast %squeeze3A_13 : vector<128xf32> to vector<128x1xf32>
    %slice3A_15 = vector.extract_strided_slice %get3A_4 {offsets = [1, 0], sizes = [1, 1024], strides = [1, 1]} : vector<64x1024xf32> to vector<1x1024xf32>
    %squeeze3A_16 = vector.shape_cast %slice3A_15 : vector<1x1024xf32> to vector<1024xf32>
    %broadcast_in_dim3A_17 = vector.shape_cast %squeeze3A_16 : vector<1024xf32> to vector<1x1024xf32>
    %sub3A_18 = vector.broadcast %broadcast_in_dim3A_14 : vector<128x1xf32> to vector<128x1024xf32>
    %sub3A_19 = vector.broadcast %broadcast_in_dim3A_17 : vector<1x1024xf32> to vector<128x1024xf32>
    %sub3A_20 = arith.subf %sub3A_18, %sub3A_19 : vector<128x1024xf32>
    %abs3A_21 = math.absf %sub3A_20 : vector<128x1024xf32>
    %add3A_22 = arith.addf %add3A, %abs3A_21 : vector<128x1024xf32>
    %slice3A_23 = vector.extract_strided_slice %get3A_1 {offsets = [0, 2], sizes = [128, 1], strides = [1, 1]} : vector<128x64xf32> to vector<128x1xf32>
    %squeeze3A_24 = vector.shape_cast %slice3A_23 : vector<128x1xf32> to vector<128xf32>
    %broadcast_in_dim3A_25 = vector.shape_cast %squeeze3A_24 : vector<128xf32> to vector<128x1xf32>
    %slice3A_26 = vector.extract_strided_slice %get3A_4 {offsets = [2, 0], sizes = [1, 1024], strides = [1, 1]} : vector<64x1024xf32> to vector<1x1024xf32>
    %squeeze3A_27 = vector.shape_cast %slice3A_26 : vector<1x1024xf32> to vector<1024xf32>
    %broadcast_in_dim3A_28 = vector.shape_cast %squeeze3A_27 : vector<1024xf32> to vector<1x1024xf32>
    %sub3A_29 = vector.broadcast %broadcast_in_dim3A_25 : vector<128x1xf32> to vector<128x1024xf32>
    %sub3A_30 = vector.broadcast %broadcast_in_dim3A_28 : vector<1x1024xf32> to vector<128x1024xf32>
    %sub3A_31 = arith.subf %sub3A_29, %sub3A_30 : vector<128x1024xf32>
    %abs3A_32 = math.absf %sub3A_31 : vector<128x1024xf32>
    %add3A_33 = arith.addf %add3A_22, %abs3A_32 : vector<128x1024xf32>
    %slice3A_34 = vector.extract_strided_slice %get3A_1 {offsets = [0, 3], sizes = [128, 1], strides = [1, 1]} : vector<128x64xf32> to vector<128x1xf32>
    %squeeze3A_35 = vector.shape_cast %slice3A_34 : vector<128x1xf32> to vector<128xf32>
    %broadcast_in_dim3A_36 = vector.shape_cast %squeeze3A_35 : vector<128xf32> to vector<128x1xf32>
    %slice3A_37 = vector.extract_strided_slice %get3A_4 {offsets = [3, 0], sizes = [1, 1024], strides = [1, 1]} : vector<64x1024xf32> to vector<1x1024xf32>
    %squeeze3A_38 = vector.shape_cast %slice3A_37 : vector<1x1024xf32> to vector<1024xf32>
    %broadcast_in_dim3A_39 = vector.shape_cast %squeeze3A_38 : vector<1024xf32> to vector<1x1024xf32>
    %sub3A_40 = vector.broadcast %broadcast_in_dim3A_36 : vector<128x1xf32> to vector<128x1024xf32>
    %sub3A_41 = vector.broadcast %broadcast_in_dim3A_39 : vector<1x1024xf32> to vector<128x1024xf32>
    %sub3A_42 = arith.subf %sub3A_40, %sub3A_41 : vector<128x1024xf32>
    %abs3A_43 = math.absf %sub3A_42 : vector<128x1024xf32>
    %add3A_44 = arith.addf %add3A_33, %abs3A_43 : vector<128x1024xf32>
    %slice3A_45 = vector.extract_strided_slice %get3A_1 {offsets = [0, 4], sizes = [128, 1], strides = [1, 1]} : vector<128x64xf32> to vector<128x1xf32>
    %squeeze3A_46 = vector.shape_cast %slice3A_45 : vector<128x1xf32> to vector<128xf32>
    %broadcast_in_dim3A_47 = vector.shape_cast %squeeze3A_46 : vector<128xf32> to vector<128x1xf32>
    %slice3A_48 = vector.extract_strided_slice %get3A_4 {offsets = [4, 0], sizes = [1, 1024], strides = [1, 1]} : vector<64x1024xf32> to vector<1x1024xf32>
    %squeeze3A_49 = vector.shape_cast %slice3A_48 : vector<1x1024xf32> to vector<1024xf32>
    %broadcast_in_dim3A_50 = vector.shape_cast %squeeze3A_49 : vector<1024xf32> to vector<1x1024xf32>
    %sub3A_51 = vector.broadcast %broadcast_in_dim3A_47 : vector<128x1xf32> to vector<128x1024xf32>
    %sub3A_52 = vector.broadcast %broadcast_in_dim3A_50 : vector<1x1024xf32> to vector<128x1024xf32>
    %sub3A_53 = arith.subf %sub3A_51, %sub3A_52 : vector<128x1024xf32>
    %abs3A_54 = math.absf %sub3A_53 : vector<128x1024xf32>
    %add3A_55 = arith.addf %add3A_44, %abs3A_54 : vector<128x1024xf32>
    %slice3A_56 = vector.extract_strided_slice %get3A_1 {offsets = [0, 5], sizes = [128, 1], strides = [1, 1]} : vector<128x64xf32> to vector<128x1xf32>
    %squeeze3A_57 = vector.shape_cast %slice3A_56 : vector<128x1xf32> to vector<128xf32>
    %broadcast_in_dim3A_58 = vector.shape_cast %squeeze3A_57 : vector<128xf32> to vector<128x1xf32>
    %slice3A_59 = vector.extract_strided_slice %get3A_4 {offsets = [5, 0], sizes = [1, 1024], strides = [1, 1]} : vector<64x1024xf32> to vector<1x1024xf32>
    %squeeze3A_60 = vector.shape_cast %slice3A_59 : vector<1x1024xf32> to vector<1024xf32>
    %broadcast_in_dim3A_61 = vector.shape_cast %squeeze3A_60 : vector<1024xf32> to vector<1x1024xf32>
    %sub3A_62 = vector.broadcast %broadcast_in_dim3A_58 : vector<128x1xf32> to vector<128x1024xf32>
    %sub3A_63 = vector.broadcast %broadcast_in_dim3A_61 : vector<1x1024xf32> to vector<128x1024xf32>
    %sub3A_64 = arith.subf %sub3A_62, %sub3A_63 : vector<128x1024xf32>
    %abs3A_65 = math.absf %sub3A_64 : vector<128x1024xf32>
    %add3A_66 = arith.addf %add3A_55, %abs3A_65 : vector<128x1024xf32>
    %slice3A_67 = vector.extract_strided_slice %get3A_1 {offsets = [0, 6], sizes = [128, 1], strides = [1, 1]} : vector<128x64xf32> to vector<128x1xf32>
    %squeeze3A_68 = vector.shape_cast %slice3A_67 : vector<128x1xf32> to vector<128xf32>
    %broadcast_in_dim3A_69 = vector.shape_cast %squeeze3A_68 : vector<128xf32> to vector<128x1xf32>
    %slice3A_70 = vector.extract_strided_slice %get3A_4 {offsets = [6, 0], sizes = [1, 1024], strides = [1, 1]} : vector<64x1024xf32> to vector<1x1024xf32>
    %squeeze3A_71 = vector.shape_cast %slice3A_70 : vector<1x1024xf32> to vector<1024xf32>
    %broadcast_in_dim3A_72 = vector.shape_cast %squeeze3A_71 : vector<1024xf32> to vector<1x1024xf32>
    %sub3A_73 = vector.broadcast %broadcast_in_dim3A_69 : vector<128x1xf32> to vector<128x1024xf32>
    %sub3A_74 = vector.broadcast %broadcast_in_dim3A_72 : vector<1x1024xf32> to vector<128x1024xf32>
    %sub3A_75 = arith.subf %sub3A_73, %sub3A_74 : vector<128x1024xf32>
    %abs3A_76 = math.absf %sub3A_75 : vector<128x1024xf32>
    %add3A_77 = arith.addf %add3A_66, %abs3A_76 : vector<128x1024xf32>
    %slice3A_78 = vector.extract_strided_slice %get3A_1 {offsets = [0, 7], sizes = [128, 1], strides = [1, 1]} : vector<128x64xf32> to vector<128x1xf32>
    %squeeze3A_79 = vector.shape_cast %slice3A_78 : vector<128x1xf32> to vector<128xf32>
    %broadcast_in_dim3A_80 = vector.shape_cast %squeeze3A_79 : vector<128xf32> to vector<128x1xf32>
    %slice3A_81 = vector.extract_strided_slice %get3A_4 {offsets = [7, 0], sizes = [1, 1024], strides = [1, 1]} : vector<64x1024xf32> to vector<1x1024xf32>
    %squeeze3A_82 = vector.shape_cast %slice3A_81 : vector<1x1024xf32> to vector<1024xf32>
    %broadcast_in_dim3A_83 = vector.shape_cast %squeeze3A_82 : vector<1024xf32> to vector<1x1024xf32>
    %sub3A_84 = vector.broadcast %broadcast_in_dim3A_80 : vector<128x1xf32> to vector<128x1024xf32>
    %sub3A_85 = vector.broadcast %broadcast_in_dim3A_83 : vector<1x1024xf32> to vector<128x1024xf32>
    %sub3A_86 = arith.subf %sub3A_84, %sub3A_85 : vector<128x1024xf32>
    %abs3A_87 = math.absf %sub3A_86 : vector<128x1024xf32>
    %add3A_88 = arith.addf %add3A_77, %abs3A_87 : vector<128x1024xf32>
    %slice3A_89 = vector.extract_strided_slice %get3A_1 {offsets = [0, 8], sizes = [128, 1], strides = [1, 1]} : vector<128x64xf32> to vector<128x1xf32>
    %squeeze3A_90 = vector.shape_cast %slice3A_89 : vector<128x1xf32> to vector<128xf32>
    %broadcast_in_dim3A_91 = vector.shape_cast %squeeze3A_90 : vector<128xf32> to vector<128x1xf32>
    %slice3A_92 = vector.extract_strided_slice %get3A_4 {offsets = [8, 0], sizes = [1, 1024], strides = [1, 1]} : vector<64x1024xf32> to vector<1x1024xf32>
    %squeeze3A_93 = vector.shape_cast %slice3A_92 : vector<1x1024xf32> to vector<1024xf32>
    %broadcast_in_dim3A_94 = vector.shape_cast %squeeze3A_93 : vector<1024xf32> to vector<1x1024xf32>
    %sub3A_95 = vector.broadcast %broadcast_in_dim3A_91 : vector<128x1xf32> to vector<128x1024xf32>
    %sub3A_96 = vector.broadcast %broadcast_in_dim3A_94 : vector<1x1024xf32> to vector<128x1024xf32>
    %sub3A_97 = arith.subf %sub3A_95, %sub3A_96 : vector<128x1024xf32>
    %abs3A_98 = math.absf %sub3A_97 : vector<128x1024xf32>
    %add3A_99 = arith.addf %add3A_88, %abs3A_98 : vector<128x1024xf32>
    %slice3A_100 = vector.extract_strided_slice %get3A_1 {offsets = [0, 9], sizes = [128, 1], strides = [1, 1]} : vector<128x64xf32> to vector<128x1xf32>
    %squeeze3A_101 = vector.shape_cast %slice3A_100 : vector<128x1xf32> to vector<128xf32>
    %broadcast_in_dim3A_102 = vector.shape_cast %squeeze3A_101 : vector<128xf32> to vector<128x1xf32>
    %slice3A_103 = vector.extract_strided_slice %get3A_4 {offsets = [9, 0], sizes = [1, 1024], strides = [1, 1]} : vector<64x1024xf32> to vector<1x1024xf32>
    %squeeze3A_104 = vector.shape_cast %slice3A_103 : vector<1x1024xf32> to vector<1024xf32>
    %broadcast_in_dim3A_105 = vector.shape_cast %squeeze3A_104 : vector<1024xf32> to vector<1x1024xf32>
    %sub3A_106 = vector.broadcast %broadcast_in_dim3A_102 : vector<128x1xf32> to vector<128x1024xf32>
    %sub3A_107 = vector.broadcast %broadcast_in_dim3A_105 : vector<1x1024xf32> to vector<128x1024xf32>
    %sub3A_108 = arith.subf %sub3A_106, %sub3A_107 : vector<128x1024xf32>
    %abs3A_109 = math.absf %sub3A_108 : vector<128x1024xf32>
    %add3A_110 = arith.addf %add3A_99, %abs3A_109 : vector<128x1024xf32>
    %slice3A_111 = vector.extract_strided_slice %get3A_1 {offsets = [0, 10], sizes = [128, 1], strides = [1, 1]} : vector<128x64xf32> to vector<128x1xf32>
    %squeeze3A_112 = vector.shape_cast %slice3A_111 : vector<128x1xf32> to vector<128xf32>
    %broadcast_in_dim3A_113 = vector.shape_cast %squeeze3A_112 : vector<128xf32> to vector<128x1xf32>
    %slice3A_114 = vector.extract_strided_slice %get3A_4 {offsets = [10, 0], sizes = [1, 1024], strides = [1, 1]} : vector<64x1024xf32> to vector<1x1024xf32>
    %squeeze3A_115 = vector.shape_cast %slice3A_114 : vector<1x1024xf32> to vector<1024xf32>
    %broadcast_in_dim3A_116 = vector.shape_cast %squeeze3A_115 : vector<1024xf32> to vector<1x1024xf32>
    %sub3A_117 = vector.broadcast %broadcast_in_dim3A_113 : vector<128x1xf32> to vector<128x1024xf32>
    %sub3A_118 = vector.broadcast %broadcast_in_dim3A_116 : vector<1x1024xf32> to vector<128x1024xf32>
    %sub3A_119 = arith.subf %sub3A_117, %sub3A_118 : vector<128x1024xf32>
    %abs3A_120 = math.absf %sub3A_119 : vector<128x1024xf32>
    %add3A_121 = arith.addf %add3A_110, %abs3A_120 : vector<128x1024xf32>
    %slice3A_122 = vector.extract_strided_slice %get3A_1 {offsets = [0, 11], sizes = [128, 1], strides = [1, 1]} : vector<128x64xf32> to vector<128x1xf32>
    %squeeze3A_123 = vector.shape_cast %slice3A_122 : vector<128x1xf32> to vector<128xf32>
    %broadcast_in_dim3A_124 = vector.shape_cast %squeeze3A_123 : vector<128xf32> to vector<128x1xf32>
    %slice3A_125 = vector.extract_strided_slice %get3A_4 {offsets = [11, 0], sizes = [1, 1024], strides = [1, 1]} : vector<64x1024xf32> to vector<1x1024xf32>
    %squeeze3A_126 = vector.shape_cast %slice3A_125 : vector<1x1024xf32> to vector<1024xf32>
    %broadcast_in_dim3A_127 = vector.shape_cast %squeeze3A_126 : vector<1024xf32> to vector<1x1024xf32>
    %sub3A_128 = vector.broadcast %broadcast_in_dim3A_124 : vector<128x1xf32> to vector<128x1024xf32>
    %sub3A_129 = vector.broadcast %broadcast_in_dim3A_127 : vector<1x1024xf32> to vector<128x1024xf32>
    %sub3A_130 = arith.subf %sub3A_128, %sub3A_129 : vector<128x1024xf32>
    %abs3A_131 = math.absf %sub3A_130 : vector<128x1024xf32>
    %add3A_132 = arith.addf %add3A_121, %abs3A_131 : vector<128x1024xf32>
    %slice3A_133 = vector.extract_strided_slice %get3A_1 {offsets = [0, 12], sizes = [128, 1], strides = [1, 1]} : vector<128x64xf32> to vector<128x1xf32>
    %squeeze3A_134 = vector.shape_cast %slice3A_133 : vector<128x1xf32> to vector<128xf32>
    %broadcast_in_dim3A_135 = vector.shape_cast %squeeze3A_134 : vector<128xf32> to vector<128x1xf32>
    %slice3A_136 = vector.extract_strided_slice %get3A_4 {offsets = [12, 0], sizes = [1, 1024], strides = [1, 1]} : vector<64x1024xf32> to vector<1x1024xf32>
    %squeeze3A_137 = vector.shape_cast %slice3A_136 : vector<1x1024xf32> to vector<1024xf32>
    %broadcast_in_dim3A_138 = vector.shape_cast %squeeze3A_137 : vector<1024xf32> to vector<1x1024xf32>
    %sub3A_139 = vector.broadcast %broadcast_in_dim3A_135 : vector<128x1xf32> to vector<128x1024xf32>
    %sub3A_140 = vector.broadcast %broadcast_in_dim3A_138 : vector<1x1024xf32> to vector<128x1024xf32>
    %sub3A_141 = arith.subf %sub3A_139, %sub3A_140 : vector<128x1024xf32>
    %abs3A_142 = math.absf %sub3A_141 : vector<128x1024xf32>
    %add3A_143 = arith.addf %add3A_132, %abs3A_142 : vector<128x1024xf32>
    %slice3A_144 = vector.extract_strided_slice %get3A_1 {offsets = [0, 13], sizes = [128, 1], strides = [1, 1]} : vector<128x64xf32> to vector<128x1xf32>
    %squeeze3A_145 = vector.shape_cast %slice3A_144 : vector<128x1xf32> to vector<128xf32>
    %broadcast_in_dim3A_146 = vector.shape_cast %squeeze3A_145 : vector<128xf32> to vector<128x1xf32>
    %slice3A_147 = vector.extract_strided_slice %get3A_4 {offsets = [13, 0], sizes = [1, 1024], strides = [1, 1]} : vector<64x1024xf32> to vector<1x1024xf32>
    %squeeze3A_148 = vector.shape_cast %slice3A_147 : vector<1x1024xf32> to vector<1024xf32>
    %broadcast_in_dim3A_149 = vector.shape_cast %squeeze3A_148 : vector<1024xf32> to vector<1x1024xf32>
    %sub3A_150 = vector.broadcast %broadcast_in_dim3A_146 : vector<128x1xf32> to vector<128x1024xf32>
    %sub3A_151 = vector.broadcast %broadcast_in_dim3A_149 : vector<1x1024xf32> to vector<128x1024xf32>
    %sub3A_152 = arith.subf %sub3A_150, %sub3A_151 : vector<128x1024xf32>
    %abs3A_153 = math.absf %sub3A_152 : vector<128x1024xf32>
    %add3A_154 = arith.addf %add3A_143, %abs3A_153 : vector<128x1024xf32>
    %slice3A_155 = vector.extract_strided_slice %get3A_1 {offsets = [0, 14], sizes = [128, 1], strides = [1, 1]} : vector<128x64xf32> to vector<128x1xf32>
    %squeeze3A_156 = vector.shape_cast %slice3A_155 : vector<128x1xf32> to vector<128xf32>
    %broadcast_in_dim3A_157 = vector.shape_cast %squeeze3A_156 : vector<128xf32> to vector<128x1xf32>
    %slice3A_158 = vector.extract_strided_slice %get3A_4 {offsets = [14, 0], sizes = [1, 1024], strides = [1, 1]} : vector<64x1024xf32> to vector<1x1024xf32>
    %squeeze3A_159 = vector.shape_cast %slice3A_158 : vector<1x1024xf32> to vector<1024xf32>
    %broadcast_in_dim3A_160 = vector.shape_cast %squeeze3A_159 : vector<1024xf32> to vector<1x1024xf32>
    %sub3A_161 = vector.broadcast %broadcast_in_dim3A_157 : vector<128x1xf32> to vector<128x1024xf32>
    %sub3A_162 = vector.broadcast %broadcast_in_dim3A_160 : vector<1x1024xf32> to vector<128x1024xf32>
    %sub3A_163 = arith.subf %sub3A_161, %sub3A_162 : vector<128x1024xf32>
    %abs3A_164 = math.absf %sub3A_163 : vector<128x1024xf32>
    %add3A_165 = arith.addf %add3A_154, %abs3A_164 : vector<128x1024xf32>
    %slice3A_166 = vector.extract_strided_slice %get3A_1 {offsets = [0, 15], sizes = [128, 1], strides = [1, 1]} : vector<128x64xf32> to vector<128x1xf32>
    %squeeze3A_167 = vector.shape_cast %slice3A_166 : vector<128x1xf32> to vector<128xf32>
    %broadcast_in_dim3A_168 = vector.shape_cast %squeeze3A_167 : vector<128xf32> to vector<128x1xf32>
    %slice3A_169 = vector.extract_strided_slice %get3A_4 {offsets = [15, 0], sizes = [1, 1024], strides = [1, 1]} : vector<64x1024xf32> to vector<1x1024xf32>
    %squeeze3A_170 = vector.shape_cast %slice3A_169 : vector<1x1024xf32> to vector<1024xf32>
    %broadcast_in_dim3A_171 = vector.shape_cast %squeeze3A_170 : vector<1024xf32> to vector<1x1024xf32>
    %sub3A_172 = vector.broadcast %broadcast_in_dim3A_168 : vector<128x1xf32> to vector<128x1024xf32>
    %sub3A_173 = vector.broadcast %broadcast_in_dim3A_171 : vector<1x1024xf32> to vector<128x1024xf32>
    %sub3A_174 = arith.subf %sub3A_172, %sub3A_173 : vector<128x1024xf32>
    %abs3A_175 = math.absf %sub3A_174 : vector<128x1024xf32>
    %add3A_176 = arith.addf %add3A_165, %abs3A_175 : vector<128x1024xf32>
    %slice3A_177 = vector.extract_strided_slice %get3A_1 {offsets = [0, 16], sizes = [128, 1], strides = [1, 1]} : vector<128x64xf32> to vector<128x1xf32>
    %squeeze3A_178 = vector.shape_cast %slice3A_177 : vector<128x1xf32> to vector<128xf32>
    %broadcast_in_dim3A_179 = vector.shape_cast %squeeze3A_178 : vector<128xf32> to vector<128x1xf32>
    %slice3A_180 = vector.extract_strided_slice %get3A_4 {offsets = [16, 0], sizes = [1, 1024], strides = [1, 1]} : vector<64x1024xf32> to vector<1x1024xf32>
    %squeeze3A_181 = vector.shape_cast %slice3A_180 : vector<1x1024xf32> to vector<1024xf32>
    %broadcast_in_dim3A_182 = vector.shape_cast %squeeze3A_181 : vector<1024xf32> to vector<1x1024xf32>
    %sub3A_183 = vector.broadcast %broadcast_in_dim3A_179 : vector<128x1xf32> to vector<128x1024xf32>
    %sub3A_184 = vector.broadcast %broadcast_in_dim3A_182 : vector<1x1024xf32> to vector<128x1024xf32>
    %sub3A_185 = arith.subf %sub3A_183, %sub3A_184 : vector<128x1024xf32>
    %abs3A_186 = math.absf %sub3A_185 : vector<128x1024xf32>
    %add3A_187 = arith.addf %add3A_176, %abs3A_186 : vector<128x1024xf32>
    %slice3A_188 = vector.extract_strided_slice %get3A_1 {offsets = [0, 17], sizes = [128, 1], strides = [1, 1]} : vector<128x64xf32> to vector<128x1xf32>
    %squeeze3A_189 = vector.shape_cast %slice3A_188 : vector<128x1xf32> to vector<128xf32>
    %broadcast_in_dim3A_190 = vector.shape_cast %squeeze3A_189 : vector<128xf32> to vector<128x1xf32>
    %slice3A_191 = vector.extract_strided_slice %get3A_4 {offsets = [17, 0], sizes = [1, 1024], strides = [1, 1]} : vector<64x1024xf32> to vector<1x1024xf32>
    %squeeze3A_192 = vector.shape_cast %slice3A_191 : vector<1x1024xf32> to vector<1024xf32>
    %broadcast_in_dim3A_193 = vector.shape_cast %squeeze3A_192 : vector<1024xf32> to vector<1x1024xf32>
    %sub3A_194 = vector.broadcast %broadcast_in_dim3A_190 : vector<128x1xf32> to vector<128x1024xf32>
    %sub3A_195 = vector.broadcast %broadcast_in_dim3A_193 : vector<1x1024xf32> to vector<128x1024xf32>
    %sub3A_196 = arith.subf %sub3A_194, %sub3A_195 : vector<128x1024xf32>
    %abs3A_197 = math.absf %sub3A_196 : vector<128x1024xf32>
    %add3A_198 = arith.addf %add3A_187, %abs3A_197 : vector<128x1024xf32>
    %slice3A_199 = vector.extract_strided_slice %get3A_1 {offsets = [0, 18], sizes = [128, 1], strides = [1, 1]} : vector<128x64xf32> to vector<128x1xf32>
    %squeeze3A_200 = vector.shape_cast %slice3A_199 : vector<128x1xf32> to vector<128xf32>
    %broadcast_in_dim3A_201 = vector.shape_cast %squeeze3A_200 : vector<128xf32> to vector<128x1xf32>
    %slice3A_202 = vector.extract_strided_slice %get3A_4 {offsets = [18, 0], sizes = [1, 1024], strides = [1, 1]} : vector<64x1024xf32> to vector<1x1024xf32>
    %squeeze3A_203 = vector.shape_cast %slice3A_202 : vector<1x1024xf32> to vector<1024xf32>
    %broadcast_in_dim3A_204 = vector.shape_cast %squeeze3A_203 : vector<1024xf32> to vector<1x1024xf32>
    %sub3A_205 = vector.broadcast %broadcast_in_dim3A_201 : vector<128x1xf32> to vector<128x1024xf32>
    %sub3A_206 = vector.broadcast %broadcast_in_dim3A_204 : vector<1x1024xf32> to vector<128x1024xf32>
    %sub3A_207 = arith.subf %sub3A_205, %sub3A_206 : vector<128x1024xf32>
    %abs3A_208 = math.absf %sub3A_207 : vector<128x1024xf32>
    %add3A_209 = arith.addf %add3A_198, %abs3A_208 : vector<128x1024xf32>
    %slice3A_210 = vector.extract_strided_slice %get3A_1 {offsets = [0, 19], sizes = [128, 1], strides = [1, 1]} : vector<128x64xf32> to vector<128x1xf32>
    %squeeze3A_211 = vector.shape_cast %slice3A_210 : vector<128x1xf32> to vector<128xf32>
    %broadcast_in_dim3A_212 = vector.shape_cast %squeeze3A_211 : vector<128xf32> to vector<128x1xf32>
    %slice3A_213 = vector.extract_strided_slice %get3A_4 {offsets = [19, 0], sizes = [1, 1024], strides = [1, 1]} : vector<64x1024xf32> to vector<1x1024xf32>
    %squeeze3A_214 = vector.shape_cast %slice3A_213 : vector<1x1024xf32> to vector<1024xf32>
    %broadcast_in_dim3A_215 = vector.shape_cast %squeeze3A_214 : vector<1024xf32> to vector<1x1024xf32>
    %sub3A_216 = vector.broadcast %broadcast_in_dim3A_212 : vector<128x1xf32> to vector<128x1024xf32>
    %sub3A_217 = vector.broadcast %broadcast_in_dim3A_215 : vector<1x1024xf32> to vector<128x1024xf32>
    %sub3A_218 = arith.subf %sub3A_216, %sub3A_217 : vector<128x1024xf32>
    %abs3A_219 = math.absf %sub3A_218 : vector<128x1024xf32>
    %add3A_220 = arith.addf %add3A_209, %abs3A_219 : vector<128x1024xf32>
    %slice3A_221 = vector.extract_strided_slice %get3A_1 {offsets = [0, 20], sizes = [128, 1], strides = [1, 1]} : vector<128x64xf32> to vector<128x1xf32>
    %squeeze3A_222 = vector.shape_cast %slice3A_221 : vector<128x1xf32> to vector<128xf32>
    %broadcast_in_dim3A_223 = vector.shape_cast %squeeze3A_222 : vector<128xf32> to vector<128x1xf32>
    %slice3A_224 = vector.extract_strided_slice %get3A_4 {offsets = [20, 0], sizes = [1, 1024], strides = [1, 1]} : vector<64x1024xf32> to vector<1x1024xf32>
    %squeeze3A_225 = vector.shape_cast %slice3A_224 : vector<1x1024xf32> to vector<1024xf32>
    %broadcast_in_dim3A_226 = vector.shape_cast %squeeze3A_225 : vector<1024xf32> to vector<1x1024xf32>
    %sub3A_227 = vector.broadcast %broadcast_in_dim3A_223 : vector<128x1xf32> to vector<128x1024xf32>
    %sub3A_228 = vector.broadcast %broadcast_in_dim3A_226 : vector<1x1024xf32> to vector<128x1024xf32>
    %sub3A_229 = arith.subf %sub3A_227, %sub3A_228 : vector<128x1024xf32>
    %abs3A_230 = math.absf %sub3A_229 : vector<128x1024xf32>
    %add3A_231 = arith.addf %add3A_220, %abs3A_230 : vector<128x1024xf32>
    %slice3A_232 = vector.extract_strided_slice %get3A_1 {offsets = [0, 21], sizes = [128, 1], strides = [1, 1]} : vector<128x64xf32> to vector<128x1xf32>
    %squeeze3A_233 = vector.shape_cast %slice3A_232 : vector<128x1xf32> to vector<128xf32>
    %broadcast_in_dim3A_234 = vector.shape_cast %squeeze3A_233 : vector<128xf32> to vector<128x1xf32>
    %slice3A_235 = vector.extract_strided_slice %get3A_4 {offsets = [21, 0], sizes = [1, 1024], strides = [1, 1]} : vector<64x1024xf32> to vector<1x1024xf32>
    %squeeze3A_236 = vector.shape_cast %slice3A_235 : vector<1x1024xf32> to vector<1024xf32>
    %broadcast_in_dim3A_237 = vector.shape_cast %squeeze3A_236 : vector<1024xf32> to vector<1x1024xf32>
    %sub3A_238 = vector.broadcast %broadcast_in_dim3A_234 : vector<128x1xf32> to vector<128x1024xf32>
    %sub3A_239 = vector.broadcast %broadcast_in_dim3A_237 : vector<1x1024xf32> to vector<128x1024xf32>
    %sub3A_240 = arith.subf %sub3A_238, %sub3A_239 : vector<128x1024xf32>
    %abs3A_241 = math.absf %sub3A_240 : vector<128x1024xf32>
    %add3A_242 = arith.addf %add3A_231, %abs3A_241 : vector<128x1024xf32>
    %slice3A_243 = vector.extract_strided_slice %get3A_1 {offsets = [0, 22], sizes = [128, 1], strides = [1, 1]} : vector<128x64xf32> to vector<128x1xf32>
    %squeeze3A_244 = vector.shape_cast %slice3A_243 : vector<128x1xf32> to vector<128xf32>
    %broadcast_in_dim3A_245 = vector.shape_cast %squeeze3A_244 : vector<128xf32> to vector<128x1xf32>
    %slice3A_246 = vector.extract_strided_slice %get3A_4 {offsets = [22, 0], sizes = [1, 1024], strides = [1, 1]} : vector<64x1024xf32> to vector<1x1024xf32>
    %squeeze3A_247 = vector.shape_cast %slice3A_246 : vector<1x1024xf32> to vector<1024xf32>
    %broadcast_in_dim3A_248 = vector.shape_cast %squeeze3A_247 : vector<1024xf32> to vector<1x1024xf32>
    %sub3A_249 = vector.broadcast %broadcast_in_dim3A_245 : vector<128x1xf32> to vector<128x1024xf32>
    %sub3A_250 = vector.broadcast %broadcast_in_dim3A_248 : vector<1x1024xf32> to vector<128x1024xf32>
    %sub3A_251 = arith.subf %sub3A_249, %sub3A_250 : vector<128x1024xf32>
    %abs3A_252 = math.absf %sub3A_251 : vector<128x1024xf32>
    %add3A_253 = arith.addf %add3A_242, %abs3A_252 : vector<128x1024xf32>
    %slice3A_254 = vector.extract_strided_slice %get3A_1 {offsets = [0, 23], sizes = [128, 1], strides = [1, 1]} : vector<128x64xf32> to vector<128x1xf32>
    %squeeze3A_255 = vector.shape_cast %slice3A_254 : vector<128x1xf32> to vector<128xf32>
    %broadcast_in_dim3A_256 = vector.shape_cast %squeeze3A_255 : vector<128xf32> to vector<128x1xf32>
    %slice3A_257 = vector.extract_strided_slice %get3A_4 {offsets = [23, 0], sizes = [1, 1024], strides = [1, 1]} : vector<64x1024xf32> to vector<1x1024xf32>
    %squeeze3A_258 = vector.shape_cast %slice3A_257 : vector<1x1024xf32> to vector<1024xf32>
    %broadcast_in_dim3A_259 = vector.shape_cast %squeeze3A_258 : vector<1024xf32> to vector<1x1024xf32>
    %sub3A_260 = vector.broadcast %broadcast_in_dim3A_256 : vector<128x1xf32> to vector<128x1024xf32>
    %sub3A_261 = vector.broadcast %broadcast_in_dim3A_259 : vector<1x1024xf32> to vector<128x1024xf32>
    %sub3A_262 = arith.subf %sub3A_260, %sub3A_261 : vector<128x1024xf32>
    %abs3A_263 = math.absf %sub3A_262 : vector<128x1024xf32>
    %add3A_264 = arith.addf %add3A_253, %abs3A_263 : vector<128x1024xf32>
    %slice3A_265 = vector.extract_strided_slice %get3A_1 {offsets = [0, 24], sizes = [128, 1], strides = [1, 1]} : vector<128x64xf32> to vector<128x1xf32>
    %squeeze3A_266 = vector.shape_cast %slice3A_265 : vector<128x1xf32> to vector<128xf32>
    %broadcast_in_dim3A_267 = vector.shape_cast %squeeze3A_266 : vector<128xf32> to vector<128x1xf32>
    %slice3A_268 = vector.extract_strided_slice %get3A_4 {offsets = [24, 0], sizes = [1, 1024], strides = [1, 1]} : vector<64x1024xf32> to vector<1x1024xf32>
    %squeeze3A_269 = vector.shape_cast %slice3A_268 : vector<1x1024xf32> to vector<1024xf32>
    %broadcast_in_dim3A_270 = vector.shape_cast %squeeze3A_269 : vector<1024xf32> to vector<1x1024xf32>
    %sub3A_271 = vector.broadcast %broadcast_in_dim3A_267 : vector<128x1xf32> to vector<128x1024xf32>
    %sub3A_272 = vector.broadcast %broadcast_in_dim3A_270 : vector<1x1024xf32> to vector<128x1024xf32>
    %sub3A_273 = arith.subf %sub3A_271, %sub3A_272 : vector<128x1024xf32>
    %abs3A_274 = math.absf %sub3A_273 : vector<128x1024xf32>
    %add3A_275 = arith.addf %add3A_264, %abs3A_274 : vector<128x1024xf32>
    %slice3A_276 = vector.extract_strided_slice %get3A_1 {offsets = [0, 25], sizes = [128, 1], strides = [1, 1]} : vector<128x64xf32> to vector<128x1xf32>
    %squeeze3A_277 = vector.shape_cast %slice3A_276 : vector<128x1xf32> to vector<128xf32>
    %broadcast_in_dim3A_278 = vector.shape_cast %squeeze3A_277 : vector<128xf32> to vector<128x1xf32>
    %slice3A_279 = vector.extract_strided_slice %get3A_4 {offsets = [25, 0], sizes = [1, 1024], strides = [1, 1]} : vector<64x1024xf32> to vector<1x1024xf32>
    %squeeze3A_280 = vector.shape_cast %slice3A_279 : vector<1x1024xf32> to vector<1024xf32>
    %broadcast_in_dim3A_281 = vector.shape_cast %squeeze3A_280 : vector<1024xf32> to vector<1x1024xf32>
    %sub3A_282 = vector.broadcast %broadcast_in_dim3A_278 : vector<128x1xf32> to vector<128x1024xf32>
    %sub3A_283 = vector.broadcast %broadcast_in_dim3A_281 : vector<1x1024xf32> to vector<128x1024xf32>
    %sub3A_284 = arith.subf %sub3A_282, %sub3A_283 : vector<128x1024xf32>
    %abs3A_285 = math.absf %sub3A_284 : vector<128x1024xf32>
    %add3A_286 = arith.addf %add3A_275, %abs3A_285 : vector<128x1024xf32>
    %slice3A_287 = vector.extract_strided_slice %get3A_1 {offsets = [0, 26], sizes = [128, 1], strides = [1, 1]} : vector<128x64xf32> to vector<128x1xf32>
    %squeeze3A_288 = vector.shape_cast %slice3A_287 : vector<128x1xf32> to vector<128xf32>
    %broadcast_in_dim3A_289 = vector.shape_cast %squeeze3A_288 : vector<128xf32> to vector<128x1xf32>
    %slice3A_290 = vector.extract_strided_slice %get3A_4 {offsets = [26, 0], sizes = [1, 1024], strides = [1, 1]} : vector<64x1024xf32> to vector<1x1024xf32>
    %squeeze3A_291 = vector.shape_cast %slice3A_290 : vector<1x1024xf32> to vector<1024xf32>
    %broadcast_in_dim3A_292 = vector.shape_cast %squeeze3A_291 : vector<1024xf32> to vector<1x1024xf32>
    %sub3A_293 = vector.broadcast %broadcast_in_dim3A_289 : vector<128x1xf32> to vector<128x1024xf32>
    %sub3A_294 = vector.broadcast %broadcast_in_dim3A_292 : vector<1x1024xf32> to vector<128x1024xf32>
    %sub3A_295 = arith.subf %sub3A_293, %sub3A_294 : vector<128x1024xf32>
    %abs3A_296 = math.absf %sub3A_295 : vector<128x1024xf32>
    %add3A_297 = arith.addf %add3A_286, %abs3A_296 : vector<128x1024xf32>
    %slice3A_298 = vector.extract_strided_slice %get3A_1 {offsets = [0, 27], sizes = [128, 1], strides = [1, 1]} : vector<128x64xf32> to vector<128x1xf32>
    %squeeze3A_299 = vector.shape_cast %slice3A_298 : vector<128x1xf32> to vector<128xf32>
    %broadcast_in_dim3A_300 = vector.shape_cast %squeeze3A_299 : vector<128xf32> to vector<128x1xf32>
    %slice3A_301 = vector.extract_strided_slice %get3A_4 {offsets = [27, 0], sizes = [1, 1024], strides = [1, 1]} : vector<64x1024xf32> to vector<1x1024xf32>
    %squeeze3A_302 = vector.shape_cast %slice3A_301 : vector<1x1024xf32> to vector<1024xf32>
    %broadcast_in_dim3A_303 = vector.shape_cast %squeeze3A_302 : vector<1024xf32> to vector<1x1024xf32>
    %sub3A_304 = vector.broadcast %broadcast_in_dim3A_300 : vector<128x1xf32> to vector<128x1024xf32>
    %sub3A_305 = vector.broadcast %broadcast_in_dim3A_303 : vector<1x1024xf32> to vector<128x1024xf32>
    %sub3A_306 = arith.subf %sub3A_304, %sub3A_305 : vector<128x1024xf32>
    %abs3A_307 = math.absf %sub3A_306 : vector<128x1024xf32>
    %add3A_308 = arith.addf %add3A_297, %abs3A_307 : vector<128x1024xf32>
    %slice3A_309 = vector.extract_strided_slice %get3A_1 {offsets = [0, 28], sizes = [128, 1], strides = [1, 1]} : vector<128x64xf32> to vector<128x1xf32>
    %squeeze3A_310 = vector.shape_cast %slice3A_309 : vector<128x1xf32> to vector<128xf32>
    %broadcast_in_dim3A_311 = vector.shape_cast %squeeze3A_310 : vector<128xf32> to vector<128x1xf32>
    %slice3A_312 = vector.extract_strided_slice %get3A_4 {offsets = [28, 0], sizes = [1, 1024], strides = [1, 1]} : vector<64x1024xf32> to vector<1x1024xf32>
    %squeeze3A_313 = vector.shape_cast %slice3A_312 : vector<1x1024xf32> to vector<1024xf32>
    %broadcast_in_dim3A_314 = vector.shape_cast %squeeze3A_313 : vector<1024xf32> to vector<1x1024xf32>
    %sub3A_315 = vector.broadcast %broadcast_in_dim3A_311 : vector<128x1xf32> to vector<128x1024xf32>
    %sub3A_316 = vector.broadcast %broadcast_in_dim3A_314 : vector<1x1024xf32> to vector<128x1024xf32>
    %sub3A_317 = arith.subf %sub3A_315, %sub3A_316 : vector<128x1024xf32>
    %abs3A_318 = math.absf %sub3A_317 : vector<128x1024xf32>
    %add3A_319 = arith.addf %add3A_308, %abs3A_318 : vector<128x1024xf32>
    %slice3A_320 = vector.extract_strided_slice %get3A_1 {offsets = [0, 29], sizes = [128, 1], strides = [1, 1]} : vector<128x64xf32> to vector<128x1xf32>
    %squeeze3A_321 = vector.shape_cast %slice3A_320 : vector<128x1xf32> to vector<128xf32>
    %broadcast_in_dim3A_322 = vector.shape_cast %squeeze3A_321 : vector<128xf32> to vector<128x1xf32>
    %slice3A_323 = vector.extract_strided_slice %get3A_4 {offsets = [29, 0], sizes = [1, 1024], strides = [1, 1]} : vector<64x1024xf32> to vector<1x1024xf32>
    %squeeze3A_324 = vector.shape_cast %slice3A_323 : vector<1x1024xf32> to vector<1024xf32>
    %broadcast_in_dim3A_325 = vector.shape_cast %squeeze3A_324 : vector<1024xf32> to vector<1x1024xf32>
    %sub3A_326 = vector.broadcast %broadcast_in_dim3A_322 : vector<128x1xf32> to vector<128x1024xf32>
    %sub3A_327 = vector.broadcast %broadcast_in_dim3A_325 : vector<1x1024xf32> to vector<128x1024xf32>
    %sub3A_328 = arith.subf %sub3A_326, %sub3A_327 : vector<128x1024xf32>
    %abs3A_329 = math.absf %sub3A_328 : vector<128x1024xf32>
    %add3A_330 = arith.addf %add3A_319, %abs3A_329 : vector<128x1024xf32>
    %slice3A_331 = vector.extract_strided_slice %get3A_1 {offsets = [0, 30], sizes = [128, 1], strides = [1, 1]} : vector<128x64xf32> to vector<128x1xf32>
    %squeeze3A_332 = vector.shape_cast %slice3A_331 : vector<128x1xf32> to vector<128xf32>
    %broadcast_in_dim3A_333 = vector.shape_cast %squeeze3A_332 : vector<128xf32> to vector<128x1xf32>
    %slice3A_334 = vector.extract_strided_slice %get3A_4 {offsets = [30, 0], sizes = [1, 1024], strides = [1, 1]} : vector<64x1024xf32> to vector<1x1024xf32>
    %squeeze3A_335 = vector.shape_cast %slice3A_334 : vector<1x1024xf32> to vector<1024xf32>
    %broadcast_in_dim3A_336 = vector.shape_cast %squeeze3A_335 : vector<1024xf32> to vector<1x1024xf32>
    %sub3A_337 = vector.broadcast %broadcast_in_dim3A_333 : vector<128x1xf32> to vector<128x1024xf32>
    %sub3A_338 = vector.broadcast %broadcast_in_dim3A_336 : vector<1x1024xf32> to vector<128x1024xf32>
    %sub3A_339 = arith.subf %sub3A_337, %sub3A_338 : vector<128x1024xf32>
    %abs3A_340 = math.absf %sub3A_339 : vector<128x1024xf32>
    %add3A_341 = arith.addf %add3A_330, %abs3A_340 : vector<128x1024xf32>
    %slice3A_342 = vector.extract_strided_slice %get3A_1 {offsets = [0, 31], sizes = [128, 1], strides = [1, 1]} : vector<128x64xf32> to vector<128x1xf32>
    %squeeze3A_343 = vector.shape_cast %slice3A_342 : vector<128x1xf32> to vector<128xf32>
    %broadcast_in_dim3A_344 = vector.shape_cast %squeeze3A_343 : vector<128xf32> to vector<128x1xf32>
    %slice3A_345 = vector.extract_strided_slice %get3A_4 {offsets = [31, 0], sizes = [1, 1024], strides = [1, 1]} : vector<64x1024xf32> to vector<1x1024xf32>
    %squeeze3A_346 = vector.shape_cast %slice3A_345 : vector<1x1024xf32> to vector<1024xf32>
    %broadcast_in_dim3A_347 = vector.shape_cast %squeeze3A_346 : vector<1024xf32> to vector<1x1024xf32>
    %sub3A_348 = vector.broadcast %broadcast_in_dim3A_344 : vector<128x1xf32> to vector<128x1024xf32>
    %sub3A_349 = vector.broadcast %broadcast_in_dim3A_347 : vector<1x1024xf32> to vector<128x1024xf32>
    %sub3A_350 = arith.subf %sub3A_348, %sub3A_349 : vector<128x1024xf32>
    %abs3A_351 = math.absf %sub3A_350 : vector<128x1024xf32>
    %add3A_352 = arith.addf %add3A_341, %abs3A_351 : vector<128x1024xf32>
    %slice3A_353 = vector.extract_strided_slice %get3A_1 {offsets = [0, 32], sizes = [128, 1], strides = [1, 1]} : vector<128x64xf32> to vector<128x1xf32>
    %squeeze3A_354 = vector.shape_cast %slice3A_353 : vector<128x1xf32> to vector<128xf32>
    %broadcast_in_dim3A_355 = vector.shape_cast %squeeze3A_354 : vector<128xf32> to vector<128x1xf32>
    %slice3A_356 = vector.extract_strided_slice %get3A_4 {offsets = [32, 0], sizes = [1, 1024], strides = [1, 1]} : vector<64x1024xf32> to vector<1x1024xf32>
    %squeeze3A_357 = vector.shape_cast %slice3A_356 : vector<1x1024xf32> to vector<1024xf32>
    %broadcast_in_dim3A_358 = vector.shape_cast %squeeze3A_357 : vector<1024xf32> to vector<1x1024xf32>
    %sub3A_359 = vector.broadcast %broadcast_in_dim3A_355 : vector<128x1xf32> to vector<128x1024xf32>
    %sub3A_360 = vector.broadcast %broadcast_in_dim3A_358 : vector<1x1024xf32> to vector<128x1024xf32>
    %sub3A_361 = arith.subf %sub3A_359, %sub3A_360 : vector<128x1024xf32>
    %abs3A_362 = math.absf %sub3A_361 : vector<128x1024xf32>
    %add3A_363 = arith.addf %add3A_352, %abs3A_362 : vector<128x1024xf32>
    %slice3A_364 = vector.extract_strided_slice %get3A_1 {offsets = [0, 33], sizes = [128, 1], strides = [1, 1]} : vector<128x64xf32> to vector<128x1xf32>
    %squeeze3A_365 = vector.shape_cast %slice3A_364 : vector<128x1xf32> to vector<128xf32>
    %broadcast_in_dim3A_366 = vector.shape_cast %squeeze3A_365 : vector<128xf32> to vector<128x1xf32>
    %slice3A_367 = vector.extract_strided_slice %get3A_4 {offsets = [33, 0], sizes = [1, 1024], strides = [1, 1]} : vector<64x1024xf32> to vector<1x1024xf32>
    %squeeze3A_368 = vector.shape_cast %slice3A_367 : vector<1x1024xf32> to vector<1024xf32>
    %broadcast_in_dim3A_369 = vector.shape_cast %squeeze3A_368 : vector<1024xf32> to vector<1x1024xf32>
    %sub3A_370 = vector.broadcast %broadcast_in_dim3A_366 : vector<128x1xf32> to vector<128x1024xf32>
    %sub3A_371 = vector.broadcast %broadcast_in_dim3A_369 : vector<1x1024xf32> to vector<128x1024xf32>
    %sub3A_372 = arith.subf %sub3A_370, %sub3A_371 : vector<128x1024xf32>
    %abs3A_373 = math.absf %sub3A_372 : vector<128x1024xf32>
    %add3A_374 = arith.addf %add3A_363, %abs3A_373 : vector<128x1024xf32>
    %slice3A_375 = vector.extract_strided_slice %get3A_1 {offsets = [0, 34], sizes = [128, 1], strides = [1, 1]} : vector<128x64xf32> to vector<128x1xf32>
    %squeeze3A_376 = vector.shape_cast %slice3A_375 : vector<128x1xf32> to vector<128xf32>
    %broadcast_in_dim3A_377 = vector.shape_cast %squeeze3A_376 : vector<128xf32> to vector<128x1xf32>
    %slice3A_378 = vector.extract_strided_slice %get3A_4 {offsets = [34, 0], sizes = [1, 1024], strides = [1, 1]} : vector<64x1024xf32> to vector<1x1024xf32>
    %squeeze3A_379 = vector.shape_cast %slice3A_378 : vector<1x1024xf32> to vector<1024xf32>
    %broadcast_in_dim3A_380 = vector.shape_cast %squeeze3A_379 : vector<1024xf32> to vector<1x1024xf32>
    %sub3A_381 = vector.broadcast %broadcast_in_dim3A_377 : vector<128x1xf32> to vector<128x1024xf32>
    %sub3A_382 = vector.broadcast %broadcast_in_dim3A_380 : vector<1x1024xf32> to vector<128x1024xf32>
    %sub3A_383 = arith.subf %sub3A_381, %sub3A_382 : vector<128x1024xf32>
    %abs3A_384 = math.absf %sub3A_383 : vector<128x1024xf32>
    %add3A_385 = arith.addf %add3A_374, %abs3A_384 : vector<128x1024xf32>
    %slice3A_386 = vector.extract_strided_slice %get3A_1 {offsets = [0, 35], sizes = [128, 1], strides = [1, 1]} : vector<128x64xf32> to vector<128x1xf32>
    %squeeze3A_387 = vector.shape_cast %slice3A_386 : vector<128x1xf32> to vector<128xf32>
    %broadcast_in_dim3A_388 = vector.shape_cast %squeeze3A_387 : vector<128xf32> to vector<128x1xf32>
    %slice3A_389 = vector.extract_strided_slice %get3A_4 {offsets = [35, 0], sizes = [1, 1024], strides = [1, 1]} : vector<64x1024xf32> to vector<1x1024xf32>
    %squeeze3A_390 = vector.shape_cast %slice3A_389 : vector<1x1024xf32> to vector<1024xf32>
    %broadcast_in_dim3A_391 = vector.shape_cast %squeeze3A_390 : vector<1024xf32> to vector<1x1024xf32>
    %sub3A_392 = vector.broadcast %broadcast_in_dim3A_388 : vector<128x1xf32> to vector<128x1024xf32>
    %sub3A_393 = vector.broadcast %broadcast_in_dim3A_391 : vector<1x1024xf32> to vector<128x1024xf32>
    %sub3A_394 = arith.subf %sub3A_392, %sub3A_393 : vector<128x1024xf32>
    %abs3A_395 = math.absf %sub3A_394 : vector<128x1024xf32>
    %add3A_396 = arith.addf %add3A_385, %abs3A_395 : vector<128x1024xf32>
    %slice3A_397 = vector.extract_strided_slice %get3A_1 {offsets = [0, 36], sizes = [128, 1], strides = [1, 1]} : vector<128x64xf32> to vector<128x1xf32>
    %squeeze3A_398 = vector.shape_cast %slice3A_397 : vector<128x1xf32> to vector<128xf32>
    %broadcast_in_dim3A_399 = vector.shape_cast %squeeze3A_398 : vector<128xf32> to vector<128x1xf32>
    %slice3A_400 = vector.extract_strided_slice %get3A_4 {offsets = [36, 0], sizes = [1, 1024], strides = [1, 1]} : vector<64x1024xf32> to vector<1x1024xf32>
    %squeeze3A_401 = vector.shape_cast %slice3A_400 : vector<1x1024xf32> to vector<1024xf32>
    %broadcast_in_dim3A_402 = vector.shape_cast %squeeze3A_401 : vector<1024xf32> to vector<1x1024xf32>
    %sub3A_403 = vector.broadcast %broadcast_in_dim3A_399 : vector<128x1xf32> to vector<128x1024xf32>
    %sub3A_404 = vector.broadcast %broadcast_in_dim3A_402 : vector<1x1024xf32> to vector<128x1024xf32>
    %sub3A_405 = arith.subf %sub3A_403, %sub3A_404 : vector<128x1024xf32>
    %abs3A_406 = math.absf %sub3A_405 : vector<128x1024xf32>
    %add3A_407 = arith.addf %add3A_396, %abs3A_406 : vector<128x1024xf32>
    %slice3A_408 = vector.extract_strided_slice %get3A_1 {offsets = [0, 37], sizes = [128, 1], strides = [1, 1]} : vector<128x64xf32> to vector<128x1xf32>
    %squeeze3A_409 = vector.shape_cast %slice3A_408 : vector<128x1xf32> to vector<128xf32>
    %broadcast_in_dim3A_410 = vector.shape_cast %squeeze3A_409 : vector<128xf32> to vector<128x1xf32>
    %slice3A_411 = vector.extract_strided_slice %get3A_4 {offsets = [37, 0], sizes = [1, 1024], strides = [1, 1]} : vector<64x1024xf32> to vector<1x1024xf32>
    %squeeze3A_412 = vector.shape_cast %slice3A_411 : vector<1x1024xf32> to vector<1024xf32>
    %broadcast_in_dim3A_413 = vector.shape_cast %squeeze3A_412 : vector<1024xf32> to vector<1x1024xf32>
    %sub3A_414 = vector.broadcast %broadcast_in_dim3A_410 : vector<128x1xf32> to vector<128x1024xf32>
    %sub3A_415 = vector.broadcast %broadcast_in_dim3A_413 : vector<1x1024xf32> to vector<128x1024xf32>
    %sub3A_416 = arith.subf %sub3A_414, %sub3A_415 : vector<128x1024xf32>
    %abs3A_417 = math.absf %sub3A_416 : vector<128x1024xf32>
    %add3A_418 = arith.addf %add3A_407, %abs3A_417 : vector<128x1024xf32>
    %slice3A_419 = vector.extract_strided_slice %get3A_1 {offsets = [0, 38], sizes = [128, 1], strides = [1, 1]} : vector<128x64xf32> to vector<128x1xf32>
    %squeeze3A_420 = vector.shape_cast %slice3A_419 : vector<128x1xf32> to vector<128xf32>
    %broadcast_in_dim3A_421 = vector.shape_cast %squeeze3A_420 : vector<128xf32> to vector<128x1xf32>
    %slice3A_422 = vector.extract_strided_slice %get3A_4 {offsets = [38, 0], sizes = [1, 1024], strides = [1, 1]} : vector<64x1024xf32> to vector<1x1024xf32>
    %squeeze3A_423 = vector.shape_cast %slice3A_422 : vector<1x1024xf32> to vector<1024xf32>
    %broadcast_in_dim3A_424 = vector.shape_cast %squeeze3A_423 : vector<1024xf32> to vector<1x1024xf32>
    %sub3A_425 = vector.broadcast %broadcast_in_dim3A_421 : vector<128x1xf32> to vector<128x1024xf32>
    %sub3A_426 = vector.broadcast %broadcast_in_dim3A_424 : vector<1x1024xf32> to vector<128x1024xf32>
    %sub3A_427 = arith.subf %sub3A_425, %sub3A_426 : vector<128x1024xf32>
    %abs3A_428 = math.absf %sub3A_427 : vector<128x1024xf32>
    %add3A_429 = arith.addf %add3A_418, %abs3A_428 : vector<128x1024xf32>
    %slice3A_430 = vector.extract_strided_slice %get3A_1 {offsets = [0, 39], sizes = [128, 1], strides = [1, 1]} : vector<128x64xf32> to vector<128x1xf32>
    %squeeze3A_431 = vector.shape_cast %slice3A_430 : vector<128x1xf32> to vector<128xf32>
    %broadcast_in_dim3A_432 = vector.shape_cast %squeeze3A_431 : vector<128xf32> to vector<128x1xf32>
    %slice3A_433 = vector.extract_strided_slice %get3A_4 {offsets = [39, 0], sizes = [1, 1024], strides = [1, 1]} : vector<64x1024xf32> to vector<1x1024xf32>
    %squeeze3A_434 = vector.shape_cast %slice3A_433 : vector<1x1024xf32> to vector<1024xf32>
    %broadcast_in_dim3A_435 = vector.shape_cast %squeeze3A_434 : vector<1024xf32> to vector<1x1024xf32>
    %sub3A_436 = vector.broadcast %broadcast_in_dim3A_432 : vector<128x1xf32> to vector<128x1024xf32>
    %sub3A_437 = vector.broadcast %broadcast_in_dim3A_435 : vector<1x1024xf32> to vector<128x1024xf32>
    %sub3A_438 = arith.subf %sub3A_436, %sub3A_437 : vector<128x1024xf32>
    %abs3A_439 = math.absf %sub3A_438 : vector<128x1024xf32>
    %add3A_440 = arith.addf %add3A_429, %abs3A_439 : vector<128x1024xf32>
    %slice3A_441 = vector.extract_strided_slice %get3A_1 {offsets = [0, 40], sizes = [128, 1], strides = [1, 1]} : vector<128x64xf32> to vector<128x1xf32>
    %squeeze3A_442 = vector.shape_cast %slice3A_441 : vector<128x1xf32> to vector<128xf32>
    %broadcast_in_dim3A_443 = vector.shape_cast %squeeze3A_442 : vector<128xf32> to vector<128x1xf32>
    %slice3A_444 = vector.extract_strided_slice %get3A_4 {offsets = [40, 0], sizes = [1, 1024], strides = [1, 1]} : vector<64x1024xf32> to vector<1x1024xf32>
    %squeeze3A_445 = vector.shape_cast %slice3A_444 : vector<1x1024xf32> to vector<1024xf32>
    %broadcast_in_dim3A_446 = vector.shape_cast %squeeze3A_445 : vector<1024xf32> to vector<1x1024xf32>
    %sub3A_447 = vector.broadcast %broadcast_in_dim3A_443 : vector<128x1xf32> to vector<128x1024xf32>
    %sub3A_448 = vector.broadcast %broadcast_in_dim3A_446 : vector<1x1024xf32> to vector<128x1024xf32>
    %sub3A_449 = arith.subf %sub3A_447, %sub3A_448 : vector<128x1024xf32>
    %abs3A_450 = math.absf %sub3A_449 : vector<128x1024xf32>
    %add3A_451 = arith.addf %add3A_440, %abs3A_450 : vector<128x1024xf32>
    %slice3A_452 = vector.extract_strided_slice %get3A_1 {offsets = [0, 41], sizes = [128, 1], strides = [1, 1]} : vector<128x64xf32> to vector<128x1xf32>
    %squeeze3A_453 = vector.shape_cast %slice3A_452 : vector<128x1xf32> to vector<128xf32>
    %broadcast_in_dim3A_454 = vector.shape_cast %squeeze3A_453 : vector<128xf32> to vector<128x1xf32>
    %slice3A_455 = vector.extract_strided_slice %get3A_4 {offsets = [41, 0], sizes = [1, 1024], strides = [1, 1]} : vector<64x1024xf32> to vector<1x1024xf32>
    %squeeze3A_456 = vector.shape_cast %slice3A_455 : vector<1x1024xf32> to vector<1024xf32>
    %broadcast_in_dim3A_457 = vector.shape_cast %squeeze3A_456 : vector<1024xf32> to vector<1x1024xf32>
    %sub3A_458 = vector.broadcast %broadcast_in_dim3A_454 : vector<128x1xf32> to vector<128x1024xf32>
    %sub3A_459 = vector.broadcast %broadcast_in_dim3A_457 : vector<1x1024xf32> to vector<128x1024xf32>
    %sub3A_460 = arith.subf %sub3A_458, %sub3A_459 : vector<128x1024xf32>
    %abs3A_461 = math.absf %sub3A_460 : vector<128x1024xf32>
    %add3A_462 = arith.addf %add3A_451, %abs3A_461 : vector<128x1024xf32>
    %slice3A_463 = vector.extract_strided_slice %get3A_1 {offsets = [0, 42], sizes = [128, 1], strides = [1, 1]} : vector<128x64xf32> to vector<128x1xf32>
    %squeeze3A_464 = vector.shape_cast %slice3A_463 : vector<128x1xf32> to vector<128xf32>
    %broadcast_in_dim3A_465 = vector.shape_cast %squeeze3A_464 : vector<128xf32> to vector<128x1xf32>
    %slice3A_466 = vector.extract_strided_slice %get3A_4 {offsets = [42, 0], sizes = [1, 1024], strides = [1, 1]} : vector<64x1024xf32> to vector<1x1024xf32>
    %squeeze3A_467 = vector.shape_cast %slice3A_466 : vector<1x1024xf32> to vector<1024xf32>
    %broadcast_in_dim3A_468 = vector.shape_cast %squeeze3A_467 : vector<1024xf32> to vector<1x1024xf32>
    %sub3A_469 = vector.broadcast %broadcast_in_dim3A_465 : vector<128x1xf32> to vector<128x1024xf32>
    %sub3A_470 = vector.broadcast %broadcast_in_dim3A_468 : vector<1x1024xf32> to vector<128x1024xf32>
    %sub3A_471 = arith.subf %sub3A_469, %sub3A_470 : vector<128x1024xf32>
    %abs3A_472 = math.absf %sub3A_471 : vector<128x1024xf32>
    %add3A_473 = arith.addf %add3A_462, %abs3A_472 : vector<128x1024xf32>
    %slice3A_474 = vector.extract_strided_slice %get3A_1 {offsets = [0, 43], sizes = [128, 1], strides = [1, 1]} : vector<128x64xf32> to vector<128x1xf32>
    %squeeze3A_475 = vector.shape_cast %slice3A_474 : vector<128x1xf32> to vector<128xf32>
    %broadcast_in_dim3A_476 = vector.shape_cast %squeeze3A_475 : vector<128xf32> to vector<128x1xf32>
    %slice3A_477 = vector.extract_strided_slice %get3A_4 {offsets = [43, 0], sizes = [1, 1024], strides = [1, 1]} : vector<64x1024xf32> to vector<1x1024xf32>
    %squeeze3A_478 = vector.shape_cast %slice3A_477 : vector<1x1024xf32> to vector<1024xf32>
    %broadcast_in_dim3A_479 = vector.shape_cast %squeeze3A_478 : vector<1024xf32> to vector<1x1024xf32>
    %sub3A_480 = vector.broadcast %broadcast_in_dim3A_476 : vector<128x1xf32> to vector<128x1024xf32>
    %sub3A_481 = vector.broadcast %broadcast_in_dim3A_479 : vector<1x1024xf32> to vector<128x1024xf32>
    %sub3A_482 = arith.subf %sub3A_480, %sub3A_481 : vector<128x1024xf32>
    %abs3A_483 = math.absf %sub3A_482 : vector<128x1024xf32>
    %add3A_484 = arith.addf %add3A_473, %abs3A_483 : vector<128x1024xf32>
    %slice3A_485 = vector.extract_strided_slice %get3A_1 {offsets = [0, 44], sizes = [128, 1], strides = [1, 1]} : vector<128x64xf32> to vector<128x1xf32>
    %squeeze3A_486 = vector.shape_cast %slice3A_485 : vector<128x1xf32> to vector<128xf32>
    %broadcast_in_dim3A_487 = vector.shape_cast %squeeze3A_486 : vector<128xf32> to vector<128x1xf32>
    %slice3A_488 = vector.extract_strided_slice %get3A_4 {offsets = [44, 0], sizes = [1, 1024], strides = [1, 1]} : vector<64x1024xf32> to vector<1x1024xf32>
    %squeeze3A_489 = vector.shape_cast %slice3A_488 : vector<1x1024xf32> to vector<1024xf32>
    %broadcast_in_dim3A_490 = vector.shape_cast %squeeze3A_489 : vector<1024xf32> to vector<1x1024xf32>
    %sub3A_491 = vector.broadcast %broadcast_in_dim3A_487 : vector<128x1xf32> to vector<128x1024xf32>
    %sub3A_492 = vector.broadcast %broadcast_in_dim3A_490 : vector<1x1024xf32> to vector<128x1024xf32>
    %sub3A_493 = arith.subf %sub3A_491, %sub3A_492 : vector<128x1024xf32>
    %abs3A_494 = math.absf %sub3A_493 : vector<128x1024xf32>
    %add3A_495 = arith.addf %add3A_484, %abs3A_494 : vector<128x1024xf32>
    %slice3A_496 = vector.extract_strided_slice %get3A_1 {offsets = [0, 45], sizes = [128, 1], strides = [1, 1]} : vector<128x64xf32> to vector<128x1xf32>
    %squeeze3A_497 = vector.shape_cast %slice3A_496 : vector<128x1xf32> to vector<128xf32>
    %broadcast_in_dim3A_498 = vector.shape_cast %squeeze3A_497 : vector<128xf32> to vector<128x1xf32>
    %slice3A_499 = vector.extract_strided_slice %get3A_4 {offsets = [45, 0], sizes = [1, 1024], strides = [1, 1]} : vector<64x1024xf32> to vector<1x1024xf32>
    %squeeze3A_500 = vector.shape_cast %slice3A_499 : vector<1x1024xf32> to vector<1024xf32>
    %broadcast_in_dim3A_501 = vector.shape_cast %squeeze3A_500 : vector<1024xf32> to vector<1x1024xf32>
    %sub3A_502 = vector.broadcast %broadcast_in_dim3A_498 : vector<128x1xf32> to vector<128x1024xf32>
    %sub3A_503 = vector.broadcast %broadcast_in_dim3A_501 : vector<1x1024xf32> to vector<128x1024xf32>
    %sub3A_504 = arith.subf %sub3A_502, %sub3A_503 : vector<128x1024xf32>
    %abs3A_505 = math.absf %sub3A_504 : vector<128x1024xf32>
    %add3A_506 = arith.addf %add3A_495, %abs3A_505 : vector<128x1024xf32>
    %slice3A_507 = vector.extract_strided_slice %get3A_1 {offsets = [0, 46], sizes = [128, 1], strides = [1, 1]} : vector<128x64xf32> to vector<128x1xf32>
    %squeeze3A_508 = vector.shape_cast %slice3A_507 : vector<128x1xf32> to vector<128xf32>
    %broadcast_in_dim3A_509 = vector.shape_cast %squeeze3A_508 : vector<128xf32> to vector<128x1xf32>
    %slice3A_510 = vector.extract_strided_slice %get3A_4 {offsets = [46, 0], sizes = [1, 1024], strides = [1, 1]} : vector<64x1024xf32> to vector<1x1024xf32>
    %squeeze3A_511 = vector.shape_cast %slice3A_510 : vector<1x1024xf32> to vector<1024xf32>
    %broadcast_in_dim3A_512 = vector.shape_cast %squeeze3A_511 : vector<1024xf32> to vector<1x1024xf32>
    %sub3A_513 = vector.broadcast %broadcast_in_dim3A_509 : vector<128x1xf32> to vector<128x1024xf32>
    %sub3A_514 = vector.broadcast %broadcast_in_dim3A_512 : vector<1x1024xf32> to vector<128x1024xf32>
    %sub3A_515 = arith.subf %sub3A_513, %sub3A_514 : vector<128x1024xf32>
    %abs3A_516 = math.absf %sub3A_515 : vector<128x1024xf32>
    %add3A_517 = arith.addf %add3A_506, %abs3A_516 : vector<128x1024xf32>
    %slice3A_518 = vector.extract_strided_slice %get3A_1 {offsets = [0, 47], sizes = [128, 1], strides = [1, 1]} : vector<128x64xf32> to vector<128x1xf32>
    %squeeze3A_519 = vector.shape_cast %slice3A_518 : vector<128x1xf32> to vector<128xf32>
    %broadcast_in_dim3A_520 = vector.shape_cast %squeeze3A_519 : vector<128xf32> to vector<128x1xf32>
    %slice3A_521 = vector.extract_strided_slice %get3A_4 {offsets = [47, 0], sizes = [1, 1024], strides = [1, 1]} : vector<64x1024xf32> to vector<1x1024xf32>
    %squeeze3A_522 = vector.shape_cast %slice3A_521 : vector<1x1024xf32> to vector<1024xf32>
    %broadcast_in_dim3A_523 = vector.shape_cast %squeeze3A_522 : vector<1024xf32> to vector<1x1024xf32>
    %sub3A_524 = vector.broadcast %broadcast_in_dim3A_520 : vector<128x1xf32> to vector<128x1024xf32>
    %sub3A_525 = vector.broadcast %broadcast_in_dim3A_523 : vector<1x1024xf32> to vector<128x1024xf32>
    %sub3A_526 = arith.subf %sub3A_524, %sub3A_525 : vector<128x1024xf32>
    %abs3A_527 = math.absf %sub3A_526 : vector<128x1024xf32>
    %add3A_528 = arith.addf %add3A_517, %abs3A_527 : vector<128x1024xf32>
    %slice3A_529 = vector.extract_strided_slice %get3A_1 {offsets = [0, 48], sizes = [128, 1], strides = [1, 1]} : vector<128x64xf32> to vector<128x1xf32>
    %squeeze3A_530 = vector.shape_cast %slice3A_529 : vector<128x1xf32> to vector<128xf32>
    %broadcast_in_dim3A_531 = vector.shape_cast %squeeze3A_530 : vector<128xf32> to vector<128x1xf32>
    %slice3A_532 = vector.extract_strided_slice %get3A_4 {offsets = [48, 0], sizes = [1, 1024], strides = [1, 1]} : vector<64x1024xf32> to vector<1x1024xf32>
    %squeeze3A_533 = vector.shape_cast %slice3A_532 : vector<1x1024xf32> to vector<1024xf32>
    %broadcast_in_dim3A_534 = vector.shape_cast %squeeze3A_533 : vector<1024xf32> to vector<1x1024xf32>
    %sub3A_535 = vector.broadcast %broadcast_in_dim3A_531 : vector<128x1xf32> to vector<128x1024xf32>
    %sub3A_536 = vector.broadcast %broadcast_in_dim3A_534 : vector<1x1024xf32> to vector<128x1024xf32>
    %sub3A_537 = arith.subf %sub3A_535, %sub3A_536 : vector<128x1024xf32>
    %abs3A_538 = math.absf %sub3A_537 : vector<128x1024xf32>
    %add3A_539 = arith.addf %add3A_528, %abs3A_538 : vector<128x1024xf32>
    %slice3A_540 = vector.extract_strided_slice %get3A_1 {offsets = [0, 49], sizes = [128, 1], strides = [1, 1]} : vector<128x64xf32> to vector<128x1xf32>
    %squeeze3A_541 = vector.shape_cast %slice3A_540 : vector<128x1xf32> to vector<128xf32>
    %broadcast_in_dim3A_542 = vector.shape_cast %squeeze3A_541 : vector<128xf32> to vector<128x1xf32>
    %slice3A_543 = vector.extract_strided_slice %get3A_4 {offsets = [49, 0], sizes = [1, 1024], strides = [1, 1]} : vector<64x1024xf32> to vector<1x1024xf32>
    %squeeze3A_544 = vector.shape_cast %slice3A_543 : vector<1x1024xf32> to vector<1024xf32>
    %broadcast_in_dim3A_545 = vector.shape_cast %squeeze3A_544 : vector<1024xf32> to vector<1x1024xf32>
    %sub3A_546 = vector.broadcast %broadcast_in_dim3A_542 : vector<128x1xf32> to vector<128x1024xf32>
    %sub3A_547 = vector.broadcast %broadcast_in_dim3A_545 : vector<1x1024xf32> to vector<128x1024xf32>
    %sub3A_548 = arith.subf %sub3A_546, %sub3A_547 : vector<128x1024xf32>
    %abs3A_549 = math.absf %sub3A_548 : vector<128x1024xf32>
    %add3A_550 = arith.addf %add3A_539, %abs3A_549 : vector<128x1024xf32>
    %slice3A_551 = vector.extract_strided_slice %get3A_1 {offsets = [0, 50], sizes = [128, 1], strides = [1, 1]} : vector<128x64xf32> to vector<128x1xf32>
    %squeeze3A_552 = vector.shape_cast %slice3A_551 : vector<128x1xf32> to vector<128xf32>
    %broadcast_in_dim3A_553 = vector.shape_cast %squeeze3A_552 : vector<128xf32> to vector<128x1xf32>
    %slice3A_554 = vector.extract_strided_slice %get3A_4 {offsets = [50, 0], sizes = [1, 1024], strides = [1, 1]} : vector<64x1024xf32> to vector<1x1024xf32>
    %squeeze3A_555 = vector.shape_cast %slice3A_554 : vector<1x1024xf32> to vector<1024xf32>
    %broadcast_in_dim3A_556 = vector.shape_cast %squeeze3A_555 : vector<1024xf32> to vector<1x1024xf32>
    %sub3A_557 = vector.broadcast %broadcast_in_dim3A_553 : vector<128x1xf32> to vector<128x1024xf32>
    %sub3A_558 = vector.broadcast %broadcast_in_dim3A_556 : vector<1x1024xf32> to vector<128x1024xf32>
    %sub3A_559 = arith.subf %sub3A_557, %sub3A_558 : vector<128x1024xf32>
    %abs3A_560 = math.absf %sub3A_559 : vector<128x1024xf32>
    %add3A_561 = arith.addf %add3A_550, %abs3A_560 : vector<128x1024xf32>
    %slice3A_562 = vector.extract_strided_slice %get3A_1 {offsets = [0, 51], sizes = [128, 1], strides = [1, 1]} : vector<128x64xf32> to vector<128x1xf32>
    %squeeze3A_563 = vector.shape_cast %slice3A_562 : vector<128x1xf32> to vector<128xf32>
    %broadcast_in_dim3A_564 = vector.shape_cast %squeeze3A_563 : vector<128xf32> to vector<128x1xf32>
    %slice3A_565 = vector.extract_strided_slice %get3A_4 {offsets = [51, 0], sizes = [1, 1024], strides = [1, 1]} : vector<64x1024xf32> to vector<1x1024xf32>
    %squeeze3A_566 = vector.shape_cast %slice3A_565 : vector<1x1024xf32> to vector<1024xf32>
    %broadcast_in_dim3A_567 = vector.shape_cast %squeeze3A_566 : vector<1024xf32> to vector<1x1024xf32>
    %sub3A_568 = vector.broadcast %broadcast_in_dim3A_564 : vector<128x1xf32> to vector<128x1024xf32>
    %sub3A_569 = vector.broadcast %broadcast_in_dim3A_567 : vector<1x1024xf32> to vector<128x1024xf32>
    %sub3A_570 = arith.subf %sub3A_568, %sub3A_569 : vector<128x1024xf32>
    %abs3A_571 = math.absf %sub3A_570 : vector<128x1024xf32>
    %add3A_572 = arith.addf %add3A_561, %abs3A_571 : vector<128x1024xf32>
    %slice3A_573 = vector.extract_strided_slice %get3A_1 {offsets = [0, 52], sizes = [128, 1], strides = [1, 1]} : vector<128x64xf32> to vector<128x1xf32>
    %squeeze3A_574 = vector.shape_cast %slice3A_573 : vector<128x1xf32> to vector<128xf32>
    %broadcast_in_dim3A_575 = vector.shape_cast %squeeze3A_574 : vector<128xf32> to vector<128x1xf32>
    %slice3A_576 = vector.extract_strided_slice %get3A_4 {offsets = [52, 0], sizes = [1, 1024], strides = [1, 1]} : vector<64x1024xf32> to vector<1x1024xf32>
    %squeeze3A_577 = vector.shape_cast %slice3A_576 : vector<1x1024xf32> to vector<1024xf32>
    %broadcast_in_dim3A_578 = vector.shape_cast %squeeze3A_577 : vector<1024xf32> to vector<1x1024xf32>
    %sub3A_579 = vector.broadcast %broadcast_in_dim3A_575 : vector<128x1xf32> to vector<128x1024xf32>
    %sub3A_580 = vector.broadcast %broadcast_in_dim3A_578 : vector<1x1024xf32> to vector<128x1024xf32>
    %sub3A_581 = arith.subf %sub3A_579, %sub3A_580 : vector<128x1024xf32>
    %abs3A_582 = math.absf %sub3A_581 : vector<128x1024xf32>
    %add3A_583 = arith.addf %add3A_572, %abs3A_582 : vector<128x1024xf32>
    %slice3A_584 = vector.extract_strided_slice %get3A_1 {offsets = [0, 53], sizes = [128, 1], strides = [1, 1]} : vector<128x64xf32> to vector<128x1xf32>
    %squeeze3A_585 = vector.shape_cast %slice3A_584 : vector<128x1xf32> to vector<128xf32>
    %broadcast_in_dim3A_586 = vector.shape_cast %squeeze3A_585 : vector<128xf32> to vector<128x1xf32>
    %slice3A_587 = vector.extract_strided_slice %get3A_4 {offsets = [53, 0], sizes = [1, 1024], strides = [1, 1]} : vector<64x1024xf32> to vector<1x1024xf32>
    %squeeze3A_588 = vector.shape_cast %slice3A_587 : vector<1x1024xf32> to vector<1024xf32>
    %broadcast_in_dim3A_589 = vector.shape_cast %squeeze3A_588 : vector<1024xf32> to vector<1x1024xf32>
    %sub3A_590 = vector.broadcast %broadcast_in_dim3A_586 : vector<128x1xf32> to vector<128x1024xf32>
    %sub3A_591 = vector.broadcast %broadcast_in_dim3A_589 : vector<1x1024xf32> to vector<128x1024xf32>
    %sub3A_592 = arith.subf %sub3A_590, %sub3A_591 : vector<128x1024xf32>
    %abs3A_593 = math.absf %sub3A_592 : vector<128x1024xf32>
    %add3A_594 = arith.addf %add3A_583, %abs3A_593 : vector<128x1024xf32>
    %slice3A_595 = vector.extract_strided_slice %get3A_1 {offsets = [0, 54], sizes = [128, 1], strides = [1, 1]} : vector<128x64xf32> to vector<128x1xf32>
    %squeeze3A_596 = vector.shape_cast %slice3A_595 : vector<128x1xf32> to vector<128xf32>
    %broadcast_in_dim3A_597 = vector.shape_cast %squeeze3A_596 : vector<128xf32> to vector<128x1xf32>
    %slice3A_598 = vector.extract_strided_slice %get3A_4 {offsets = [54, 0], sizes = [1, 1024], strides = [1, 1]} : vector<64x1024xf32> to vector<1x1024xf32>
    %squeeze3A_599 = vector.shape_cast %slice3A_598 : vector<1x1024xf32> to vector<1024xf32>
    %broadcast_in_dim3A_600 = vector.shape_cast %squeeze3A_599 : vector<1024xf32> to vector<1x1024xf32>
    %sub3A_601 = vector.broadcast %broadcast_in_dim3A_597 : vector<128x1xf32> to vector<128x1024xf32>
    %sub3A_602 = vector.broadcast %broadcast_in_dim3A_600 : vector<1x1024xf32> to vector<128x1024xf32>
    %sub3A_603 = arith.subf %sub3A_601, %sub3A_602 : vector<128x1024xf32>
    %abs3A_604 = math.absf %sub3A_603 : vector<128x1024xf32>
    %add3A_605 = arith.addf %add3A_594, %abs3A_604 : vector<128x1024xf32>
    %slice3A_606 = vector.extract_strided_slice %get3A_1 {offsets = [0, 55], sizes = [128, 1], strides = [1, 1]} : vector<128x64xf32> to vector<128x1xf32>
    %squeeze3A_607 = vector.shape_cast %slice3A_606 : vector<128x1xf32> to vector<128xf32>
    %broadcast_in_dim3A_608 = vector.shape_cast %squeeze3A_607 : vector<128xf32> to vector<128x1xf32>
    %slice3A_609 = vector.extract_strided_slice %get3A_4 {offsets = [55, 0], sizes = [1, 1024], strides = [1, 1]} : vector<64x1024xf32> to vector<1x1024xf32>
    %squeeze3A_610 = vector.shape_cast %slice3A_609 : vector<1x1024xf32> to vector<1024xf32>
    %broadcast_in_dim3A_611 = vector.shape_cast %squeeze3A_610 : vector<1024xf32> to vector<1x1024xf32>
    %sub3A_612 = vector.broadcast %broadcast_in_dim3A_608 : vector<128x1xf32> to vector<128x1024xf32>
    %sub3A_613 = vector.broadcast %broadcast_in_dim3A_611 : vector<1x1024xf32> to vector<128x1024xf32>
    %sub3A_614 = arith.subf %sub3A_612, %sub3A_613 : vector<128x1024xf32>
    %abs3A_615 = math.absf %sub3A_614 : vector<128x1024xf32>
    %add3A_616 = arith.addf %add3A_605, %abs3A_615 : vector<128x1024xf32>
    %slice3A_617 = vector.extract_strided_slice %get3A_1 {offsets = [0, 56], sizes = [128, 1], strides = [1, 1]} : vector<128x64xf32> to vector<128x1xf32>
    %squeeze3A_618 = vector.shape_cast %slice3A_617 : vector<128x1xf32> to vector<128xf32>
    %broadcast_in_dim3A_619 = vector.shape_cast %squeeze3A_618 : vector<128xf32> to vector<128x1xf32>
    %slice3A_620 = vector.extract_strided_slice %get3A_4 {offsets = [56, 0], sizes = [1, 1024], strides = [1, 1]} : vector<64x1024xf32> to vector<1x1024xf32>
    %squeeze3A_621 = vector.shape_cast %slice3A_620 : vector<1x1024xf32> to vector<1024xf32>
    %broadcast_in_dim3A_622 = vector.shape_cast %squeeze3A_621 : vector<1024xf32> to vector<1x1024xf32>
    %sub3A_623 = vector.broadcast %broadcast_in_dim3A_619 : vector<128x1xf32> to vector<128x1024xf32>
    %sub3A_624 = vector.broadcast %broadcast_in_dim3A_622 : vector<1x1024xf32> to vector<128x1024xf32>
    %sub3A_625 = arith.subf %sub3A_623, %sub3A_624 : vector<128x1024xf32>
    %abs3A_626 = math.absf %sub3A_625 : vector<128x1024xf32>
    %add3A_627 = arith.addf %add3A_616, %abs3A_626 : vector<128x1024xf32>
    %slice3A_628 = vector.extract_strided_slice %get3A_1 {offsets = [0, 57], sizes = [128, 1], strides = [1, 1]} : vector<128x64xf32> to vector<128x1xf32>
    %squeeze3A_629 = vector.shape_cast %slice3A_628 : vector<128x1xf32> to vector<128xf32>
    %broadcast_in_dim3A_630 = vector.shape_cast %squeeze3A_629 : vector<128xf32> to vector<128x1xf32>
    %slice3A_631 = vector.extract_strided_slice %get3A_4 {offsets = [57, 0], sizes = [1, 1024], strides = [1, 1]} : vector<64x1024xf32> to vector<1x1024xf32>
    %squeeze3A_632 = vector.shape_cast %slice3A_631 : vector<1x1024xf32> to vector<1024xf32>
    %broadcast_in_dim3A_633 = vector.shape_cast %squeeze3A_632 : vector<1024xf32> to vector<1x1024xf32>
    %sub3A_634 = vector.broadcast %broadcast_in_dim3A_630 : vector<128x1xf32> to vector<128x1024xf32>
    %sub3A_635 = vector.broadcast %broadcast_in_dim3A_633 : vector<1x1024xf32> to vector<128x1024xf32>
    %sub3A_636 = arith.subf %sub3A_634, %sub3A_635 : vector<128x1024xf32>
    %abs3A_637 = math.absf %sub3A_636 : vector<128x1024xf32>
    %add3A_638 = arith.addf %add3A_627, %abs3A_637 : vector<128x1024xf32>
    %slice3A_639 = vector.extract_strided_slice %get3A_1 {offsets = [0, 58], sizes = [128, 1], strides = [1, 1]} : vector<128x64xf32> to vector<128x1xf32>
    %squeeze3A_640 = vector.shape_cast %slice3A_639 : vector<128x1xf32> to vector<128xf32>
    %broadcast_in_dim3A_641 = vector.shape_cast %squeeze3A_640 : vector<128xf32> to vector<128x1xf32>
    %slice3A_642 = vector.extract_strided_slice %get3A_4 {offsets = [58, 0], sizes = [1, 1024], strides = [1, 1]} : vector<64x1024xf32> to vector<1x1024xf32>
    %squeeze3A_643 = vector.shape_cast %slice3A_642 : vector<1x1024xf32> to vector<1024xf32>
    %broadcast_in_dim3A_644 = vector.shape_cast %squeeze3A_643 : vector<1024xf32> to vector<1x1024xf32>
    %sub3A_645 = vector.broadcast %broadcast_in_dim3A_641 : vector<128x1xf32> to vector<128x1024xf32>
    %sub3A_646 = vector.broadcast %broadcast_in_dim3A_644 : vector<1x1024xf32> to vector<128x1024xf32>
    %sub3A_647 = arith.subf %sub3A_645, %sub3A_646 : vector<128x1024xf32>
    %abs3A_648 = math.absf %sub3A_647 : vector<128x1024xf32>
    %add3A_649 = arith.addf %add3A_638, %abs3A_648 : vector<128x1024xf32>
    %slice3A_650 = vector.extract_strided_slice %get3A_1 {offsets = [0, 59], sizes = [128, 1], strides = [1, 1]} : vector<128x64xf32> to vector<128x1xf32>
    %squeeze3A_651 = vector.shape_cast %slice3A_650 : vector<128x1xf32> to vector<128xf32>
    %broadcast_in_dim3A_652 = vector.shape_cast %squeeze3A_651 : vector<128xf32> to vector<128x1xf32>
    %slice3A_653 = vector.extract_strided_slice %get3A_4 {offsets = [59, 0], sizes = [1, 1024], strides = [1, 1]} : vector<64x1024xf32> to vector<1x1024xf32>
    %squeeze3A_654 = vector.shape_cast %slice3A_653 : vector<1x1024xf32> to vector<1024xf32>
    %broadcast_in_dim3A_655 = vector.shape_cast %squeeze3A_654 : vector<1024xf32> to vector<1x1024xf32>
    %sub3A_656 = vector.broadcast %broadcast_in_dim3A_652 : vector<128x1xf32> to vector<128x1024xf32>
    %sub3A_657 = vector.broadcast %broadcast_in_dim3A_655 : vector<1x1024xf32> to vector<128x1024xf32>
    %sub3A_658 = arith.subf %sub3A_656, %sub3A_657 : vector<128x1024xf32>
    %abs3A_659 = math.absf %sub3A_658 : vector<128x1024xf32>
    %add3A_660 = arith.addf %add3A_649, %abs3A_659 : vector<128x1024xf32>
    %slice3A_661 = vector.extract_strided_slice %get3A_1 {offsets = [0, 60], sizes = [128, 1], strides = [1, 1]} : vector<128x64xf32> to vector<128x1xf32>
    %squeeze3A_662 = vector.shape_cast %slice3A_661 : vector<128x1xf32> to vector<128xf32>
    %broadcast_in_dim3A_663 = vector.shape_cast %squeeze3A_662 : vector<128xf32> to vector<128x1xf32>
    %slice3A_664 = vector.extract_strided_slice %get3A_4 {offsets = [60, 0], sizes = [1, 1024], strides = [1, 1]} : vector<64x1024xf32> to vector<1x1024xf32>
    %squeeze3A_665 = vector.shape_cast %slice3A_664 : vector<1x1024xf32> to vector<1024xf32>
    %broadcast_in_dim3A_666 = vector.shape_cast %squeeze3A_665 : vector<1024xf32> to vector<1x1024xf32>
    %sub3A_667 = vector.broadcast %broadcast_in_dim3A_663 : vector<128x1xf32> to vector<128x1024xf32>
    %sub3A_668 = vector.broadcast %broadcast_in_dim3A_666 : vector<1x1024xf32> to vector<128x1024xf32>
    %sub3A_669 = arith.subf %sub3A_667, %sub3A_668 : vector<128x1024xf32>
    %abs3A_670 = math.absf %sub3A_669 : vector<128x1024xf32>
    %add3A_671 = arith.addf %add3A_660, %abs3A_670 : vector<128x1024xf32>
    %slice3A_672 = vector.extract_strided_slice %get3A_1 {offsets = [0, 61], sizes = [128, 1], strides = [1, 1]} : vector<128x64xf32> to vector<128x1xf32>
    %squeeze3A_673 = vector.shape_cast %slice3A_672 : vector<128x1xf32> to vector<128xf32>
    %broadcast_in_dim3A_674 = vector.shape_cast %squeeze3A_673 : vector<128xf32> to vector<128x1xf32>
    %slice3A_675 = vector.extract_strided_slice %get3A_4 {offsets = [61, 0], sizes = [1, 1024], strides = [1, 1]} : vector<64x1024xf32> to vector<1x1024xf32>
    %squeeze3A_676 = vector.shape_cast %slice3A_675 : vector<1x1024xf32> to vector<1024xf32>
    %broadcast_in_dim3A_677 = vector.shape_cast %squeeze3A_676 : vector<1024xf32> to vector<1x1024xf32>
    %sub3A_678 = vector.broadcast %broadcast_in_dim3A_674 : vector<128x1xf32> to vector<128x1024xf32>
    %sub3A_679 = vector.broadcast %broadcast_in_dim3A_677 : vector<1x1024xf32> to vector<128x1024xf32>
    %sub3A_680 = arith.subf %sub3A_678, %sub3A_679 : vector<128x1024xf32>
    %abs3A_681 = math.absf %sub3A_680 : vector<128x1024xf32>
    %add3A_682 = arith.addf %add3A_671, %abs3A_681 : vector<128x1024xf32>
    %slice3A_683 = vector.extract_strided_slice %get3A_1 {offsets = [0, 62], sizes = [128, 1], strides = [1, 1]} : vector<128x64xf32> to vector<128x1xf32>
    %squeeze3A_684 = vector.shape_cast %slice3A_683 : vector<128x1xf32> to vector<128xf32>
    %broadcast_in_dim3A_685 = vector.shape_cast %squeeze3A_684 : vector<128xf32> to vector<128x1xf32>
    %slice3A_686 = vector.extract_strided_slice %get3A_4 {offsets = [62, 0], sizes = [1, 1024], strides = [1, 1]} : vector<64x1024xf32> to vector<1x1024xf32>
    %squeeze3A_687 = vector.shape_cast %slice3A_686 : vector<1x1024xf32> to vector<1024xf32>
    %broadcast_in_dim3A_688 = vector.shape_cast %squeeze3A_687 : vector<1024xf32> to vector<1x1024xf32>
    %sub3A_689 = vector.broadcast %broadcast_in_dim3A_685 : vector<128x1xf32> to vector<128x1024xf32>
    %sub3A_690 = vector.broadcast %broadcast_in_dim3A_688 : vector<1x1024xf32> to vector<128x1024xf32>
    %sub3A_691 = arith.subf %sub3A_689, %sub3A_690 : vector<128x1024xf32>
    %abs3A_692 = math.absf %sub3A_691 : vector<128x1024xf32>
    %add3A_693 = arith.addf %add3A_682, %abs3A_692 : vector<128x1024xf32>
    %slice3A_694 = vector.extract_strided_slice %get3A_1 {offsets = [0, 63], sizes = [128, 1], strides = [1, 1]} : vector<128x64xf32> to vector<128x1xf32>
    %squeeze3A_695 = vector.shape_cast %slice3A_694 : vector<128x1xf32> to vector<128xf32>
    %broadcast_in_dim3A_696 = vector.shape_cast %squeeze3A_695 : vector<128xf32> to vector<128x1xf32>
    %slice3A_697 = vector.extract_strided_slice %get3A_4 {offsets = [63, 0], sizes = [1, 1024], strides = [1, 1]} : vector<64x1024xf32> to vector<1x1024xf32>
    %squeeze3A_698 = vector.shape_cast %slice3A_697 : vector<1x1024xf32> to vector<1024xf32>
    %broadcast_in_dim3A_699 = vector.shape_cast %squeeze3A_698 : vector<1024xf32> to vector<1x1024xf32>
    %sub3A_700 = vector.broadcast %broadcast_in_dim3A_696 : vector<128x1xf32> to vector<128x1024xf32>
    %sub3A_701 = vector.broadcast %broadcast_in_dim3A_699 : vector<1x1024xf32> to vector<128x1024xf32>
    %sub3A_702 = arith.subf %sub3A_700, %sub3A_701 : vector<128x1024xf32>
    %abs3A_703 = math.absf %sub3A_702 : vector<128x1024xf32>
    %add3A_704 = arith.addf %add3A_693, %abs3A_703 : vector<128x1024xf32>
    %mul3A = arith.mulf %add3A_704, %add3A_704 : vector<128x1024xf32>
    %mul3A_705 = arith.constant -5.000000e-01 : f32
    %mul3A_706 = vector.broadcast %mul3A_705 : f32 to vector<128x1024xf32>
    %mul3A_707 = arith.mulf %mul3A, %mul3A_706 : vector<128x1024xf32>
    %reduce_max3A = arith.constant dense<0xFF800000> : vector<128xf32>
    %reduce_max3A_708 = vector.multi_reduction <maximumf>, %mul3A_707, %reduce_max3A [1] : vector<128x1024xf32> to vector<128xf32>
    %broadcast_in_dim3A_709 = vector.shape_cast %reduce_max3A_708 : vector<128xf32> to vector<128x1xf32>
    %sub3A_710 = vector.broadcast %broadcast_in_dim3A_709 : vector<128x1xf32> to vector<128x1024xf32>
    %sub3A_711 = arith.subf %mul3A_707, %sub3A_710 : vector<128x1024xf32>
    %exp3A = math.exp %sub3A_711 : vector<128x1024xf32>
    %reduce_sum3A = arith.constant dense<0.000000e+00> : vector<128xf32>
    %reduce_sum3A_712 = vector.multi_reduction <add>, %exp3A, %reduce_sum3A [1] : vector<128x1024xf32> to vector<128xf32>
    %broadcast_in_dim3A_713 = vector.shape_cast %reduce_sum3A_712 : vector<128xf32> to vector<128x1xf32>
    %div3A = vector.broadcast %broadcast_in_dim3A_713 : vector<128x1xf32> to vector<128x1024xf32>
    %div3A_714 = arith.divf %exp3A, %div3A : vector<128x1024xf32>
    %swap3A = arith.constant 0 : index
    %swap3A_715 = arith.constant 0 : index
    %swap3A_716 = vector.load %arg3[%swap3A, %swap3A_715] : memref<128x1024xf32, #tpu.memory_space<vmem>>, vector<128x1024xf32>
    tpu.vector_store %arg3[%swap3A, %swap3A_715], %div3A_714 {strides = array<i32>} : memref<128x1024xf32, #tpu.memory_space<vmem>>, vector<128x1024xf32>,
    return
  }
  func.func @transform_0(%arg0: i32) -> (i32, i32) {
    %c0_i32 = arith.constant 0 : i32
    %c0_i32_0 = arith.constant 0 : i32
    return %arg0, %c0_i32 : i32, i32
  }
  func.func @transform_1(%arg0: i32) -> (i32, i32) {
    %c0_i32 = arith.constant 0 : i32
    %c0_i32_0 = arith.constant 0 : i32
    %c0_i32_1 = arith.constant 0 : i32
    return %c0_i32, %c0_i32_0 : i32, i32
  }
  func.func @transform_2(%arg0: i32) -> (i32, i32) {
    %c0_i32 = arith.constant 0 : i32
    %c0_i32_0 = arith.constant 0 : i32
    return %arg0, %c0_i32 : i32, i32
  }
}

</mosaic_0001>

<sc_bundles>
// kernel: kernel.4.cloned.1.call-start
scs
__scs_entry_jumppad:
0x0: {  	(pc) =	sbr.rel $0x88, $3  }
0x1: {  	(tag) =	ssettag $0x0;
	lr =	simm.s32 $0x1  }
0x2: {  	[smem:$0x3F9F] =	sst lr;
	_ =	strace $0xD0000000  }
0x3: {  	_ = 	snop  }
0x4: {  	_ = 	snop  }
0x5: {  	_ = 	snop  }
0x6: {  	_ = 	snop  }
0x7: {  	_ = 	snop  }
__scs_overlays_trampoline_lowered:
0x8: {  	[smem:$0x3FAE] =	sst s0  }
0x9: {  	[smem:$0x3FAF] =	sst s1  }
0xa: {  	[smem:$0x3FB0] =	sst s2  }
0xb: {  	[smem:$0x3FB1] =	sst s3  }
0xc: {  	[smem:$0x3FB2] =	sst s4  }
0xd: {  	[smem:$0x3FB3] =	sst s5  }
0xe: {  	[smem:$0x3FB4] =	sst s6  }
0xf: {  	[smem:$0x3FB5] =	sst s7  }
0x10: {  	[smem:$0x3FB6] =	sst s8  }
0x11: {  	[smem:$0x3FB7] =	sst s9;
	s0 =	simm.s32 @!p0 $0x0  }
0x12: {  	s1 =	sld [smem:$0x3F9D];
	s0 =	simm.s32 @p0 $0x1  }
0x13: {  	[smem:$0x3FB8] =	sst s0;
	s0 =	simm.s32 @!p1 $0x0  }
0x14: {  	s2 =	sld [smem:$0x3F9C];
	s0 =	simm.s32 @p1 $0x1  }
0x15: {  	[smem:$0x3FB9] =	sst s0;
	s0 =	simm.s32 @!p2 $0x0  }
0x16: {  	s3 =	sld [smem:$0x3FDB];
	s0 =	simm.s32 @p2 $0x1  }
0x17: {  	s4 =	simm.s32 $0x1BF5;
	[smem:$0x3FBB] =	sst s0  }
0x18: {  	s0 =	sld [smem:$0x3F9E];
	_ =	swait.ge [sflag:s4], $0x0  }
0x19: {  	s7 =	sld [smem:$0x3F9F]  }
0x1a: {  	s8 =	sadd.s32 $0xFFFFE003, lr  }
0x1b: {  	s9 =	sadd.s32 $0xFFFFFEF7, lr;
	s5 =	simm.s32 $0xFFFFFFFF;
	p2 =	slt.u32 s8, $0xFFFFF086  }
0x1c: {  	p1 =	slt.u32 s9, $0xF7A;
	s5 =	simm.s32 @!p2 $0x0  }
0x1d: {  	s5 =	simm.s32 @p1 $0x1;
	p0 =	seq.s32 s7, s2  }
0x1e: {  	s7 =	smul.u32 @!p0 $0xF7A, s2;
	p2 =	seq.s32 @!p0 s5, $0x0  }
0x1f: {  	s9 =	smul.u32 $0xF7A, s1;
	s8 =	simm.s32 @!p0 $0x1BF5;
	p2 =	por !p2, p0  }
0x20: {  	[sflag:s8] =	ssyncset.s32 @!p0 $0xFFFFF086;
	s6 =	sadd.s32 @!p0 s3, s7;
	s7 =	simm.s32 @!p0 $0x108  }
0x21: {  	s3 =	sadd.s32 s3, s9;
	s6 =	sadd.s32 @!p0 $0x88, s6;
	s7 =	simm.s32 @p2 $0x1082  }
0x22: {  	[simem:s7], [sflag:s8] =	dma.local @!p0 [hbm:s6], $0xF7A  }
0x23: {  	s9 =	sor.u32 $0xD0000000, s2;
	s6 =	simm.s32 $0x108;
	_ =	swait.ge @!p0 [sflag:s8], $0x0  }
0x24: {  	s3 =	sadd.s32 $0x88, s3;
	s6 =	simm.s32 @!p1 $0x1082;
	[sflag:s4] =	ssyncset.s32 $0xFFFFF086  }
0x25: {  	[simem:s6], [sflag:s4] =	dma.local [hbm:s3], $0xF7A  }
0x26: {  	[smem:$0x3F9F] =	sst s1;
	(tag) =	ssettag s2;
	_ =	strace s9  }
0x27: {  	s1 =	sld [smem:$0x3FAF]  }
0x28: {  	s2 =	sld [smem:$0x3FB0]  }
0x29: {  	s4 =	sld [smem:$0x3FB2]  }
0x2a: {  	p0 =	seq.s32 s5, $0x0;
	s5 =	sld [smem:$0x3FB3]  }
0x2b: {  	s6 =	sld [smem:$0x3FB4]  }
0x2c: {  	s7 =	sld [smem:$0x3FB5]  }
0x2d: {  	s3 =	simm.s32 $0x108;
	s8 =	sld [smem:$0x3FB6]  }
0x2e: {  	s3 =	simm.s32 @!p0 $0x1082;
	s9 =	sld [smem:$0x3FB7]  }
0x2f: {  	lr =	sadd.s32 s0, s3;
	s0 =	sld [smem:$0x3FAE]  }
0x30: {  	s3 =	sld [smem:$0x3FB1]  }
0x31: {  	[smem:$0x3FBA] =	sst s10  }
0x32: {  	s10 =	sld [smem:$0x3FB8];
	_ =	sdelay $0x3  }
0x33: {  	p0 =	seq.s32 s10, $0x1;
	s10 =	sld [smem:$0x3FBA];
	_ =	sdelay $0x3  }
0x34: {  	[smem:$0x3FBA] =	sst s10  }
0x35: {  	s10 =	sld [smem:$0x3FB9];
	_ =	sdelay $0x3  }
0x36: {  	p1 =	seq.s32 s10, $0x1;
	s10 =	sld [smem:$0x3FBA];
	_ =	sdelay $0x3  }
0x37: {  	[smem:$0x3FBA] =	sst s10  }
0x38: {  	s10 =	sld [smem:$0x3FBB]  }
0x39: {  	_ = 	snop;
	(pc) =	sbr.ind lr, $3  }
0x3a: {  	_ = 	snop  }
0x3b: {  	_ = 	snop  }
0x3c: {  	p2 =	seq.s32 s10, $0x1;
	s10 =	sld [smem:$0x3FBA]  }
0x3d: {  	_ =	shalt  }
0x3e: {  	_ =	shalt  }
0x3f: {  	_ =	shalt  }
0x40: {  	_ =	shalt  }
0x41: {  	_ =	shalt  }
0x42: {  	_ =	shalt  }
0x43: {  	_ =	shalt  }
0x44: {  	_ =	shalt  }
0x45: {  	_ =	shalt  }
0x46: {  	_ =	shalt  }
0x47: {  	_ =	shalt  }
0x48: {  	_ =	shalt  }
0x49: {  	_ =	shalt  }
0x4a: {  	_ =	shalt  }
0x4b: {  	_ =	shalt  }
0x4c: {  	_ =	shalt  }
0x4d: {  	_ =	shalt  }
0x4e: {  	_ =	shalt  }
0x4f: {  	_ =	shalt  }
0x50: {  	_ =	shalt  }
0x51: {  	_ =	shalt  }
0x52: {  	_ =	shalt  }
0x53: {  	_ =	shalt  }
0x54: {  	_ =	shalt  }
0x55: {  	_ =	shalt  }
0x56: {  	_ =	shalt  }
0x57: {  	_ =	shalt  }
0x58: {  	_ =	shalt  }
0x59: {  	_ =	shalt  }
0x5a: {  	_ =	shalt  }
0x5b: {  	_ =	shalt  }
0x5c: {  	_ =	shalt  }
0x5d: {  	_ =	shalt  }
0x5e: {  	_ =	shalt  }
0x5f: {  	_ =	shalt  }
0x60: {  	_ =	shalt  }
0x61: {  	_ =	shalt  }
0x62: {  	_ =	shalt  }
0x63: {  	_ =	shalt  }
0x64: {  	_ =	shalt  }
0x65: {  	_ =	shalt  }
0x66: {  	_ =	shalt  }
0x67: {  	_ =	shalt  }
0x68: {  	_ =	shalt  }
0x69: {  	_ =	shalt  }
0x6a: {  	_ =	shalt  }
0x6b: {  	_ =	shalt  }
0x6c: {  	_ =	shalt  }
0x6d: {  	_ =	shalt  }
0x6e: {  	_ =	shalt  }
0x6f: {  	_ =	shalt  }
0x70: {  	_ =	shalt  }
0x71: {  	_ =	shalt  }
0x72: {  	_ =	shalt  }
0x73: {  	_ =	shalt  }
0x74: {  	_ =	shalt  }
0x75: {  	_ =	shalt  }
0x76: {  	_ =	shalt  }
0x77: {  	_ =	shalt  }
0x78: {  	_ =	shalt  }
0x79: {  	_ =	shalt  }
0x7a: {  	_ =	shalt  }
0x7b: {  	_ =	shalt  }
0x7c: {  	_ =	shalt  }
0x7d: {  	_ =	shalt  }
0x7e: {  	_ =	shalt  }
0x7f: {  	_ =	shalt  }
0x80: {  	_ =	shalt  }
0x81: {  	_ =	shalt  }
0x82: {  	_ =	shalt  }
0x83: {  	_ =	shalt  }
0x84: {  	_ =	shalt  }
0x85: {  	_ =	shalt  }
0x86: {  	_ =	shalt  }
0x87: {  	_ =	shalt  }
.Lfunc_end0:
.L_simem_size_0:
called_computation_lowered:
.L_overlay_start_0:
0x88: {  	s0 =	sld [smem:$0x3FD9]  }
0x89: {  	s1 =	sld [smem:$0x3FFE];
	_ =	sdelay $0x3  }
0x8a: {  	s0 =	sadd.s32 s1, s0  }
0x8b: {  	[smem:$0x3FC6] =	sst s0  }
0x8c: {  	_ = 	snop  }
0x8d: {  	s0 =	sld [smem:$0x3FD0];
	(tm) =	ssettm $0x1  }
0x8e: {  	s16 =	sld [smem:$0x3FFB];
	_ =	sdelay $0x3  }
0x8f: {  	_ =	strace s16  }
0x90: {  	s1 =	sld [smem:$0x3FFC];
	_ =	sdelay $0x3  }
0x91: {  	_ =	strace s1  }
0x92: {  	s1 =	sld [smem:$0x3FFD];
	_ =	sdelay $0x3  }
0x93: {  	_ =	strace s1  }
0x94: {  	_ =	strace $0x8FFFFFFF  }
0x95: {  	s17 =	sld [smem:$0x3FDB];
	_ =	sdelay $0x1  }
0x96: {  	s2 =	simm.s32 $_scs_section_size  }
0x97: {  	s3 =	simm.s32 $_size__tile_overlayer_lowered;
	s4 =	simm.s32 $_tile_overlayer_lowered  }
0x98: {  	s20 =	simm.s32 $0x1BFF;
	s19 =	sshll.u32 s4, $0x1;
	s1 =	sadd.s32 s2, s17  }
0x99: {  	s5 =	simm.s32 $0x0;
	s18 =	sshll.u32 s3, $0x1;
	s3 =	sadd.s32 s19, s1  }
0x9a: {  	[timem:s5], [sflag:s20] =	dma.local [hbm:s3], s18  }
0x9b: {  	_ =	swait.ge [sflag:s20], s18  }
0x9c: {  	s2 =	ssub.s32 $0x0, s18;
	[sflag:s20] =	ssyncset.done $0x0  }
0x9d: {  	[sflag:s20] =	ssyncadd.s32 s2;
	_ =	sdelay $0x1  }
0x9e: {  	s21 =	simm.s32 $0x1B8B  }
0x9f: {  	_ =	swait.ge [sflag:s21], $0x1  }
0xa0: {  	[sflag:s21] =	ssyncset.done $0x0  }
0xa1: {  	s23 =	simm.s32 $0x1B8E;
	s22 =	sld [smem:$0x3FFE];
	[sflag:s21] =	ssyncadd.s32 $0xFFFFFFFF  }
0xa2: {  	s24 =	simm.s32 $execute0_lowered;
	[smem:$0x3FD2] =	sst s23  }
0xa3: {  	s3 =	sshll.u32 s24, $0x1;
	_ =	strace $0x80000046;
	[dreg:$0x1] =	wrdreg $0xFFFFFFFF  }
0xa4: {  	s25 =	simm.s32 $_size_execute0_lowered;
	s1 =	sadd.s32 s1, s3;
	[dreg:$0x0] =	wrdreg $0x0  }
0xa5: {  	s3 =	sshll.u32 s25, $0x1;
	[dreg:$0x2] =	wrdreg s1  }
0xa6: {  	[dreg:$0x3] =	wrdreg s3  }
0xa7: {  	[dreg:$0x4] =	wrdreg $0xC0  }
0xa8: {  	_ =	task [dreg:s5], $0x5FFFF  }
0xa9: {  	[dreg:$0x1] =	wrdreg $0xFFFFFFFF  }
0xaa: {  	[dreg:$0x0] =	wrdreg $0x60  }
0xab: {  	[dreg:$0x2] =	wrdreg s0  }
0xac: {  	[dreg:$0x3] =	wrdreg s22  }
0xad: {  	[dreg:$0x4] =	wrdreg $0x9  }
0xae: {  	_ =	task.clear_ibuf [dreg:s5], $0x5FFFF;
	_ =	strace $0x90000046  }
0xaf: {  	s26 =	simm.s32 $0x9;
	_ =	strace $0x80000048  }
0xb0: {  	_ =	swait.ge [sflag:s26], $0x1  }
0xb1: {  	[sflag:s26] =	ssyncadd.s32 $0xFFFFFFFF  }
0xb2: {  	_ =	strace $0x90000048  }
0xb3: {  	_ =	sfence  }
0xb4: {  	s28 =	sld [smem:$0x0];
	_ =	sdelay $0x1  }
0xb5: {  	s29 =	srdreg.scid  }
0xb6: {  	s30 =	sshll.u32 s29, $0xD;
	s31 =	sshrl.u32 s29, $0x2  }
0xb7: {  	s2 =	sand.u32 $0x4000, s30;
	s1 =	sand.u32 $0x1, s29;
	s0 =	sadd.s32 s31, s28  }
0xb8: {  	s1 =	sor.u32 s2, s1;
	s0 =	sshll.u32 s0, $0x11  }
0xb9: {  	s0 =	sor.u32 s0, s1  }
0xba: {  	s0 =	sadd.s32 $0x8F2B, s0  }
0xbb: {  	[sflag:s0] =	ssyncadd.remote.s32 $0x1  }
0xbc: {  	_ =	sfence.sel $0xFFFF  }
0xbd: {  	[dreg:$0x0] =	wrdreg $0xFFFFFFFF;
	(pc) =	sbr.abs _section_cstart, $3  }
0xbe: {  	[dreg:$0x1] =	wrdreg $0xFFFFFFFF  }
0xbf: {  	_ =	task.clear_ibuf [dreg:s5], $0x2FFFF;
	_ =	strace $0x9FFFFFFF  }
0xc0: {  	(tm) =	ssettm $0x7FFFFFFF  }
0xc1: {  	_ =	shalt  }
tec
execute0_lowered:
.L_overlay_start_1:
0x0: {  	(tag) =	ssettag $0x1  }
0x1: {  	s3 =	rddreg [dreg:$0x0]  }
0x2: {  	s5 =	rddreg [dreg:$0x1]  }
0x3: {  	s0 =	rddreg [dreg:$0x2];
	s4 =	simm.s32 $0x0  }
0x4: {  	s1 =	stileid.u32;
	s24 =	simm.s32 $0x1000;
	s26 =	simm.s32 $0x9000  }
0x5: {  	[smem:$0x7FF] =	sst s4;
	s2 =	sshll.u32 s1, $0x9;
	s6 =	sshll.u32 s1, $0x6  }
0x6: {  	s7 =	sadd.s32 $0x800, s5;
	_ =	strace $0x80000047;
	s2 =	sor.u32 s6, s2  }
0x7: {  	[tilespmem:s24], [sflag:$0x1] =	stream.linear.gather [hbm4b:s7+s4], $0x8000, $0x38;
	[tilespmem:$0x12000] =	vst v63  }
0x8: {  	s28 =	simm.s32 $0x200;
	s25 =	sadd.s32 $0x1800, s5;
	s2 =	sand.u32 $0x1C40, s2  }
0x9: {  	[tilespmem:s26], [sflag:$0x2] =	stream.linear.gather [hbm4b:s25+s4], $0x8000, $0x38;
	[tilespmem:$0x12000] =	vst v63  }
0xa: {  	s29 =	simm.s32 $0x400;
	s30 =	simm.s32 $0x3;
	s3 =	sadd.s32 s3, s2  }
0xb: {  	[tilespmem:s4], [sflag:$0x3] =	stream.strided.gather [hbm4b:s3+s28], $0x1000, s29, s28, $0x38;
	[tilespmem:$0x12000] =	vst v63  }
0xc: {  	_ =	swait.ge [sflag:s30], $0x1000  }
0xd: {  	[sflag:s30] =	ssyncset.done $0x0  }
0xe: {  	s31 =	simm.s32 $0x1;
	[sflag:s30] =	ssyncadd.s32 $0xFFFFF000  }
0xf: {  	_ =	swait.ge [sflag:s31], $0x8000  }
0x10: {  	[sflag:s31] =	ssyncset.done $0x0  }
0x11: {  	s3 =	sadd.s32 $0x2800, s5;
	s5 =	simm.s32 $0x0;
	[sflag:s31] =	ssyncadd.s32 $0xFFFF8000  }
.LBB2_1:
0x12: {  	s6 =	sshll.u32 s5, $0xA  }
0x13: {  	s6 =	sand.u32 $0x3FFFFC00, s6  }
0x14: {  	s8 =	sand.u32 $0xE00, s4;
	s9 =	sand.u32 $0x70, s4;
	s6 =	sadd.s32 $0x1000, s6  }
0x15: {  	s31 =	sor.u32 s9, s8;
	[dreg:$0x3] =	wrdreg s6  }
0x16: {  	s7 =	sand.u32 $0x7000, s4;
	v23 =	vld [tilespmem:s31+$0x100];
	s6 =	rddreg [dreg:$0x3]  }
0x17: {  	s10 =	sand.u32 $0x380, s4;
	v2 =	vld [tilespmem:s31+$0x180];
	s6 =	sadd.s32 s7, s6  }
0x18: {  	v5 =	vld [tilespmem:s31+$0x80];
	s6 =	sadd.s32 s10, s6  }
0x19: {  	v1 =	vld [tilespmem:s6+$0x70]  }
0x1a: {  	v3 =	vld [tilespmem:s6+$0x30]  }
0x1b: {  	v10 =	vld [tilespmem:s6+$0x50]  }
0x1c: {  	v4 =	vld [tilespmem:s6+$0x60]  }
0x1d: {  	v26 =	vld [tilespmem:s31+$0x0];
	_ =	sdelay $0x1  }
0x1e: {  	v16 =	vimm.f32 $0.0e+00;
	v35 =	vimm.f32 $0.0e+00;
	v0 =	vsub.f32 v2, v3  }
0x1f: {  	v36 =	vimm.f32 $0.0e+00;
	v6 =	vsub.f32 v5, v10;
	v8 =	vsub.f32 v23, v1  }
0x20: {  	v33 =	vimm.f32 $0.0e+00;
	v13 =	vld [tilespmem:s6+$0x10];
	v12 =	vsub.f32 v5, v3;
	v7 =	vsub.f32 v5, v4  }
0x21: {  	v37 =	vimm.f32 $0.0e+00;
	v15 =	vld [tilespmem:s6+$0x0];
	v9 =	vsub.f32 v2, v1;
	v21 =	vsub.f32 v26, v1  }
0x22: {  	v39 =	vimm.f32 $0.0e+00;
	v11 =	vld [tilespmem:s6+$0x20];
	v14 =	vsub.f32 v2, v4;
	v42 =	vsub.f32 v5, v1  }
0x23: {  	v34 =	vimm.f32 $0.0e+00;
	v1 =	vsub.f32 v23, v10;
	v18 =	vsub.f32 v23, v3  }
0x24: {  	v32 =	vimm.f32 $0.0e+00;
	v19 =	vsub.f32 v26, v4;
	v4 =	vsub.f32 v23, v4  }
0x25: {  	v38 =	vimm.f32 $0.0e+00;
	v28 =	vsub.f32 v2, v13;
	v41 =	vsub.f32 v26, v3  }
0x26: {  	v27 =	vimm.f32 $0.0e+00;
	v47 =	vsub.f32 v2, v15;
	v20 =	vsub.f32 v5, v13  }
0x27: {  	v30 =	vimm.f32 $0.0e+00;
	v24 =	vld [tilespmem:s6+$0x40];
	v25 =	vsub.f32 v5, v11;
	v50 =	vsub.f32 v23, v15  }
0x28: {  	v29 =	vimm.f32 $0.0e+00;
	v51 =	vsub.f32 v26, v10;
	v44 =	vsub.f32 v23, v13  }
0x29: {  	v0 =	vand.u32 $0x7FFFFFFF, v0;
	v6 =	vand.u32 $0x7FFFFFFF, v6;
	v7 =	vand.u32 $0x7FFFFFFF, v7  }
0x2a: {  	v17 =	vand.u32 $0x7FFFFFFF, v9;
	v14 =	vand.u32 $0x7FFFFFFF, v14;
	v8 =	vand.u32 $0x7FFFFFFF, v8  }
0x2b: {  	v45 =	vand.u32 $0x7FFFFFFF, v4;
	v3 =	vand.u32 $0x7FFFFFFF, v19;
	v19 =	vsub.f32 v26, v11  }
0x2c: {  	v31 =	vand.u32 $0x7FFFFFFF, v12;
	v12 =	vsub.f32 v5, v24;
	v43 =	vand.u32 $0x7FFFFFFF, v20  }
0x2d: {  	v20 =	vsub.f32 v26, v15;
	v53 =	vand.u32 $0x7FFFFFFF, v25;
	v0 =	vadd.f32 v0, v16  }
0x2e: {  	v25 =	vimm.f32 $0.0e+00;
	v7 =	vadd.f32 v7, v16;
	v9 =	vadd.f32 v6, v16  }
0x2f: {  	v6 =	vand.u32 $0x7FFFFFFF, v1;
	v1 =	vadd.f32 v14, v16;
	v4 =	vadd.f32 v8, v16  }
0x30: {  	v14 =	vsub.f32 v26, v13;
	v8 =	vand.u32 $0x7FFFFFFF, v18;
	v18 =	vsub.f32 v2, v10  }
0x31: {  	v22 =	vadd.f32 v3, v16;
	v3 =	vadd.f32 v17, v16;
	v13 =	vimm.f32 $0.0e+00  }
0x32: {  	v10 =	vimm.f32 $0.0e+00;
	v17 =	vimm.f32 $0.0e+00;
	v6 =	vadd.f32 v6, v16  }
0x33: {  	v8 =	vadd.f32 v8, v16;
	v40 =	vand.u32 $0x7FFFFFFF, v12;
	v48 =	vand.u32 $0x7FFFFFFF, v19  }
0x34: {  	v49 =	vand.u32 $0x7FFFFFFF, v20;
	v20 =	vimm.f32 $0.0e+00;
	v12 =	vimm.f32 $0.0e+00  }
0x35: {  	v19 =	vimm.f32 $0.0e+00;
	v46 =	vand.u32 $0x7FFFFFFF, v14;
	v14 =	vsub.f32 v5, v15  }
0x36: {  	s8 =	simm.s32 $0x0;
	v5 =	vand.u32 $0x7FFFFFFF, v18;
	v15 =	vimm.f32 $0.0e+00;
	v18 =	vimm.f32 $0.0e+00  }
0x37: {  	s9 =	simm.s32 $0x0;
	s7 =	simm.s32 $0x80;
	s6 =	simm.s32 $0x200;
	v5 =	vadd.f32 v5, v16;
	v52 =	vand.u32 $0x7FFFFFFF, v14;
	v14 =	vimm.f32 $0.0e+00  }
.LBB2_2:
0x38: {  	v54 =	vsub.f32 v23, v11  }
0x39: {  	v55 =	vsub.f32 v23, v24;
	v16 =	vadd.f32 v52, v16  }
0x3a: {  	s10 =	rddreg [dreg:$0x3];
	v36 =	vadd.f32 v53, v36;
	v56 =	vsub.f32 v2, v24  }
0x3b: {  	s8 =	sadd.s32 $0x40, s8;
	s9 =	sadd.s32 $0x10, s9;
	s11 =	smov.u32 s6;
	v33 =	vadd.f32 v46, v33;
	v25 =	vadd.f32 v43, v25  }
0x3c: {  	v24 =	vsub.f32 v26, v24;
	v37 =	vadd.f32 v48, v37;
	s11 =	sand.u32 $0x7000, s11;
	s12 =	sand.u32 $0xE00, s8;
	s31 =	sand.u32 $0x70, s9  }
0x3d: {  	v42 =	vand.u32 $0x7FFFFFFF, v42;
	v11 =	vsub.f32 v2, v11;
	v39 =	vadd.f32 v49, v39;
	s10 =	sadd.s32 s11, s10;
	s11 =	sor.u32 s31, s12  }
0x3e: {  	v21 =	vand.u32 $0x7FFFFFFF, v21;
	v27 =	vadd.f32 v31, v27;
	v29 =	vadd.f32 v40, v29;
	v23 =	vld [tilespmem:s11+$0x100]  }
0x3f: {  	s13 =	sand.u32 $0x380, s7;
	v35 =	vadd.f32 v45, v35;
	v52 =	vand.u32 $0x7FFFFFFF, v47;
	v53 =	vand.u32 $0x7FFFFFFF, v50;
	v2 =	vld [tilespmem:s11+$0x180]  }
0x40: {  	v28 =	vand.u32 $0x7FFFFFFF, v28;
	v20 =	vadd.f32 v42, v20;
	v57 =	vand.u32 $0x7FFFFFFF, v44;
	s10 =	sadd.s32 s13, s10;
	v48 =	vld [tilespmem:s11+$0x80]  }
0x41: {  	v58 =	vand.u32 $0x7FFFFFFF, v51;
	v26 =	vand.u32 $0x7FFFFFFF, v54;
	v12 =	vadd.f32 v28, v12;
	v28 =	vld [tilespmem:s10+$0x70]  }
0x42: {  	v30 =	vadd.f32 v21, v30;
	v15 =	vadd.f32 v26, v15;
	v26 =	vand.u32 $0x7FFFFFFF, v41;
	v41 =	vld [tilespmem:s10+$0x30]  }
0x43: {  	v13 =	vadd.f32 v52, v13;
	v24 =	vand.u32 $0x7FFFFFFF, v24;
	v19 =	vadd.f32 v53, v19;
	v44 =	vld [tilespmem:s10+$0x50]  }
0x44: {  	v18 =	vadd.f32 v57, v18;
	v32 =	vadd.f32 v58, v32;
	v11 =	vand.u32 $0x7FFFFFFF, v11;
	v43 =	vld [tilespmem:s10+$0x60]  }
0x45: {  	v34 =	vadd.f32 v24, v34;
	v24 =	vand.u32 $0x7FFFFFFF, v55;
	v14 =	vadd.f32 v11, v14  }
0x46: {  	v38 =	vadd.f32 v26, v38;
	v26 =	vand.u32 $0x7FFFFFFF, v56;
	v17 =	vadd.f32 v24, v17;
	v50 =	vld [tilespmem:s10+$0x0]  }
0x47: {  	v10 =	vadd.f32 v26, v10;
	v26 =	vld [tilespmem:s11+$0x0];
	v21 =	vsub.f32 v2, v41  }
0x48: {  	v31 =	vsub.f32 v48, v44;
	v59 =	vsub.f32 v23, v28  }
0x49: {  	v11 =	vld [tilespmem:s10+$0x20];
	v46 =	vsub.f32 v48, v41;
	v60 =	vsub.f32 v48, v43  }
0x4a: {  	v54 =	vld [tilespmem:s10+$0x10];
	v61 =	vsub.f32 v2, v28;
	v63 =	vsub.f32 v2, v43  }
0x4b: {  	v24 =	vld [tilespmem:s10+$0x40];
	v42 =	vsub.f32 v48, v28;
	v56 =	vsub.f32 v23, v41  }
0x4c: {  	v47 =	vsub.f32 v2, v50;
	v58 =	vsub.f32 v26, v43  }
0x4d: {  	v43 =	vsub.f32 v23, v43;
	v41 =	vsub.f32 v26, v41  }
0x4e: {  	v49 =	vsub.f32 v26, v11;
	v21 =	vand.u32 $0x7FFFFFFF, v21;
	v62 =	vand.u32 $0x7FFFFFFF, v60  }
0x4f: {  	v51 =	vand.u32 $0x7FFFFFFF, v61;
	v40 =	vand.u32 $0x7FFFFFFF, v59;
	v59 =	vsub.f32 v26, v54  }
0x50: {  	v57 =	vand.u32 $0x7FFFFFFF, v63;
	v60 =	vsub.f32 v48, v54;
	v61 =	vsub.f32 v48, v24  }
0x51: {  	v52 =	vand.u32 $0x7FFFFFFF, v56;
	v63 =	vsub.f32 v2, v44;
	v56 =	vsub.f32 v26, v50  }
0x52: {  	v0 =	vadd.f32 v21, v0;
	v21 =	vsub.f32 v26, v28  }
0x53: {  	v31 =	vand.u32 $0x7FFFFFFF, v31;
	v28 =	vsub.f32 v23, v44;
	v7 =	vadd.f32 v62, v7  }
0x54: {  	v9 =	vadd.f32 v31, v9;
	v1 =	vadd.f32 v57, v1  }
0x55: {  	v45 =	vand.u32 $0x7FFFFFFF, v43;
	v4 =	vadd.f32 v40, v4;
	v8 =	vadd.f32 v52, v8  }
0x56: {  	v53 =	vand.u32 $0x7FFFFFFF, v58;
	v62 =	vsub.f32 v48, v50;
	v57 =	vsub.f32 v48, v11  }
0x57: {  	p0 =	sne.s32 s6, $0x7E00;
	v31 =	vand.u32 $0x7FFFFFFF, v46;
	v50 =	vsub.f32 v23, v50;
	v3 =	vadd.f32 v51, v3  }
.Ltmp0:
0x58: {  	v48 =	vand.u32 $0x7FFFFFFF, v49;
	v51 =	vsub.f32 v26, v44;
	v44 =	vsub.f32 v23, v54;
	(pc) =	sbr.rel @p0 .LBB2_2-.Ltmp0, $4  }
0x59: {  	v46 =	vand.u32 $0x7FFFFFFF, v59;
	v43 =	vand.u32 $0x7FFFFFFF, v60;
	v40 =	vand.u32 $0x7FFFFFFF, v61  }
0x5a: {  	v55 =	vand.u32 $0x7FFFFFFF, v63;
	v49 =	vand.u32 $0x7FFFFFFF, v56;
	v22 =	vadd.f32 v53, v22  }
0x5b: {  	v28 =	vand.u32 $0x7FFFFFFF, v28;
	v52 =	vand.u32 $0x7FFFFFFF, v62;
	v5 =	vadd.f32 v55, v5  }
0x5c: {  	s6 =	sadd.s32 $0x200, s6;
	s7 =	sadd.s32 $0x80, s7;
	v53 =	vand.u32 $0x7FFFFFFF, v57;
	v6 =	vadd.f32 v28, v6;
	v28 =	vsub.f32 v2, v54  }
0x5d: {  	v54 =	vsub.f32 v23, v11  }
0x5e: {  	v23 =	vsub.f32 v23, v24;
	v16 =	vadd.f32 v52, v16  }
0x5f: {  	v35 =	vadd.f32 v45, v35;
	v36 =	vadd.f32 v53, v36  }
0x60: {  	v42 =	vand.u32 $0x7FFFFFFF, v42;
	v26 =	vsub.f32 v26, v24;
	v39 =	vadd.f32 v49, v39  }
0x61: {  	v49 =	vand.u32 $0x7FFFFFFF, v47;
	v33 =	vadd.f32 v46, v33;
	v22 =	vmul.f32 v22, v22  }
0x62: {  	v37 =	vadd.f32 v48, v37;
	v9 =	vmul.f32 v9, v9;
	v7 =	vmul.f32 v7, v7  }
0x63: {  	v41 =	vand.u32 $0x7FFFFFFF, v41;
	s6 =	sshll.u32 s5, $0x9;
	v8 =	vmul.f32 v8, v8;
	v22 =	vmul.f32 $-5.000000000e-01, v22  }
0x64: {  	v52 =	vand.u32 $0x7FFFFFFF, v51;
	v4 =	vmul.f32 v4, v4;
	s6 =	sand.u32 $0x3FFFFE00, s6;
	v9 =	vmul.f32 $-5.000000000e-01, v9  }
0x65: {  	v21 =	vand.u32 $0x7FFFFFFF, v21;
	v0 =	vmul.f32 v0, v0;
	v7 =	vmul.f32 $-5.000000000e-01, v7;
	[tilespmem:s6+$0x11060] =	vst v22  }
0x66: {  	v57 =	vand.u32 $0x7FFFFFFF, v50;
	v1 =	vmul.f32 v1, v1;
	v8 =	vmul.f32 $-5.000000000e-01, v8;
	[tilespmem:s6+$0x110D0] =	vst v9  }
0x67: {  	v25 =	vadd.f32 v43, v25;
	v3 =	vmul.f32 v3, v3;
	v4 =	vmul.f32 $-5.000000000e-01, v4;
	[tilespmem:s6+$0x110E0] =	vst v7  }
0x68: {  	v59 =	vsub.f32 v2, v24;
	v6 =	vmul.f32 v6, v6;
	v0 =	vmul.f32 $-5.000000000e-01, v0;
	[tilespmem:s6+$0x11130] =	vst v8  }
0x69: {  	v60 =	vadd.f32 v31, v27;
	v39 =	vmul.f32 v39, v39;
	v1 =	vmul.f32 $-5.000000000e-01, v1;
	[tilespmem:s6+$0x11170] =	vst v4  }
0x6a: {  	v61 =	vadd.f32 v40, v29;
	v33 =	vmul.f32 v33, v33;
	v6 =	vmul.f32 $-5.000000000e-01, v6;
	[tilespmem:s6+$0x111B0] =	vst v0  }
0x6b: {  	v48 =	vsub.f32 v2, v11;
	v37 =	vmul.f32 v37, v37;
	v53 =	vmul.f32 $-5.000000000e-01, v39;
	[tilespmem:s6+$0x111E0] =	vst v1  }
0x6c: {  	v38 =	vadd.f32 v41, v38;
	v16 =	vmul.f32 v16, v16;
	v33 =	vmul.f32 $-5.000000000e-01, v33;
	[tilespmem:s6+$0x11150] =	vst v6  }
0x6d: {  	v32 =	vadd.f32 v52, v32;
	v25 =	vmul.f32 v25, v25;
	v55 =	vmul.f32 $-5.000000000e-01, v37;
	[tilespmem:s6+$0x11000] =	vst v53  }
0x6e: {  	v21 =	vadd.f32 v21, v30;
	v30 =	vmul.f32 v60, v60;
	v16 =	vmul.f32 $-5.000000000e-01, v16;
	[tilespmem:s6+$0x11010] =	vst v33  }
0x6f: {  	v20 =	vadd.f32 v42, v20;
	v51 =	vmul.f32 v35, v35;
	v63 =	vmul.f32 $-5.000000000e-01, v25;
	[tilespmem:s6+$0x11020] =	vst v55  }
0x70: {  	v19 =	vadd.f32 v57, v19;
	v38 =	vmul.f32 v38, v38;
	v37 =	vmul.f32 $-5.000000000e-01, v30;
	[tilespmem:s6+$0x11080] =	vst v16  }
0x71: {  	v43 =	vand.u32 $0x7FFFFFFF, v28;
	v32 =	vmul.f32 v32, v32;
	v52 =	vmul.f32 $-5.000000000e-01, v51;
	[tilespmem:s6+$0x11090] =	vst v63  }
0x72: {  	v13 =	vadd.f32 v49, v13;
	v21 =	vmul.f32 v21, v21;
	v56 =	vmul.f32 $-5.000000000e-01, v38;
	[tilespmem:s6+$0x110B0] =	vst v37  }
0x73: {  	v26 =	vand.u32 $0x7FFFFFFF, v26;
	v62 =	vmul.f32 v36, v36;
	v58 =	vmul.f32 $-5.000000000e-01, v32;
	[tilespmem:s6+$0x11160] =	vst v52  }
0x74: {  	v26 =	vadd.f32 v26, v34;
	v34 =	vmul.f32 v61, v61;
	v21 =	vmul.f32 $-5.000000000e-01, v21;
	[tilespmem:s6+$0x11030] =	vst v56  }
0x75: {  	v31 =	vand.u32 $0x7FFFFFFF, v54;
	v20 =	vmul.f32 v20, v20;
	v32 =	vmul.f32 $-5.000000000e-01, v62;
	[tilespmem:s6+$0x11050] =	vst v58  }
0x76: {  	v36 =	vand.u32 $0x7FFFFFFF, v44;
	v60 =	vmul.f32 v5, v5;
	v38 =	vmul.f32 $-5.000000000e-01, v34;
	[tilespmem:s6+$0x11070] =	vst v21  }
0x77: {  	v40 =	vand.u32 $0x7FFFFFFF, v23;
	v39 =	vmul.f32 v19, v19;
	v41 =	vmul.f32 $-5.000000000e-01, v20;
	[tilespmem:s6+$0x110A0] =	vst v32  }
0x78: {  	v2 =	vand.u32 $0x7FFFFFFF, v48;
	v18 =	vadd.f32 v36, v18;
	v62 =	vmul.f32 $-5.000000000e-01, v60;
	[tilespmem:s6+$0x110C0] =	vst v38  }
0x79: {  	v15 =	vadd.f32 v31, v15;
	v26 =	vmul.f32 v26, v26;
	v42 =	vmul.f32 $-5.000000000e-01, v39;
	[tilespmem:s6+$0x110F0] =	vst v41  }
0x7a: {  	v17 =	vadd.f32 v40, v17;
	v18 =	vmul.f32 v18, v18;
	v63 =	vmul.f32 $-5.000000000e-01, v3;
	[tilespmem:s6+$0x111D0] =	vst v62  }
0x7b: {  	v2 =	vadd.f32 v2, v14;
	v15 =	vmul.f32 v15, v15;
	v26 =	vmul.f32 $-5.000000000e-01, v26;
	[tilespmem:s6+$0x11100] =	vst v42  }
0x7c: {  	v49 =	vadd.f32 v43, v12;
	v47 =	vmul.f32 v17, v17;
	v44 =	vmul.f32 $-5.000000000e-01, v18;
	[tilespmem:s6+$0x111F0] =	vst v63  }
0x7d: {  	v54 =	vand.u32 $0x7FFFFFFF, v59;
	v2 =	vmul.f32 v2, v2;
	v46 =	vmul.f32 $-5.000000000e-01, v15;
	[tilespmem:s6+$0x11040] =	vst v26  }
0x7e: {  	s5 =	sadd.s32 $0x1, s5;
	v53 =	vmul.f32 v13, v13;
	v50 =	vmul.f32 $-5.000000000e-01, v47;
	v56 =	vadd.f32 v54, v10;
	[tilespmem:s6+$0x11110] =	vst v44  }
0x7f: {  	p0 =	sne.s32 s5, $0x4;
	v55 =	vmul.f32 v49, v49;
	v2 =	vmul.f32 $-5.000000000e-01, v2;
	[tilespmem:s6+$0x11120] =	vst v46  }
.Ltmp1:
0x80: {  	v57 =	vmul.f32 $-5.000000000e-01, v53;
	[tilespmem:s6+$0x11140] =	vst v50;
	v59 =	vmul.f32 v56, v56;
	(pc) =	sbr.rel @p0 .LBB2_1-.Ltmp1, $4  }
0x81: {  	v58 =	vmul.f32 $-5.000000000e-01, v55;
	[tilespmem:s6+$0x111A0] =	vst v2  }
0x82: {  	[tilespmem:s6+$0x11180] =	vst v57;
	v61 =	vmul.f32 $-5.000000000e-01, v59  }
0x83: {  	[tilespmem:s6+$0x11190] =	vst v58  }
0x84: {  	[tilespmem:s6+$0x111C0] =	vst v61  }
0x85: {  	s4 =	simm.s32 $0x2  }
0x86: {  	_ =	swait.ge [sflag:s4], $0x8000  }
0x87: {  	[sflag:s4] =	ssyncset.done $0x0  }
0x88: {  	s5 =	simm.s32 $0x0;
	[sflag:s4] =	ssyncadd.s32 $0xFFFF8000;
	s4 =	simm.s32 $0x0  }
.LBB2_5:
0x89: {  	s6 =	sshll.u32 s5, $0xA  }
0x8a: {  	s6 =	sand.u32 $0x3FFFFC00, s6  }
0x8b: {  	s8 =	sand.u32 $0xE00, s4;
	s9 =	sand.u32 $0x70, s4;
	s6 =	sadd.s32 $0x9000, s6  }
0x8c: {  	s31 =	sor.u32 s9, s8;
	[dreg:$0x4] =	wrdreg s6  }
0x8d: {  	s7 =	sand.u32 $0x7000, s4;
	v23 =	vld [tilespmem:s31+$0x100];
	s6 =	rddreg [dreg:$0x4]  }
0x8e: {  	s10 =	sand.u32 $0x380, s4;
	v2 =	vld [tilespmem:s31+$0x180];
	s6 =	sadd.s32 s7, s6  }
0x8f: {  	v5 =	vld [tilespmem:s31+$0x80];
	s6 =	sadd.s32 s10, s6  }
0x90: {  	v1 =	vld [tilespmem:s6+$0x70]  }
0x91: {  	v3 =	vld [tilespmem:s6+$0x30]  }
0x92: {  	v10 =	vld [tilespmem:s6+$0x50]  }
0x93: {  	v4 =	vld [tilespmem:s6+$0x60]  }
0x94: {  	v26 =	vld [tilespmem:s31+$0x0];
	_ =	sdelay $0x1  }
0x95: {  	v16 =	vimm.f32 $0.0e+00;
	v35 =	vimm.f32 $0.0e+00;
	v0 =	vsub.f32 v2, v3  }
0x96: {  	v36 =	vimm.f32 $0.0e+00;
	v6 =	vsub.f32 v5, v10;
	v8 =	vsub.f32 v23, v1  }
0x97: {  	v33 =	vimm.f32 $0.0e+00;
	v13 =	vld [tilespmem:s6+$0x10];
	v12 =	vsub.f32 v5, v3;
	v7 =	vsub.f32 v5, v4  }
0x98: {  	v37 =	vimm.f32 $0.0e+00;
	v15 =	vld [tilespmem:s6+$0x0];
	v9 =	vsub.f32 v2, v1;
	v21 =	vsub.f32 v26, v1  }
0x99: {  	v39 =	vimm.f32 $0.0e+00;
	v11 =	vld [tilespmem:s6+$0x20];
	v14 =	vsub.f32 v2, v4;
	v42 =	vsub.f32 v5, v1  }
0x9a: {  	v34 =	vimm.f32 $0.0e+00;
	v1 =	vsub.f32 v23, v10;
	v18 =	vsub.f32 v23, v3  }
0x9b: {  	v32 =	vimm.f32 $0.0e+00;
	v19 =	vsub.f32 v26, v4;
	v4 =	vsub.f32 v23, v4  }
0x9c: {  	v38 =	vimm.f32 $0.0e+00;
	v28 =	vsub.f32 v2, v13;
	v41 =	vsub.f32 v26, v3  }
0x9d: {  	v27 =	vimm.f32 $0.0e+00;
	v47 =	vsub.f32 v2, v15;
	v20 =	vsub.f32 v5, v13  }
0x9e: {  	v30 =	vimm.f32 $0.0e+00;
	v24 =	vld [tilespmem:s6+$0x40];
	v25 =	vsub.f32 v5, v11;
	v50 =	vsub.f32 v23, v15  }
0x9f: {  	v29 =	vimm.f32 $0.0e+00;
	v51 =	vsub.f32 v26, v10;
	v44 =	vsub.f32 v23, v13  }
0xa0: {  	v0 =	vand.u32 $0x7FFFFFFF, v0;
	v6 =	vand.u32 $0x7FFFFFFF, v6;
	v7 =	vand.u32 $0x7FFFFFFF, v7  }
0xa1: {  	v17 =	vand.u32 $0x7FFFFFFF, v9;
	v14 =	vand.u32 $0x7FFFFFFF, v14;
	v8 =	vand.u32 $0x7FFFFFFF, v8  }
0xa2: {  	v45 =	vand.u32 $0x7FFFFFFF, v4;
	v3 =	vand.u32 $0x7FFFFFFF, v19;
	v19 =	vsub.f32 v26, v11  }
0xa3: {  	v31 =	vand.u32 $0x7FFFFFFF, v12;
	v12 =	vsub.f32 v5, v24;
	v43 =	vand.u32 $0x7FFFFFFF, v20  }
0xa4: {  	v20 =	vsub.f32 v26, v15;
	v53 =	vand.u32 $0x7FFFFFFF, v25;
	v0 =	vadd.f32 v0, v16  }
0xa5: {  	v25 =	vimm.f32 $0.0e+00;
	v7 =	vadd.f32 v7, v16;
	v9 =	vadd.f32 v6, v16  }
0xa6: {  	v6 =	vand.u32 $0x7FFFFFFF, v1;
	v1 =	vadd.f32 v14, v16;
	v4 =	vadd.f32 v8, v16  }
0xa7: {  	v14 =	vsub.f32 v26, v13;
	v8 =	vand.u32 $0x7FFFFFFF, v18;
	v18 =	vsub.f32 v2, v10  }
0xa8: {  	v22 =	vadd.f32 v3, v16;
	v3 =	vadd.f32 v17, v16;
	v13 =	vimm.f32 $0.0e+00  }
0xa9: {  	v10 =	vimm.f32 $0.0e+00;
	v17 =	vimm.f32 $0.0e+00;
	v6 =	vadd.f32 v6, v16  }
0xaa: {  	v8 =	vadd.f32 v8, v16;
	v40 =	vand.u32 $0x7FFFFFFF, v12;
	v48 =	vand.u32 $0x7FFFFFFF, v19  }
0xab: {  	v49 =	vand.u32 $0x7FFFFFFF, v20;
	v20 =	vimm.f32 $0.0e+00;
	v12 =	vimm.f32 $0.0e+00  }
0xac: {  	v19 =	vimm.f32 $0.0e+00;
	v46 =	vand.u32 $0x7FFFFFFF, v14;
	v14 =	vsub.f32 v5, v15  }
0xad: {  	s8 =	simm.s32 $0x0;
	v5 =	vand.u32 $0x7FFFFFFF, v18;
	v15 =	vimm.f32 $0.0e+00;
	v18 =	vimm.f32 $0.0e+00  }
0xae: {  	s9 =	simm.s32 $0x0;
	s7 =	simm.s32 $0x80;
	s6 =	simm.s32 $0x200;
	v5 =	vadd.f32 v5, v16;
	v52 =	vand.u32 $0x7FFFFFFF, v14;
	v14 =	vimm.f32 $0.0e+00  }
.LBB2_6:
0xaf: {  	v54 =	vsub.f32 v23, v11  }
0xb0: {  	v55 =	vsub.f32 v23, v24;
	v16 =	vadd.f32 v52, v16  }
0xb1: {  	s10 =	rddreg [dreg:$0x4];
	v36 =	vadd.f32 v53, v36;
	v56 =	vsub.f32 v2, v24  }
0xb2: {  	s8 =	sadd.s32 $0x40, s8;
	s9 =	sadd.s32 $0x10, s9;
	s11 =	smov.u32 s6;
	v33 =	vadd.f32 v46, v33;
	v25 =	vadd.f32 v43, v25  }
0xb3: {  	v24 =	vsub.f32 v26, v24;
	v37 =	vadd.f32 v48, v37;
	s11 =	sand.u32 $0x7000, s11;
	s12 =	sand.u32 $0xE00, s8;
	s31 =	sand.u32 $0x70, s9  }
0xb4: {  	v42 =	vand.u32 $0x7FFFFFFF, v42;
	v11 =	vsub.f32 v2, v11;
	v39 =	vadd.f32 v49, v39;
	s10 =	sadd.s32 s11, s10;
	s11 =	sor.u32 s31, s12  }
0xb5: {  	v21 =	vand.u32 $0x7FFFFFFF, v21;
	v27 =	vadd.f32 v31, v27;
	v29 =	vadd.f32 v40, v29;
	v23 =	vld [tilespmem:s11+$0x100]  }
0xb6: {  	s13 =	sand.u32 $0x380, s7;
	v35 =	vadd.f32 v45, v35;
	v52 =	vand.u32 $0x7FFFFFFF, v47;
	v53 =	vand.u32 $0x7FFFFFFF, v50;
	v2 =	vld [tilespmem:s11+$0x180]  }
0xb7: {  	v28 =	vand.u32 $0x7FFFFFFF, v28;
	v20 =	vadd.f32 v42, v20;
	v57 =	vand.u32 $0x7FFFFFFF, v44;
	s10 =	sadd.s32 s13, s10;
	v48 =	vld [tilespmem:s11+$0x80]  }
0xb8: {  	v58 =	vand.u32 $0x7FFFFFFF, v51;
	v26 =	vand.u32 $0x7FFFFFFF, v54;
	v12 =	vadd.f32 v28, v12;
	v28 =	vld [tilespmem:s10+$0x70]  }
0xb9: {  	v30 =	vadd.f32 v21, v30;
	v15 =	vadd.f32 v26, v15;
	v26 =	vand.u32 $0x7FFFFFFF, v41;
	v41 =	vld [tilespmem:s10+$0x30]  }
0xba: {  	v13 =	vadd.f32 v52, v13;
	v24 =	vand.u32 $0x7FFFFFFF, v24;
	v19 =	vadd.f32 v53, v19;
	v44 =	vld [tilespmem:s10+$0x50]  }
0xbb: {  	v18 =	vadd.f32 v57, v18;
	v32 =	vadd.f32 v58, v32;
	v11 =	vand.u32 $0x7FFFFFFF, v11;
	v43 =	vld [tilespmem:s10+$0x60]  }
0xbc: {  	v34 =	vadd.f32 v24, v34;
	v24 =	vand.u32 $0x7FFFFFFF, v55;
	v14 =	vadd.f32 v11, v14  }
0xbd: {  	v38 =	vadd.f32 v26, v38;
	v26 =	vand.u32 $0x7FFFFFFF, v56;
	v17 =	vadd.f32 v24, v17;
	v50 =	vld [tilespmem:s10+$0x0]  }
0xbe: {  	v10 =	vadd.f32 v26, v10;
	v26 =	vld [tilespmem:s11+$0x0];
	v21 =	vsub.f32 v2, v41  }
0xbf: {  	v31 =	vsub.f32 v48, v44;
	v59 =	vsub.f32 v23, v28  }
0xc0: {  	v11 =	vld [tilespmem:s10+$0x20];
	v46 =	vsub.f32 v48, v41;
	v60 =	vsub.f32 v48, v43  }
0xc1: {  	v54 =	vld [tilespmem:s10+$0x10];
	v61 =	vsub.f32 v2, v28;
	v63 =	vsub.f32 v2, v43  }
0xc2: {  	v24 =	vld [tilespmem:s10+$0x40];
	v42 =	vsub.f32 v48, v28;
	v56 =	vsub.f32 v23, v41  }
0xc3: {  	v47 =	vsub.f32 v2, v50;
	v58 =	vsub.f32 v26, v43  }
0xc4: {  	v43 =	vsub.f32 v23, v43;
	v41 =	vsub.f32 v26, v41  }
0xc5: {  	v49 =	vsub.f32 v26, v11;
	v21 =	vand.u32 $0x7FFFFFFF, v21;
	v62 =	vand.u32 $0x7FFFFFFF, v60  }
0xc6: {  	v51 =	vand.u32 $0x7FFFFFFF, v61;
	v40 =	vand.u32 $0x7FFFFFFF, v59;
	v59 =	vsub.f32 v26, v54  }
0xc7: {  	v57 =	vand.u32 $0x7FFFFFFF, v63;
	v60 =	vsub.f32 v48, v54;
	v61 =	vsub.f32 v48, v24  }
0xc8: {  	v52 =	vand.u32 $0x7FFFFFFF, v56;
	v63 =	vsub.f32 v2, v44;
	v56 =	vsub.f32 v26, v50  }
0xc9: {  	v0 =	vadd.f32 v21, v0;
	v21 =	vsub.f32 v26, v28  }
0xca: {  	v31 =	vand.u32 $0x7FFFFFFF, v31;
	v28 =	vsub.f32 v23, v44;
	v7 =	vadd.f32 v62, v7  }
0xcb: {  	v9 =	vadd.f32 v31, v9;
	v1 =	vadd.f32 v57, v1  }
0xcc: {  	v45 =	vand.u32 $0x7FFFFFFF, v43;
	v4 =	vadd.f32 v40, v4;
	v8 =	vadd.f32 v52, v8  }
0xcd: {  	v53 =	vand.u32 $0x7FFFFFFF, v58;
	v62 =	vsub.f32 v48, v50;
	v57 =	vsub.f32 v48, v11  }
0xce: {  	p0 =	sne.s32 s6, $0x7E00;
	v31 =	vand.u32 $0x7FFFFFFF, v46;
	v50 =	vsub.f32 v23, v50;
	v3 =	vadd.f32 v51, v3  }
.Ltmp2:
0xcf: {  	v48 =	vand.u32 $0x7FFFFFFF, v49;
	v51 =	vsub.f32 v26, v44;
	v44 =	vsub.f32 v23, v54;
	(pc) =	sbr.rel @p0 .LBB2_6-.Ltmp2, $4  }
0xd0: {  	v46 =	vand.u32 $0x7FFFFFFF, v59;
	v43 =	vand.u32 $0x7FFFFFFF, v60;
	v40 =	vand.u32 $0x7FFFFFFF, v61  }
0xd1: {  	v55 =	vand.u32 $0x7FFFFFFF, v63;
	v49 =	vand.u32 $0x7FFFFFFF, v56;
	v22 =	vadd.f32 v53, v22  }
0xd2: {  	v28 =	vand.u32 $0x7FFFFFFF, v28;
	v52 =	vand.u32 $0x7FFFFFFF, v62;
	v5 =	vadd.f32 v55, v5  }
0xd3: {  	s6 =	sadd.s32 $0x200, s6;
	s7 =	sadd.s32 $0x80, s7;
	v53 =	vand.u32 $0x7FFFFFFF, v57;
	v6 =	vadd.f32 v28, v6;
	v28 =	vsub.f32 v2, v54  }
0xd4: {  	v54 =	vsub.f32 v23, v11  }
0xd5: {  	v23 =	vsub.f32 v23, v24;
	v16 =	vadd.f32 v52, v16  }
0xd6: {  	v35 =	vadd.f32 v45, v35;
	v36 =	vadd.f32 v53, v36  }
0xd7: {  	v42 =	vand.u32 $0x7FFFFFFF, v42;
	v26 =	vsub.f32 v26, v24;
	v39 =	vadd.f32 v49, v39  }
0xd8: {  	v49 =	vand.u32 $0x7FFFFFFF, v47;
	v33 =	vadd.f32 v46, v33;
	v22 =	vmul.f32 v22, v22  }
0xd9: {  	v37 =	vadd.f32 v48, v37;
	v9 =	vmul.f32 v9, v9;
	v7 =	vmul.f32 v7, v7  }
0xda: {  	v41 =	vand.u32 $0x7FFFFFFF, v41;
	s6 =	sshll.u32 s5, $0x9;
	v8 =	vmul.f32 v8, v8;
	v22 =	vmul.f32 $-5.000000000e-01, v22  }
0xdb: {  	v52 =	vand.u32 $0x7FFFFFFF, v51;
	v4 =	vmul.f32 v4, v4;
	s6 =	sand.u32 $0x3FFFFE00, s6;
	v9 =	vmul.f32 $-5.000000000e-01, v9  }
0xdc: {  	v21 =	vand.u32 $0x7FFFFFFF, v21;
	v0 =	vmul.f32 v0, v0;
	v7 =	vmul.f32 $-5.000000000e-01, v7;
	[tilespmem:s6+$0x11860] =	vst v22  }
0xdd: {  	v57 =	vand.u32 $0x7FFFFFFF, v50;
	v1 =	vmul.f32 v1, v1;
	v8 =	vmul.f32 $-5.000000000e-01, v8;
	[tilespmem:s6+$0x118D0] =	vst v9  }
0xde: {  	v25 =	vadd.f32 v43, v25;
	v3 =	vmul.f32 v3, v3;
	v4 =	vmul.f32 $-5.000000000e-01, v4;
	[tilespmem:s6+$0x118E0] =	vst v7  }
0xdf: {  	v59 =	vsub.f32 v2, v24;
	v6 =	vmul.f32 v6, v6;
	v0 =	vmul.f32 $-5.000000000e-01, v0;
	[tilespmem:s6+$0x11930] =	vst v8  }
0xe0: {  	v60 =	vadd.f32 v31, v27;
	v39 =	vmul.f32 v39, v39;
	v1 =	vmul.f32 $-5.000000000e-01, v1;
	[tilespmem:s6+$0x11970] =	vst v4  }
0xe1: {  	v61 =	vadd.f32 v40, v29;
	v33 =	vmul.f32 v33, v33;
	v6 =	vmul.f32 $-5.000000000e-01, v6;
	[tilespmem:s6+$0x119B0] =	vst v0  }
0xe2: {  	v48 =	vsub.f32 v2, v11;
	v37 =	vmul.f32 v37, v37;
	v53 =	vmul.f32 $-5.000000000e-01, v39;
	[tilespmem:s6+$0x119E0] =	vst v1  }
0xe3: {  	v38 =	vadd.f32 v41, v38;
	v16 =	vmul.f32 v16, v16;
	v33 =	vmul.f32 $-5.000000000e-01, v33;
	[tilespmem:s6+$0x11950] =	vst v6  }
0xe4: {  	v32 =	vadd.f32 v52, v32;
	v25 =	vmul.f32 v25, v25;
	v55 =	vmul.f32 $-5.000000000e-01, v37;
	[tilespmem:s6+$0x11800] =	vst v53  }
0xe5: {  	v21 =	vadd.f32 v21, v30;
	v30 =	vmul.f32 v60, v60;
	v16 =	vmul.f32 $-5.000000000e-01, v16;
	[tilespmem:s6+$0x11810] =	vst v33  }
0xe6: {  	v20 =	vadd.f32 v42, v20;
	v51 =	vmul.f32 v35, v35;
	v63 =	vmul.f32 $-5.000000000e-01, v25;
	[tilespmem:s6+$0x11820] =	vst v55  }
0xe7: {  	v19 =	vadd.f32 v57, v19;
	v38 =	vmul.f32 v38, v38;
	v37 =	vmul.f32 $-5.000000000e-01, v30;
	[tilespmem:s6+$0x11880] =	vst v16  }
0xe8: {  	v43 =	vand.u32 $0x7FFFFFFF, v28;
	v32 =	vmul.f32 v32, v32;
	v52 =	vmul.f32 $-5.000000000e-01, v51;
	[tilespmem:s6+$0x11890] =	vst v63  }
0xe9: {  	v13 =	vadd.f32 v49, v13;
	v21 =	vmul.f32 v21, v21;
	v56 =	vmul.f32 $-5.000000000e-01, v38;
	[tilespmem:s6+$0x118B0] =	vst v37  }
0xea: {  	v26 =	vand.u32 $0x7FFFFFFF, v26;
	v62 =	vmul.f32 v36, v36;
	v58 =	vmul.f32 $-5.000000000e-01, v32;
	[tilespmem:s6+$0x11960] =	vst v52  }
0xeb: {  	v26 =	vadd.f32 v26, v34;
	v34 =	vmul.f32 v61, v61;
	v21 =	vmul.f32 $-5.000000000e-01, v21;
	[tilespmem:s6+$0x11830] =	vst v56  }
0xec: {  	v31 =	vand.u32 $0x7FFFFFFF, v54;
	v20 =	vmul.f32 v20, v20;
	v32 =	vmul.f32 $-5.000000000e-01, v62;
	[tilespmem:s6+$0x11850] =	vst v58  }
0xed: {  	v36 =	vand.u32 $0x7FFFFFFF, v44;
	v60 =	vmul.f32 v5, v5;
	v38 =	vmul.f32 $-5.000000000e-01, v34;
	[tilespmem:s6+$0x11870] =	vst v21  }
0xee: {  	v40 =	vand.u32 $0x7FFFFFFF, v23;
	v39 =	vmul.f32 v19, v19;
	v41 =	vmul.f32 $-5.000000000e-01, v20;
	[tilespmem:s6+$0x118A0] =	vst v32  }
0xef: {  	v2 =	vand.u32 $0x7FFFFFFF, v48;
	v18 =	vadd.f32 v36, v18;
	v62 =	vmul.f32 $-5.000000000e-01, v60;
	[tilespmem:s6+$0x118C0] =	vst v38  }
0xf0: {  	v15 =	vadd.f32 v31, v15;
	v26 =	vmul.f32 v26, v26;
	v42 =	vmul.f32 $-5.000000000e-01, v39;
	[tilespmem:s6+$0x118F0] =	vst v41  }
0xf1: {  	v17 =	vadd.f32 v40, v17;
	v18 =	vmul.f32 v18, v18;
	v63 =	vmul.f32 $-5.000000000e-01, v3;
	[tilespmem:s6+$0x119D0] =	vst v62  }
0xf2: {  	v2 =	vadd.f32 v2, v14;
	v15 =	vmul.f32 v15, v15;
	v26 =	vmul.f32 $-5.000000000e-01, v26;
	[tilespmem:s6+$0x11900] =	vst v42  }
0xf3: {  	v49 =	vadd.f32 v43, v12;
	v47 =	vmul.f32 v17, v17;
	v44 =	vmul.f32 $-5.000000000e-01, v18;
	[tilespmem:s6+$0x119F0] =	vst v63  }
0xf4: {  	v54 =	vand.u32 $0x7FFFFFFF, v59;
	v2 =	vmul.f32 v2, v2;
	v46 =	vmul.f32 $-5.000000000e-01, v15;
	[tilespmem:s6+$0x11840] =	vst v26  }
0xf5: {  	s5 =	sadd.s32 $0x1, s5;
	v53 =	vmul.f32 v13, v13;
	v50 =	vmul.f32 $-5.000000000e-01, v47;
	v56 =	vadd.f32 v54, v10;
	[tilespmem:s6+$0x11910] =	vst v44  }
0xf6: {  	p0 =	sne.s32 s5, $0x4;
	v55 =	vmul.f32 v49, v49;
	v2 =	vmul.f32 $-5.000000000e-01, v2;
	[tilespmem:s6+$0x11920] =	vst v46  }
.Ltmp3:
0xf7: {  	v57 =	vmul.f32 $-5.000000000e-01, v53;
	[tilespmem:s6+$0x11940] =	vst v50;
	v59 =	vmul.f32 v56, v56;
	(pc) =	sbr.rel @p0 .LBB2_5-.Ltmp3, $4  }
0xf8: {  	v58 =	vmul.f32 $-5.000000000e-01, v55;
	[tilespmem:s6+$0x119A0] =	vst v2  }
0xf9: {  	[tilespmem:s6+$0x11980] =	vst v57;
	v61 =	vmul.f32 $-5.000000000e-01, v59  }
0xfa: {  	[tilespmem:s6+$0x11990] =	vst v58  }
0xfb: {  	[tilespmem:s6+$0x119C0] =	vst v61  }
0xfc: {  	v0 =	vimm.s32 $0xFEDCBA98  }
0xfd: {  	v1 =	vimm.s32 $0x76543210;
	v2 =	vimm.s32 $0x3210FEDC;
	v3 =	vimm.s32 $0xBA987654  }
0xfe: {  	v4 =	vimm.s32 $0x10FEDCBA;
	v5 =	vimm.s32 $0x98765432;
	v6 =	vimm.s32 $0xFEDCBA9  }
0xff: {  	v7 =	vimm.s32 $0x87654321;
	v0 =	vunpack.c.l.s4.s8 v0;
	v1 =	vunpack.c.l.s4.s8 v1  }
0x100: {  	v2 =	vunpack.c.l.s4.s8 v2;
	v3 =	vunpack.c.l.s4.s8 v3;
	v4 =	vunpack.c.l.s4.s8 v4  }
0x101: {  	v5 =	vunpack.c.l.s4.s8 v5;
	v6 =	vunpack.c.l.s4.s8 v6;
	v7 =	vunpack.c.l.s4.s8 v7  }
0x102: {  	v0 =	vunpack.c.0.s8.s32 v0;
	v1 =	vunpack.c.0.s8.s32 v1;
	v2 =	vunpack.c.0.s8.s32 v2  }
0x103: {  	v3 =	vunpack.c.0.s8.s32 v3;
	v4 =	vunpack.c.0.s8.s32 v4;
	v5 =	vunpack.c.0.s8.s32 v5  }
0x104: {  	v6 =	vunpack.c.0.s8.s32 v6;
	v7 =	vunpack.c.0.s8.s32 v7;
	v0 =	vand.u32 $0xF, v0  }
0x105: {  	v0 =	vcombine.low v0, v1;
	v1 =	vcombine.low v3, v2  }
0x106: {  	s4 =	simm.s32 $0x0;
	s5 =	simm.s32 $0x11040;
	v2 =	vcombine.low v5, v4;
	v3 =	vcombine.low v7, v6  }
.LBB2_9:
0x107: {  	s6 =	sshll.u32 s4, $0x7  }
0x108: {  	s6 =	sand.u32 $0x3FFFFF80, s6  }
0x109: {  	v4 =	vld [tilespmem:s6+$0x11000]  }
0x10a: {  	v5 =	vld [tilespmem:s6+$0x11010]  }
0x10b: {  	v6 =	vld [tilespmem:s6+$0x11020]  }
0x10c: {  	v7 =	vld [tilespmem:s6+$0x11030]  }
0x10d: {  	v8 =	vld [tilespmem:s6+$0x11040]  }
0x10e: {  	v9 =	vld [tilespmem:s6+$0x11050];
	v4 =	vmax.f32 v4, $-1.000000020e+30  }
0x10f: {  	v4 =	vmax.f32 v4, v5;
	v5 =	vld [tilespmem:s6+$0x11060]  }
0x110: {  	v4 =	vmax.f32 v4, v6;
	v6 =	vld [tilespmem:s6+$0x11070]  }
0x111: {  	v4 =	vmax.f32 v4, v7;
	v7 =	vld [tilespmem:s6+$0x11200]  }
0x112: {  	v4 =	vmax.f32 v4, v8;
	v8 =	vld [tilespmem:s6+$0x11210]  }
0x113: {  	v4 =	vmax.f32 v4, v9;
	v9 =	vld [tilespmem:s6+$0x11220]  }
0x114: {  	v4 =	vmax.f32 v4, v5;
	v5 =	vld [tilespmem:s6+$0x11230]  }
0x115: {  	v4 =	vmax.f32 v4, v6;
	v6 =	vld [tilespmem:s6+$0x11240]  }
0x116: {  	v4 =	vmax.f32 v4, v7;
	v7 =	vld [tilespmem:s6+$0x11250]  }
0x117: {  	v4 =	vmax.f32 v4, v8;
	v8 =	vld [tilespmem:s6+$0x11260]  }
0x118: {  	v4 =	vmax.f32 v4, v9;
	v9 =	vld [tilespmem:s6+$0x11270]  }
0x119: {  	v4 =	vmax.f32 v4, v5;
	v5 =	vld [tilespmem:s6+$0x11400]  }
0x11a: {  	v4 =	vmax.f32 v4, v6;
	v6 =	vld [tilespmem:s6+$0x11410]  }
0x11b: {  	v4 =	vmax.f32 v4, v7;
	v7 =	vld [tilespmem:s6+$0x11420]  }
0x11c: {  	v4 =	vmax.f32 v4, v8;
	v8 =	vld [tilespmem:s6+$0x11430]  }
0x11d: {  	v4 =	vmax.f32 v4, v9;
	v9 =	vld [tilespmem:s6+$0x11440]  }
0x11e: {  	v4 =	vmax.f32 v4, v5;
	v5 =	vld [tilespmem:s6+$0x11450]  }
0x11f: {  	v4 =	vmax.f32 v4, v6;
	v6 =	vld [tilespmem:s6+$0x11460]  }
0x120: {  	v4 =	vmax.f32 v4, v7;
	v7 =	vld [tilespmem:s6+$0x11470]  }
0x121: {  	v4 =	vmax.f32 v4, v8;
	v8 =	vld [tilespmem:s6+$0x11600]  }
0x122: {  	v4 =	vmax.f32 v4, v9;
	v9 =	vld [tilespmem:s6+$0x11610]  }
0x123: {  	v4 =	vmax.f32 v4, v5;
	v5 =	vld [tilespmem:s6+$0x11620]  }
0x124: {  	v4 =	vmax.f32 v4, v6;
	v6 =	vld [tilespmem:s6+$0x11630]  }
0x125: {  	v4 =	vmax.f32 v4, v7;
	v7 =	vld [tilespmem:s6+$0x11640]  }
0x126: {  	v4 =	vmax.f32 v4, v8;
	v8 =	vld [tilespmem:s6+$0x11650]  }
0x127: {  	v4 =	vmax.f32 v4, v9;
	v9 =	vld [tilespmem:s6+$0x11660]  }
0x128: {  	v4 =	vmax.f32 v4, v5;
	v5 =	vld [tilespmem:s6+$0x11670]  }
0x129: {  	v4 =	vmax.f32 v4, v6;
	v6 =	vld [tilespmem:s6+$0x11800]  }
0x12a: {  	v4 =	vmax.f32 v4, v7;
	v7 =	vld [tilespmem:s6+$0x11810]  }
0x12b: {  	v4 =	vmax.f32 v4, v8;
	v8 =	vld [tilespmem:s6+$0x11820]  }
0x12c: {  	v4 =	vmax.f32 v4, v9;
	v9 =	vld [tilespmem:s6+$0x11830]  }
0x12d: {  	v4 =	vmax.f32 v4, v5;
	v5 =	vld [tilespmem:s6+$0x11840]  }
0x12e: {  	v4 =	vmax.f32 v4, v6;
	v6 =	vld [tilespmem:s6+$0x11850]  }
0x12f: {  	v4 =	vmax.f32 v4, v7;
	v7 =	vld [tilespmem:s6+$0x11860]  }
0x130: {  	v4 =	vmax.f32 v4, v8;
	v8 =	vld [tilespmem:s6+$0x11870]  }
0x131: {  	v4 =	vmax.f32 v4, v9;
	v9 =	vld [tilespmem:s6+$0x11A00]  }
0x132: {  	v4 =	vmax.f32 v4, v5;
	v5 =	vld [tilespmem:s6+$0x11A10]  }
0x133: {  	v4 =	vmax.f32 v4, v6;
	v6 =	vld [tilespmem:s6+$0x11A20]  }
0x134: {  	v4 =	vmax.f32 v4, v7;
	v7 =	vld [tilespmem:s6+$0x11A30]  }
0x135: {  	v4 =	vmax.f32 v4, v8;
	v8 =	vld [tilespmem:s6+$0x11A40]  }
0x136: {  	v4 =	vmax.f32 v4, v9;
	v9 =	vld [tilespmem:s6+$0x11A50]  }
0x137: {  	v4 =	vmax.f32 v4, v5;
	v5 =	vld [tilespmem:s6+$0x11A60]  }
0x138: {  	v4 =	vmax.f32 v4, v6;
	v6 =	vld [tilespmem:s6+$0x11A70]  }
0x139: {  	v4 =	vmax.f32 v4, v7;
	v7 =	vld [tilespmem:s6+$0x11C00]  }
0x13a: {  	v4 =	vmax.f32 v4, v8;
	v8 =	vld [tilespmem:s6+$0x11C10]  }
0x13b: {  	v4 =	vmax.f32 v4, v9;
	v9 =	vld [tilespmem:s6+$0x11C20]  }
0x13c: {  	v4 =	vmax.f32 v4, v5;
	v5 =	vld [tilespmem:s6+$0x11C30]  }
0x13d: {  	v4 =	vmax.f32 v4, v6;
	v6 =	vld [tilespmem:s6+$0x11C40]  }
0x13e: {  	v4 =	vmax.f32 v4, v7;
	v7 =	vld [tilespmem:s6+$0x11C50]  }
0x13f: {  	v4 =	vmax.f32 v4, v8;
	v8 =	vld [tilespmem:s6+$0x11C60]  }
0x140: {  	v4 =	vmax.f32 v4, v9;
	v9 =	vld [tilespmem:s6+$0x11C70]  }
0x141: {  	v4 =	vmax.f32 v4, v5;
	v5 =	vld [tilespmem:s6+$0x11E00]  }
0x142: {  	v4 =	vmax.f32 v4, v6;
	v6 =	vld [tilespmem:s6+$0x11E10]  }
0x143: {  	v4 =	vmax.f32 v4, v7;
	v7 =	vld [tilespmem:s6+$0x11E20]  }
0x144: {  	v4 =	vmax.f32 v4, v8;
	v8 =	vld [tilespmem:s6+$0x11E30]  }
0x145: {  	v4 =	vmax.f32 v4, v9;
	v9 =	vld [tilespmem:s6+$0x11E40]  }
0x146: {  	v4 =	vmax.f32 v4, v5;
	v5 =	vld [tilespmem:s6+$0x11E50]  }
0x147: {  	v4 =	vmax.f32 v4, v6;
	v6 =	vld [tilespmem:s6+$0x11E60]  }
0x148: {  	v4 =	vmax.f32 v4, v7;
	v7 =	vld [tilespmem:s6+$0x11E70]  }
0x149: {  	v4 =	vmax.f32 v4, v8  }
0x14a: {  	v4 =	vmax.f32 v4, v9  }
0x14b: {  	v4 =	vmax.f32 v4, v5  }
0x14c: {  	v4 =	vmax.f32 v4, v6  }
0x14d: {  	v4 =	vmax.f32 v4, v7  }
0x14e: {  	v5 =	vperm.xlane v4, v0;
	_ =	sdelay $0x1  }
0x14f: {  	v5 =	vmax.f32 v4, v5;
	v4 =	vmov s5  }
0x150: {  	v6 =	vperm.xlane v5, v1;
	_ =	sdelay $0x1  }
0x151: {  	v5 =	vmax.f32 v5, v6  }
0x152: {  	s7 =	simm.s32 $0x0;
	v6 =	vperm.xlane v5, v2  }
0x153: {  	v7 =	vld.idx.msk [tilespmem:v4+s7+$0xFFFFFFC0 ss:$0x1], $0xffff  }
0x154: {  	v5 =	vmax.f32 v5, v6  }
0x155: {  	v6 =	vperm.xlane v5, v3;
	_ =	sdelay $0x1  }
0x156: {  	v5 =	vmax.f32 v5, v6  }
0x157: {  	v6 =	vsub.f32 v7, v5;
	_ =	sdelay $0x1  }
0x158: {  	v6 =	vmul.f32 $1.442695020e+00, v6;
	_ =	sdelay $0x1  }
0x159: {  	(erf) = vpow2.f32 v6;
	_ =	sdelay $0x8  }
0x15a: {  	v8 =	vpop (erf)  }
0x15b: {  	[tilespmem:v4+s7+$0xFFFFFFC0 ss:$0x1] =	vst.idx.msk $0xffff, v8  }
0x15c: {  	v6 =	vld.idx.msk [tilespmem:v4+s7+$0xFFFFFFD0 ss:$0x1], $0xffff;
	_ =	sdelay $0x4  }
0x15d: {  	v6 =	vsub.f32 v6, v5;
	_ =	sdelay $0x1  }
0x15e: {  	v6 =	vmul.f32 $1.442695020e+00, v6;
	_ =	sdelay $0x1  }
0x15f: {  	(erf) = vpow2.f32 v6;
	_ =	sdelay $0x8  }
0x160: {  	v9 =	vpop (erf)  }
0x161: {  	[tilespmem:v4+s7+$0xFFFFFFD0 ss:$0x1] =	vst.idx.msk $0xffff, v9  }
0x162: {  	v6 =	vld.idx.msk [tilespmem:v4+s7+$0xFFFFFFE0 ss:$0x1], $0xffff;
	_ =	sdelay $0x4  }
0x163: {  	v6 =	vsub.f32 v6, v5;
	_ =	sdelay $0x1  }
0x164: {  	v6 =	vmul.f32 $1.442695020e+00, v6;
	_ =	sdelay $0x1  }
0x165: {  	(erf) = vpow2.f32 v6;
	_ =	sdelay $0x8  }
0x166: {  	v10 =	vpop (erf)  }
0x167: {  	[tilespmem:v4+s7+$0xFFFFFFE0 ss:$0x1] =	vst.idx.msk $0xffff, v10  }
0x168: {  	v6 =	vld.idx.msk [tilespmem:v4+s7+$0xFFFFFFF0 ss:$0x1], $0xffff;
	_ =	sdelay $0x4  }
0x169: {  	v6 =	vsub.f32 v6, v5;
	_ =	sdelay $0x1  }
0x16a: {  	v6 =	vmul.f32 $1.442695020e+00, v6;
	_ =	sdelay $0x1  }
0x16b: {  	(erf) = vpow2.f32 v6;
	_ =	sdelay $0x8  }
0x16c: {  	v11 =	vpop (erf)  }
0x16d: {  	[tilespmem:v4+s7+$0xFFFFFFF0 ss:$0x1] =	vst.idx.msk $0xffff, v11  }
0x16e: {  	v6 =	vld.idx.msk [tilespmem:v4+s7+$0x0 ss:$0x1], $0xffff;
	_ =	sdelay $0x4  }
0x16f: {  	v6 =	vsub.f32 v6, v5  }
0x170: {  	s6 =	simm.s32 $0x200  }
0x171: {  	v7 =	vld.idx.msk [tilespmem:v4+s6+$0xFFFFFFC0 ss:$0x1], $0xffff;
	v6 =	vmul.f32 $1.442695020e+00, v6;
	_ =	sdelay $0x1  }
0x172: {  	(erf) = vpow2.f32 v6;
	_ =	sdelay $0x2  }
0x173: {  	v6 =	vsub.f32 v7, v5;
	_ =	sdelay $0x1  }
0x174: {  	v6 =	vmul.f32 $1.442695020e+00, v6;
	_ =	sdelay $0x1  }
0x175: {  	(erf) = vpow2.f32 v6;
	_ =	sdelay $0x1  }
0x176: {  	v12 =	vpop (erf)  }
0x177: {  	[tilespmem:v4+s7+$0x0 ss:$0x1] =	vst.idx.msk $0xffff, v12  }
0x178: {  	v6 =	vld.idx.msk [tilespmem:v4+s7+$0x10 ss:$0x1], $0xffff;
	_ =	sdelay $0x4  }
0x179: {  	v7 =	vsub.f32 v6, v5;
	v6 =	vpop (erf)  }
0x17a: {  	[tilespmem:v4+s6+$0xFFFFFFC0 ss:$0x1] =	vst.idx.msk $0xffff, v6  }
0x17b: {  	v7 =	vmul.f32 $1.442695020e+00, v7;
	v13 =	vld.idx.msk [tilespmem:v4+s6+$0xFFFFFFD0 ss:$0x1], $0xffff;
	_ =	sdelay $0x1  }
0x17c: {  	(erf) = vpow2.f32 v7;
	_ =	sdelay $0x2  }
0x17d: {  	v7 =	vsub.f32 v13, v5;
	_ =	sdelay $0x1  }
0x17e: {  	v7 =	vmul.f32 $1.442695020e+00, v7;
	_ =	sdelay $0x1  }
0x17f: {  	(erf) = vpow2.f32 v7;
	_ =	sdelay $0x1  }
0x180: {  	v59 =	vpop (erf)  }
0x181: {  	[tilespmem:v4+s7+$0x10 ss:$0x1] =	vst.idx.msk $0xffff, v59  }
0x182: {  	v7 =	vld.idx.msk [tilespmem:v4+s7+$0x20 ss:$0x1], $0xffff;
	_ =	sdelay $0x4  }
0x183: {  	v14 =	vsub.f32 v7, v5;
	v7 =	vpop (erf)  }
0x184: {  	[tilespmem:v4+s6+$0xFFFFFFD0 ss:$0x1] =	vst.idx.msk $0xffff, v7  }
0x185: {  	v15 =	vld.idx.msk [tilespmem:v4+s6+$0xFFFFFFE0 ss:$0x1], $0xffff;
	_ =	sdelay $0x4  }
0x186: {  	v14 =	vmul.f32 $1.442695020e+00, v14;
	v60 =	vsub.f32 v15, v5;
	_ =	sdelay $0x1  }
0x187: {  	(erf) = vpow2.f32 v14;
	v14 =	vmul.f32 $1.442695020e+00, v60;
	_ =	sdelay $0x1  }
0x188: {  	(erf) = vpow2.f32 v14;
	_ =	sdelay $0x7  }
0x189: {  	v16 =	vimm.f32 $0.0e+00;
	v61 =	vpop (erf)  }
0x18a: {  	v16 =	vadd.f32 v8, v16;
	[tilespmem:v4+s7+$0x20 ss:$0x1] =	vst.idx.msk $0xffff, v61;
	v8 =	vpop (erf)  }
0x18b: {  	v62 =	vld.idx.msk [tilespmem:v4+s7+$0x30 ss:$0x1], $0xffff;
	[tilespmem:v4+s6+$0xFFFFFFE0 ss:$0x1] =	vst.idx.msk $0xffff, v8  }
0x18c: {  	v63 =	vld.idx.msk [tilespmem:v4+s6+$0xFFFFFFF0 ss:$0x1], $0xffff;
	_ =	sdelay $0x2  }
0x18d: {  	v9 =	vadd.f32 v9, v16  }
0x18e: {  	v15 =	vsub.f32 v62, v5  }
0x18f: {  	v9 =	vadd.f32 v10, v9;
	v10 =	vsub.f32 v63, v5  }
0x190: {  	v15 =	vmul.f32 $1.442695020e+00, v15  }
0x191: {  	v10 =	vmul.f32 $1.442695020e+00, v10  }
0x192: {  	(erf) = vpow2.f32 v15  }
0x193: {  	(erf) = vpow2.f32 v10  }
0x194: {  	v9 =	vadd.f32 v11, v9;
	_ =	sdelay $0x1  }
0x195: {  	v9 =	vadd.f32 v12, v9;
	_ =	sdelay $0x1  }
0x196: {  	v9 =	vadd.f32 v59, v9;
	_ =	sdelay $0x1  }
0x197: {  	v9 =	vadd.f32 v61, v9  }
0x198: {  	s8 =	simm.s32 $0x1000;
	v10 =	vpop (erf)  }
.LBB2_10:
0x199: {  	p0 =	sne.s32 s8, $0x3800;
	v11 =	vpop (erf);
	[tilespmem:v4+s7+$0x30 ss:$0x1] =	vst.idx.msk $0xffff, v10;
	v9 =	vadd.f32 v10, v9;
	s9 =	smov.u32 s8;
	s8 =	sadd.s32 $0x800, s8  }
0x19a: {  	s7 =	smov.u32 s6;
	[tilespmem:v4+s6+$0xFFFFFFF0 ss:$0x1] =	vst.idx.msk $0xffff, v11  }
0x19b: {  	s6 =	sshra.s32 s9, $0x2;
	v6 =	vadd.f32 v6, v9;
	v9 =	vld.idx.msk [tilespmem:v4+s7+$0x0 ss:$0x1], $0xffff  }
0x19c: {  	v10 =	vld.idx.msk [tilespmem:v4+s6+$0xFFFFFFC0 ss:$0x1], $0xffff  }
0x19d: {  	v6 =	vadd.f32 v7, v6;
	_ =	sdelay $0x1  }
0x19e: {  	v6 =	vadd.f32 v8, v6;
	_ =	sdelay $0x1  }
0x19f: {  	v11 =	vadd.f32 v11, v6;
	v6 =	vsub.f32 v9, v5  }
0x1a0: {  	v7 =	vsub.f32 v10, v5  }
0x1a1: {  	v6 =	vmul.f32 $1.442695020e+00, v6  }
0x1a2: {  	v7 =	vmul.f32 $1.442695020e+00, v7  }
0x1a3: {  	(erf) = vpow2.f32 v6  }
0x1a4: {  	(erf) = vpow2.f32 v7;
	_ =	sdelay $0x7  }
0x1a5: {  	v9 =	vpop (erf)  }
0x1a6: {  	v6 =	vpop (erf);
	[tilespmem:v4+s7+$0x0 ss:$0x1] =	vst.idx.msk $0xffff, v9  }
0x1a7: {  	[tilespmem:v4+s6+$0xFFFFFFC0 ss:$0x1] =	vst.idx.msk $0xffff, v6;
	v7 =	vld.idx.msk [tilespmem:v4+s7+$0x10 ss:$0x1], $0xffff  }
0x1a8: {  	v8 =	vld.idx.msk [tilespmem:v4+s6+$0xFFFFFFD0 ss:$0x1], $0xffff;
	_ =	sdelay $0x4  }
0x1a9: {  	v7 =	vsub.f32 v7, v5  }
0x1aa: {  	v8 =	vsub.f32 v8, v5  }
0x1ab: {  	v7 =	vmul.f32 $1.442695020e+00, v7  }
0x1ac: {  	v8 =	vmul.f32 $1.442695020e+00, v8  }
0x1ad: {  	(erf) = vpow2.f32 v7  }
0x1ae: {  	(erf) = vpow2.f32 v8;
	_ =	sdelay $0x7  }
0x1af: {  	v10 =	vpop (erf)  }
0x1b0: {  	v7 =	vpop (erf);
	[tilespmem:v4+s7+$0x10 ss:$0x1] =	vst.idx.msk $0xffff, v10  }
0x1b1: {  	[tilespmem:v4+s6+$0xFFFFFFD0 ss:$0x1] =	vst.idx.msk $0xffff, v7;
	v8 =	vld.idx.msk [tilespmem:v4+s7+$0x20 ss:$0x1], $0xffff  }
0x1b2: {  	v12 =	vld.idx.msk [tilespmem:v4+s6+$0xFFFFFFE0 ss:$0x1], $0xffff;
	_ =	sdelay $0x4  }
0x1b3: {  	v8 =	vsub.f32 v8, v5  }
0x1b4: {  	v12 =	vsub.f32 v12, v5  }
0x1b5: {  	v8 =	vmul.f32 $1.442695020e+00, v8  }
0x1b6: {  	v12 =	vmul.f32 $1.442695020e+00, v12  }
0x1b7: {  	(erf) = vpow2.f32 v8  }
0x1b8: {  	(erf) = vpow2.f32 v12;
	_ =	sdelay $0x7  }
0x1b9: {  	v12 =	vpop (erf)  }
0x1ba: {  	v8 =	vpop (erf);
	[tilespmem:v4+s7+$0x20 ss:$0x1] =	vst.idx.msk $0xffff, v12  }
0x1bb: {  	[tilespmem:v4+s6+$0xFFFFFFE0 ss:$0x1] =	vst.idx.msk $0xffff, v8;
	v13 =	vld.idx.msk [tilespmem:v4+s7+$0x30 ss:$0x1], $0xffff  }
0x1bc: {  	v14 =	vld.idx.msk [tilespmem:v4+s6+$0xFFFFFFF0 ss:$0x1], $0xffff;
	_ =	sdelay $0x4  }
0x1bd: {  	v13 =	vsub.f32 v13, v5  }
0x1be: {  	v14 =	vsub.f32 v14, v5  }
0x1bf: {  	v13 =	vmul.f32 $1.442695020e+00, v13  }
0x1c0: {  	v14 =	vmul.f32 $1.442695020e+00, v14  }
0x1c1: {  	(erf) = vpow2.f32 v13  }
0x1c2: {  	(erf) = vpow2.f32 v14;
	_ =	sdelay $0x2  }
0x1c3: {  	v9 =	vadd.f32 v9, v11  }
.Ltmp4:
0x1c4: {  	(pc) =	sbr.rel @p0 .LBB2_10-.Ltmp4, $3  }
0x1c5: {  	v9 =	vadd.f32 v10, v9;
	_ =	sdelay $0x1  }
0x1c6: {  	v9 =	vadd.f32 v12, v9  }
0x1c7: {  	v10 =	vpop (erf)  }
0x1c8: {  	_ =	sdelay $0x3  }
0x1c9: {  	v11 =	vpop (erf);
	[tilespmem:v4+s7+$0x30 ss:$0x1] =	vst.idx.msk $0xffff, v10  }
0x1ca: {  	[tilespmem:v4+s6+$0xFFFFFFF0 ss:$0x1] =	vst.idx.msk $0xffff, v11  }
0x1cb: {  	v12 =	vld.idx.msk [tilespmem:v4+s6+$0x0 ss:$0x1], $0xffff;
	_ =	sdelay $0x4  }
0x1cc: {  	v12 =	vsub.f32 v12, v5;
	_ =	sdelay $0x1  }
0x1cd: {  	v12 =	vmul.f32 $1.442695020e+00, v12;
	_ =	sdelay $0x1  }
0x1ce: {  	(erf) = vpow2.f32 v12;
	_ =	sdelay $0x8  }
0x1cf: {  	v12 =	vpop (erf)  }
0x1d0: {  	[tilespmem:v4+s6+$0x0 ss:$0x1] =	vst.idx.msk $0xffff, v12  }
0x1d1: {  	v13 =	vld.idx.msk [tilespmem:v4+s6+$0x10 ss:$0x1], $0xffff;
	_ =	sdelay $0x4  }
0x1d2: {  	v13 =	vsub.f32 v13, v5;
	_ =	sdelay $0x1  }
0x1d3: {  	v13 =	vmul.f32 $1.442695020e+00, v13;
	_ =	sdelay $0x1  }
0x1d4: {  	(erf) = vpow2.f32 v13;
	_ =	sdelay $0x8  }
0x1d5: {  	v13 =	vpop (erf)  }
0x1d6: {  	[tilespmem:v4+s6+$0x10 ss:$0x1] =	vst.idx.msk $0xffff, v13  }
0x1d7: {  	v14 =	vld.idx.msk [tilespmem:v4+s6+$0x20 ss:$0x1], $0xffff;
	_ =	sdelay $0x4  }
0x1d8: {  	v14 =	vsub.f32 v14, v5;
	_ =	sdelay $0x1  }
0x1d9: {  	v14 =	vmul.f32 $1.442695020e+00, v14;
	_ =	sdelay $0x1  }
0x1da: {  	(erf) = vpow2.f32 v14;
	_ =	sdelay $0x8  }
0x1db: {  	v14 =	vpop (erf)  }
0x1dc: {  	[tilespmem:v4+s6+$0x20 ss:$0x1] =	vst.idx.msk $0xffff, v14  }
0x1dd: {  	v15 =	vld.idx.msk [tilespmem:v4+s6+$0x30 ss:$0x1], $0xffff;
	_ =	sdelay $0x2  }
0x1de: {  	v9 =	vadd.f32 v10, v9;
	_ =	sdelay $0x1  }
0x1df: {  	v6 =	vadd.f32 v6, v9;
	v5 =	vsub.f32 v15, v5;
	_ =	sdelay $0x1  }
0x1e0: {  	v6 =	vadd.f32 v7, v6;
	v5 =	vmul.f32 $1.442695020e+00, v5;
	_ =	sdelay $0x1  }
0x1e1: {  	v6 =	vadd.f32 v8, v6;
	(erf) = vpow2.f32 v5;
	_ =	sdelay $0x1  }
0x1e2: {  	v5 =	vadd.f32 v11, v6;
	_ =	sdelay $0x1  }
0x1e3: {  	v5 =	vadd.f32 v12, v5;
	_ =	sdelay $0x1  }
0x1e4: {  	v5 =	vadd.f32 v13, v5;
	_ =	sdelay $0x1  }
0x1e5: {  	v5 =	vadd.f32 v14, v5  }
0x1e6: {  	v6 =	vpop (erf)  }
0x1e7: {  	v5 =	vadd.f32 v6, v5;
	_ =	sdelay $0x1  }
0x1e8: {  	v7 =	vperm.xlane v5, v0;
	_ =	sdelay $0x1  }
0x1e9: {  	v5 =	vadd.f32 v7, v5;
	_ =	sdelay $0x1  }
0x1ea: {  	v7 =	vperm.xlane v5, v1;
	_ =	sdelay $0x1  }
0x1eb: {  	v5 =	vadd.f32 v7, v5;
	_ =	sdelay $0x1  }
0x1ec: {  	v7 =	vperm.xlane v5, v2;
	_ =	sdelay $0x1  }
0x1ed: {  	v5 =	vadd.f32 v7, v5;
	_ =	sdelay $0x1  }
0x1ee: {  	v7 =	vperm.xlane v5, v3;
	_ =	sdelay $0x1  }
0x1ef: {  	v5 =	vadd.f32 v7, v5;
	_ =	sdelay $0x1  }
0x1f0: {  	(erf) = vrcp.f32 v5;
	_ =	sdelay $0x3  }
0x1f1: {  	s7 =	simm.s32 $0x0  }
0x1f2: {  	v7 =	vld.idx.msk [tilespmem:v4+s7+$0xFFFFFFC0 ss:$0x1], $0xffff;
	_ =	sdelay $0x3  }
0x1f3: {  	v5 =	vpop (erf)  }
0x1f4: {  	v7 =	vmul.f32 v7, v5;
	_ =	sdelay $0x1  }
0x1f5: {  	[tilespmem:v4+s7+$0xFFFFFFC0 ss:$0x1] =	vst.idx.msk $0xffff, v7  }
0x1f6: {  	v7 =	vld.idx.msk [tilespmem:v4+s7+$0xFFFFFFD0 ss:$0x1], $0xffff;
	_ =	sdelay $0x4  }
0x1f7: {  	v7 =	vmul.f32 v7, v5;
	_ =	sdelay $0x1  }
0x1f8: {  	[tilespmem:v4+s7+$0xFFFFFFD0 ss:$0x1] =	vst.idx.msk $0xffff, v7  }
0x1f9: {  	v7 =	vld.idx.msk [tilespmem:v4+s7+$0xFFFFFFE0 ss:$0x1], $0xffff;
	_ =	sdelay $0x4  }
0x1fa: {  	v7 =	vmul.f32 v7, v5;
	_ =	sdelay $0x1  }
0x1fb: {  	[tilespmem:v4+s7+$0xFFFFFFE0 ss:$0x1] =	vst.idx.msk $0xffff, v7  }
0x1fc: {  	v7 =	vld.idx.msk [tilespmem:v4+s7+$0xFFFFFFF0 ss:$0x1], $0xffff;
	_ =	sdelay $0x4  }
0x1fd: {  	v7 =	vmul.f32 v7, v5  }
0x1fe: {  	[tilespmem:v4+s6+$0x30 ss:$0x1] =	vst.idx.msk $0xffff, v6  }
0x1ff: {  	[tilespmem:v4+s7+$0xFFFFFFF0 ss:$0x1] =	vst.idx.msk $0xffff, v7  }
0x200: {  	s6 =	simm.s32 $0x200;
	v6 =	vld.idx.msk [tilespmem:v4+s7+$0x0 ss:$0x1], $0xffff  }
0x201: {  	v7 =	vld.idx.msk [tilespmem:v4+s6+$0xFFFFFFC0 ss:$0x1], $0xffff;
	_ =	sdelay $0x3  }
0x202: {  	v6 =	vmul.f32 v6, v5  }
0x203: {  	v7 =	vmul.f32 v7, v5  }
0x204: {  	[tilespmem:v4+s7+$0x0 ss:$0x1] =	vst.idx.msk $0xffff, v6  }
0x205: {  	[tilespmem:v4+s6+$0xFFFFFFC0 ss:$0x1] =	vst.idx.msk $0xffff, v7;
	v6 =	vld.idx.msk [tilespmem:v4+s7+$0x10 ss:$0x1], $0xffff  }
0x206: {  	v7 =	vld.idx.msk [tilespmem:v4+s6+$0xFFFFFFD0 ss:$0x1], $0xffff;
	_ =	sdelay $0x3  }
0x207: {  	v6 =	vmul.f32 v6, v5  }
0x208: {  	v7 =	vmul.f32 v7, v5  }
0x209: {  	[tilespmem:v4+s7+$0x10 ss:$0x1] =	vst.idx.msk $0xffff, v6  }
0x20a: {  	[tilespmem:v4+s6+$0xFFFFFFD0 ss:$0x1] =	vst.idx.msk $0xffff, v7;
	v6 =	vld.idx.msk [tilespmem:v4+s7+$0x20 ss:$0x1], $0xffff  }
0x20b: {  	v7 =	vld.idx.msk [tilespmem:v4+s6+$0xFFFFFFE0 ss:$0x1], $0xffff;
	_ =	sdelay $0x3  }
0x20c: {  	v6 =	vmul.f32 v6, v5  }
0x20d: {  	v7 =	vmul.f32 v7, v5  }
0x20e: {  	[tilespmem:v4+s7+$0x20 ss:$0x1] =	vst.idx.msk $0xffff, v6  }
0x20f: {  	[tilespmem:v4+s6+$0xFFFFFFE0 ss:$0x1] =	vst.idx.msk $0xffff, v7;
	v6 =	vld.idx.msk [tilespmem:v4+s7+$0x30 ss:$0x1], $0xffff  }
0x210: {  	v8 =	vld.idx.msk [tilespmem:v4+s6+$0xFFFFFFF0 ss:$0x1], $0xffff;
	_ =	sdelay $0x3  }
0x211: {  	v7 =	vmul.f32 v6, v5  }
0x212: {  	s8 =	simm.s32 $0x1000;
	v6 =	vmul.f32 v8, v5  }
.LBB2_12:
0x213: {  	p0 =	sne.s32 s8, $0x3800;
	[tilespmem:v4+s7+$0x30 ss:$0x1] =	vst.idx.msk $0xffff, v7;
	s9 =	smov.u32 s8;
	s8 =	sadd.s32 $0x800, s8  }
0x214: {  	s7 =	smov.u32 s6;
	[tilespmem:v4+s6+$0xFFFFFFF0 ss:$0x1] =	vst.idx.msk $0xffff, v6  }
0x215: {  	s6 =	sshra.s32 s9, $0x2;
	v6 =	vld.idx.msk [tilespmem:v4+s7+$0x0 ss:$0x1], $0xffff  }
0x216: {  	v7 =	vld.idx.msk [tilespmem:v4+s6+$0xFFFFFFC0 ss:$0x1], $0xffff;
	_ =	sdelay $0x4  }
0x217: {  	v6 =	vmul.f32 v6, v5  }
0x218: {  	v7 =	vmul.f32 v7, v5  }
0x219: {  	[tilespmem:v4+s7+$0x0 ss:$0x1] =	vst.idx.msk $0xffff, v6  }
0x21a: {  	[tilespmem:v4+s6+$0xFFFFFFC0 ss:$0x1] =	vst.idx.msk $0xffff, v7;
	v6 =	vld.idx.msk [tilespmem:v4+s7+$0x10 ss:$0x1], $0xffff  }
0x21b: {  	v7 =	vld.idx.msk [tilespmem:v4+s6+$0xFFFFFFD0 ss:$0x1], $0xffff;
	_ =	sdelay $0x4  }
0x21c: {  	v6 =	vmul.f32 v6, v5  }
0x21d: {  	v7 =	vmul.f32 v7, v5  }
0x21e: {  	[tilespmem:v4+s7+$0x10 ss:$0x1] =	vst.idx.msk $0xffff, v6  }
0x21f: {  	[tilespmem:v4+s6+$0xFFFFFFD0 ss:$0x1] =	vst.idx.msk $0xffff, v7;
	v6 =	vld.idx.msk [tilespmem:v4+s7+$0x20 ss:$0x1], $0xffff  }
0x220: {  	v7 =	vld.idx.msk [tilespmem:v4+s6+$0xFFFFFFE0 ss:$0x1], $0xffff;
	_ =	sdelay $0x4  }
0x221: {  	v6 =	vmul.f32 v6, v5  }
0x222: {  	v7 =	vmul.f32 v7, v5  }
0x223: {  	[tilespmem:v4+s7+$0x20 ss:$0x1] =	vst.idx.msk $0xffff, v6  }
0x224: {  	[tilespmem:v4+s6+$0xFFFFFFE0 ss:$0x1] =	vst.idx.msk $0xffff, v7;
	v6 =	vld.idx.msk [tilespmem:v4+s7+$0x30 ss:$0x1], $0xffff  }
0x225: {  	v8 =	vld.idx.msk [tilespmem:v4+s6+$0xFFFFFFF0 ss:$0x1], $0xffff;
	_ =	sdelay $0x1  }
.Ltmp5:
0x226: {  	(pc) =	sbr.rel @p0 .LBB2_12-.Ltmp5, $3  }
0x227: {  	_ =	sdelay $0x1  }
0x228: {  	v7 =	vmul.f32 v6, v5  }
0x229: {  	v6 =	vmul.f32 v8, v5  }
0x22a: {  	_ =	sdelay $0x3  }
0x22b: {  	[tilespmem:v4+s7+$0x30 ss:$0x1] =	vst.idx.msk $0xffff, v7  }
0x22c: {  	[tilespmem:v4+s6+$0xFFFFFFF0 ss:$0x1] =	vst.idx.msk $0xffff, v6  }
0x22d: {  	v6 =	vld.idx.msk [tilespmem:v4+s6+$0x0 ss:$0x1], $0xffff;
	_ =	sdelay $0x4  }
0x22e: {  	v6 =	vmul.f32 v6, v5;
	_ =	sdelay $0x1  }
0x22f: {  	[tilespmem:v4+s6+$0x0 ss:$0x1] =	vst.idx.msk $0xffff, v6  }
0x230: {  	v6 =	vld.idx.msk [tilespmem:v4+s6+$0x10 ss:$0x1], $0xffff;
	_ =	sdelay $0x4  }
0x231: {  	v6 =	vmul.f32 v6, v5;
	_ =	sdelay $0x1  }
0x232: {  	[tilespmem:v4+s6+$0x10 ss:$0x1] =	vst.idx.msk $0xffff, v6  }
0x233: {  	v6 =	vld.idx.msk [tilespmem:v4+s6+$0x20 ss:$0x1], $0xffff;
	_ =	sdelay $0x4  }
0x234: {  	v6 =	vmul.f32 v6, v5;
	_ =	sdelay $0x1  }
0x235: {  	[tilespmem:v4+s6+$0x20 ss:$0x1] =	vst.idx.msk $0xffff, v6  }
0x236: {  	v6 =	vld.idx.msk [tilespmem:v4+s6+$0x30 ss:$0x1], $0xffff  }
0x237: {  	s4 =	sadd.s32 $0x1, s4  }
0x238: {  	p0 =	sne.s32 s4, $0x4  }
.Ltmp6:
0x239: {  	_ = 	snop;
	(pc) =	sbr.rel @p0 .LBB2_9-.Ltmp6, $3  }
0x23a: {  	_ = 	snop  }
0x23b: {  	v5 =	vmul.f32 v6, v5;
	_ =	sdelay $0x1  }
0x23c: {  	s5 =	sadd.s32 $0x80, s5;
	[tilespmem:v4+s6+$0x30 ss:$0x1] =	vst.idx.msk $0xffff, v5  }
0x23d: {  	s2 =	sadd.s32 s3, s2;
	s30 =	simm.s32 $0x200  }
0x23e: {  	s4 =	simm.s32 $0x400;
	s5 =	simm.s32 $0x11000;
	s31 =	simm.s32 $0x3  }
0x23f: {  	[hbm4b:s2+s30] =	stream.strided.scatter [tilespmem:s5], [sflag:$0x3], $0x1000, s4, s30, $0x38;
	[tilespmem:$0x12000] =	vst v63  }
0x240: {  	_ =	swait.ge [sflag:s31], $0x1000  }
0x241: {  	[sflag:s31] =	ssyncset.done $0x0  }
0x242: {  	[sflag:s31] =	ssyncadd.s32 $0xFFFFF000  }
0x243: {  	_ =	sfence.sel $0x180000  }
0x244: {  	[bflag:$0x0] =	sbarrier.arrive $0xFFFF  }
0x245: {  	p0 =	sne.s32 s1, $0x0;
	_ =	strace $0x90000047  }
0x246: {  	s0 =	sadd.s32 @!p0 $0x100000, s0;
	[bflag:$0x2] =	sbarrier.arrive $0xFFFF  }
0x247: {  	[sflag:s0] =	ssyncadd.tile.s32 @!p0 $0x1;
	_ =	shalt  }
.Lfunc_end2:
_tile_overlayer_lowered:
.L_overlay_start_2:
0x248: {  	(tag) =	ssettag $0x2  }
0x249: {  	s0 =	rddreg [dreg:$0x0];
	s2 =	stileid.u32  }
0x24a: {  	s1 =	rddreg [dreg:$0x1];
	p0 =	sne.s32 s2, $0x0  }
0x24b: {  	s3 =	rddreg [dreg:$0x2];
	[bflag:$0x3] =	sbarrier.arrive $0xFFFF;
	s2 =	simm.s32 @!p0 $0x1C03  }
0x24c: {  	[timem:s3], [sflag:s2] =	dma.local @!p0 [hbm:s0], s1  }
0x24d: {  	s0 =	simm.s32 @!p0 $0x3  }
0x24e: {  	_ =	swait.ge @!p0 [sflag:s0], s1  }
0x24f: {  	s1 =	ssub.s32 @!p0 $0x0, s1;
	[sflag:s0] =	ssyncset.done @!p0 $0x0  }
0x250: {  	[sflag:s0] =	ssyncadd.s32 @!p0 s1  }
0x251: {  	[bflag:$0x3] =	sbarrier.arrive $0xFFFF  }
0x252: {  	_ =	shalt  }

</sc_bundles>
